<compile_context>
chip_gen: v7x
topology: tpu7x:2x2x1
jax: 0.10.2.dev20260603
libtpu: 0.0.44.dev20260713+nightly
codegen_flags: <defaults>
</compile_context>

<pallas_src>
import functools

import jax
import jax.numpy as jnp
import numpy as np
from jax import lax
from jax.experimental import pallas as pl
from jax.experimental.pallas import tpu as pltpu
from jax.experimental.pallas import tpu_sc as plsc

N = 10000
E = 320000
BAG = 32
IN_CH = 128
HID = 128
NUM_GRAPHS = 16

NC = 2
NS = 16
CH = 80

EMB_CHUNKS = (N * BAG) // (NC * NS * CH)

PCH = 125
PROP_CHUNKS = E // (NS * PCH)

KB = 25
KP = 20
NB = PROP_CHUNKS // KP
NBE = EMB_CHUNKS // KB

R = 1000
GRID = N // R

_MESH = plsc.VectorSubcoreMesh(core_axis_name="c", subcore_axis_name="s")


def _zero_zbuf(zbuf):
    nrow = zbuf.shape[0]

    def body(i, _):
        for k in range(zbuf.shape[1] // 16):
            zbuf[i, pl.ds(k * 16, 16)] = jnp.zeros((16,), jnp.float32)
        return 0

    lax.fori_loop(0, nrow, body, 0)


@functools.partial(
    pl.kernel,
    mesh=_MESH,
    out_type=[
        jax.ShapeDtypeStruct((N, IN_CH), jnp.float32),
        jax.ShapeDtypeStruct((NC * N,), jnp.float32),
    ],
    scratch_types=[
        pltpu.VMEM((KB * CH,), jnp.int32),
        pltpu.VMEM((KB, CH), jnp.int32),
        pltpu.VMEM((CH,), jnp.int32),
        pltpu.VMEM((CH,), jnp.float32),
        pltpu.VMEM((CH, IN_CH), jnp.float32),
        pltpu.VMEM((CH, IN_CH), jnp.float32),
        pltpu.VMEM((2000,), jnp.float32),
        pltpu.VMEM_SHARED((N // NC, IN_CH), jnp.float32),
        pltpu.VMEM_SHARED((N,), jnp.float32),
        pltpu.SemaphoreType.DMA,
        pltpu.SemaphoreType.DMA,
    ],
)
def _sc_embdeg(xflat_hbm, dst3d_hbm, cb_hbm, emb_hbm, degp_hbm,
               bagidx_v, dstidx_v, sid_v, ones_v, rowsa_v, rowsb_v, zbuf1_v,
               emb_sh, deg_sh, sema, semb):
    c = lax.axis_index("c")
    s = lax.axis_index("s")
    rows_per_tile = N * BAG // (NC * NS)

    _zero_zbuf(rowsa_v)

    def z1(i, _):
        zbuf1_v[pl.ds(i * 16, 16)] = jnp.zeros((16,), jnp.float32)
        return 0

    lax.fori_loop(0, 125, z1, 0)

    def o1(i, _):
        ones_v[pl.ds(i * 16, 16)] = jnp.full((16,), 1.0, jnp.float32)
        return 0

    lax.fori_loop(0, CH // 16, o1, 0)

    zsrc = rowsa_v.at[pl.ds(0, 40)]
    for b in range(8):
        blk = s * 8 + b

        @pl.when(blk < 125)
        def _():
            pltpu.sync_copy(zsrc, emb_sh.at[pl.ds(blk * 40, 40)])

    @pl.when(s < 5)
    def _():
        pltpu.sync_copy(zbuf1_v, deg_sh.at[pl.ds(s * 2000, 2000)])

    plsc.subcore_barrier()

    row_off = s * rows_per_tile
    flat_off = (c * NS + s) * rows_per_tile

    def gather(j, rows, sem):
        pltpu.async_copy(cb_hbm.at[bagidx_v.at[pl.ds(j * CH, CH)]], rows, sem)

    def drain_scatter(b, j, rows, sem):
        pltpu.make_async_copy(cb_hbm.at[bagidx_v.at[pl.ds(j * CH, CH)]], rows,
                              sem).wait()
        base = row_off + (b * KB + j) * CH
        for k in range(CH // 16):
            ids = (base + k * 16 + lax.iota(jnp.int32, 16)) >> 5
            sid_v[pl.ds(k * 16, 16)] = ids
        pltpu.sync_copy(rows, emb_sh.at[sid_v], add=True)

    def eblock(b, _):
        pltpu.sync_copy(
            xflat_hbm.at[pl.ds(flat_off + b * (KB * CH), KB * CH)], bagidx_v)

        gather(0, rowsa_v, sema)

        def body(t, _):
            gather(2 * t + 1, rowsb_v, semb)
            drain_scatter(b, 2 * t, rowsa_v, sema)
            gather(2 * t + 2, rowsa_v, sema)
            drain_scatter(b, 2 * t + 1, rowsb_v, semb)
            return 0

        lax.fori_loop(0, KB // 2, body, 0)
        drain_scatter(b, KB - 1, rowsa_v, sema)
        return 0

    lax.fori_loop(0, NBE, eblock, 0)

    def dblock(b, _):
        pltpu.sync_copy(dst3d_hbm.at[(c * NS + s) * NBE + b], dstidx_v)

        def dissue(j, _):
            pltpu.async_copy(ones_v, deg_sh.at[dstidx_v.at[j]], sema, add=True)
            return 0

        lax.fori_loop(0, KB, dissue, 0)

        def ddrain(j, _):
            pltpu.make_async_copy(ones_v, deg_sh.at[dstidx_v.at[j]],
                                  sema).wait()
            return 0

        lax.fori_loop(0, KB, ddrain, 0)
        return 0

    lax.fori_loop(0, NBE, dblock, 0)

    plsc.subcore_barrier()

    for b in range(2):
        blk = s * 2 + b

        @pl.when(blk < 25)
        def _():
            pltpu.sync_copy(emb_sh.at[pl.ds(blk * 200, 200)],
                            emb_hbm.at[pl.ds(c * (N // NC) + blk * 200, 200)])

    @pl.when(s < 5)
    def _():
        pltpu.sync_copy(deg_sh.at[pl.ds(s * 2000, 2000)], zbuf1_v)
        pltpu.sync_copy(zbuf1_v, degp_hbm.at[pl.ds(c * N + s * 2000, 2000)])


@functools.partial(
    pl.kernel,
    mesh=_MESH,
    out_type=jax.ShapeDtypeStruct((NC, N, HID), jnp.float32),
    scratch_types=[
        pltpu.VMEM((2, KP, PCH), jnp.int32),
        pltpu.VMEM((2, KP, PCH), jnp.int32),
        pltpu.VMEM((PCH, HID), jnp.float32),
        pltpu.VMEM((PCH, HID), jnp.float32),
        pltpu.VMEM_SHARED((N, HID), jnp.float32),
        pltpu.SemaphoreType.DMA,
        pltpu.SemaphoreType.DMA,
        pltpu.SemaphoreType.DMA,
    ],
)
def _sc_prop(src4d_hbm, dst4d_hbm, h_hbm, acc_hbm,
             sidx_v, didx_v, rowsa_v, rowsb_v, acc_sh, sema, semb, semi):
    c = lax.axis_index("c")
    s = lax.axis_index("s")

    _zero_zbuf(rowsa_v)
    zsrc = rowsa_v.at[pl.ds(0, 80)]
    for b in range(8):
        blk = s * 8 + b

        @pl.when(blk < 125)
        def _():
            pltpu.sync_copy(zsrc, acc_sh.at[pl.ds(blk * 80, 80)])

    plsc.subcore_barrier()

    hc = h_hbm.at[c]

    def gather(p, j, rows, sem):
        pltpu.async_copy(hc.at[sidx_v.at[p].at[j]], rows, sem)

    def drain_scatter(p, j, rows, sem):
        pltpu.make_async_copy(hc.at[sidx_v.at[p].at[j]], rows, sem).wait()
        pltpu.sync_copy(rows, acc_sh.at[didx_v.at[p].at[j]], add=True)

    def load_idx(b, p):
        pltpu.async_copy(src4d_hbm.at[s].at[b], sidx_v.at[p], semi)
        pltpu.async_copy(dst4d_hbm.at[s].at[b], didx_v.at[p], semi)

    def wait_idx(b, p):
        pltpu.make_async_copy(src4d_hbm.at[s].at[b], sidx_v.at[p], semi).wait()
        pltpu.make_async_copy(dst4d_hbm.at[s].at[b], didx_v.at[p], semi).wait()

    load_idx(0, 0)

    def block(b, _):
        p = b % 2
        wait_idx(b, p)

        gather(p, 0, rowsa_v, sema)

        @pl.when(b + 1 < NB)
        def _():
            load_idx(b + 1, 1 - p)

        def body(t, _):
            gather(p, 2 * t + 1, rowsb_v, semb)
            drain_scatter(p, 2 * t, rowsa_v, sema)
            gather(p, 2 * t + 2, rowsa_v, sema)
            drain_scatter(p, 2 * t + 1, rowsb_v, semb)
            return 0

        lax.fori_loop(0, KP // 2 - 1, body, 0)
        gather(p, KP - 1, rowsb_v, semb)
        drain_scatter(p, KP - 2, rowsa_v, sema)
        drain_scatter(p, KP - 1, rowsb_v, semb)
        return 0

    lax.fori_loop(0, NB, block, 0)

    plsc.subcore_barrier()

    for b in range(4):
        blk = s * 4 + b

        @pl.when(blk < 50)
        def _():
            pltpu.sync_copy(acc_sh.at[pl.ds(blk * 200, 200)],
                            acc_hbm.at[c, pl.ds(blk * 200, 200)])




def _tc1_body(e_ref, dg_ref, w1_ref, w2_ref, h_ref, dv_ref):
    dsum = dg_ref[:, 0:1] + dg_ref[:, 1:2] + 1.0
    dinv = lax.rsqrt(jnp.maximum(dsum, 1.0))
    dv_ref[...] = dinv
    sc = dinv * (1.0 / BAG)
    e = e_ref[...]
    h_ref[0] = jnp.dot(e, w1_ref[...], preferred_element_type=jnp.float32) * sc
    h_ref[1] = jnp.dot(e, w2_ref[...], preferred_element_type=jnp.float32) * sc


def _tc1(emb, degt, w11, w21):
    return pl.pallas_call(
        _tc1_body,
        grid=(GRID,),
        in_specs=[
            pl.BlockSpec((R, IN_CH), lambda i: (i, 0)),
            pl.BlockSpec((R, 2), lambda i: (i, 0)),
            pl.BlockSpec((IN_CH, HID), lambda i: (0, 0)),
            pl.BlockSpec((IN_CH, HID), lambda i: (0, 0)),
        ],
        out_specs=[
            pl.BlockSpec((NC, R, HID), lambda i: (0, i, 0)),
            pl.BlockSpec((R, 1), lambda i: (i, 0)),
        ],
        out_shape=[
            jax.ShapeDtypeStruct((NC, N, HID), jnp.float32),
            jax.ShapeDtypeStruct((N, 1), jnp.float32),
        ],
    )(emb, degt, w11, w21)


def _prelu(t, a):
    return jnp.where(t > 0, t, a * t)


def _tc2_body(acc_ref, h_ref, dv_ref, b_ref,
              b1_ref, a1_ref, w1_ref, b2_ref, a2_ref, w2_ref,
              hn_ref, p1_ref, p2_ref):
    i = pl.program_id(0)
    dinv = dv_ref[...]
    bb = b_ref[...].reshape(1, R)
    oh = (lax.broadcasted_iota(jnp.int32, (NUM_GRAPHS, R), 0)
          == bb).astype(jnp.float32)

    z1 = _prelu((acc_ref[0] + h_ref[0]) * dinv + b1_ref[...], a1_ref[...])
    hn_ref[0] = jnp.dot(z1, w1_ref[...], preferred_element_type=jnp.float32) * dinv

    z2 = _prelu((acc_ref[1] + h_ref[1]) * dinv + b2_ref[...], a2_ref[...])
    hn_ref[1] = jnp.dot(z2, w2_ref[...], preferred_element_type=jnp.float32) * dinv

    @pl.when(i == 0)
    def _():
        p1_ref[...] = jnp.zeros_like(p1_ref)
        p2_ref[...] = jnp.zeros_like(p2_ref)

    p1_ref[...] += jnp.dot(oh, z1, preferred_element_type=jnp.float32)
    p2_ref[...] += jnp.dot(oh, z2, preferred_element_type=jnp.float32)


def _tc2(acc, h, dinv, batch2d, b1, a1, w1, b2, a2, w2):
    full = lambda shape: pl.BlockSpec(shape, lambda i: tuple(0 for _ in shape))
    return pl.pallas_call(
        _tc2_body,
        grid=(GRID,),
        in_specs=[
            pl.BlockSpec((NC, R, HID), lambda i: (0, i, 0)),
            pl.BlockSpec((NC, R, HID), lambda i: (0, i, 0)),
            pl.BlockSpec((R, 1), lambda i: (i, 0)),
            pl.BlockSpec((1, 1, R), lambda i: (i, 0, 0)),
            full((1, HID)), full((1, HID)), full((HID, HID)),
            full((1, HID)), full((1, HID)), full((HID, HID)),
        ],
        out_specs=[
            pl.BlockSpec((NC, R, HID), lambda i: (0, i, 0)),
            full((NUM_GRAPHS, HID)),
            full((NUM_GRAPHS, HID)),
        ],
        out_shape=[
            jax.ShapeDtypeStruct((NC, N, HID), jnp.float32),
            jax.ShapeDtypeStruct((NUM_GRAPHS, HID), jnp.float32),
            jax.ShapeDtypeStruct((NUM_GRAPHS, HID), jnp.float32),
        ],
    )(acc, h, dinv, batch2d, b1, a1, w1, b2, a2, w2)


def _mlp_apply(z, w1, b1, aa1, w2, b2, aa2, w3, b3, aa3, ws, bs):
    h = _prelu(jnp.dot(z, w1, preferred_element_type=jnp.float32) + b1, aa1)
    h = _prelu(jnp.dot(h, w2, preferred_element_type=jnp.float32) + b2, aa2)
    h = _prelu(jnp.dot(h, w3, preferred_element_type=jnp.float32) + b3, aa3)
    return h + jnp.dot(z, ws, preferred_element_type=jnp.float32) + bs


def _tc3_body(acc_ref, h_ref, dv_ref, b_ref, b1_ref, a1_ref, b2_ref, a2_ref,
              p11_ref, p21_ref,
              mw1, mb1, ma1, mw2, mb2, ma2, mw3, mb3, ma3, mws, mbs,
              gw1, gb1, ga1, gw2, gb2, ga2, gw3, gb3, ga3, gws, gbs,
              lv1_ref, lv2_ref, gv1_ref, gv2_ref, p1_ref, p2_ref):
    i = pl.program_id(0)
    dinv = dv_ref[...]
    bb = b_ref[...].reshape(1, R)
    oh = (lax.broadcasted_iota(jnp.int32, (NUM_GRAPHS, R), 0)
          == bb).astype(jnp.float32)

    z1 = _prelu((acc_ref[0] + h_ref[0]) * dinv + b1_ref[...], a1_ref[...])
    z2 = _prelu((acc_ref[1] + h_ref[1]) * dinv + b2_ref[...], a2_ref[...])

    @pl.when(i == 0)
    def _():
        p1_ref[...] = jnp.zeros_like(p1_ref)
        p2_ref[...] = jnp.zeros_like(p2_ref)

    p1_ref[...] += jnp.dot(oh, z1, preferred_element_type=jnp.float32)
    p2_ref[...] += jnp.dot(oh, z2, preferred_element_type=jnp.float32)

    args = (mw1[...], mb1[...], ma1[...], mw2[...], mb2[...], ma2[...],
            mw3[...], mb3[...], ma3[...], mws[...], mbs[...])
    lv1_ref[...] = _mlp_apply(z1, *args)
    lv2_ref[...] = _mlp_apply(z2, *args)

    @pl.when(i == GRID - 1)
    def _():
        gargs = (gw1[...], gb1[...], ga1[...], gw2[...], gb2[...], ga2[...],
                 gw3[...], gb3[...], ga3[...], gws[...], gbs[...])
        g1 = jnp.concatenate([p11_ref[...], p1_ref[...]], axis=1)
        g2 = jnp.concatenate([p21_ref[...], p2_ref[...]], axis=1)
        gv1_ref[...] = _mlp_apply(g1, *gargs)
        gv2_ref[...] = _mlp_apply(g2, *gargs)


def _tc3(acc, h, dinv, batch2d, b1, a1, b2, a2, p11, p21, m, gm):
    full = lambda shape: pl.BlockSpec(shape, lambda i: tuple(0 for _ in shape))
    mlp_specs = lambda k: (
        full((k * HID, HID)), full((1, HID)), full((1, 1)),
        full((HID, HID)), full((1, HID)), full((1, 1)),
        full((HID, HID)), full((1, HID)), full((1, 1)),
        full((k * HID, HID)), full((1, HID)))
    return pl.pallas_call(
        _tc3_body,
        grid=(GRID,),
        in_specs=[
            pl.BlockSpec((NC, R, HID), lambda i: (0, i, 0)),
            pl.BlockSpec((NC, R, HID), lambda i: (0, i, 0)),
            pl.BlockSpec((R, 1), lambda i: (i, 0)),
            pl.BlockSpec((1, 1, R), lambda i: (i, 0, 0)),
            full((1, HID)), full((1, HID)), full((1, HID)), full((1, HID)),
            full((NUM_GRAPHS, HID)), full((NUM_GRAPHS, HID)),
            *mlp_specs(1), *mlp_specs(2),
        ],
        out_specs=[
            pl.BlockSpec((R, HID), lambda i: (i, 0)),
            pl.BlockSpec((R, HID), lambda i: (i, 0)),
            full((NUM_GRAPHS, HID)),
            full((NUM_GRAPHS, HID)),
            full((NUM_GRAPHS, HID)),
            full((NUM_GRAPHS, HID)),
        ],
        out_shape=[
            jax.ShapeDtypeStruct((N, HID), jnp.float32),
            jax.ShapeDtypeStruct((N, HID), jnp.float32),
            jax.ShapeDtypeStruct((NUM_GRAPHS, HID), jnp.float32),
            jax.ShapeDtypeStruct((NUM_GRAPHS, HID), jnp.float32),
            jax.ShapeDtypeStruct((NUM_GRAPHS, HID), jnp.float32),
            jax.ShapeDtypeStruct((NUM_GRAPHS, HID), jnp.float32),
        ],
    )(acc, h, dinv, batch2d, b1, a1, b2, a2, p11, p21, *m, *gm)


def _mlp_args(p, in_ft):
    r = lambda v: v.reshape(1, -1)
    sc = lambda v: v.reshape(1, 1)
    return (p['W1'], r(p['b1']), sc(p['a1']),
            p['W2'], r(p['b2']), sc(p['a2']),
            p['W3'], r(p['b3']), sc(p['a3']),
            p['Ws'], r(p['bs']))


def kernel(x, edge_index, batch, params):
    p = params
    cb = p['codebook']

    xflat = x.reshape(N * BAG)
    src4d = edge_index[0].reshape(NS, NB, KP, PCH)
    dstflat = edge_index[1]
    dst4d = dstflat.reshape(NS, NB, KP, PCH)
    dst3d = dstflat.reshape(NC * NS * NBE, KB, CH)
    batchr = batch.reshape(GRID, 1, R)

    emb, degp = _sc_embdeg(xflat, dst3d, cb)
    degt = degp.reshape(NC, N).T

    g1, g2 = p['gnn1'], p['gnn2']
    (w11, b11), (w12, b12) = g1['layers']
    (w21, b21), (w22, b22) = g2['layers']
    a1 = g1['a'].reshape(1, HID)
    a2 = g2['a'].reshape(1, HID)
    rb = lambda v: v.reshape(1, HID)

    h, dinv = _tc1(emb, degt, w11, w21)
    acc = _sc_prop(src4d, dst4d, h)
    hn, p11, p21 = _tc2(acc, h, dinv, batchr,
                        rb(b11), a1, w12, rb(b21), a2, w22)
    acc2 = _sc_prop(src4d, dst4d, hn)
    lv1, lv2, gv1, gv2, _, _ = _tc3(acc2, hn, dinv, batchr,
                                    rb(b12), a1, rb(b22), a2, p11, p21,
                                    _mlp_args(p['mlp1'], HID),
                                    _mlp_args(p['mlp2'], 2 * HID))
    return (lv1, gv1, lv2, gv2)

# --- scband reference (transcript-rebuilt; emitter-appended) ---
"""Pipeline reference for scband-mvgrlencoder-13589276525118 (READ-ONLY COPY).

The authoritative reference and input builder live on the scoring server;
editing this copy changes nothing except your own understanding.
"""

import jax, jax.numpy as jnp
import numpy as np

N = 10000
E = 320000
BAG = 32
BLOOM = 10000
IN_CH = 128
HID = 128
NUM_LAYERS = 2
NUM_GRAPHS = 16


def _prelu(z, a):
    return jnp.where(z > 0, z, a * z)


def _gcn_conv(x, src, dst, W, b):
    n = x.shape[0]
    loop = jnp.arange(n, dtype=src.dtype)
    s = jnp.concatenate([src, loop])
    d = jnp.concatenate([dst, loop])
    deg = jnp.zeros((n,), x.dtype).at[d].add(1.0)
    dinv = jax.lax.rsqrt(jnp.clip(deg, 1.0))
    norm = dinv[s] * dinv[d]
    h = x @ W
    out = jnp.zeros((n, W.shape[1]), x.dtype).at[d].add(h[s] * norm[:, None])
    return out + b


def _gconv(x, src, dst, batch, layers, a):
    z = x
    gs = []
    for (W, b) in layers:
        z = _gcn_conv(z, src, dst, W, b)
        z = _prelu(z, a)
        gs.append(jax.ops.segment_sum(z, batch, num_segments=NUM_GRAPHS))
    g = jnp.concatenate(gs, axis=1)
    return z, g


def _mlp(x, p):
    h = _prelu(x @ p['W1'] + p['b1'], p['a1'])
    h = _prelu(h @ p['W2'] + p['b2'], p['a2'])
    h = _prelu(h @ p['W3'] + p['b3'], p['a3'])
    return h + x @ p['Ws'] + p['bs']


def _lin(k, i, o):
    s = 1.0 / np.sqrt(i)
    return jax.random.uniform(k, (i, o), jnp.float32, -s, s)


def _make_mlp_params(key, in_ft, out_ft):
    ks = jax.random.split(key, 4)
    return {'W1': _lin(ks[0], in_ft, out_ft), 'b1': jnp.zeros((out_ft,), jnp.float32),
            'W2': _lin(ks[1], out_ft, out_ft), 'b2': jnp.zeros((out_ft,), jnp.float32),
            'W3': _lin(ks[2], out_ft, out_ft), 'b3': jnp.zeros((out_ft,), jnp.float32),
            'a1': jnp.float32(0.25), 'a2': jnp.float32(0.25), 'a3': jnp.float32(0.25),
            'Ws': _lin(ks[3], in_ft, out_ft), 'bs': jnp.zeros((out_ft,), jnp.float32)}


def _make_gconv_params(key, in_dim, hid, num_layers):
    ks = jax.random.split(key, num_layers)
    layers = []
    d = in_dim
    for i in range(num_layers):
        layers.append((_lin(ks[i], d, hid), jnp.zeros((hid,), jnp.float32)))
        d = hid
    return {'layers': layers, 'a': jnp.full((hid,), 0.25, jnp.float32)}


def setup_inputs(seed: int = 0):
    key = jax.random.key(seed)
    k = jax.random.split(key, 8)
    x = jax.random.randint(k[0], (N, BAG), 0, BLOOM, dtype=jnp.int32)
    edge_index = jax.random.randint(k[1], (2, E), 0, N, dtype=jnp.int32)
    batch = jnp.sort(jax.random.randint(k[2], (N,), 0, NUM_GRAPHS, dtype=jnp.int32))
    params = {
        'codebook': jax.random.normal(k[3], (BLOOM + 1, IN_CH), jnp.float32) * 0.02,
        'gnn1': _make_gconv_params(k[4], IN_CH, HID, NUM_LAYERS),
        'gnn2': _make_gconv_params(k[5], IN_CH, HID, NUM_LAYERS),
        'mlp1': _make_mlp_params(k[6], HID, HID),
        'mlp2': _make_mlp_params(k[7], NUM_LAYERS * HID, HID),
    }
    return {'x': x, 'edge_index': edge_index, 'batch': batch, 'params': params}


def reference(x, edge_index, batch, params):
    # EmbeddingBag (mean mode): gather bag slots from codebook and average
    emb = params['codebook'][x].mean(axis=1)
    src, dst = edge_index[0], edge_index[1]
    # PPRDiffusion(alpha=0.2, use_cache=False): features pass through unchanged;
    # diffused topology approximated by the original edge set (edge_weight2 unused downstream)
    x2, src2, dst2 = emb, src, dst
    lv1, gv1 = _gconv(emb, src, dst, batch, params['gnn1']['layers'], params['gnn1']['a'])
    lv2, gv2 = _gconv(x2, src2, dst2, batch, params['gnn2']['layers'], params['gnn2']['a'])
    lv1 = _mlp(lv1, params['mlp1'])
    lv2 = _mlp(lv2, params['mlp1'])
    gv1 = _mlp(gv1, params['mlp2'])
    gv2 = _mlp(gv2, params['mlp2'])
    return (lv1, gv1, lv2, gv2)

if __name__ == "__main__":
    import jax
    _d = setup_inputs()
    print(jax.jit(kernel)(*tuple(_d.values())))

</pallas_src>

<mosaic_0001>
#map = affine_map<(d0, d1) -> (0, 0, 0, 0)>
#map1 = affine_map<(d0, d1) -> (0, 0, 0)>
module attributes {stable_mosaic.version = 14 : i64} {
  func.func @_sc_prop(%arg0: i32, %arg1: i32, %arg2: memref<16x8x20x125xi32, #tpu.memory_space<hbm>>, %arg3: memref<16x8x20x125xi32, #tpu.memory_space<hbm>>, %arg4: memref<2x10000x128xf32, #tpu.memory_space<hbm>>, %arg5: memref<2x10000x128xf32, #tpu.memory_space<hbm>>, %arg6: memref<2x20x125xi32, #tpu.memory_space<vmem>>, %arg7: memref<2x20x125xi32, #tpu.memory_space<vmem>>, %arg8: memref<125x128xf32, #tpu.memory_space<vmem>>, %arg9: memref<125x128xf32, #tpu.memory_space<vmem>>, %arg10: memref<10000x128xf32, #tpu.memory_space<vmem_shared>>, %arg11: memref<!tpu.dma_semaphore, #tpu.memory_space<semaphore_mem>>, %arg12: memref<!tpu.dma_semaphore, #tpu.memory_space<semaphore_mem>>, %arg13: memref<!tpu.dma_semaphore, #tpu.memory_space<semaphore_mem>>) attributes {dimension_semantics = [#tpu.dimension_semantics<core_parallel>, #tpu.dimension_semantics<subcore_parallel>], iteration_bounds = array<i64: 2, 16>, scalar_prefetch = 0 : i64, scratch_operands = 8 : i64, tpu.core_type = #tpu.core_type<sc_vector_subcore>, window_params = [{transform_indices = #map}, {transform_indices = #map}, {transform_indices = #map1}, {transform_indices = #map1}]} {
    %scan3A = arith.constant 0 : i32
    %scan3A_0 = arith.constant 0 : i32
    %scan3A_1 = arith.constant 125 : i32
    %scan3A_2 = arith.addi %scan3A_0, %scan3A_1 : i32
    %scan3A_3 = arith.constant 1 : i32
    %scan3A_4 = scf.for %scan3A_172 = %scan3A_0 to %scan3A_2 step %scan3A_3 iter_args(%scan3A_173 = %scan3A) -> (i32)  : i32 {
      %broadcast_in_dim3A = arith.constant 0.000000e+00 : f32
      %broadcast_in_dim3A_174 = vector.broadcast %broadcast_in_dim3A : f32 to vector<16xf32>
      %swap3A = arith.index_cast %scan3A_172 : i32 to index
      %swap3A_175 = arith.constant 0 : index
      %swap3A_176 = tpu.vector_load %arg8[%swap3A, %swap3A_175] {strides = array<i32>} : memref<125x128xf32, #tpu.memory_space<vmem>>, vector<1x16xf32>,
      %swap3A_177 = vector.shape_cast %swap3A_176 : vector<1x16xf32> to vector<16xf32>
      %swap3A_178 = vector.shape_cast %broadcast_in_dim3A_174 : vector<16xf32> to vector<1x16xf32>
      tpu.vector_store %arg8[%swap3A, %swap3A_175], %swap3A_178 {strides = array<i32>} : memref<125x128xf32, #tpu.memory_space<vmem>>, vector<1x16xf32>,
      %broadcast_in_dim3A_179 = arith.constant 0.000000e+00 : f32
      %broadcast_in_dim3A_180 = vector.broadcast %broadcast_in_dim3A_179 : f32 to vector<16xf32>
      %swap3A_181 = arith.index_cast %scan3A_172 : i32 to index
      %swap3A_182 = arith.constant 16 : index
      %swap3A_183 = tpu.vector_load %arg8[%swap3A_181, %swap3A_182] {strides = array<i32>} : memref<125x128xf32, #tpu.memory_space<vmem>>, vector<1x16xf32>,
      %swap3A_184 = vector.shape_cast %swap3A_183 : vector<1x16xf32> to vector<16xf32>
      %swap3A_185 = vector.shape_cast %broadcast_in_dim3A_180 : vector<16xf32> to vector<1x16xf32>
      tpu.vector_store %arg8[%swap3A_181, %swap3A_182], %swap3A_185 {strides = array<i32>} : memref<125x128xf32, #tpu.memory_space<vmem>>, vector<1x16xf32>,
      %broadcast_in_dim3A_186 = arith.constant 0.000000e+00 : f32
      %broadcast_in_dim3A_187 = vector.broadcast %broadcast_in_dim3A_186 : f32 to vector<16xf32>
      %swap3A_188 = arith.index_cast %scan3A_172 : i32 to index
      %swap3A_189 = arith.constant 32 : index
      %swap3A_190 = tpu.vector_load %arg8[%swap3A_188, %swap3A_189] {strides = array<i32>} : memref<125x128xf32, #tpu.memory_space<vmem>>, vector<1x16xf32>,
      %swap3A_191 = vector.shape_cast %swap3A_190 : vector<1x16xf32> to vector<16xf32>
      %swap3A_192 = vector.shape_cast %broadcast_in_dim3A_187 : vector<16xf32> to vector<1x16xf32>
      tpu.vector_store %arg8[%swap3A_188, %swap3A_189], %swap3A_192 {strides = array<i32>} : memref<125x128xf32, #tpu.memory_space<vmem>>, vector<1x16xf32>,
      %broadcast_in_dim3A_193 = arith.constant 0.000000e+00 : f32
      %broadcast_in_dim3A_194 = vector.broadcast %broadcast_in_dim3A_193 : f32 to vector<16xf32>
      %swap3A_195 = arith.index_cast %scan3A_172 : i32 to index
      %swap3A_196 = arith.constant 48 : index
      %swap3A_197 = tpu.vector_load %arg8[%swap3A_195, %swap3A_196] {strides = array<i32>} : memref<125x128xf32, #tpu.memory_space<vmem>>, vector<1x16xf32>,
      %swap3A_198 = vector.shape_cast %swap3A_197 : vector<1x16xf32> to vector<16xf32>
      %swap3A_199 = vector.shape_cast %broadcast_in_dim3A_194 : vector<16xf32> to vector<1x16xf32>
      tpu.vector_store %arg8[%swap3A_195, %swap3A_196], %swap3A_199 {strides = array<i32>} : memref<125x128xf32, #tpu.memory_space<vmem>>, vector<1x16xf32>,
      %broadcast_in_dim3A_200 = arith.constant 0.000000e+00 : f32
      %broadcast_in_dim3A_201 = vector.broadcast %broadcast_in_dim3A_200 : f32 to vector<16xf32>
      %swap3A_202 = arith.index_cast %scan3A_172 : i32 to index
      %swap3A_203 = arith.constant 64 : index
      %swap3A_204 = tpu.vector_load %arg8[%swap3A_202, %swap3A_203] {strides = array<i32>} : memref<125x128xf32, #tpu.memory_space<vmem>>, vector<1x16xf32>,
      %swap3A_205 = vector.shape_cast %swap3A_204 : vector<1x16xf32> to vector<16xf32>
      %swap3A_206 = vector.shape_cast %broadcast_in_dim3A_201 : vector<16xf32> to vector<1x16xf32>
      tpu.vector_store %arg8[%swap3A_202, %swap3A_203], %swap3A_206 {strides = array<i32>} : memref<125x128xf32, #tpu.memory_space<vmem>>, vector<1x16xf32>,
      %broadcast_in_dim3A_207 = arith.constant 0.000000e+00 : f32
      %broadcast_in_dim3A_208 = vector.broadcast %broadcast_in_dim3A_207 : f32 to vector<16xf32>
      %swap3A_209 = arith.index_cast %scan3A_172 : i32 to index
      %swap3A_210 = arith.constant 80 : index
      %swap3A_211 = tpu.vector_load %arg8[%swap3A_209, %swap3A_210] {strides = array<i32>} : memref<125x128xf32, #tpu.memory_space<vmem>>, vector<1x16xf32>,
      %swap3A_212 = vector.shape_cast %swap3A_211 : vector<1x16xf32> to vector<16xf32>
      %swap3A_213 = vector.shape_cast %broadcast_in_dim3A_208 : vector<16xf32> to vector<1x16xf32>
      tpu.vector_store %arg8[%swap3A_209, %swap3A_210], %swap3A_213 {strides = array<i32>} : memref<125x128xf32, #tpu.memory_space<vmem>>, vector<1x16xf32>,
      %broadcast_in_dim3A_214 = arith.constant 0.000000e+00 : f32
      %broadcast_in_dim3A_215 = vector.broadcast %broadcast_in_dim3A_214 : f32 to vector<16xf32>
      %swap3A_216 = arith.index_cast %scan3A_172 : i32 to index
      %swap3A_217 = arith.constant 96 : index
      %swap3A_218 = tpu.vector_load %arg8[%swap3A_216, %swap3A_217] {strides = array<i32>} : memref<125x128xf32, #tpu.memory_space<vmem>>, vector<1x16xf32>,
      %swap3A_219 = vector.shape_cast %swap3A_218 : vector<1x16xf32> to vector<16xf32>
      %swap3A_220 = vector.shape_cast %broadcast_in_dim3A_215 : vector<16xf32> to vector<1x16xf32>
      tpu.vector_store %arg8[%swap3A_216, %swap3A_217], %swap3A_220 {strides = array<i32>} : memref<125x128xf32, #tpu.memory_space<vmem>>, vector<1x16xf32>,
      %broadcast_in_dim3A_221 = arith.constant 0.000000e+00 : f32
      %broadcast_in_dim3A_222 = vector.broadcast %broadcast_in_dim3A_221 : f32 to vector<16xf32>
      %swap3A_223 = arith.index_cast %scan3A_172 : i32 to index
      %swap3A_224 = arith.constant 112 : index
      %swap3A_225 = tpu.vector_load %arg8[%swap3A_223, %swap3A_224] {strides = array<i32>} : memref<125x128xf32, #tpu.memory_space<vmem>>, vector<1x16xf32>,
      %swap3A_226 = vector.shape_cast %swap3A_225 : vector<1x16xf32> to vector<16xf32>
      %swap3A_227 = vector.shape_cast %broadcast_in_dim3A_222 : vector<16xf32> to vector<1x16xf32>
      tpu.vector_store %arg8[%swap3A_223, %swap3A_224], %swap3A_227 {strides = array<i32>} : memref<125x128xf32, #tpu.memory_space<vmem>>, vector<1x16xf32>,
      %scan3A_228 = arith.constant 0 : i32
      scf.yield %scan3A_228 : i32
    }
    %scan3A_5 = arith.constant 125 : i32
    %mul3A = arith.constant 8 : i32
    %mul3A_6 = arith.muli %arg1, %mul3A : i32
    %add3A = arith.constant 0 : i32
    %add3A_7 = arith.addi %mul3A_6, %add3A : i32
    %lt3A = arith.constant 125 : i32
    %lt3A_8 = arith.cmpi slt, %add3A_7, %lt3A : i32
    %convert_element_type3A = arith.extui %lt3A_8 : i1 to i32
    %cond3A = arith.constant 0 : i32
    %cond3A_9 = arith.cmpi ne, %convert_element_type3A, %cond3A : i32
    scf.if %cond3A_9 {
      %mul3A_172 = arith.constant 80 : i32
      %mul3A_173 = arith.muli %add3A_7, %mul3A_172 : i32
      "tpu.region"() ({
        %run_scoped3A = tpu.sem_alloc : memref<!tpu.dma_semaphore, #tpu.memory_space<semaphore_mem>>
        %dma_start3A_174 = arith.constant 0 : i32
        %dma_start3A_175 = arith.constant 0 : i32
        %dma_start3A_176 = tpu.memref_slice %arg8[%dma_start3A_174, %dma_start3A_175] : memref<125x128xf32, #tpu.memory_space<vmem>> -> memref<80x128xf32, #tpu.memory_space<vmem>>
        %dma_start3A_177 = arith.constant 0 : i32
        %dma_start3A_178 = tpu.memref_slice %arg10[%mul3A_173, %dma_start3A_177] : memref<10000x128xf32, #tpu.memory_space<vmem_shared>> -> memref<80x128xf32, #tpu.memory_space<vmem_shared>>
        %dma_start3A_179 = arith.constant 0 : i32
        %dma_start3A_180 = tpu.memref_slice %arg10[%mul3A_173, %dma_start3A_179] : memref<10000x128xf32, #tpu.memory_space<vmem_shared>> -> memref<80x128xf32, #tpu.memory_space<vmem_shared>>
        %dma_start3A_181 = arith.constant 0 : i32
        %dma_start3A_182 = arith.constant 0 : i32
        %dma_start3A_183 = tpu.memref_slice %arg8[%dma_start3A_181, %dma_start3A_182] : memref<125x128xf32, #tpu.memory_space<vmem>> -> memref<80x128xf32, #tpu.memory_space<vmem>>
        tpu.enqueue_dma source(%dma_start3A_183 : memref<80x128xf32, #tpu.memory_space<vmem>>) target(%dma_start3A_180 : memref<80x128xf32, #tpu.memory_space<vmem_shared>>) target_semaphore(%run_scoped3A : memref<!tpu.dma_semaphore, #tpu.memory_space<semaphore_mem>>)
        %dma_wait3A = arith.constant 0 : i32
        %dma_wait3A_184 = arith.constant 0 : i32
        %dma_wait3A_185 = tpu.memref_slice %arg8[%dma_wait3A, %dma_wait3A_184] : memref<125x128xf32, #tpu.memory_space<vmem>> -> memref<80x128xf32, #tpu.memory_space<vmem>>
        %dma_wait3A_186 = arith.constant 0 : i32
        %dma_wait3A_187 = tpu.memref_slice %arg10[%mul3A_173, %dma_wait3A_186] : memref<10000x128xf32, #tpu.memory_space<vmem_shared>> -> memref<80x128xf32, #tpu.memory_space<vmem_shared>>
        %dma_wait3A_188 = arith.constant 0 : i32
        %dma_wait3A_189 = tpu.memref_slice %arg10[%mul3A_173, %dma_wait3A_188] : memref<10000x128xf32, #tpu.memory_space<vmem_shared>> -> memref<80x128xf32, #tpu.memory_space<vmem_shared>>
        %dma_wait3A_190 = arith.constant 0 : i32
        %dma_wait3A_191 = arith.constant 0 : i32
        %dma_wait3A_192 = tpu.memref_slice %arg8[%dma_wait3A_190, %dma_wait3A_191] : memref<125x128xf32, #tpu.memory_space<vmem>> -> memref<80x128xf32, #tpu.memory_space<vmem>>
        tpu.wait_dma2 semaphore(%run_scoped3A : memref<!tpu.dma_semaphore, #tpu.memory_space<semaphore_mem>>) src(%dma_wait3A_192 : memref<80x128xf32, #tpu.memory_space<vmem>>) dst(%dma_wait3A_189 : memref<80x128xf32, #tpu.memory_space<vmem_shared>>)
        tpu.yield
      }) : () -> ()
    } else {
    }
    %mul3A_10 = arith.constant 8 : i32
    %mul3A_11 = arith.muli %arg1, %mul3A_10 : i32
    %add3A_12 = arith.constant 1 : i32
    %add3A_13 = arith.addi %mul3A_11, %add3A_12 : i32
    %lt3A_14 = arith.constant 125 : i32
    %lt3A_15 = arith.cmpi slt, %add3A_13, %lt3A_14 : i32
    %convert_element_type3A_16 = arith.extui %lt3A_15 : i1 to i32
    %cond3A_17 = arith.constant 0 : i32
    %cond3A_18 = arith.cmpi ne, %convert_element_type3A_16, %cond3A_17 : i32
    scf.if %cond3A_18 {
      %mul3A_172 = arith.constant 80 : i32
      %mul3A_173 = arith.muli %add3A_13, %mul3A_172 : i32
      "tpu.region"() ({
        %run_scoped3A = tpu.sem_alloc : memref<!tpu.dma_semaphore, #tpu.memory_space<semaphore_mem>>
        %dma_start3A_174 = arith.constant 0 : i32
        %dma_start3A_175 = arith.constant 0 : i32
        %dma_start3A_176 = tpu.memref_slice %arg8[%dma_start3A_174, %dma_start3A_175] : memref<125x128xf32, #tpu.memory_space<vmem>> -> memref<80x128xf32, #tpu.memory_space<vmem>>
        %dma_start3A_177 = arith.constant 0 : i32
        %dma_start3A_178 = tpu.memref_slice %arg10[%mul3A_173, %dma_start3A_177] : memref<10000x128xf32, #tpu.memory_space<vmem_shared>> -> memref<80x128xf32, #tpu.memory_space<vmem_shared>>
        %dma_start3A_179 = arith.constant 0 : i32
        %dma_start3A_180 = tpu.memref_slice %arg10[%mul3A_173, %dma_start3A_179] : memref<10000x128xf32, #tpu.memory_space<vmem_shared>> -> memref<80x128xf32, #tpu.memory_space<vmem_shared>>
        %dma_start3A_181 = arith.constant 0 : i32
        %dma_start3A_182 = arith.constant 0 : i32
        %dma_start3A_183 = tpu.memref_slice %arg8[%dma_start3A_181, %dma_start3A_182] : memref<125x128xf32, #tpu.memory_space<vmem>> -> memref<80x128xf32, #tpu.memory_space<vmem>>
        tpu.enqueue_dma source(%dma_start3A_183 : memref<80x128xf32, #tpu.memory_space<vmem>>) target(%dma_start3A_180 : memref<80x128xf32, #tpu.memory_space<vmem_shared>>) target_semaphore(%run_scoped3A : memref<!tpu.dma_semaphore, #tpu.memory_space<semaphore_mem>>)
        %dma_wait3A = arith.constant 0 : i32
        %dma_wait3A_184 = arith.constant 0 : i32
        %dma_wait3A_185 = tpu.memref_slice %arg8[%dma_wait3A, %dma_wait3A_184] : memref<125x128xf32, #tpu.memory_space<vmem>> -> memref<80x128xf32, #tpu.memory_space<vmem>>
        %dma_wait3A_186 = arith.constant 0 : i32
        %dma_wait3A_187 = tpu.memref_slice %arg10[%mul3A_173, %dma_wait3A_186] : memref<10000x128xf32, #tpu.memory_space<vmem_shared>> -> memref<80x128xf32, #tpu.memory_space<vmem_shared>>
        %dma_wait3A_188 = arith.constant 0 : i32
        %dma_wait3A_189 = tpu.memref_slice %arg10[%mul3A_173, %dma_wait3A_188] : memref<10000x128xf32, #tpu.memory_space<vmem_shared>> -> memref<80x128xf32, #tpu.memory_space<vmem_shared>>
        %dma_wait3A_190 = arith.constant 0 : i32
        %dma_wait3A_191 = arith.constant 0 : i32
        %dma_wait3A_192 = tpu.memref_slice %arg8[%dma_wait3A_190, %dma_wait3A_191] : memref<125x128xf32, #tpu.memory_space<vmem>> -> memref<80x128xf32, #tpu.memory_space<vmem>>
        tpu.wait_dma2 semaphore(%run_scoped3A : memref<!tpu.dma_semaphore, #tpu.memory_space<semaphore_mem>>) src(%dma_wait3A_192 : memref<80x128xf32, #tpu.memory_space<vmem>>) dst(%dma_wait3A_189 : memref<80x128xf32, #tpu.memory_space<vmem_shared>>)
        tpu.yield
      }) : () -> ()
    } else {
    }
    %mul3A_19 = arith.constant 8 : i32
    %mul3A_20 = arith.muli %arg1, %mul3A_19 : i32
    %add3A_21 = arith.constant 2 : i32
    %add3A_22 = arith.addi %mul3A_20, %add3A_21 : i32
    %lt3A_23 = arith.constant 125 : i32
    %lt3A_24 = arith.cmpi slt, %add3A_22, %lt3A_23 : i32
    %convert_element_type3A_25 = arith.extui %lt3A_24 : i1 to i32
    %cond3A_26 = arith.constant 0 : i32
    %cond3A_27 = arith.cmpi ne, %convert_element_type3A_25, %cond3A_26 : i32
    scf.if %cond3A_27 {
      %mul3A_172 = arith.constant 80 : i32
      %mul3A_173 = arith.muli %add3A_22, %mul3A_172 : i32
      "tpu.region"() ({
        %run_scoped3A = tpu.sem_alloc : memref<!tpu.dma_semaphore, #tpu.memory_space<semaphore_mem>>
        %dma_start3A_174 = arith.constant 0 : i32
        %dma_start3A_175 = arith.constant 0 : i32
        %dma_start3A_176 = tpu.memref_slice %arg8[%dma_start3A_174, %dma_start3A_175] : memref<125x128xf32, #tpu.memory_space<vmem>> -> memref<80x128xf32, #tpu.memory_space<vmem>>
        %dma_start3A_177 = arith.constant 0 : i32
        %dma_start3A_178 = tpu.memref_slice %arg10[%mul3A_173, %dma_start3A_177] : memref<10000x128xf32, #tpu.memory_space<vmem_shared>> -> memref<80x128xf32, #tpu.memory_space<vmem_shared>>
        %dma_start3A_179 = arith.constant 0 : i32
        %dma_start3A_180 = tpu.memref_slice %arg10[%mul3A_173, %dma_start3A_179] : memref<10000x128xf32, #tpu.memory_space<vmem_shared>> -> memref<80x128xf32, #tpu.memory_space<vmem_shared>>
        %dma_start3A_181 = arith.constant 0 : i32
        %dma_start3A_182 = arith.constant 0 : i32
        %dma_start3A_183 = tpu.memref_slice %arg8[%dma_start3A_181, %dma_start3A_182] : memref<125x128xf32, #tpu.memory_space<vmem>> -> memref<80x128xf32, #tpu.memory_space<vmem>>
        tpu.enqueue_dma source(%dma_start3A_183 : memref<80x128xf32, #tpu.memory_space<vmem>>) target(%dma_start3A_180 : memref<80x128xf32, #tpu.memory_space<vmem_shared>>) target_semaphore(%run_scoped3A : memref<!tpu.dma_semaphore, #tpu.memory_space<semaphore_mem>>)
        %dma_wait3A = arith.constant 0 : i32
        %dma_wait3A_184 = arith.constant 0 : i32
        %dma_wait3A_185 = tpu.memref_slice %arg8[%dma_wait3A, %dma_wait3A_184] : memref<125x128xf32, #tpu.memory_space<vmem>> -> memref<80x128xf32, #tpu.memory_space<vmem>>
        %dma_wait3A_186 = arith.constant 0 : i32
        %dma_wait3A_187 = tpu.memref_slice %arg10[%mul3A_173, %dma_wait3A_186] : memref<10000x128xf32, #tpu.memory_space<vmem_shared>> -> memref<80x128xf32, #tpu.memory_space<vmem_shared>>
        %dma_wait3A_188 = arith.constant 0 : i32
        %dma_wait3A_189 = tpu.memref_slice %arg10[%mul3A_173, %dma_wait3A_188] : memref<10000x128xf32, #tpu.memory_space<vmem_shared>> -> memref<80x128xf32, #tpu.memory_space<vmem_shared>>
        %dma_wait3A_190 = arith.constant 0 : i32
        %dma_wait3A_191 = arith.constant 0 : i32
        %dma_wait3A_192 = tpu.memref_slice %arg8[%dma_wait3A_190, %dma_wait3A_191] : memref<125x128xf32, #tpu.memory_space<vmem>> -> memref<80x128xf32, #tpu.memory_space<vmem>>
        tpu.wait_dma2 semaphore(%run_scoped3A : memref<!tpu.dma_semaphore, #tpu.memory_space<semaphore_mem>>) src(%dma_wait3A_192 : memref<80x128xf32, #tpu.memory_space<vmem>>) dst(%dma_wait3A_189 : memref<80x128xf32, #tpu.memory_space<vmem_shared>>)
        tpu.yield
      }) : () -> ()
    } else {
    }
    %mul3A_28 = arith.constant 8 : i32
    %mul3A_29 = arith.muli %arg1, %mul3A_28 : i32
    %add3A_30 = arith.constant 3 : i32
    %add3A_31 = arith.addi %mul3A_29, %add3A_30 : i32
    %lt3A_32 = arith.constant 125 : i32
    %lt3A_33 = arith.cmpi slt, %add3A_31, %lt3A_32 : i32
    %convert_element_type3A_34 = arith.extui %lt3A_33 : i1 to i32
    %cond3A_35 = arith.constant 0 : i32
    %cond3A_36 = arith.cmpi ne, %convert_element_type3A_34, %cond3A_35 : i32
    scf.if %cond3A_36 {
      %mul3A_172 = arith.constant 80 : i32
      %mul3A_173 = arith.muli %add3A_31, %mul3A_172 : i32
      "tpu.region"() ({
        %run_scoped3A = tpu.sem_alloc : memref<!tpu.dma_semaphore, #tpu.memory_space<semaphore_mem>>
        %dma_start3A_174 = arith.constant 0 : i32
        %dma_start3A_175 = arith.constant 0 : i32
        %dma_start3A_176 = tpu.memref_slice %arg8[%dma_start3A_174, %dma_start3A_175] : memref<125x128xf32, #tpu.memory_space<vmem>> -> memref<80x128xf32, #tpu.memory_space<vmem>>
        %dma_start3A_177 = arith.constant 0 : i32
        %dma_start3A_178 = tpu.memref_slice %arg10[%mul3A_173, %dma_start3A_177] : memref<10000x128xf32, #tpu.memory_space<vmem_shared>> -> memref<80x128xf32, #tpu.memory_space<vmem_shared>>
        %dma_start3A_179 = arith.constant 0 : i32
        %dma_start3A_180 = tpu.memref_slice %arg10[%mul3A_173, %dma_start3A_179] : memref<10000x128xf32, #tpu.memory_space<vmem_shared>> -> memref<80x128xf32, #tpu.memory_space<vmem_shared>>
        %dma_start3A_181 = arith.constant 0 : i32
        %dma_start3A_182 = arith.constant 0 : i32
        %dma_start3A_183 = tpu.memref_slice %arg8[%dma_start3A_181, %dma_start3A_182] : memref<125x128xf32, #tpu.memory_space<vmem>> -> memref<80x128xf32, #tpu.memory_space<vmem>>
        tpu.enqueue_dma source(%dma_start3A_183 : memref<80x128xf32, #tpu.memory_space<vmem>>) target(%dma_start3A_180 : memref<80x128xf32, #tpu.memory_space<vmem_shared>>) target_semaphore(%run_scoped3A : memref<!tpu.dma_semaphore, #tpu.memory_space<semaphore_mem>>)
        %dma_wait3A = arith.constant 0 : i32
        %dma_wait3A_184 = arith.constant 0 : i32
        %dma_wait3A_185 = tpu.memref_slice %arg8[%dma_wait3A, %dma_wait3A_184] : memref<125x128xf32, #tpu.memory_space<vmem>> -> memref<80x128xf32, #tpu.memory_space<vmem>>
        %dma_wait3A_186 = arith.constant 0 : i32
        %dma_wait3A_187 = tpu.memref_slice %arg10[%mul3A_173, %dma_wait3A_186] : memref<10000x128xf32, #tpu.memory_space<vmem_shared>> -> memref<80x128xf32, #tpu.memory_space<vmem_shared>>
        %dma_wait3A_188 = arith.constant 0 : i32
        %dma_wait3A_189 = tpu.memref_slice %arg10[%mul3A_173, %dma_wait3A_188] : memref<10000x128xf32, #tpu.memory_space<vmem_shared>> -> memref<80x128xf32, #tpu.memory_space<vmem_shared>>
        %dma_wait3A_190 = arith.constant 0 : i32
        %dma_wait3A_191 = arith.constant 0 : i32
        %dma_wait3A_192 = tpu.memref_slice %arg8[%dma_wait3A_190, %dma_wait3A_191] : memref<125x128xf32, #tpu.memory_space<vmem>> -> memref<80x128xf32, #tpu.memory_space<vmem>>
        tpu.wait_dma2 semaphore(%run_scoped3A : memref<!tpu.dma_semaphore, #tpu.memory_space<semaphore_mem>>) src(%dma_wait3A_192 : memref<80x128xf32, #tpu.memory_space<vmem>>) dst(%dma_wait3A_189 : memref<80x128xf32, #tpu.memory_space<vmem_shared>>)
        tpu.yield
      }) : () -> ()
    } else {
    }
    %mul3A_37 = arith.constant 8 : i32
    %mul3A_38 = arith.muli %arg1, %mul3A_37 : i32
    %add3A_39 = arith.constant 4 : i32
    %add3A_40 = arith.addi %mul3A_38, %add3A_39 : i32
    %lt3A_41 = arith.constant 125 : i32
    %lt3A_42 = arith.cmpi slt, %add3A_40, %lt3A_41 : i32
    %convert_element_type3A_43 = arith.extui %lt3A_42 : i1 to i32
    %cond3A_44 = arith.constant 0 : i32
    %cond3A_45 = arith.cmpi ne, %convert_element_type3A_43, %cond3A_44 : i32
    scf.if %cond3A_45 {
      %mul3A_172 = arith.constant 80 : i32
      %mul3A_173 = arith.muli %add3A_40, %mul3A_172 : i32
      "tpu.region"() ({
        %run_scoped3A = tpu.sem_alloc : memref<!tpu.dma_semaphore, #tpu.memory_space<semaphore_mem>>
        %dma_start3A_174 = arith.constant 0 : i32
        %dma_start3A_175 = arith.constant 0 : i32
        %dma_start3A_176 = tpu.memref_slice %arg8[%dma_start3A_174, %dma_start3A_175] : memref<125x128xf32, #tpu.memory_space<vmem>> -> memref<80x128xf32, #tpu.memory_space<vmem>>
        %dma_start3A_177 = arith.constant 0 : i32
        %dma_start3A_178 = tpu.memref_slice %arg10[%mul3A_173, %dma_start3A_177] : memref<10000x128xf32, #tpu.memory_space<vmem_shared>> -> memref<80x128xf32, #tpu.memory_space<vmem_shared>>
        %dma_start3A_179 = arith.constant 0 : i32
        %dma_start3A_180 = tpu.memref_slice %arg10[%mul3A_173, %dma_start3A_179] : memref<10000x128xf32, #tpu.memory_space<vmem_shared>> -> memref<80x128xf32, #tpu.memory_space<vmem_shared>>
        %dma_start3A_181 = arith.constant 0 : i32
        %dma_start3A_182 = arith.constant 0 : i32
        %dma_start3A_183 = tpu.memref_slice %arg8[%dma_start3A_181, %dma_start3A_182] : memref<125x128xf32, #tpu.memory_space<vmem>> -> memref<80x128xf32, #tpu.memory_space<vmem>>
        tpu.enqueue_dma source(%dma_start3A_183 : memref<80x128xf32, #tpu.memory_space<vmem>>) target(%dma_start3A_180 : memref<80x128xf32, #tpu.memory_space<vmem_shared>>) target_semaphore(%run_scoped3A : memref<!tpu.dma_semaphore, #tpu.memory_space<semaphore_mem>>)
        %dma_wait3A = arith.constant 0 : i32
        %dma_wait3A_184 = arith.constant 0 : i32
        %dma_wait3A_185 = tpu.memref_slice %arg8[%dma_wait3A, %dma_wait3A_184] : memref<125x128xf32, #tpu.memory_space<vmem>> -> memref<80x128xf32, #tpu.memory_space<vmem>>
        %dma_wait3A_186 = arith.constant 0 : i32
        %dma_wait3A_187 = tpu.memref_slice %arg10[%mul3A_173, %dma_wait3A_186] : memref<10000x128xf32, #tpu.memory_space<vmem_shared>> -> memref<80x128xf32, #tpu.memory_space<vmem_shared>>
        %dma_wait3A_188 = arith.constant 0 : i32
        %dma_wait3A_189 = tpu.memref_slice %arg10[%mul3A_173, %dma_wait3A_188] : memref<10000x128xf32, #tpu.memory_space<vmem_shared>> -> memref<80x128xf32, #tpu.memory_space<vmem_shared>>
        %dma_wait3A_190 = arith.constant 0 : i32
        %dma_wait3A_191 = arith.constant 0 : i32
        %dma_wait3A_192 = tpu.memref_slice %arg8[%dma_wait3A_190, %dma_wait3A_191] : memref<125x128xf32, #tpu.memory_space<vmem>> -> memref<80x128xf32, #tpu.memory_space<vmem>>
        tpu.wait_dma2 semaphore(%run_scoped3A : memref<!tpu.dma_semaphore, #tpu.memory_space<semaphore_mem>>) src(%dma_wait3A_192 : memref<80x128xf32, #tpu.memory_space<vmem>>) dst(%dma_wait3A_189 : memref<80x128xf32, #tpu.memory_space<vmem_shared>>)
        tpu.yield
      }) : () -> ()
    } else {
    }
    %mul3A_46 = arith.constant 8 : i32
    %mul3A_47 = arith.muli %arg1, %mul3A_46 : i32
    %add3A_48 = arith.constant 5 : i32
    %add3A_49 = arith.addi %mul3A_47, %add3A_48 : i32
    %lt3A_50 = arith.constant 125 : i32
    %lt3A_51 = arith.cmpi slt, %add3A_49, %lt3A_50 : i32
    %convert_element_type3A_52 = arith.extui %lt3A_51 : i1 to i32
    %cond3A_53 = arith.constant 0 : i32
    %cond3A_54 = arith.cmpi ne, %convert_element_type3A_52, %cond3A_53 : i32
    scf.if %cond3A_54 {
      %mul3A_172 = arith.constant 80 : i32
      %mul3A_173 = arith.muli %add3A_49, %mul3A_172 : i32
      "tpu.region"() ({
        %run_scoped3A = tpu.sem_alloc : memref<!tpu.dma_semaphore, #tpu.memory_space<semaphore_mem>>
        %dma_start3A_174 = arith.constant 0 : i32
        %dma_start3A_175 = arith.constant 0 : i32
        %dma_start3A_176 = tpu.memref_slice %arg8[%dma_start3A_174, %dma_start3A_175] : memref<125x128xf32, #tpu.memory_space<vmem>> -> memref<80x128xf32, #tpu.memory_space<vmem>>
        %dma_start3A_177 = arith.constant 0 : i32
        %dma_start3A_178 = tpu.memref_slice %arg10[%mul3A_173, %dma_start3A_177] : memref<10000x128xf32, #tpu.memory_space<vmem_shared>> -> memref<80x128xf32, #tpu.memory_space<vmem_shared>>
        %dma_start3A_179 = arith.constant 0 : i32
        %dma_start3A_180 = tpu.memref_slice %arg10[%mul3A_173, %dma_start3A_179] : memref<10000x128xf32, #tpu.memory_space<vmem_shared>> -> memref<80x128xf32, #tpu.memory_space<vmem_shared>>
        %dma_start3A_181 = arith.constant 0 : i32
        %dma_start3A_182 = arith.constant 0 : i32
        %dma_start3A_183 = tpu.memref_slice %arg8[%dma_start3A_181, %dma_start3A_182] : memref<125x128xf32, #tpu.memory_space<vmem>> -> memref<80x128xf32, #tpu.memory_space<vmem>>
        tpu.enqueue_dma source(%dma_start3A_183 : memref<80x128xf32, #tpu.memory_space<vmem>>) target(%dma_start3A_180 : memref<80x128xf32, #tpu.memory_space<vmem_shared>>) target_semaphore(%run_scoped3A : memref<!tpu.dma_semaphore, #tpu.memory_space<semaphore_mem>>)
        %dma_wait3A = arith.constant 0 : i32
        %dma_wait3A_184 = arith.constant 0 : i32
        %dma_wait3A_185 = tpu.memref_slice %arg8[%dma_wait3A, %dma_wait3A_184] : memref<125x128xf32, #tpu.memory_space<vmem>> -> memref<80x128xf32, #tpu.memory_space<vmem>>
        %dma_wait3A_186 = arith.constant 0 : i32
        %dma_wait3A_187 = tpu.memref_slice %arg10[%mul3A_173, %dma_wait3A_186] : memref<10000x128xf32, #tpu.memory_space<vmem_shared>> -> memref<80x128xf32, #tpu.memory_space<vmem_shared>>
        %dma_wait3A_188 = arith.constant 0 : i32
        %dma_wait3A_189 = tpu.memref_slice %arg10[%mul3A_173, %dma_wait3A_188] : memref<10000x128xf32, #tpu.memory_space<vmem_shared>> -> memref<80x128xf32, #tpu.memory_space<vmem_shared>>
        %dma_wait3A_190 = arith.constant 0 : i32
        %dma_wait3A_191 = arith.constant 0 : i32
        %dma_wait3A_192 = tpu.memref_slice %arg8[%dma_wait3A_190, %dma_wait3A_191] : memref<125x128xf32, #tpu.memory_space<vmem>> -> memref<80x128xf32, #tpu.memory_space<vmem>>
        tpu.wait_dma2 semaphore(%run_scoped3A : memref<!tpu.dma_semaphore, #tpu.memory_space<semaphore_mem>>) src(%dma_wait3A_192 : memref<80x128xf32, #tpu.memory_space<vmem>>) dst(%dma_wait3A_189 : memref<80x128xf32, #tpu.memory_space<vmem_shared>>)
        tpu.yield
      }) : () -> ()
    } else {
    }
    %mul3A_55 = arith.constant 8 : i32
    %mul3A_56 = arith.muli %arg1, %mul3A_55 : i32
    %add3A_57 = arith.constant 6 : i32
    %add3A_58 = arith.addi %mul3A_56, %add3A_57 : i32
    %lt3A_59 = arith.constant 125 : i32
    %lt3A_60 = arith.cmpi slt, %add3A_58, %lt3A_59 : i32
    %convert_element_type3A_61 = arith.extui %lt3A_60 : i1 to i32
    %cond3A_62 = arith.constant 0 : i32
    %cond3A_63 = arith.cmpi ne, %convert_element_type3A_61, %cond3A_62 : i32
    scf.if %cond3A_63 {
      %mul3A_172 = arith.constant 80 : i32
      %mul3A_173 = arith.muli %add3A_58, %mul3A_172 : i32
      "tpu.region"() ({
        %run_scoped3A = tpu.sem_alloc : memref<!tpu.dma_semaphore, #tpu.memory_space<semaphore_mem>>
        %dma_start3A_174 = arith.constant 0 : i32
        %dma_start3A_175 = arith.constant 0 : i32
        %dma_start3A_176 = tpu.memref_slice %arg8[%dma_start3A_174, %dma_start3A_175] : memref<125x128xf32, #tpu.memory_space<vmem>> -> memref<80x128xf32, #tpu.memory_space<vmem>>
        %dma_start3A_177 = arith.constant 0 : i32
        %dma_start3A_178 = tpu.memref_slice %arg10[%mul3A_173, %dma_start3A_177] : memref<10000x128xf32, #tpu.memory_space<vmem_shared>> -> memref<80x128xf32, #tpu.memory_space<vmem_shared>>
        %dma_start3A_179 = arith.constant 0 : i32
        %dma_start3A_180 = tpu.memref_slice %arg10[%mul3A_173, %dma_start3A_179] : memref<10000x128xf32, #tpu.memory_space<vmem_shared>> -> memref<80x128xf32, #tpu.memory_space<vmem_shared>>
        %dma_start3A_181 = arith.constant 0 : i32
        %dma_start3A_182 = arith.constant 0 : i32
        %dma_start3A_183 = tpu.memref_slice %arg8[%dma_start3A_181, %dma_start3A_182] : memref<125x128xf32, #tpu.memory_space<vmem>> -> memref<80x128xf32, #tpu.memory_space<vmem>>
        tpu.enqueue_dma source(%dma_start3A_183 : memref<80x128xf32, #tpu.memory_space<vmem>>) target(%dma_start3A_180 : memref<80x128xf32, #tpu.memory_space<vmem_shared>>) target_semaphore(%run_scoped3A : memref<!tpu.dma_semaphore, #tpu.memory_space<semaphore_mem>>)
        %dma_wait3A = arith.constant 0 : i32
        %dma_wait3A_184 = arith.constant 0 : i32
        %dma_wait3A_185 = tpu.memref_slice %arg8[%dma_wait3A, %dma_wait3A_184] : memref<125x128xf32, #tpu.memory_space<vmem>> -> memref<80x128xf32, #tpu.memory_space<vmem>>
        %dma_wait3A_186 = arith.constant 0 : i32
        %dma_wait3A_187 = tpu.memref_slice %arg10[%mul3A_173, %dma_wait3A_186] : memref<10000x128xf32, #tpu.memory_space<vmem_shared>> -> memref<80x128xf32, #tpu.memory_space<vmem_shared>>
        %dma_wait3A_188 = arith.constant 0 : i32
        %dma_wait3A_189 = tpu.memref_slice %arg10[%mul3A_173, %dma_wait3A_188] : memref<10000x128xf32, #tpu.memory_space<vmem_shared>> -> memref<80x128xf32, #tpu.memory_space<vmem_shared>>
        %dma_wait3A_190 = arith.constant 0 : i32
        %dma_wait3A_191 = arith.constant 0 : i32
        %dma_wait3A_192 = tpu.memref_slice %arg8[%dma_wait3A_190, %dma_wait3A_191] : memref<125x128xf32, #tpu.memory_space<vmem>> -> memref<80x128xf32, #tpu.memory_space<vmem>>
        tpu.wait_dma2 semaphore(%run_scoped3A : memref<!tpu.dma_semaphore, #tpu.memory_space<semaphore_mem>>) src(%dma_wait3A_192 : memref<80x128xf32, #tpu.memory_space<vmem>>) dst(%dma_wait3A_189 : memref<80x128xf32, #tpu.memory_space<vmem_shared>>)
        tpu.yield
      }) : () -> ()
    } else {
    }
    %mul3A_64 = arith.constant 8 : i32
    %mul3A_65 = arith.muli %arg1, %mul3A_64 : i32
    %add3A_66 = arith.constant 7 : i32
    %add3A_67 = arith.addi %mul3A_65, %add3A_66 : i32
    %lt3A_68 = arith.constant 125 : i32
    %lt3A_69 = arith.cmpi slt, %add3A_67, %lt3A_68 : i32
    %convert_element_type3A_70 = arith.extui %lt3A_69 : i1 to i32
    %cond3A_71 = arith.constant 0 : i32
    %cond3A_72 = arith.cmpi ne, %convert_element_type3A_70, %cond3A_71 : i32
    scf.if %cond3A_72 {
      %mul3A_172 = arith.constant 80 : i32
      %mul3A_173 = arith.muli %add3A_67, %mul3A_172 : i32
      "tpu.region"() ({
        %run_scoped3A = tpu.sem_alloc : memref<!tpu.dma_semaphore, #tpu.memory_space<semaphore_mem>>
        %dma_start3A_174 = arith.constant 0 : i32
        %dma_start3A_175 = arith.constant 0 : i32
        %dma_start3A_176 = tpu.memref_slice %arg8[%dma_start3A_174, %dma_start3A_175] : memref<125x128xf32, #tpu.memory_space<vmem>> -> memref<80x128xf32, #tpu.memory_space<vmem>>
        %dma_start3A_177 = arith.constant 0 : i32
        %dma_start3A_178 = tpu.memref_slice %arg10[%mul3A_173, %dma_start3A_177] : memref<10000x128xf32, #tpu.memory_space<vmem_shared>> -> memref<80x128xf32, #tpu.memory_space<vmem_shared>>
        %dma_start3A_179 = arith.constant 0 : i32
        %dma_start3A_180 = tpu.memref_slice %arg10[%mul3A_173, %dma_start3A_179] : memref<10000x128xf32, #tpu.memory_space<vmem_shared>> -> memref<80x128xf32, #tpu.memory_space<vmem_shared>>
        %dma_start3A_181 = arith.constant 0 : i32
        %dma_start3A_182 = arith.constant 0 : i32
        %dma_start3A_183 = tpu.memref_slice %arg8[%dma_start3A_181, %dma_start3A_182] : memref<125x128xf32, #tpu.memory_space<vmem>> -> memref<80x128xf32, #tpu.memory_space<vmem>>
        tpu.enqueue_dma source(%dma_start3A_183 : memref<80x128xf32, #tpu.memory_space<vmem>>) target(%dma_start3A_180 : memref<80x128xf32, #tpu.memory_space<vmem_shared>>) target_semaphore(%run_scoped3A : memref<!tpu.dma_semaphore, #tpu.memory_space<semaphore_mem>>)
        %dma_wait3A = arith.constant 0 : i32
        %dma_wait3A_184 = arith.constant 0 : i32
        %dma_wait3A_185 = tpu.memref_slice %arg8[%dma_wait3A, %dma_wait3A_184] : memref<125x128xf32, #tpu.memory_space<vmem>> -> memref<80x128xf32, #tpu.memory_space<vmem>>
        %dma_wait3A_186 = arith.constant 0 : i32
        %dma_wait3A_187 = tpu.memref_slice %arg10[%mul3A_173, %dma_wait3A_186] : memref<10000x128xf32, #tpu.memory_space<vmem_shared>> -> memref<80x128xf32, #tpu.memory_space<vmem_shared>>
        %dma_wait3A_188 = arith.constant 0 : i32
        %dma_wait3A_189 = tpu.memref_slice %arg10[%mul3A_173, %dma_wait3A_188] : memref<10000x128xf32, #tpu.memory_space<vmem_shared>> -> memref<80x128xf32, #tpu.memory_space<vmem_shared>>
        %dma_wait3A_190 = arith.constant 0 : i32
        %dma_wait3A_191 = arith.constant 0 : i32
        %dma_wait3A_192 = tpu.memref_slice %arg8[%dma_wait3A_190, %dma_wait3A_191] : memref<125x128xf32, #tpu.memory_space<vmem>> -> memref<80x128xf32, #tpu.memory_space<vmem>>
        tpu.wait_dma2 semaphore(%run_scoped3A : memref<!tpu.dma_semaphore, #tpu.memory_space<semaphore_mem>>) src(%dma_wait3A_192 : memref<80x128xf32, #tpu.memory_space<vmem>>) dst(%dma_wait3A_189 : memref<80x128xf32, #tpu.memory_space<vmem_shared>>)
        tpu.yield
      }) : () -> ()
    } else {
    }
    %barrier3A = arith.constant 0 : index
    tpu.barrier barrier_id(%barrier3A)
    %dma_start3A = arith.constant 0 : i32
    %dma_start3A_73 = arith.constant 0 : i32
    %dma_start3A_74 = arith.constant 0 : i32
    %dma_start3A_75 = arith.constant 0 : i32
    %dma_start3A_76 = tpu.memref_slice %arg6[%dma_start3A_73, %dma_start3A_74, %dma_start3A_75] : memref<2x20x125xi32, #tpu.memory_space<vmem>> -> memref<1x20x125xi32, #tpu.memory_space<vmem>>
    %dma_start3A_77 = tpu.memref_squeeze %dma_start3A_76 : memref<1x20x125xi32, #tpu.memory_space<vmem>> -> memref<20x125xi32, #tpu.memory_space<vmem>>
    %dma_start3A_78 = arith.constant 0 : i32
    %dma_start3A_79 = arith.constant 0 : i32
    %dma_start3A_80 = arith.constant 0 : i32
    %dma_start3A_81 = tpu.memref_slice %arg2[%arg1, %dma_start3A_78, %dma_start3A_79, %dma_start3A_80] : memref<16x8x20x125xi32, #tpu.memory_space<hbm>> -> memref<1x8x20x125xi32, #tpu.memory_space<hbm>>
    %dma_start3A_82 = tpu.memref_squeeze %dma_start3A_81 : memref<1x8x20x125xi32, #tpu.memory_space<hbm>> -> memref<8x20x125xi32, #tpu.memory_space<hbm>>
    %dma_start3A_83 = arith.constant 0 : i32
    %dma_start3A_84 = arith.constant 0 : i32
    %dma_start3A_85 = tpu.memref_slice %dma_start3A_82[%dma_start3A, %dma_start3A_83, %dma_start3A_84] : memref<8x20x125xi32, #tpu.memory_space<hbm>> -> memref<1x20x125xi32, #tpu.memory_space<hbm>>
    %dma_start3A_86 = tpu.memref_squeeze %dma_start3A_85 : memref<1x20x125xi32, #tpu.memory_space<hbm>> -> memref<20x125xi32, #tpu.memory_space<hbm>>
    %dma_start3A_87 = arith.constant 0 : i32
    %dma_start3A_88 = arith.constant 0 : i32
    %dma_start3A_89 = tpu.memref_slice %arg6[%dma_start3A_73, %dma_start3A_87, %dma_start3A_88] : memref<2x20x125xi32, #tpu.memory_space<vmem>> -> memref<1x20x125xi32, #tpu.memory_space<vmem>>
    %dma_start3A_90 = tpu.memref_squeeze %dma_start3A_89 : memref<1x20x125xi32, #tpu.memory_space<vmem>> -> memref<20x125xi32, #tpu.memory_space<vmem>>
    %dma_start3A_91 = arith.constant 0 : i32
    %dma_start3A_92 = arith.constant 0 : i32
    %dma_start3A_93 = arith.constant 0 : i32
    %dma_start3A_94 = tpu.memref_slice %arg2[%arg1, %dma_start3A_91, %dma_start3A_92, %dma_start3A_93] : memref<16x8x20x125xi32, #tpu.memory_space<hbm>> -> memref<1x8x20x125xi32, #tpu.memory_space<hbm>>
    %dma_start3A_95 = tpu.memref_squeeze %dma_start3A_94 : memref<1x8x20x125xi32, #tpu.memory_space<hbm>> -> memref<8x20x125xi32, #tpu.memory_space<hbm>>
    %dma_start3A_96 = arith.constant 0 : i32
    %dma_start3A_97 = arith.constant 0 : i32
    %dma_start3A_98 = tpu.memref_slice %dma_start3A_95[%dma_start3A, %dma_start3A_96, %dma_start3A_97] : memref<8x20x125xi32, #tpu.memory_space<hbm>> -> memref<1x20x125xi32, #tpu.memory_space<hbm>>
    %dma_start3A_99 = tpu.memref_squeeze %dma_start3A_98 : memref<1x20x125xi32, #tpu.memory_space<hbm>> -> memref<20x125xi32, #tpu.memory_space<hbm>>
    tpu.enqueue_dma source(%dma_start3A_99 : memref<20x125xi32, #tpu.memory_space<hbm>>) target(%dma_start3A_90 : memref<20x125xi32, #tpu.memory_space<vmem>>) target_semaphore(%arg13 : memref<!tpu.dma_semaphore, #tpu.memory_space<semaphore_mem>>)
    %dma_start3A_100 = arith.constant 0 : i32
    %dma_start3A_101 = arith.constant 0 : i32
    %dma_start3A_102 = arith.constant 0 : i32
    %dma_start3A_103 = arith.constant 0 : i32
    %dma_start3A_104 = tpu.memref_slice %arg7[%dma_start3A_101, %dma_start3A_102, %dma_start3A_103] : memref<2x20x125xi32, #tpu.memory_space<vmem>> -> memref<1x20x125xi32, #tpu.memory_space<vmem>>
    %dma_start3A_105 = tpu.memref_squeeze %dma_start3A_104 : memref<1x20x125xi32, #tpu.memory_space<vmem>> -> memref<20x125xi32, #tpu.memory_space<vmem>>
    %dma_start3A_106 = arith.constant 0 : i32
    %dma_start3A_107 = arith.constant 0 : i32
    %dma_start3A_108 = arith.constant 0 : i32
    %dma_start3A_109 = tpu.memref_slice %arg3[%arg1, %dma_start3A_106, %dma_start3A_107, %dma_start3A_108] : memref<16x8x20x125xi32, #tpu.memory_space<hbm>> -> memref<1x8x20x125xi32, #tpu.memory_space<hbm>>
    %dma_start3A_110 = tpu.memref_squeeze %dma_start3A_109 : memref<1x8x20x125xi32, #tpu.memory_space<hbm>> -> memref<8x20x125xi32, #tpu.memory_space<hbm>>
    %dma_start3A_111 = arith.constant 0 : i32
    %dma_start3A_112 = arith.constant 0 : i32
    %dma_start3A_113 = tpu.memref_slice %dma_start3A_110[%dma_start3A_100, %dma_start3A_111, %dma_start3A_112] : memref<8x20x125xi32, #tpu.memory_space<hbm>> -> memref<1x20x125xi32, #tpu.memory_space<hbm>>
    %dma_start3A_114 = tpu.memref_squeeze %dma_start3A_113 : memref<1x20x125xi32, #tpu.memory_space<hbm>> -> memref<20x125xi32, #tpu.memory_space<hbm>>
    %dma_start3A_115 = arith.constant 0 : i32
    %dma_start3A_116 = arith.constant 0 : i32
    %dma_start3A_117 = tpu.memref_slice %arg7[%dma_start3A_101, %dma_start3A_115, %dma_start3A_116] : memref<2x20x125xi32, #tpu.memory_space<vmem>> -> memref<1x20x125xi32, #tpu.memory_space<vmem>>
    %dma_start3A_118 = tpu.memref_squeeze %dma_start3A_117 : memref<1x20x125xi32, #tpu.memory_space<vmem>> -> memref<20x125xi32, #tpu.memory_space<vmem>>
    %dma_start3A_119 = arith.constant 0 : i32
    %dma_start3A_120 = arith.constant 0 : i32
    %dma_start3A_121 = arith.constant 0 : i32
    %dma_start3A_122 = tpu.memref_slice %arg3[%arg1, %dma_start3A_119, %dma_start3A_120, %dma_start3A_121] : memref<16x8x20x125xi32, #tpu.memory_space<hbm>> -> memref<1x8x20x125xi32, #tpu.memory_space<hbm>>
    %dma_start3A_123 = tpu.memref_squeeze %dma_start3A_122 : memref<1x8x20x125xi32, #tpu.memory_space<hbm>> -> memref<8x20x125xi32, #tpu.memory_space<hbm>>
    %dma_start3A_124 = arith.constant 0 : i32
    %dma_start3A_125 = arith.constant 0 : i32
    %dma_start3A_126 = tpu.memref_slice %dma_start3A_123[%dma_start3A_100, %dma_start3A_124, %dma_start3A_125] : memref<8x20x125xi32, #tpu.memory_space<hbm>> -> memref<1x20x125xi32, #tpu.memory_space<hbm>>
    %dma_start3A_127 = tpu.memref_squeeze %dma_start3A_126 : memref<1x20x125xi32, #tpu.memory_space<hbm>> -> memref<20x125xi32, #tpu.memory_space<hbm>>
    tpu.enqueue_dma source(%dma_start3A_127 : memref<20x125xi32, #tpu.memory_space<hbm>>) target(%dma_start3A_118 : memref<20x125xi32, #tpu.memory_space<vmem>>) target_semaphore(%arg13 : memref<!tpu.dma_semaphore, #tpu.memory_space<semaphore_mem>>)
    %scan3A_128 = arith.constant 0 : i32
    %scan3A_129 = arith.constant 0 : i32
    %scan3A_130 = arith.constant 8 : i32
    %scan3A_131 = arith.addi %scan3A_129, %scan3A_130 : i32
    %scan3A_132 = arith.constant 1 : i32
    %scan3A_133 = scf.for %scan3A_172 = %scan3A_129 to %scan3A_131 step %scan3A_132 iter_args(%scan3A_173 = %scan3A_128) -> (i32)  : i32 {
      %jit3A = arith.constant 2 : i32
      %eq3A = arith.constant 0 : i32
      %eq3A_174 = arith.cmpi eq, %jit3A, %eq3A : i32
      %jit3A_175 = arith.constant 1 : i32
      %select_n3A = arith.select %eq3A_174, %jit3A_175, %jit3A : i32
      %rem3A = arith.remsi %scan3A_172, %select_n3A : i32
      %ne3A = arith.constant 0 : i32
      %ne3A_176 = arith.cmpi ne, %rem3A, %ne3A : i32
      %lt3A_177 = arith.constant 0 : i32
      %lt3A_178 = arith.cmpi slt, %rem3A, %lt3A_177 : i32
      %lt3A_179 = arith.constant 0 : i32
      %lt3A_180 = arith.cmpi slt, %select_n3A, %lt3A_179 : i32
      %ne3A_181 = arith.xori %lt3A_178, %lt3A_180 : i1
      %and3A = arith.andi %ne3A_181, %ne3A_176 : i1
      %add3A_182 = arith.addi %rem3A, %select_n3A : i32
      %select_n3A_183 = arith.select %and3A, %add3A_182, %rem3A : i32
      %dma_wait3A = arith.constant 0 : i32
      %dma_wait3A_184 = arith.constant 0 : i32
      %dma_wait3A_185 = tpu.memref_slice %arg6[%select_n3A_183, %dma_wait3A, %dma_wait3A_184] : memref<2x20x125xi32, #tpu.memory_space<vmem>> -> memref<1x20x125xi32, #tpu.memory_space<vmem>>
      %dma_wait3A_186 = tpu.memref_squeeze %dma_wait3A_185 : memref<1x20x125xi32, #tpu.memory_space<vmem>> -> memref<20x125xi32, #tpu.memory_space<vmem>>
      %dma_wait3A_187 = arith.constant 0 : i32
      %dma_wait3A_188 = arith.constant 0 : i32
      %dma_wait3A_189 = arith.constant 0 : i32
      %dma_wait3A_190 = tpu.memref_slice %arg2[%arg1, %dma_wait3A_187, %dma_wait3A_188, %dma_wait3A_189] : memref<16x8x20x125xi32, #tpu.memory_space<hbm>> -> memref<1x8x20x125xi32, #tpu.memory_space<hbm>>
      %dma_wait3A_191 = tpu.memref_squeeze %dma_wait3A_190 : memref<1x8x20x125xi32, #tpu.memory_space<hbm>> -> memref<8x20x125xi32, #tpu.memory_space<hbm>>
      %dma_wait3A_192 = arith.constant 0 : i32
      %dma_wait3A_193 = arith.constant 0 : i32
      %dma_wait3A_194 = tpu.memref_slice %dma_wait3A_191[%scan3A_172, %dma_wait3A_192, %dma_wait3A_193] : memref<8x20x125xi32, #tpu.memory_space<hbm>> -> memref<1x20x125xi32, #tpu.memory_space<hbm>>
      %dma_wait3A_195 = tpu.memref_squeeze %dma_wait3A_194 : memref<1x20x125xi32, #tpu.memory_space<hbm>> -> memref<20x125xi32, #tpu.memory_space<hbm>>
      %dma_wait3A_196 = arith.constant 0 : i32
      %dma_wait3A_197 = arith.constant 0 : i32
      %dma_wait3A_198 = tpu.memref_slice %arg6[%select_n3A_183, %dma_wait3A_196, %dma_wait3A_197] : memref<2x20x125xi32, #tpu.memory_space<vmem>> -> memref<1x20x125xi32, #tpu.memory_space<vmem>>
      %dma_wait3A_199 = tpu.memref_squeeze %dma_wait3A_198 : memref<1x20x125xi32, #tpu.memory_space<vmem>> -> memref<20x125xi32, #tpu.memory_space<vmem>>
      %dma_wait3A_200 = arith.constant 0 : i32
      %dma_wait3A_201 = arith.constant 0 : i32
      %dma_wait3A_202 = arith.constant 0 : i32
      %dma_wait3A_203 = tpu.memref_slice %arg2[%arg1, %dma_wait3A_200, %dma_wait3A_201, %dma_wait3A_202] : memref<16x8x20x125xi32, #tpu.memory_space<hbm>> -> memref<1x8x20x125xi32, #tpu.memory_space<hbm>>
      %dma_wait3A_204 = tpu.memref_squeeze %dma_wait3A_203 : memref<1x8x20x125xi32, #tpu.memory_space<hbm>> -> memref<8x20x125xi32, #tpu.memory_space<hbm>>
      %dma_wait3A_205 = arith.constant 0 : i32
      %dma_wait3A_206 = arith.constant 0 : i32
      %dma_wait3A_207 = tpu.memref_slice %dma_wait3A_204[%scan3A_172, %dma_wait3A_205, %dma_wait3A_206] : memref<8x20x125xi32, #tpu.memory_space<hbm>> -> memref<1x20x125xi32, #tpu.memory_space<hbm>>
      %dma_wait3A_208 = tpu.memref_squeeze %dma_wait3A_207 : memref<1x20x125xi32, #tpu.memory_space<hbm>> -> memref<20x125xi32, #tpu.memory_space<hbm>>
      tpu.wait_dma2 semaphore(%arg13 : memref<!tpu.dma_semaphore, #tpu.memory_space<semaphore_mem>>) src(%dma_wait3A_208 : memref<20x125xi32, #tpu.memory_space<hbm>>) dst(%dma_wait3A_199 : memref<20x125xi32, #tpu.memory_space<vmem>>)
      %dma_wait3A_209 = arith.constant 0 : i32
      %dma_wait3A_210 = arith.constant 0 : i32
      %dma_wait3A_211 = tpu.memref_slice %arg7[%select_n3A_183, %dma_wait3A_209, %dma_wait3A_210] : memref<2x20x125xi32, #tpu.memory_space<vmem>> -> memref<1x20x125xi32, #tpu.memory_space<vmem>>
      %dma_wait3A_212 = tpu.memref_squeeze %dma_wait3A_211 : memref<1x20x125xi32, #tpu.memory_space<vmem>> -> memref<20x125xi32, #tpu.memory_space<vmem>>
      %dma_wait3A_213 = arith.constant 0 : i32
      %dma_wait3A_214 = arith.constant 0 : i32
      %dma_wait3A_215 = arith.constant 0 : i32
      %dma_wait3A_216 = tpu.memref_slice %arg3[%arg1, %dma_wait3A_213, %dma_wait3A_214, %dma_wait3A_215] : memref<16x8x20x125xi32, #tpu.memory_space<hbm>> -> memref<1x8x20x125xi32, #tpu.memory_space<hbm>>
      %dma_wait3A_217 = tpu.memref_squeeze %dma_wait3A_216 : memref<1x8x20x125xi32, #tpu.memory_space<hbm>> -> memref<8x20x125xi32, #tpu.memory_space<hbm>>
      %dma_wait3A_218 = arith.constant 0 : i32
      %dma_wait3A_219 = arith.constant 0 : i32
      %dma_wait3A_220 = tpu.memref_slice %dma_wait3A_217[%scan3A_172, %dma_wait3A_218, %dma_wait3A_219] : memref<8x20x125xi32, #tpu.memory_space<hbm>> -> memref<1x20x125xi32, #tpu.memory_space<hbm>>
      %dma_wait3A_221 = tpu.memref_squeeze %dma_wait3A_220 : memref<1x20x125xi32, #tpu.memory_space<hbm>> -> memref<20x125xi32, #tpu.memory_space<hbm>>
      %dma_wait3A_222 = arith.constant 0 : i32
      %dma_wait3A_223 = arith.constant 0 : i32
      %dma_wait3A_224 = tpu.memref_slice %arg7[%select_n3A_183, %dma_wait3A_222, %dma_wait3A_223] : memref<2x20x125xi32, #tpu.memory_space<vmem>> -> memref<1x20x125xi32, #tpu.memory_space<vmem>>
      %dma_wait3A_225 = tpu.memref_squeeze %dma_wait3A_224 : memref<1x20x125xi32, #tpu.memory_space<vmem>> -> memref<20x125xi32, #tpu.memory_space<vmem>>
      %dma_wait3A_226 = arith.constant 0 : i32
      %dma_wait3A_227 = arith.constant 0 : i32
      %dma_wait3A_228 = arith.constant 0 : i32
      %dma_wait3A_229 = tpu.memref_slice %arg3[%arg1, %dma_wait3A_226, %dma_wait3A_227, %dma_wait3A_228] : memref<16x8x20x125xi32, #tpu.memory_space<hbm>> -> memref<1x8x20x125xi32, #tpu.memory_space<hbm>>
      %dma_wait3A_230 = tpu.memref_squeeze %dma_wait3A_229 : memref<1x8x20x125xi32, #tpu.memory_space<hbm>> -> memref<8x20x125xi32, #tpu.memory_space<hbm>>
      %dma_wait3A_231 = arith.constant 0 : i32
      %dma_wait3A_232 = arith.constant 0 : i32
      %dma_wait3A_233 = tpu.memref_slice %dma_wait3A_230[%scan3A_172, %dma_wait3A_231, %dma_wait3A_232] : memref<8x20x125xi32, #tpu.memory_space<hbm>> -> memref<1x20x125xi32, #tpu.memory_space<hbm>>
      %dma_wait3A_234 = tpu.memref_squeeze %dma_wait3A_233 : memref<1x20x125xi32, #tpu.memory_space<hbm>> -> memref<20x125xi32, #tpu.memory_space<hbm>>
      tpu.wait_dma2 semaphore(%arg13 : memref<!tpu.dma_semaphore, #tpu.memory_space<semaphore_mem>>) src(%dma_wait3A_234 : memref<20x125xi32, #tpu.memory_space<hbm>>) dst(%dma_wait3A_225 : memref<20x125xi32, #tpu.memory_space<vmem>>)
      %dma_start3A_235 = arith.constant 0 : i32
      %dma_start3A_236 = arith.constant 0 : i32
      %dma_start3A_237 = arith.constant 0 : i32
      %dma_start3A_238 = tpu.memref_slice %arg6[%select_n3A_183, %dma_start3A_236, %dma_start3A_237] : memref<2x20x125xi32, #tpu.memory_space<vmem>> -> memref<1x20x125xi32, #tpu.memory_space<vmem>>
      %dma_start3A_239 = tpu.memref_squeeze %dma_start3A_238 : memref<1x20x125xi32, #tpu.memory_space<vmem>> -> memref<20x125xi32, #tpu.memory_space<vmem>>
      %dma_start3A_240 = arith.constant 0 : i32
      %dma_start3A_241 = tpu.memref_slice %dma_start3A_239[%dma_start3A_235, %dma_start3A_240] : memref<20x125xi32, #tpu.memory_space<vmem>> -> memref<1x125xi32, #tpu.memory_space<vmem>>
      %dma_start3A_242 = tpu.memref_squeeze %dma_start3A_241 : memref<1x125xi32, #tpu.memory_space<vmem>> -> memref<125xi32, #tpu.memory_space<vmem>>
      %dma_start3A_243 = arith.constant 0 : i32
      %dma_start3A_244 = arith.constant 0 : i32
      %dma_start3A_245 = tpu.memref_slice %arg4[%arg0, %dma_start3A_243, %dma_start3A_244] : memref<2x10000x128xf32, #tpu.memory_space<hbm>> -> memref<1x10000x128xf32, #tpu.memory_space<hbm>>
      %dma_start3A_246 = tpu.memref_squeeze %dma_start3A_245 : memref<1x10000x128xf32, #tpu.memory_space<hbm>> -> memref<10000x128xf32, #tpu.memory_space<hbm>>
      %dma_start3A_247 = arith.constant 0 : i32
      %dma_start3A_248 = arith.constant 0 : i32
      %dma_start3A_249 = tpu.memref_slice %dma_start3A_246[%dma_start3A_247, %dma_start3A_248] : memref<10000x128xf32, #tpu.memory_space<hbm>> -> memref<10000x128xf32, #tpu.memory_space<hbm>>
      tpu.enqueue_indirect_dma source(%dma_start3A_249 : memref<10000x128xf32, #tpu.memory_space<hbm>>) target(%arg8 : memref<125x128xf32, #tpu.memory_space<vmem>>) offsets(%dma_start3A_242 : memref<125xi32, #tpu.memory_space<vmem>>) semaphore(%arg11 : memref<!tpu.dma_semaphore, #tpu.memory_space<semaphore_mem>>)
      %add3A_250 = arith.constant 1 : i32
      %add3A_251 = arith.addi %scan3A_172, %add3A_250 : i32
      %lt3A_252 = arith.constant 8 : i32
      %lt3A_253 = arith.cmpi slt, %add3A_251, %lt3A_252 : i32
      %convert_element_type3A_254 = arith.extui %lt3A_253 : i1 to i32
      %cond3A_255 = arith.constant 0 : i32
      %cond3A_256 = arith.cmpi ne, %convert_element_type3A_254, %cond3A_255 : i32
      scf.if %cond3A_256 {
        %add3A_311 = arith.constant 1 : i32
        %add3A_312 = arith.addi %scan3A_172, %add3A_311 : i32
        %sub3A = arith.constant 1 : i32
        %sub3A_313 = arith.subi %sub3A, %select_n3A_183 : i32
        %dma_start3A_314 = arith.constant 0 : i32
        %dma_start3A_315 = arith.constant 0 : i32
        %dma_start3A_316 = tpu.memref_slice %arg6[%sub3A_313, %dma_start3A_314, %dma_start3A_315] : memref<2x20x125xi32, #tpu.memory_space<vmem>> -> memref<1x20x125xi32, #tpu.memory_space<vmem>>
        %dma_start3A_317 = tpu.memref_squeeze %dma_start3A_316 : memref<1x20x125xi32, #tpu.memory_space<vmem>> -> memref<20x125xi32, #tpu.memory_space<vmem>>
        %dma_start3A_318 = arith.constant 0 : i32
        %dma_start3A_319 = arith.constant 0 : i32
        %dma_start3A_320 = arith.constant 0 : i32
        %dma_start3A_321 = tpu.memref_slice %arg2[%arg1, %dma_start3A_318, %dma_start3A_319, %dma_start3A_320] : memref<16x8x20x125xi32, #tpu.memory_space<hbm>> -> memref<1x8x20x125xi32, #tpu.memory_space<hbm>>
        %dma_start3A_322 = tpu.memref_squeeze %dma_start3A_321 : memref<1x8x20x125xi32, #tpu.memory_space<hbm>> -> memref<8x20x125xi32, #tpu.memory_space<hbm>>
        %dma_start3A_323 = arith.constant 0 : i32
        %dma_start3A_324 = arith.constant 0 : i32
        %dma_start3A_325 = tpu.memref_slice %dma_start3A_322[%add3A_312, %dma_start3A_323, %dma_start3A_324] : memref<8x20x125xi32, #tpu.memory_space<hbm>> -> memref<1x20x125xi32, #tpu.memory_space<hbm>>
        %dma_start3A_326 = tpu.memref_squeeze %dma_start3A_325 : memref<1x20x125xi32, #tpu.memory_space<hbm>> -> memref<20x125xi32, #tpu.memory_space<hbm>>
        %dma_start3A_327 = arith.constant 0 : i32
        %dma_start3A_328 = arith.constant 0 : i32
        %dma_start3A_329 = tpu.memref_slice %arg6[%sub3A_313, %dma_start3A_327, %dma_start3A_328] : memref<2x20x125xi32, #tpu.memory_space<vmem>> -> memref<1x20x125xi32, #tpu.memory_space<vmem>>
        %dma_start3A_330 = tpu.memref_squeeze %dma_start3A_329 : memref<1x20x125xi32, #tpu.memory_space<vmem>> -> memref<20x125xi32, #tpu.memory_space<vmem>>
        %dma_start3A_331 = arith.constant 0 : i32
        %dma_start3A_332 = arith.constant 0 : i32
        %dma_start3A_333 = arith.constant 0 : i32
        %dma_start3A_334 = tpu.memref_slice %arg2[%arg1, %dma_start3A_331, %dma_start3A_332, %dma_start3A_333] : memref<16x8x20x125xi32, #tpu.memory_space<hbm>> -> memref<1x8x20x125xi32, #tpu.memory_space<hbm>>
        %dma_start3A_335 = tpu.memref_squeeze %dma_start3A_334 : memref<1x8x20x125xi32, #tpu.memory_space<hbm>> -> memref<8x20x125xi32, #tpu.memory_space<hbm>>
        %dma_start3A_336 = arith.constant 0 : i32
        %dma_start3A_337 = arith.constant 0 : i32
        %dma_start3A_338 = tpu.memref_slice %dma_start3A_335[%add3A_312, %dma_start3A_336, %dma_start3A_337] : memref<8x20x125xi32, #tpu.memory_space<hbm>> -> memref<1x20x125xi32, #tpu.memory_space<hbm>>
        %dma_start3A_339 = tpu.memref_squeeze %dma_start3A_338 : memref<1x20x125xi32, #tpu.memory_space<hbm>> -> memref<20x125xi32, #tpu.memory_space<hbm>>
        tpu.enqueue_dma source(%dma_start3A_339 : memref<20x125xi32, #tpu.memory_space<hbm>>) target(%dma_start3A_330 : memref<20x125xi32, #tpu.memory_space<vmem>>) target_semaphore(%arg13 : memref<!tpu.dma_semaphore, #tpu.memory_space<semaphore_mem>>)
        %dma_start3A_340 = arith.constant 0 : i32
        %dma_start3A_341 = arith.constant 0 : i32
        %dma_start3A_342 = tpu.memref_slice %arg7[%sub3A_313, %dma_start3A_340, %dma_start3A_341] : memref<2x20x125xi32, #tpu.memory_space<vmem>> -> memref<1x20x125xi32, #tpu.memory_space<vmem>>
        %dma_start3A_343 = tpu.memref_squeeze %dma_start3A_342 : memref<1x20x125xi32, #tpu.memory_space<vmem>> -> memref<20x125xi32, #tpu.memory_space<vmem>>
        %dma_start3A_344 = arith.constant 0 : i32
        %dma_start3A_345 = arith.constant 0 : i32
        %dma_start3A_346 = arith.constant 0 : i32
        %dma_start3A_347 = tpu.memref_slice %arg3[%arg1, %dma_start3A_344, %dma_start3A_345, %dma_start3A_346] : memref<16x8x20x125xi32, #tpu.memory_space<hbm>> -> memref<1x8x20x125xi32, #tpu.memory_space<hbm>>
        %dma_start3A_348 = tpu.memref_squeeze %dma_start3A_347 : memref<1x8x20x125xi32, #tpu.memory_space<hbm>> -> memref<8x20x125xi32, #tpu.memory_space<hbm>>
        %dma_start3A_349 = arith.constant 0 : i32
        %dma_start3A_350 = arith.constant 0 : i32
        %dma_start3A_351 = tpu.memref_slice %dma_start3A_348[%add3A_312, %dma_start3A_349, %dma_start3A_350] : memref<8x20x125xi32, #tpu.memory_space<hbm>> -> memref<1x20x125xi32, #tpu.memory_space<hbm>>
        %dma_start3A_352 = tpu.memref_squeeze %dma_start3A_351 : memref<1x20x125xi32, #tpu.memory_space<hbm>> -> memref<20x125xi32, #tpu.memory_space<hbm>>
        %dma_start3A_353 = arith.constant 0 : i32
        %dma_start3A_354 = arith.constant 0 : i32
        %dma_start3A_355 = tpu.memref_slice %arg7[%sub3A_313, %dma_start3A_353, %dma_start3A_354] : memref<2x20x125xi32, #tpu.memory_space<vmem>> -> memref<1x20x125xi32, #tpu.memory_space<vmem>>
        %dma_start3A_356 = tpu.memref_squeeze %dma_start3A_355 : memref<1x20x125xi32, #tpu.memory_space<vmem>> -> memref<20x125xi32, #tpu.memory_space<vmem>>
        %dma_start3A_357 = arith.constant 0 : i32
        %dma_start3A_358 = arith.constant 0 : i32
        %dma_start3A_359 = arith.constant 0 : i32
        %dma_start3A_360 = tpu.memref_slice %arg3[%arg1, %dma_start3A_357, %dma_start3A_358, %dma_start3A_359] : memref<16x8x20x125xi32, #tpu.memory_space<hbm>> -> memref<1x8x20x125xi32, #tpu.memory_space<hbm>>
        %dma_start3A_361 = tpu.memref_squeeze %dma_start3A_360 : memref<1x8x20x125xi32, #tpu.memory_space<hbm>> -> memref<8x20x125xi32, #tpu.memory_space<hbm>>
        %dma_start3A_362 = arith.constant 0 : i32
        %dma_start3A_363 = arith.constant 0 : i32
        %dma_start3A_364 = tpu.memref_slice %dma_start3A_361[%add3A_312, %dma_start3A_362, %dma_start3A_363] : memref<8x20x125xi32, #tpu.memory_space<hbm>> -> memref<1x20x125xi32, #tpu.memory_space<hbm>>
        %dma_start3A_365 = tpu.memref_squeeze %dma_start3A_364 : memref<1x20x125xi32, #tpu.memory_space<hbm>> -> memref<20x125xi32, #tpu.memory_space<hbm>>
        tpu.enqueue_dma source(%dma_start3A_365 : memref<20x125xi32, #tpu.memory_space<hbm>>) target(%dma_start3A_356 : memref<20x125xi32, #tpu.memory_space<vmem>>) target_semaphore(%arg13 : memref<!tpu.dma_semaphore, #tpu.memory_space<semaphore_mem>>)
      } else {
      }
      %scan3A_257 = arith.constant 0 : i32
      %scan3A_258 = arith.constant 0 : i32
      %scan3A_259 = arith.constant 9 : i32
      %scan3A_260 = arith.addi %scan3A_258, %scan3A_259 : i32
      %scan3A_261 = arith.constant 1 : i32
      %scan3A_262 = scf.for %scan3A_311 = %scan3A_258 to %scan3A_260 step %scan3A_261 iter_args(%scan3A_312 = %scan3A_257) -> (i32)  : i32 {
        %mul3A_313 = arith.constant 2 : i32
        %mul3A_314 = arith.muli %mul3A_313, %scan3A_311 : i32
        %add3A_315 = arith.constant 1 : i32
        %add3A_316 = arith.addi %mul3A_314, %add3A_315 : i32
        %dma_start3A_317 = arith.constant 0 : i32
        %dma_start3A_318 = arith.constant 0 : i32
        %dma_start3A_319 = tpu.memref_slice %arg6[%select_n3A_183, %dma_start3A_317, %dma_start3A_318] : memref<2x20x125xi32, #tpu.memory_space<vmem>> -> memref<1x20x125xi32, #tpu.memory_space<vmem>>
        %dma_start3A_320 = tpu.memref_squeeze %dma_start3A_319 : memref<1x20x125xi32, #tpu.memory_space<vmem>> -> memref<20x125xi32, #tpu.memory_space<vmem>>
        %dma_start3A_321 = arith.constant 0 : i32
        %dma_start3A_322 = tpu.memref_slice %dma_start3A_320[%add3A_316, %dma_start3A_321] : memref<20x125xi32, #tpu.memory_space<vmem>> -> memref<1x125xi32, #tpu.memory_space<vmem>>
        %dma_start3A_323 = tpu.memref_squeeze %dma_start3A_322 : memref<1x125xi32, #tpu.memory_space<vmem>> -> memref<125xi32, #tpu.memory_space<vmem>>
        %dma_start3A_324 = arith.constant 0 : i32
        %dma_start3A_325 = arith.constant 0 : i32
        %dma_start3A_326 = tpu.memref_slice %arg4[%arg0, %dma_start3A_324, %dma_start3A_325] : memref<2x10000x128xf32, #tpu.memory_space<hbm>> -> memref<1x10000x128xf32, #tpu.memory_space<hbm>>
        %dma_start3A_327 = tpu.memref_squeeze %dma_start3A_326 : memref<1x10000x128xf32, #tpu.memory_space<hbm>> -> memref<10000x128xf32, #tpu.memory_space<hbm>>
        %dma_start3A_328 = arith.constant 0 : i32
        %dma_start3A_329 = arith.constant 0 : i32
        %dma_start3A_330 = tpu.memref_slice %dma_start3A_327[%dma_start3A_328, %dma_start3A_329] : memref<10000x128xf32, #tpu.memory_space<hbm>> -> memref<10000x128xf32, #tpu.memory_space<hbm>>
        tpu.enqueue_indirect_dma source(%dma_start3A_330 : memref<10000x128xf32, #tpu.memory_space<hbm>>) target(%arg9 : memref<125x128xf32, #tpu.memory_space<vmem>>) offsets(%dma_start3A_323 : memref<125xi32, #tpu.memory_space<vmem>>) semaphore(%arg12 : memref<!tpu.dma_semaphore, #tpu.memory_space<semaphore_mem>>)
        %mul3A_331 = arith.constant 2 : i32
        %mul3A_332 = arith.muli %mul3A_331, %scan3A_311 : i32
        %dma_wait3A_333 = arith.constant 0 : i32
        %dma_wait3A_334 = arith.constant 0 : i32
        %dma_wait3A_335 = tpu.memref_slice %arg6[%select_n3A_183, %dma_wait3A_333, %dma_wait3A_334] : memref<2x20x125xi32, #tpu.memory_space<vmem>> -> memref<1x20x125xi32, #tpu.memory_space<vmem>>
        %dma_wait3A_336 = tpu.memref_squeeze %dma_wait3A_335 : memref<1x20x125xi32, #tpu.memory_space<vmem>> -> memref<20x125xi32, #tpu.memory_space<vmem>>
        %dma_wait3A_337 = arith.constant 0 : i32
        %dma_wait3A_338 = tpu.memref_slice %dma_wait3A_336[%mul3A_332, %dma_wait3A_337] : memref<20x125xi32, #tpu.memory_space<vmem>> -> memref<1x125xi32, #tpu.memory_space<vmem>>
        %dma_wait3A_339 = tpu.memref_squeeze %dma_wait3A_338 : memref<1x125xi32, #tpu.memory_space<vmem>> -> memref<125xi32, #tpu.memory_space<vmem>>
        %dma_wait3A_340 = arith.constant 0 : i32
        %dma_wait3A_341 = arith.constant 0 : i32
        %dma_wait3A_342 = tpu.memref_slice %arg4[%arg0, %dma_wait3A_340, %dma_wait3A_341] : memref<2x10000x128xf32, #tpu.memory_space<hbm>> -> memref<1x10000x128xf32, #tpu.memory_space<hbm>>
        %dma_wait3A_343 = tpu.memref_squeeze %dma_wait3A_342 : memref<1x10000x128xf32, #tpu.memory_space<hbm>> -> memref<10000x128xf32, #tpu.memory_space<hbm>>
        %dma_wait3A_344 = arith.constant 0 : i32
        %dma_wait3A_345 = arith.constant 0 : i32
        %dma_wait3A_346 = tpu.memref_slice %dma_wait3A_343[%dma_wait3A_344, %dma_wait3A_345] : memref<10000x128xf32, #tpu.memory_space<hbm>> -> memref<10000x128xf32, #tpu.memory_space<hbm>>
        tpu.wait_indirect_dma semaphore(%arg11 : memref<!tpu.dma_semaphore, #tpu.memory_space<semaphore_mem>>) src(%dma_wait3A_346 : memref<10000x128xf32, #tpu.memory_space<hbm>>) dst(%arg8 : memref<125x128xf32, #tpu.memory_space<vmem>>)
        "tpu.region"() ({
          %run_scoped3A_384 = tpu.sem_alloc : memref<!tpu.dma_semaphore, #tpu.memory_space<semaphore_mem>>
          %dma_start3A_385 = arith.constant 0 : i32
          %dma_start3A_386 = arith.constant 0 : i32
          %dma_start3A_387 = tpu.memref_slice %arg7[%select_n3A_183, %dma_start3A_385, %dma_start3A_386] : memref<2x20x125xi32, #tpu.memory_space<vmem>> -> memref<1x20x125xi32, #tpu.memory_space<vmem>>
          %dma_start3A_388 = tpu.memref_squeeze %dma_start3A_387 : memref<1x20x125xi32, #tpu.memory_space<vmem>> -> memref<20x125xi32, #tpu.memory_space<vmem>>
          %dma_start3A_389 = arith.constant 0 : i32
          %dma_start3A_390 = tpu.memref_slice %dma_start3A_388[%mul3A_332, %dma_start3A_389] : memref<20x125xi32, #tpu.memory_space<vmem>> -> memref<1x125xi32, #tpu.memory_space<vmem>>
          %dma_start3A_391 = tpu.memref_squeeze %dma_start3A_390 : memref<1x125xi32, #tpu.memory_space<vmem>> -> memref<125xi32, #tpu.memory_space<vmem>>
          %dma_start3A_392 = arith.constant 0 : i32
          %dma_start3A_393 = arith.constant 0 : i32
          %dma_start3A_394 = tpu.memref_slice %arg10[%dma_start3A_392, %dma_start3A_393] : memref<10000x128xf32, #tpu.memory_space<vmem_shared>> -> memref<10000x128xf32, #tpu.memory_space<vmem_shared>>
          tpu.enqueue_indirect_dma source(%arg8 : memref<125x128xf32, #tpu.memory_space<vmem>>) target(%dma_start3A_394 : memref<10000x128xf32, #tpu.memory_space<vmem_shared>>) offsets(%dma_start3A_391 : memref<125xi32, #tpu.memory_space<vmem>>) semaphore(%run_scoped3A_384 : memref<!tpu.dma_semaphore, #tpu.memory_space<semaphore_mem>>) {add = true}
          %dma_wait3A_395 = arith.constant 0 : i32
          %dma_wait3A_396 = arith.constant 0 : i32
          %dma_wait3A_397 = tpu.memref_slice %arg7[%select_n3A_183, %dma_wait3A_395, %dma_wait3A_396] : memref<2x20x125xi32, #tpu.memory_space<vmem>> -> memref<1x20x125xi32, #tpu.memory_space<vmem>>
          %dma_wait3A_398 = tpu.memref_squeeze %dma_wait3A_397 : memref<1x20x125xi32, #tpu.memory_space<vmem>> -> memref<20x125xi32, #tpu.memory_space<vmem>>
          %dma_wait3A_399 = arith.constant 0 : i32
          %dma_wait3A_400 = tpu.memref_slice %dma_wait3A_398[%mul3A_332, %dma_wait3A_399] : memref<20x125xi32, #tpu.memory_space<vmem>> -> memref<1x125xi32, #tpu.memory_space<vmem>>
          %dma_wait3A_401 = tpu.memref_squeeze %dma_wait3A_400 : memref<1x125xi32, #tpu.memory_space<vmem>> -> memref<125xi32, #tpu.memory_space<vmem>>
          %dma_wait3A_402 = arith.constant 0 : i32
          %dma_wait3A_403 = arith.constant 0 : i32
          %dma_wait3A_404 = tpu.memref_slice %arg10[%dma_wait3A_402, %dma_wait3A_403] : memref<10000x128xf32, #tpu.memory_space<vmem_shared>> -> memref<10000x128xf32, #tpu.memory_space<vmem_shared>>
          tpu.wait_indirect_dma semaphore(%run_scoped3A_384 : memref<!tpu.dma_semaphore, #tpu.memory_space<semaphore_mem>>) src(%arg8 : memref<125x128xf32, #tpu.memory_space<vmem>>) dst(%dma_wait3A_404 : memref<10000x128xf32, #tpu.memory_space<vmem_shared>>)
          tpu.yield
        }) : () -> ()
        %mul3A_347 = arith.constant 2 : i32
        %mul3A_348 = arith.muli %mul3A_347, %scan3A_311 : i32
        %add3A_349 = arith.constant 2 : i32
        %add3A_350 = arith.addi %mul3A_348, %add3A_349 : i32
        %dma_start3A_351 = arith.constant 0 : i32
        %dma_start3A_352 = arith.constant 0 : i32
        %dma_start3A_353 = tpu.memref_slice %arg6[%select_n3A_183, %dma_start3A_351, %dma_start3A_352] : memref<2x20x125xi32, #tpu.memory_space<vmem>> -> memref<1x20x125xi32, #tpu.memory_space<vmem>>
        %dma_start3A_354 = tpu.memref_squeeze %dma_start3A_353 : memref<1x20x125xi32, #tpu.memory_space<vmem>> -> memref<20x125xi32, #tpu.memory_space<vmem>>
        %dma_start3A_355 = arith.constant 0 : i32
        %dma_start3A_356 = tpu.memref_slice %dma_start3A_354[%add3A_350, %dma_start3A_355] : memref<20x125xi32, #tpu.memory_space<vmem>> -> memref<1x125xi32, #tpu.memory_space<vmem>>
        %dma_start3A_357 = tpu.memref_squeeze %dma_start3A_356 : memref<1x125xi32, #tpu.memory_space<vmem>> -> memref<125xi32, #tpu.memory_space<vmem>>
        %dma_start3A_358 = arith.constant 0 : i32
        %dma_start3A_359 = arith.constant 0 : i32
        %dma_start3A_360 = tpu.memref_slice %arg4[%arg0, %dma_start3A_358, %dma_start3A_359] : memref<2x10000x128xf32, #tpu.memory_space<hbm>> -> memref<1x10000x128xf32, #tpu.memory_space<hbm>>
        %dma_start3A_361 = tpu.memref_squeeze %dma_start3A_360 : memref<1x10000x128xf32, #tpu.memory_space<hbm>> -> memref<10000x128xf32, #tpu.memory_space<hbm>>
        %dma_start3A_362 = arith.constant 0 : i32
        %dma_start3A_363 = arith.constant 0 : i32
        %dma_start3A_364 = tpu.memref_slice %dma_start3A_361[%dma_start3A_362, %dma_start3A_363] : memref<10000x128xf32, #tpu.memory_space<hbm>> -> memref<10000x128xf32, #tpu.memory_space<hbm>>
        tpu.enqueue_indirect_dma source(%dma_start3A_364 : memref<10000x128xf32, #tpu.memory_space<hbm>>) target(%arg8 : memref<125x128xf32, #tpu.memory_space<vmem>>) offsets(%dma_start3A_357 : memref<125xi32, #tpu.memory_space<vmem>>) semaphore(%arg11 : memref<!tpu.dma_semaphore, #tpu.memory_space<semaphore_mem>>)
        %mul3A_365 = arith.constant 2 : i32
        %mul3A_366 = arith.muli %mul3A_365, %scan3A_311 : i32
        %add3A_367 = arith.constant 1 : i32
        %add3A_368 = arith.addi %mul3A_366, %add3A_367 : i32
        %dma_wait3A_369 = arith.constant 0 : i32
        %dma_wait3A_370 = arith.constant 0 : i32
        %dma_wait3A_371 = tpu.memref_slice %arg6[%select_n3A_183, %dma_wait3A_369, %dma_wait3A_370] : memref<2x20x125xi32, #tpu.memory_space<vmem>> -> memref<1x20x125xi32, #tpu.memory_space<vmem>>
        %dma_wait3A_372 = tpu.memref_squeeze %dma_wait3A_371 : memref<1x20x125xi32, #tpu.memory_space<vmem>> -> memref<20x125xi32, #tpu.memory_space<vmem>>
        %dma_wait3A_373 = arith.constant 0 : i32
        %dma_wait3A_374 = tpu.memref_slice %dma_wait3A_372[%add3A_368, %dma_wait3A_373] : memref<20x125xi32, #tpu.memory_space<vmem>> -> memref<1x125xi32, #tpu.memory_space<vmem>>
        %dma_wait3A_375 = tpu.memref_squeeze %dma_wait3A_374 : memref<1x125xi32, #tpu.memory_space<vmem>> -> memref<125xi32, #tpu.memory_space<vmem>>
        %dma_wait3A_376 = arith.constant 0 : i32
        %dma_wait3A_377 = arith.constant 0 : i32
        %dma_wait3A_378 = tpu.memref_slice %arg4[%arg0, %dma_wait3A_376, %dma_wait3A_377] : memref<2x10000x128xf32, #tpu.memory_space<hbm>> -> memref<1x10000x128xf32, #tpu.memory_space<hbm>>
        %dma_wait3A_379 = tpu.memref_squeeze %dma_wait3A_378 : memref<1x10000x128xf32, #tpu.memory_space<hbm>> -> memref<10000x128xf32, #tpu.memory_space<hbm>>
        %dma_wait3A_380 = arith.constant 0 : i32
        %dma_wait3A_381 = arith.constant 0 : i32
        %dma_wait3A_382 = tpu.memref_slice %dma_wait3A_379[%dma_wait3A_380, %dma_wait3A_381] : memref<10000x128xf32, #tpu.memory_space<hbm>> -> memref<10000x128xf32, #tpu.memory_space<hbm>>
        tpu.wait_indirect_dma semaphore(%arg12 : memref<!tpu.dma_semaphore, #tpu.memory_space<semaphore_mem>>) src(%dma_wait3A_382 : memref<10000x128xf32, #tpu.memory_space<hbm>>) dst(%arg9 : memref<125x128xf32, #tpu.memory_space<vmem>>)
        "tpu.region"() ({
          %run_scoped3A_384 = tpu.sem_alloc : memref<!tpu.dma_semaphore, #tpu.memory_space<semaphore_mem>>
          %dma_start3A_385 = arith.constant 0 : i32
          %dma_start3A_386 = arith.constant 0 : i32
          %dma_start3A_387 = tpu.memref_slice %arg7[%select_n3A_183, %dma_start3A_385, %dma_start3A_386] : memref<2x20x125xi32, #tpu.memory_space<vmem>> -> memref<1x20x125xi32, #tpu.memory_space<vmem>>
          %dma_start3A_388 = tpu.memref_squeeze %dma_start3A_387 : memref<1x20x125xi32, #tpu.memory_space<vmem>> -> memref<20x125xi32, #tpu.memory_space<vmem>>
          %dma_start3A_389 = arith.constant 0 : i32
          %dma_start3A_390 = tpu.memref_slice %dma_start3A_388[%add3A_368, %dma_start3A_389] : memref<20x125xi32, #tpu.memory_space<vmem>> -> memref<1x125xi32, #tpu.memory_space<vmem>>
          %dma_start3A_391 = tpu.memref_squeeze %dma_start3A_390 : memref<1x125xi32, #tpu.memory_space<vmem>> -> memref<125xi32, #tpu.memory_space<vmem>>
          %dma_start3A_392 = arith.constant 0 : i32
          %dma_start3A_393 = arith.constant 0 : i32
          %dma_start3A_394 = tpu.memref_slice %arg10[%dma_start3A_392, %dma_start3A_393] : memref<10000x128xf32, #tpu.memory_space<vmem_shared>> -> memref<10000x128xf32, #tpu.memory_space<vmem_shared>>
          tpu.enqueue_indirect_dma source(%arg9 : memref<125x128xf32, #tpu.memory_space<vmem>>) target(%dma_start3A_394 : memref<10000x128xf32, #tpu.memory_space<vmem_shared>>) offsets(%dma_start3A_391 : memref<125xi32, #tpu.memory_space<vmem>>) semaphore(%run_scoped3A_384 : memref<!tpu.dma_semaphore, #tpu.memory_space<semaphore_mem>>) {add = true}
          %dma_wait3A_395 = arith.constant 0 : i32
          %dma_wait3A_396 = arith.constant 0 : i32
          %dma_wait3A_397 = tpu.memref_slice %arg7[%select_n3A_183, %dma_wait3A_395, %dma_wait3A_396] : memref<2x20x125xi32, #tpu.memory_space<vmem>> -> memref<1x20x125xi32, #tpu.memory_space<vmem>>
          %dma_wait3A_398 = tpu.memref_squeeze %dma_wait3A_397 : memref<1x20x125xi32, #tpu.memory_space<vmem>> -> memref<20x125xi32, #tpu.memory_space<vmem>>
          %dma_wait3A_399 = arith.constant 0 : i32
          %dma_wait3A_400 = tpu.memref_slice %dma_wait3A_398[%add3A_368, %dma_wait3A_399] : memref<20x125xi32, #tpu.memory_space<vmem>> -> memref<1x125xi32, #tpu.memory_space<vmem>>
          %dma_wait3A_401 = tpu.memref_squeeze %dma_wait3A_400 : memref<1x125xi32, #tpu.memory_space<vmem>> -> memref<125xi32, #tpu.memory_space<vmem>>
          %dma_wait3A_402 = arith.constant 0 : i32
          %dma_wait3A_403 = arith.constant 0 : i32
          %dma_wait3A_404 = tpu.memref_slice %arg10[%dma_wait3A_402, %dma_wait3A_403] : memref<10000x128xf32, #tpu.memory_space<vmem_shared>> -> memref<10000x128xf32, #tpu.memory_space<vmem_shared>>
          tpu.wait_indirect_dma semaphore(%run_scoped3A_384 : memref<!tpu.dma_semaphore, #tpu.memory_space<semaphore_mem>>) src(%arg9 : memref<125x128xf32, #tpu.memory_space<vmem>>) dst(%dma_wait3A_404 : memref<10000x128xf32, #tpu.memory_space<vmem_shared>>)
          tpu.yield
        }) : () -> ()
        %scan3A_383 = arith.constant 0 : i32
        scf.yield %scan3A_383 : i32
      }
      %scan3A_263 = arith.constant 9 : i32
      %dma_start3A_264 = arith.constant 19 : i32
      %dma_start3A_265 = arith.constant 0 : i32
      %dma_start3A_266 = arith.constant 0 : i32
      %dma_start3A_267 = tpu.memref_slice %arg6[%select_n3A_183, %dma_start3A_265, %dma_start3A_266] : memref<2x20x125xi32, #tpu.memory_space<vmem>> -> memref<1x20x125xi32, #tpu.memory_space<vmem>>
      %dma_start3A_268 = tpu.memref_squeeze %dma_start3A_267 : memref<1x20x125xi32, #tpu.memory_space<vmem>> -> memref<20x125xi32, #tpu.memory_space<vmem>>
      %dma_start3A_269 = arith.constant 0 : i32
      %dma_start3A_270 = tpu.memref_slice %dma_start3A_268[%dma_start3A_264, %dma_start3A_269] : memref<20x125xi32, #tpu.memory_space<vmem>> -> memref<1x125xi32, #tpu.memory_space<vmem>>
      %dma_start3A_271 = tpu.memref_squeeze %dma_start3A_270 : memref<1x125xi32, #tpu.memory_space<vmem>> -> memref<125xi32, #tpu.memory_space<vmem>>
      %dma_start3A_272 = arith.constant 0 : i32
      %dma_start3A_273 = arith.constant 0 : i32
      %dma_start3A_274 = tpu.memref_slice %arg4[%arg0, %dma_start3A_272, %dma_start3A_273] : memref<2x10000x128xf32, #tpu.memory_space<hbm>> -> memref<1x10000x128xf32, #tpu.memory_space<hbm>>
      %dma_start3A_275 = tpu.memref_squeeze %dma_start3A_274 : memref<1x10000x128xf32, #tpu.memory_space<hbm>> -> memref<10000x128xf32, #tpu.memory_space<hbm>>
      %dma_start3A_276 = arith.constant 0 : i32
      %dma_start3A_277 = arith.constant 0 : i32
      %dma_start3A_278 = tpu.memref_slice %dma_start3A_275[%dma_start3A_276, %dma_start3A_277] : memref<10000x128xf32, #tpu.memory_space<hbm>> -> memref<10000x128xf32, #tpu.memory_space<hbm>>
      tpu.enqueue_indirect_dma source(%dma_start3A_278 : memref<10000x128xf32, #tpu.memory_space<hbm>>) target(%arg9 : memref<125x128xf32, #tpu.memory_space<vmem>>) offsets(%dma_start3A_271 : memref<125xi32, #tpu.memory_space<vmem>>) semaphore(%arg12 : memref<!tpu.dma_semaphore, #tpu.memory_space<semaphore_mem>>)
      %dma_wait3A_279 = arith.constant 18 : i32
      %dma_wait3A_280 = arith.constant 0 : i32
      %dma_wait3A_281 = arith.constant 0 : i32
      %dma_wait3A_282 = tpu.memref_slice %arg6[%select_n3A_183, %dma_wait3A_280, %dma_wait3A_281] : memref<2x20x125xi32, #tpu.memory_space<vmem>> -> memref<1x20x125xi32, #tpu.memory_space<vmem>>
      %dma_wait3A_283 = tpu.memref_squeeze %dma_wait3A_282 : memref<1x20x125xi32, #tpu.memory_space<vmem>> -> memref<20x125xi32, #tpu.memory_space<vmem>>
      %dma_wait3A_284 = arith.constant 0 : i32
      %dma_wait3A_285 = tpu.memref_slice %dma_wait3A_283[%dma_wait3A_279, %dma_wait3A_284] : memref<20x125xi32, #tpu.memory_space<vmem>> -> memref<1x125xi32, #tpu.memory_space<vmem>>
      %dma_wait3A_286 = tpu.memref_squeeze %dma_wait3A_285 : memref<1x125xi32, #tpu.memory_space<vmem>> -> memref<125xi32, #tpu.memory_space<vmem>>
      %dma_wait3A_287 = arith.constant 0 : i32
      %dma_wait3A_288 = arith.constant 0 : i32
      %dma_wait3A_289 = tpu.memref_slice %arg4[%arg0, %dma_wait3A_287, %dma_wait3A_288] : memref<2x10000x128xf32, #tpu.memory_space<hbm>> -> memref<1x10000x128xf32, #tpu.memory_space<hbm>>
      %dma_wait3A_290 = tpu.memref_squeeze %dma_wait3A_289 : memref<1x10000x128xf32, #tpu.memory_space<hbm>> -> memref<10000x128xf32, #tpu.memory_space<hbm>>
      %dma_wait3A_291 = arith.constant 0 : i32
      %dma_wait3A_292 = arith.constant 0 : i32
      %dma_wait3A_293 = tpu.memref_slice %dma_wait3A_290[%dma_wait3A_291, %dma_wait3A_292] : memref<10000x128xf32, #tpu.memory_space<hbm>> -> memref<10000x128xf32, #tpu.memory_space<hbm>>
      tpu.wait_indirect_dma semaphore(%arg11 : memref<!tpu.dma_semaphore, #tpu.memory_space<semaphore_mem>>) src(%dma_wait3A_293 : memref<10000x128xf32, #tpu.memory_space<hbm>>) dst(%arg8 : memref<125x128xf32, #tpu.memory_space<vmem>>)
      %run_scoped3A = arith.constant 18 : i32
      "tpu.region"() ({
        %run_scoped3A_311 = tpu.sem_alloc : memref<!tpu.dma_semaphore, #tpu.memory_space<semaphore_mem>>
        %dma_start3A_312 = arith.constant 0 : i32
        %dma_start3A_313 = arith.constant 0 : i32
        %dma_start3A_314 = tpu.memref_slice %arg7[%select_n3A_183, %dma_start3A_312, %dma_start3A_313] : memref<2x20x125xi32, #tpu.memory_space<vmem>> -> memref<1x20x125xi32, #tpu.memory_space<vmem>>
        %dma_start3A_315 = tpu.memref_squeeze %dma_start3A_314 : memref<1x20x125xi32, #tpu.memory_space<vmem>> -> memref<20x125xi32, #tpu.memory_space<vmem>>
        %dma_start3A_316 = arith.constant 0 : i32
        %dma_start3A_317 = tpu.memref_slice %dma_start3A_315[%run_scoped3A, %dma_start3A_316] : memref<20x125xi32, #tpu.memory_space<vmem>> -> memref<1x125xi32, #tpu.memory_space<vmem>>
        %dma_start3A_318 = tpu.memref_squeeze %dma_start3A_317 : memref<1x125xi32, #tpu.memory_space<vmem>> -> memref<125xi32, #tpu.memory_space<vmem>>
        %dma_start3A_319 = arith.constant 0 : i32
        %dma_start3A_320 = arith.constant 0 : i32
        %dma_start3A_321 = tpu.memref_slice %arg10[%dma_start3A_319, %dma_start3A_320] : memref<10000x128xf32, #tpu.memory_space<vmem_shared>> -> memref<10000x128xf32, #tpu.memory_space<vmem_shared>>
        tpu.enqueue_indirect_dma source(%arg8 : memref<125x128xf32, #tpu.memory_space<vmem>>) target(%dma_start3A_321 : memref<10000x128xf32, #tpu.memory_space<vmem_shared>>) offsets(%dma_start3A_318 : memref<125xi32, #tpu.memory_space<vmem>>) semaphore(%run_scoped3A_311 : memref<!tpu.dma_semaphore, #tpu.memory_space<semaphore_mem>>) {add = true}
        %dma_wait3A_322 = arith.constant 0 : i32
        %dma_wait3A_323 = arith.constant 0 : i32
        %dma_wait3A_324 = tpu.memref_slice %arg7[%select_n3A_183, %dma_wait3A_322, %dma_wait3A_323] : memref<2x20x125xi32, #tpu.memory_space<vmem>> -> memref<1x20x125xi32, #tpu.memory_space<vmem>>
        %dma_wait3A_325 = tpu.memref_squeeze %dma_wait3A_324 : memref<1x20x125xi32, #tpu.memory_space<vmem>> -> memref<20x125xi32, #tpu.memory_space<vmem>>
        %dma_wait3A_326 = arith.constant 0 : i32
        %dma_wait3A_327 = tpu.memref_slice %dma_wait3A_325[%run_scoped3A, %dma_wait3A_326] : memref<20x125xi32, #tpu.memory_space<vmem>> -> memref<1x125xi32, #tpu.memory_space<vmem>>
        %dma_wait3A_328 = tpu.memref_squeeze %dma_wait3A_327 : memref<1x125xi32, #tpu.memory_space<vmem>> -> memref<125xi32, #tpu.memory_space<vmem>>
        %dma_wait3A_329 = arith.constant 0 : i32
        %dma_wait3A_330 = arith.constant 0 : i32
        %dma_wait3A_331 = tpu.memref_slice %arg10[%dma_wait3A_329, %dma_wait3A_330] : memref<10000x128xf32, #tpu.memory_space<vmem_shared>> -> memref<10000x128xf32, #tpu.memory_space<vmem_shared>>
        tpu.wait_indirect_dma semaphore(%run_scoped3A_311 : memref<!tpu.dma_semaphore, #tpu.memory_space<semaphore_mem>>) src(%arg8 : memref<125x128xf32, #tpu.memory_space<vmem>>) dst(%dma_wait3A_331 : memref<10000x128xf32, #tpu.memory_space<vmem_shared>>)
        tpu.yield
      }) : () -> ()
      %dma_wait3A_294 = arith.constant 19 : i32
      %dma_wait3A_295 = arith.constant 0 : i32
      %dma_wait3A_296 = arith.constant 0 : i32
      %dma_wait3A_297 = tpu.memref_slice %arg6[%select_n3A_183, %dma_wait3A_295, %dma_wait3A_296] : memref<2x20x125xi32, #tpu.memory_space<vmem>> -> memref<1x20x125xi32, #tpu.memory_space<vmem>>
      %dma_wait3A_298 = tpu.memref_squeeze %dma_wait3A_297 : memref<1x20x125xi32, #tpu.memory_space<vmem>> -> memref<20x125xi32, #tpu.memory_space<vmem>>
      %dma_wait3A_299 = arith.constant 0 : i32
      %dma_wait3A_300 = tpu.memref_slice %dma_wait3A_298[%dma_wait3A_294, %dma_wait3A_299] : memref<20x125xi32, #tpu.memory_space<vmem>> -> memref<1x125xi32, #tpu.memory_space<vmem>>
      %dma_wait3A_301 = tpu.memref_squeeze %dma_wait3A_300 : memref<1x125xi32, #tpu.memory_space<vmem>> -> memref<125xi32, #tpu.memory_space<vmem>>
      %dma_wait3A_302 = arith.constant 0 : i32
      %dma_wait3A_303 = arith.constant 0 : i32
      %dma_wait3A_304 = tpu.memref_slice %arg4[%arg0, %dma_wait3A_302, %dma_wait3A_303] : memref<2x10000x128xf32, #tpu.memory_space<hbm>> -> memref<1x10000x128xf32, #tpu.memory_space<hbm>>
      %dma_wait3A_305 = tpu.memref_squeeze %dma_wait3A_304 : memref<1x10000x128xf32, #tpu.memory_space<hbm>> -> memref<10000x128xf32, #tpu.memory_space<hbm>>
      %dma_wait3A_306 = arith.constant 0 : i32
      %dma_wait3A_307 = arith.constant 0 : i32
      %dma_wait3A_308 = tpu.memref_slice %dma_wait3A_305[%dma_wait3A_306, %dma_wait3A_307] : memref<10000x128xf32, #tpu.memory_space<hbm>> -> memref<10000x128xf32, #tpu.memory_space<hbm>>
      tpu.wait_indirect_dma semaphore(%arg12 : memref<!tpu.dma_semaphore, #tpu.memory_space<semaphore_mem>>) src(%dma_wait3A_308 : memref<10000x128xf32, #tpu.memory_space<hbm>>) dst(%arg9 : memref<125x128xf32, #tpu.memory_space<vmem>>)
      %run_scoped3A_309 = arith.constant 19 : i32
      "tpu.region"() ({
        %run_scoped3A_311 = tpu.sem_alloc : memref<!tpu.dma_semaphore, #tpu.memory_space<semaphore_mem>>
        %dma_start3A_312 = arith.constant 0 : i32
        %dma_start3A_313 = arith.constant 0 : i32
        %dma_start3A_314 = tpu.memref_slice %arg7[%select_n3A_183, %dma_start3A_312, %dma_start3A_313] : memref<2x20x125xi32, #tpu.memory_space<vmem>> -> memref<1x20x125xi32, #tpu.memory_space<vmem>>
        %dma_start3A_315 = tpu.memref_squeeze %dma_start3A_314 : memref<1x20x125xi32, #tpu.memory_space<vmem>> -> memref<20x125xi32, #tpu.memory_space<vmem>>
        %dma_start3A_316 = arith.constant 0 : i32
        %dma_start3A_317 = tpu.memref_slice %dma_start3A_315[%run_scoped3A_309, %dma_start3A_316] : memref<20x125xi32, #tpu.memory_space<vmem>> -> memref<1x125xi32, #tpu.memory_space<vmem>>
        %dma_start3A_318 = tpu.memref_squeeze %dma_start3A_317 : memref<1x125xi32, #tpu.memory_space<vmem>> -> memref<125xi32, #tpu.memory_space<vmem>>
        %dma_start3A_319 = arith.constant 0 : i32
        %dma_start3A_320 = arith.constant 0 : i32
        %dma_start3A_321 = tpu.memref_slice %arg10[%dma_start3A_319, %dma_start3A_320] : memref<10000x128xf32, #tpu.memory_space<vmem_shared>> -> memref<10000x128xf32, #tpu.memory_space<vmem_shared>>
        tpu.enqueue_indirect_dma source(%arg9 : memref<125x128xf32, #tpu.memory_space<vmem>>) target(%dma_start3A_321 : memref<10000x128xf32, #tpu.memory_space<vmem_shared>>) offsets(%dma_start3A_318 : memref<125xi32, #tpu.memory_space<vmem>>) semaphore(%run_scoped3A_311 : memref<!tpu.dma_semaphore, #tpu.memory_space<semaphore_mem>>) {add = true}
        %dma_wait3A_322 = arith.constant 0 : i32
        %dma_wait3A_323 = arith.constant 0 : i32
        %dma_wait3A_324 = tpu.memref_slice %arg7[%select_n3A_183, %dma_wait3A_322, %dma_wait3A_323] : memref<2x20x125xi32, #tpu.memory_space<vmem>> -> memref<1x20x125xi32, #tpu.memory_space<vmem>>
        %dma_wait3A_325 = tpu.memref_squeeze %dma_wait3A_324 : memref<1x20x125xi32, #tpu.memory_space<vmem>> -> memref<20x125xi32, #tpu.memory_space<vmem>>
        %dma_wait3A_326 = arith.constant 0 : i32
        %dma_wait3A_327 = tpu.memref_slice %dma_wait3A_325[%run_scoped3A_309, %dma_wait3A_326] : memref<20x125xi32, #tpu.memory_space<vmem>> -> memref<1x125xi32, #tpu.memory_space<vmem>>
        %dma_wait3A_328 = tpu.memref_squeeze %dma_wait3A_327 : memref<1x125xi32, #tpu.memory_space<vmem>> -> memref<125xi32, #tpu.memory_space<vmem>>
        %dma_wait3A_329 = arith.constant 0 : i32
        %dma_wait3A_330 = arith.constant 0 : i32
        %dma_wait3A_331 = tpu.memref_slice %arg10[%dma_wait3A_329, %dma_wait3A_330] : memref<10000x128xf32, #tpu.memory_space<vmem_shared>> -> memref<10000x128xf32, #tpu.memory_space<vmem_shared>>
        tpu.wait_indirect_dma semaphore(%run_scoped3A_311 : memref<!tpu.dma_semaphore, #tpu.memory_space<semaphore_mem>>) src(%arg9 : memref<125x128xf32, #tpu.memory_space<vmem>>) dst(%dma_wait3A_331 : memref<10000x128xf32, #tpu.memory_space<vmem_shared>>)
        tpu.yield
      }) : () -> ()
      %scan3A_310 = arith.constant 0 : i32
      scf.yield %scan3A_310 : i32
    }
    %scan3A_134 = arith.constant 8 : i32
    %barrier3A_135 = arith.constant 0 : index
    tpu.barrier barrier_id(%barrier3A_135)
    %mul3A_136 = arith.constant 4 : i32
    %mul3A_137 = arith.muli %arg1, %mul3A_136 : i32
    %add3A_138 = arith.constant 0 : i32
    %add3A_139 = arith.addi %mul3A_137, %add3A_138 : i32
    %lt3A_140 = arith.constant 50 : i32
    %lt3A_141 = arith.cmpi slt, %add3A_139, %lt3A_140 : i32
    %convert_element_type3A_142 = arith.extui %lt3A_141 : i1 to i32
    %cond3A_143 = arith.constant 0 : i32
    %cond3A_144 = arith.cmpi ne, %convert_element_type3A_142, %cond3A_143 : i32
    scf.if %cond3A_144 {
      %mul3A_172 = arith.constant 200 : i32
      %mul3A_173 = arith.muli %add3A_139, %mul3A_172 : i32
      %mul3A_174 = arith.constant 200 : i32
      %mul3A_175 = arith.muli %add3A_139, %mul3A_174 : i32
      "tpu.region"() ({
        %run_scoped3A = tpu.sem_alloc : memref<!tpu.dma_semaphore, #tpu.memory_space<semaphore_mem>>
        %dma_start3A_176 = arith.constant 0 : i32
        %dma_start3A_177 = tpu.memref_slice %arg5[%arg0, %mul3A_175, %dma_start3A_176] : memref<2x10000x128xf32, #tpu.memory_space<hbm>> -> memref<1x200x128xf32, #tpu.memory_space<hbm>>
        %dma_start3A_178 = tpu.memref_squeeze %dma_start3A_177 : memref<1x200x128xf32, #tpu.memory_space<hbm>> -> memref<200x128xf32, #tpu.memory_space<hbm>>
        %dma_start3A_179 = arith.constant 0 : i32
        %dma_start3A_180 = tpu.memref_slice %arg10[%mul3A_173, %dma_start3A_179] : memref<10000x128xf32, #tpu.memory_space<vmem_shared>> -> memref<200x128xf32, #tpu.memory_space<vmem_shared>>
        tpu.enqueue_dma source(%dma_start3A_180 : memref<200x128xf32, #tpu.memory_space<vmem_shared>>) target(%dma_start3A_178 : memref<200x128xf32, #tpu.memory_space<hbm>>) target_semaphore(%run_scoped3A : memref<!tpu.dma_semaphore, #tpu.memory_space<semaphore_mem>>)
        %dma_wait3A = arith.constant 0 : i32
        %dma_wait3A_181 = tpu.memref_slice %arg5[%arg0, %mul3A_175, %dma_wait3A] : memref<2x10000x128xf32, #tpu.memory_space<hbm>> -> memref<1x200x128xf32, #tpu.memory_space<hbm>>
        %dma_wait3A_182 = tpu.memref_squeeze %dma_wait3A_181 : memref<1x200x128xf32, #tpu.memory_space<hbm>> -> memref<200x128xf32, #tpu.memory_space<hbm>>
        %dma_wait3A_183 = arith.constant 0 : i32
        %dma_wait3A_184 = tpu.memref_slice %arg10[%mul3A_173, %dma_wait3A_183] : memref<10000x128xf32, #tpu.memory_space<vmem_shared>> -> memref<200x128xf32, #tpu.memory_space<vmem_shared>>
        tpu.wait_dma2 semaphore(%run_scoped3A : memref<!tpu.dma_semaphore, #tpu.memory_space<semaphore_mem>>) src(%dma_wait3A_184 : memref<200x128xf32, #tpu.memory_space<vmem_shared>>) dst(%dma_wait3A_182 : memref<200x128xf32, #tpu.memory_space<hbm>>)
        tpu.yield
      }) : () -> ()
    } else {
    }
    %mul3A_145 = arith.constant 4 : i32
    %mul3A_146 = arith.muli %arg1, %mul3A_145 : i32
    %add3A_147 = arith.constant 1 : i32
    %add3A_148 = arith.addi %mul3A_146, %add3A_147 : i32
    %lt3A_149 = arith.constant 50 : i32
    %lt3A_150 = arith.cmpi slt, %add3A_148, %lt3A_149 : i32
    %convert_element_type3A_151 = arith.extui %lt3A_150 : i1 to i32
    %cond3A_152 = arith.constant 0 : i32
    %cond3A_153 = arith.cmpi ne, %convert_element_type3A_151, %cond3A_152 : i32
    scf.if %cond3A_153 {
      %mul3A_172 = arith.constant 200 : i32
      %mul3A_173 = arith.muli %add3A_148, %mul3A_172 : i32
      %mul3A_174 = arith.constant 200 : i32
      %mul3A_175 = arith.muli %add3A_148, %mul3A_174 : i32
      "tpu.region"() ({
        %run_scoped3A = tpu.sem_alloc : memref<!tpu.dma_semaphore, #tpu.memory_space<semaphore_mem>>
        %dma_start3A_176 = arith.constant 0 : i32
        %dma_start3A_177 = tpu.memref_slice %arg5[%arg0, %mul3A_175, %dma_start3A_176] : memref<2x10000x128xf32, #tpu.memory_space<hbm>> -> memref<1x200x128xf32, #tpu.memory_space<hbm>>
        %dma_start3A_178 = tpu.memref_squeeze %dma_start3A_177 : memref<1x200x128xf32, #tpu.memory_space<hbm>> -> memref<200x128xf32, #tpu.memory_space<hbm>>
        %dma_start3A_179 = arith.constant 0 : i32
        %dma_start3A_180 = tpu.memref_slice %arg10[%mul3A_173, %dma_start3A_179] : memref<10000x128xf32, #tpu.memory_space<vmem_shared>> -> memref<200x128xf32, #tpu.memory_space<vmem_shared>>
        tpu.enqueue_dma source(%dma_start3A_180 : memref<200x128xf32, #tpu.memory_space<vmem_shared>>) target(%dma_start3A_178 : memref<200x128xf32, #tpu.memory_space<hbm>>) target_semaphore(%run_scoped3A : memref<!tpu.dma_semaphore, #tpu.memory_space<semaphore_mem>>)
        %dma_wait3A = arith.constant 0 : i32
        %dma_wait3A_181 = tpu.memref_slice %arg5[%arg0, %mul3A_175, %dma_wait3A] : memref<2x10000x128xf32, #tpu.memory_space<hbm>> -> memref<1x200x128xf32, #tpu.memory_space<hbm>>
        %dma_wait3A_182 = tpu.memref_squeeze %dma_wait3A_181 : memref<1x200x128xf32, #tpu.memory_space<hbm>> -> memref<200x128xf32, #tpu.memory_space<hbm>>
        %dma_wait3A_183 = arith.constant 0 : i32
        %dma_wait3A_184 = tpu.memref_slice %arg10[%mul3A_173, %dma_wait3A_183] : memref<10000x128xf32, #tpu.memory_space<vmem_shared>> -> memref<200x128xf32, #tpu.memory_space<vmem_shared>>
        tpu.wait_dma2 semaphore(%run_scoped3A : memref<!tpu.dma_semaphore, #tpu.memory_space<semaphore_mem>>) src(%dma_wait3A_184 : memref<200x128xf32, #tpu.memory_space<vmem_shared>>) dst(%dma_wait3A_182 : memref<200x128xf32, #tpu.memory_space<hbm>>)
        tpu.yield
      }) : () -> ()
    } else {
    }
    %mul3A_154 = arith.constant 4 : i32
    %mul3A_155 = arith.muli %arg1, %mul3A_154 : i32
    %add3A_156 = arith.constant 2 : i32
    %add3A_157 = arith.addi %mul3A_155, %add3A_156 : i32
    %lt3A_158 = arith.constant 50 : i32
    %lt3A_159 = arith.cmpi slt, %add3A_157, %lt3A_158 : i32
    %convert_element_type3A_160 = arith.extui %lt3A_159 : i1 to i32
    %cond3A_161 = arith.constant 0 : i32
    %cond3A_162 = arith.cmpi ne, %convert_element_type3A_160, %cond3A_161 : i32
    scf.if %cond3A_162 {
      %mul3A_172 = arith.constant 200 : i32
      %mul3A_173 = arith.muli %add3A_157, %mul3A_172 : i32
      %mul3A_174 = arith.constant 200 : i32
      %mul3A_175 = arith.muli %add3A_157, %mul3A_174 : i32
      "tpu.region"() ({
        %run_scoped3A = tpu.sem_alloc : memref<!tpu.dma_semaphore, #tpu.memory_space<semaphore_mem>>
        %dma_start3A_176 = arith.constant 0 : i32
        %dma_start3A_177 = tpu.memref_slice %arg5[%arg0, %mul3A_175, %dma_start3A_176] : memref<2x10000x128xf32, #tpu.memory_space<hbm>> -> memref<1x200x128xf32, #tpu.memory_space<hbm>>
        %dma_start3A_178 = tpu.memref_squeeze %dma_start3A_177 : memref<1x200x128xf32, #tpu.memory_space<hbm>> -> memref<200x128xf32, #tpu.memory_space<hbm>>
        %dma_start3A_179 = arith.constant 0 : i32
        %dma_start3A_180 = tpu.memref_slice %arg10[%mul3A_173, %dma_start3A_179] : memref<10000x128xf32, #tpu.memory_space<vmem_shared>> -> memref<200x128xf32, #tpu.memory_space<vmem_shared>>
        tpu.enqueue_dma source(%dma_start3A_180 : memref<200x128xf32, #tpu.memory_space<vmem_shared>>) target(%dma_start3A_178 : memref<200x128xf32, #tpu.memory_space<hbm>>) target_semaphore(%run_scoped3A : memref<!tpu.dma_semaphore, #tpu.memory_space<semaphore_mem>>)
        %dma_wait3A = arith.constant 0 : i32
        %dma_wait3A_181 = tpu.memref_slice %arg5[%arg0, %mul3A_175, %dma_wait3A] : memref<2x10000x128xf32, #tpu.memory_space<hbm>> -> memref<1x200x128xf32, #tpu.memory_space<hbm>>
        %dma_wait3A_182 = tpu.memref_squeeze %dma_wait3A_181 : memref<1x200x128xf32, #tpu.memory_space<hbm>> -> memref<200x128xf32, #tpu.memory_space<hbm>>
        %dma_wait3A_183 = arith.constant 0 : i32
        %dma_wait3A_184 = tpu.memref_slice %arg10[%mul3A_173, %dma_wait3A_183] : memref<10000x128xf32, #tpu.memory_space<vmem_shared>> -> memref<200x128xf32, #tpu.memory_space<vmem_shared>>
        tpu.wait_dma2 semaphore(%run_scoped3A : memref<!tpu.dma_semaphore, #tpu.memory_space<semaphore_mem>>) src(%dma_wait3A_184 : memref<200x128xf32, #tpu.memory_space<vmem_shared>>) dst(%dma_wait3A_182 : memref<200x128xf32, #tpu.memory_space<hbm>>)
        tpu.yield
      }) : () -> ()
    } else {
    }
    %mul3A_163 = arith.constant 4 : i32
    %mul3A_164 = arith.muli %arg1, %mul3A_163 : i32
    %add3A_165 = arith.constant 3 : i32
    %add3A_166 = arith.addi %mul3A_164, %add3A_165 : i32
    %lt3A_167 = arith.constant 50 : i32
    %lt3A_168 = arith.cmpi slt, %add3A_166, %lt3A_167 : i32
    %convert_element_type3A_169 = arith.extui %lt3A_168 : i1 to i32
    %cond3A_170 = arith.constant 0 : i32
    %cond3A_171 = arith.cmpi ne, %convert_element_type3A_169, %cond3A_170 : i32
    scf.if %cond3A_171 {
      %mul3A_172 = arith.constant 200 : i32
      %mul3A_173 = arith.muli %add3A_166, %mul3A_172 : i32
      %mul3A_174 = arith.constant 200 : i32
      %mul3A_175 = arith.muli %add3A_166, %mul3A_174 : i32
      "tpu.region"() ({
        %run_scoped3A = tpu.sem_alloc : memref<!tpu.dma_semaphore, #tpu.memory_space<semaphore_mem>>
        %dma_start3A_176 = arith.constant 0 : i32
        %dma_start3A_177 = tpu.memref_slice %arg5[%arg0, %mul3A_175, %dma_start3A_176] : memref<2x10000x128xf32, #tpu.memory_space<hbm>> -> memref<1x200x128xf32, #tpu.memory_space<hbm>>
        %dma_start3A_178 = tpu.memref_squeeze %dma_start3A_177 : memref<1x200x128xf32, #tpu.memory_space<hbm>> -> memref<200x128xf32, #tpu.memory_space<hbm>>
        %dma_start3A_179 = arith.constant 0 : i32
        %dma_start3A_180 = tpu.memref_slice %arg10[%mul3A_173, %dma_start3A_179] : memref<10000x128xf32, #tpu.memory_space<vmem_shared>> -> memref<200x128xf32, #tpu.memory_space<vmem_shared>>
        tpu.enqueue_dma source(%dma_start3A_180 : memref<200x128xf32, #tpu.memory_space<vmem_shared>>) target(%dma_start3A_178 : memref<200x128xf32, #tpu.memory_space<hbm>>) target_semaphore(%run_scoped3A : memref<!tpu.dma_semaphore, #tpu.memory_space<semaphore_mem>>)
        %dma_wait3A = arith.constant 0 : i32
        %dma_wait3A_181 = tpu.memref_slice %arg5[%arg0, %mul3A_175, %dma_wait3A] : memref<2x10000x128xf32, #tpu.memory_space<hbm>> -> memref<1x200x128xf32, #tpu.memory_space<hbm>>
        %dma_wait3A_182 = tpu.memref_squeeze %dma_wait3A_181 : memref<1x200x128xf32, #tpu.memory_space<hbm>> -> memref<200x128xf32, #tpu.memory_space<hbm>>
        %dma_wait3A_183 = arith.constant 0 : i32
        %dma_wait3A_184 = tpu.memref_slice %arg10[%mul3A_173, %dma_wait3A_183] : memref<10000x128xf32, #tpu.memory_space<vmem_shared>> -> memref<200x128xf32, #tpu.memory_space<vmem_shared>>
        tpu.wait_dma2 semaphore(%run_scoped3A : memref<!tpu.dma_semaphore, #tpu.memory_space<semaphore_mem>>) src(%dma_wait3A_184 : memref<200x128xf32, #tpu.memory_space<vmem_shared>>) dst(%dma_wait3A_182 : memref<200x128xf32, #tpu.memory_space<hbm>>)
        tpu.yield
      }) : () -> ()
    } else {
    }
    return
  }
}

#map = affine_map<(d0, d1) -> (0)>
#map1 = affine_map<(d0, d1) -> (0, 0, 0)>
#map2 = affine_map<(d0, d1) -> (0, 0)>
module attributes {stable_mosaic.version = 14 : i64} {
  func.func @_sc_embdeg(%arg0: i32, %arg1: i32, %arg2: memref<320000xi32, #tpu.memory_space<hbm>>, %arg3: memref<160x25x80xi32, #tpu.memory_space<hbm>>, %arg4: memref<10001x128xf32, #tpu.memory_space<hbm>>, %arg5: memref<10000x128xf32, #tpu.memory_space<hbm>>, %arg6: memref<20000xf32, #tpu.memory_space<hbm>>, %arg7: memref<2000xi32, #tpu.memory_space<vmem>>, %arg8: memref<25x80xi32, #tpu.memory_space<vmem>>, %arg9: memref<80xi32, #tpu.memory_space<vmem>>, %arg10: memref<80xf32, #tpu.memory_space<vmem>>, %arg11: memref<80x128xf32, #tpu.memory_space<vmem>>, %arg12: memref<80x128xf32, #tpu.memory_space<vmem>>, %arg13: memref<2000xf32, #tpu.memory_space<vmem>>, %arg14: memref<5000x128xf32, #tpu.memory_space<vmem_shared>>, %arg15: memref<10000xf32, #tpu.memory_space<vmem_shared>>, %arg16: memref<!tpu.dma_semaphore, #tpu.memory_space<semaphore_mem>>, %arg17: memref<!tpu.dma_semaphore, #tpu.memory_space<semaphore_mem>>) attributes {dimension_semantics = [#tpu.dimension_semantics<core_parallel>, #tpu.dimension_semantics<subcore_parallel>], iteration_bounds = array<i64: 2, 16>, scalar_prefetch = 0 : i64, scratch_operands = 11 : i64, tpu.core_type = #tpu.core_type<sc_vector_subcore>, window_params = [{transform_indices = #map}, {transform_indices = #map1}, {transform_indices = #map2}, {transform_indices = #map2}, {transform_indices = #map}]} {
    %scan3A = arith.constant 0 : i32
    %scan3A_0 = arith.constant 0 : i32
    %scan3A_1 = arith.constant 80 : i32
    %scan3A_2 = arith.addi %scan3A_0, %scan3A_1 : i32
    %scan3A_3 = arith.constant 1 : i32
    %scan3A_4 = scf.for %scan3A_137 = %scan3A_0 to %scan3A_2 step %scan3A_3 iter_args(%scan3A_138 = %scan3A) -> (i32)  : i32 {
      %broadcast_in_dim3A = arith.constant 0.000000e+00 : f32
      %broadcast_in_dim3A_139 = vector.broadcast %broadcast_in_dim3A : f32 to vector<16xf32>
      %swap3A = arith.index_cast %scan3A_137 : i32 to index
      %swap3A_140 = arith.constant 0 : index
      %swap3A_141 = tpu.vector_load %arg11[%swap3A, %swap3A_140] {strides = array<i32>} : memref<80x128xf32, #tpu.memory_space<vmem>>, vector<1x16xf32>,
      %swap3A_142 = vector.shape_cast %swap3A_141 : vector<1x16xf32> to vector<16xf32>
      %swap3A_143 = vector.shape_cast %broadcast_in_dim3A_139 : vector<16xf32> to vector<1x16xf32>
      tpu.vector_store %arg11[%swap3A, %swap3A_140], %swap3A_143 {strides = array<i32>} : memref<80x128xf32, #tpu.memory_space<vmem>>, vector<1x16xf32>,
      %broadcast_in_dim3A_144 = arith.constant 0.000000e+00 : f32
      %broadcast_in_dim3A_145 = vector.broadcast %broadcast_in_dim3A_144 : f32 to vector<16xf32>
      %swap3A_146 = arith.index_cast %scan3A_137 : i32 to index
      %swap3A_147 = arith.constant 16 : index
      %swap3A_148 = tpu.vector_load %arg11[%swap3A_146, %swap3A_147] {strides = array<i32>} : memref<80x128xf32, #tpu.memory_space<vmem>>, vector<1x16xf32>,
      %swap3A_149 = vector.shape_cast %swap3A_148 : vector<1x16xf32> to vector<16xf32>
      %swap3A_150 = vector.shape_cast %broadcast_in_dim3A_145 : vector<16xf32> to vector<1x16xf32>
      tpu.vector_store %arg11[%swap3A_146, %swap3A_147], %swap3A_150 {strides = array<i32>} : memref<80x128xf32, #tpu.memory_space<vmem>>, vector<1x16xf32>,
      %broadcast_in_dim3A_151 = arith.constant 0.000000e+00 : f32
      %broadcast_in_dim3A_152 = vector.broadcast %broadcast_in_dim3A_151 : f32 to vector<16xf32>
      %swap3A_153 = arith.index_cast %scan3A_137 : i32 to index
      %swap3A_154 = arith.constant 32 : index
      %swap3A_155 = tpu.vector_load %arg11[%swap3A_153, %swap3A_154] {strides = array<i32>} : memref<80x128xf32, #tpu.memory_space<vmem>>, vector<1x16xf32>,
      %swap3A_156 = vector.shape_cast %swap3A_155 : vector<1x16xf32> to vector<16xf32>
      %swap3A_157 = vector.shape_cast %broadcast_in_dim3A_152 : vector<16xf32> to vector<1x16xf32>
      tpu.vector_store %arg11[%swap3A_153, %swap3A_154], %swap3A_157 {strides = array<i32>} : memref<80x128xf32, #tpu.memory_space<vmem>>, vector<1x16xf32>,
      %broadcast_in_dim3A_158 = arith.constant 0.000000e+00 : f32
      %broadcast_in_dim3A_159 = vector.broadcast %broadcast_in_dim3A_158 : f32 to vector<16xf32>
      %swap3A_160 = arith.index_cast %scan3A_137 : i32 to index
      %swap3A_161 = arith.constant 48 : index
      %swap3A_162 = tpu.vector_load %arg11[%swap3A_160, %swap3A_161] {strides = array<i32>} : memref<80x128xf32, #tpu.memory_space<vmem>>, vector<1x16xf32>,
      %swap3A_163 = vector.shape_cast %swap3A_162 : vector<1x16xf32> to vector<16xf32>
      %swap3A_164 = vector.shape_cast %broadcast_in_dim3A_159 : vector<16xf32> to vector<1x16xf32>
      tpu.vector_store %arg11[%swap3A_160, %swap3A_161], %swap3A_164 {strides = array<i32>} : memref<80x128xf32, #tpu.memory_space<vmem>>, vector<1x16xf32>,
      %broadcast_in_dim3A_165 = arith.constant 0.000000e+00 : f32
      %broadcast_in_dim3A_166 = vector.broadcast %broadcast_in_dim3A_165 : f32 to vector<16xf32>
      %swap3A_167 = arith.index_cast %scan3A_137 : i32 to index
      %swap3A_168 = arith.constant 64 : index
      %swap3A_169 = tpu.vector_load %arg11[%swap3A_167, %swap3A_168] {strides = array<i32>} : memref<80x128xf32, #tpu.memory_space<vmem>>, vector<1x16xf32>,
      %swap3A_170 = vector.shape_cast %swap3A_169 : vector<1x16xf32> to vector<16xf32>
      %swap3A_171 = vector.shape_cast %broadcast_in_dim3A_166 : vector<16xf32> to vector<1x16xf32>
      tpu.vector_store %arg11[%swap3A_167, %swap3A_168], %swap3A_171 {strides = array<i32>} : memref<80x128xf32, #tpu.memory_space<vmem>>, vector<1x16xf32>,
      %broadcast_in_dim3A_172 = arith.constant 0.000000e+00 : f32
      %broadcast_in_dim3A_173 = vector.broadcast %broadcast_in_dim3A_172 : f32 to vector<16xf32>
      %swap3A_174 = arith.index_cast %scan3A_137 : i32 to index
      %swap3A_175 = arith.constant 80 : index
      %swap3A_176 = tpu.vector_load %arg11[%swap3A_174, %swap3A_175] {strides = array<i32>} : memref<80x128xf32, #tpu.memory_space<vmem>>, vector<1x16xf32>,
      %swap3A_177 = vector.shape_cast %swap3A_176 : vector<1x16xf32> to vector<16xf32>
      %swap3A_178 = vector.shape_cast %broadcast_in_dim3A_173 : vector<16xf32> to vector<1x16xf32>
      tpu.vector_store %arg11[%swap3A_174, %swap3A_175], %swap3A_178 {strides = array<i32>} : memref<80x128xf32, #tpu.memory_space<vmem>>, vector<1x16xf32>,
      %broadcast_in_dim3A_179 = arith.constant 0.000000e+00 : f32
      %broadcast_in_dim3A_180 = vector.broadcast %broadcast_in_dim3A_179 : f32 to vector<16xf32>
      %swap3A_181 = arith.index_cast %scan3A_137 : i32 to index
      %swap3A_182 = arith.constant 96 : index
      %swap3A_183 = tpu.vector_load %arg11[%swap3A_181, %swap3A_182] {strides = array<i32>} : memref<80x128xf32, #tpu.memory_space<vmem>>, vector<1x16xf32>,
      %swap3A_184 = vector.shape_cast %swap3A_183 : vector<1x16xf32> to vector<16xf32>
      %swap3A_185 = vector.shape_cast %broadcast_in_dim3A_180 : vector<16xf32> to vector<1x16xf32>
      tpu.vector_store %arg11[%swap3A_181, %swap3A_182], %swap3A_185 {strides = array<i32>} : memref<80x128xf32, #tpu.memory_space<vmem>>, vector<1x16xf32>,
      %broadcast_in_dim3A_186 = arith.constant 0.000000e+00 : f32
      %broadcast_in_dim3A_187 = vector.broadcast %broadcast_in_dim3A_186 : f32 to vector<16xf32>
      %swap3A_188 = arith.index_cast %scan3A_137 : i32 to index
      %swap3A_189 = arith.constant 112 : index
      %swap3A_190 = tpu.vector_load %arg11[%swap3A_188, %swap3A_189] {strides = array<i32>} : memref<80x128xf32, #tpu.memory_space<vmem>>, vector<1x16xf32>,
      %swap3A_191 = vector.shape_cast %swap3A_190 : vector<1x16xf32> to vector<16xf32>
      %swap3A_192 = vector.shape_cast %broadcast_in_dim3A_187 : vector<16xf32> to vector<1x16xf32>
      tpu.vector_store %arg11[%swap3A_188, %swap3A_189], %swap3A_192 {strides = array<i32>} : memref<80x128xf32, #tpu.memory_space<vmem>>, vector<1x16xf32>,
      %scan3A_193 = arith.constant 0 : i32
      scf.yield %scan3A_193 : i32
    }
    %scan3A_5 = arith.constant 80 : i32
    %scan3A_6 = arith.constant 0 : i32
    %scan3A_7 = arith.constant 0 : i32
    %scan3A_8 = arith.constant 125 : i32
    %scan3A_9 = arith.addi %scan3A_7, %scan3A_8 : i32
    %scan3A_10 = arith.constant 1 : i32
    %scan3A_11 = scf.for %scan3A_137 = %scan3A_7 to %scan3A_9 step %scan3A_10 iter_args(%scan3A_138 = %scan3A_6) -> (i32)  : i32 {
      %broadcast_in_dim3A = arith.constant 0.000000e+00 : f32
      %broadcast_in_dim3A_139 = vector.broadcast %broadcast_in_dim3A : f32 to vector<16xf32>
      %mul3A_140 = arith.constant 16 : i32
      %mul3A_141 = arith.muli %scan3A_137, %mul3A_140 : i32
      %swap3A = arith.index_cast %mul3A_141 : i32 to index
      %swap3A_142 = tpu.vector_load %arg13[%swap3A] {strides = array<i32>} : memref<2000xf32, #tpu.memory_space<vmem>>, vector<16xf32>,
      %swap3A_143 = vector.shape_cast %swap3A_142 : vector<16xf32> to vector<16xf32>
      %swap3A_144 = vector.shape_cast %broadcast_in_dim3A_139 : vector<16xf32> to vector<16xf32>
      tpu.vector_store %arg13[%swap3A], %swap3A_144 {strides = array<i32>} : memref<2000xf32, #tpu.memory_space<vmem>>, vector<16xf32>,
      %scan3A_145 = arith.constant 0 : i32
      scf.yield %scan3A_145 : i32
    }
    %scan3A_12 = arith.constant 125 : i32
    %scan3A_13 = arith.constant 0 : i32
    %scan3A_14 = arith.constant 0 : i32
    %scan3A_15 = arith.constant 5 : i32
    %scan3A_16 = arith.addi %scan3A_14, %scan3A_15 : i32
    %scan3A_17 = arith.constant 1 : i32
    %scan3A_18 = scf.for %scan3A_137 = %scan3A_14 to %scan3A_16 step %scan3A_17 iter_args(%scan3A_138 = %scan3A_13) -> (i32)  : i32 {
      %broadcast_in_dim3A = arith.constant 1.000000e+00 : f32
      %broadcast_in_dim3A_139 = vector.broadcast %broadcast_in_dim3A : f32 to vector<16xf32>
      %mul3A_140 = arith.constant 16 : i32
      %mul3A_141 = arith.muli %scan3A_137, %mul3A_140 : i32
      %swap3A = arith.index_cast %mul3A_141 : i32 to index
      %swap3A_142 = tpu.vector_load %arg10[%swap3A] {strides = array<i32>} : memref<80xf32, #tpu.memory_space<vmem>>, vector<16xf32>,
      %swap3A_143 = vector.shape_cast %swap3A_142 : vector<16xf32> to vector<16xf32>
      %swap3A_144 = vector.shape_cast %broadcast_in_dim3A_139 : vector<16xf32> to vector<16xf32>
      tpu.vector_store %arg10[%swap3A], %swap3A_144 {strides = array<i32>} : memref<80xf32, #tpu.memory_space<vmem>>, vector<16xf32>,
      %scan3A_145 = arith.constant 0 : i32
      scf.yield %scan3A_145 : i32
    }
    %scan3A_19 = arith.constant 5 : i32
    %mul3A = arith.constant 8 : i32
    %mul3A_20 = arith.muli %arg1, %mul3A : i32
    %add3A = arith.constant 0 : i32
    %add3A_21 = arith.addi %mul3A_20, %add3A : i32
    %lt3A = arith.constant 125 : i32
    %lt3A_22 = arith.cmpi slt, %add3A_21, %lt3A : i32
    %convert_element_type3A = arith.extui %lt3A_22 : i1 to i32
    %cond3A = arith.constant 0 : i32
    %cond3A_23 = arith.cmpi ne, %convert_element_type3A, %cond3A : i32
    scf.if %cond3A_23 {
      %mul3A_137 = arith.constant 40 : i32
      %mul3A_138 = arith.muli %add3A_21, %mul3A_137 : i32
      "tpu.region"() ({
        %run_scoped3A = tpu.sem_alloc : memref<!tpu.dma_semaphore, #tpu.memory_space<semaphore_mem>>
        %dma_start3A = arith.constant 0 : i32
        %dma_start3A_139 = arith.constant 0 : i32
        %dma_start3A_140 = tpu.memref_slice %arg11[%dma_start3A, %dma_start3A_139] : memref<80x128xf32, #tpu.memory_space<vmem>> -> memref<40x128xf32, #tpu.memory_space<vmem>>
        %dma_start3A_141 = arith.constant 0 : i32
        %dma_start3A_142 = tpu.memref_slice %arg14[%mul3A_138, %dma_start3A_141] : memref<5000x128xf32, #tpu.memory_space<vmem_shared>> -> memref<40x128xf32, #tpu.memory_space<vmem_shared>>
        %dma_start3A_143 = arith.constant 0 : i32
        %dma_start3A_144 = tpu.memref_slice %arg14[%mul3A_138, %dma_start3A_143] : memref<5000x128xf32, #tpu.memory_space<vmem_shared>> -> memref<40x128xf32, #tpu.memory_space<vmem_shared>>
        %dma_start3A_145 = arith.constant 0 : i32
        %dma_start3A_146 = arith.constant 0 : i32
        %dma_start3A_147 = tpu.memref_slice %arg11[%dma_start3A_145, %dma_start3A_146] : memref<80x128xf32, #tpu.memory_space<vmem>> -> memref<40x128xf32, #tpu.memory_space<vmem>>
        tpu.enqueue_dma source(%dma_start3A_147 : memref<40x128xf32, #tpu.memory_space<vmem>>) target(%dma_start3A_144 : memref<40x128xf32, #tpu.memory_space<vmem_shared>>) target_semaphore(%run_scoped3A : memref<!tpu.dma_semaphore, #tpu.memory_space<semaphore_mem>>)
        %dma_wait3A = arith.constant 0 : i32
        %dma_wait3A_148 = arith.constant 0 : i32
        %dma_wait3A_149 = tpu.memref_slice %arg11[%dma_wait3A, %dma_wait3A_148] : memref<80x128xf32, #tpu.memory_space<vmem>> -> memref<40x128xf32, #tpu.memory_space<vmem>>
        %dma_wait3A_150 = arith.constant 0 : i32
        %dma_wait3A_151 = tpu.memref_slice %arg14[%mul3A_138, %dma_wait3A_150] : memref<5000x128xf32, #tpu.memory_space<vmem_shared>> -> memref<40x128xf32, #tpu.memory_space<vmem_shared>>
        %dma_wait3A_152 = arith.constant 0 : i32
        %dma_wait3A_153 = tpu.memref_slice %arg14[%mul3A_138, %dma_wait3A_152] : memref<5000x128xf32, #tpu.memory_space<vmem_shared>> -> memref<40x128xf32, #tpu.memory_space<vmem_shared>>
        %dma_wait3A_154 = arith.constant 0 : i32
        %dma_wait3A_155 = arith.constant 0 : i32
        %dma_wait3A_156 = tpu.memref_slice %arg11[%dma_wait3A_154, %dma_wait3A_155] : memref<80x128xf32, #tpu.memory_space<vmem>> -> memref<40x128xf32, #tpu.memory_space<vmem>>
        tpu.wait_dma2 semaphore(%run_scoped3A : memref<!tpu.dma_semaphore, #tpu.memory_space<semaphore_mem>>) src(%dma_wait3A_156 : memref<40x128xf32, #tpu.memory_space<vmem>>) dst(%dma_wait3A_153 : memref<40x128xf32, #tpu.memory_space<vmem_shared>>)
        tpu.yield
      }) : () -> ()
    } else {
    }
    %mul3A_24 = arith.constant 8 : i32
    %mul3A_25 = arith.muli %arg1, %mul3A_24 : i32
    %add3A_26 = arith.constant 1 : i32
    %add3A_27 = arith.addi %mul3A_25, %add3A_26 : i32
    %lt3A_28 = arith.constant 125 : i32
    %lt3A_29 = arith.cmpi slt, %add3A_27, %lt3A_28 : i32
    %convert_element_type3A_30 = arith.extui %lt3A_29 : i1 to i32
    %cond3A_31 = arith.constant 0 : i32
    %cond3A_32 = arith.cmpi ne, %convert_element_type3A_30, %cond3A_31 : i32
    scf.if %cond3A_32 {
      %mul3A_137 = arith.constant 40 : i32
      %mul3A_138 = arith.muli %add3A_27, %mul3A_137 : i32
      "tpu.region"() ({
        %run_scoped3A = tpu.sem_alloc : memref<!tpu.dma_semaphore, #tpu.memory_space<semaphore_mem>>
        %dma_start3A = arith.constant 0 : i32
        %dma_start3A_139 = arith.constant 0 : i32
        %dma_start3A_140 = tpu.memref_slice %arg11[%dma_start3A, %dma_start3A_139] : memref<80x128xf32, #tpu.memory_space<vmem>> -> memref<40x128xf32, #tpu.memory_space<vmem>>
        %dma_start3A_141 = arith.constant 0 : i32
        %dma_start3A_142 = tpu.memref_slice %arg14[%mul3A_138, %dma_start3A_141] : memref<5000x128xf32, #tpu.memory_space<vmem_shared>> -> memref<40x128xf32, #tpu.memory_space<vmem_shared>>
        %dma_start3A_143 = arith.constant 0 : i32
        %dma_start3A_144 = tpu.memref_slice %arg14[%mul3A_138, %dma_start3A_143] : memref<5000x128xf32, #tpu.memory_space<vmem_shared>> -> memref<40x128xf32, #tpu.memory_space<vmem_shared>>
        %dma_start3A_145 = arith.constant 0 : i32
        %dma_start3A_146 = arith.constant 0 : i32
        %dma_start3A_147 = tpu.memref_slice %arg11[%dma_start3A_145, %dma_start3A_146] : memref<80x128xf32, #tpu.memory_space<vmem>> -> memref<40x128xf32, #tpu.memory_space<vmem>>
        tpu.enqueue_dma source(%dma_start3A_147 : memref<40x128xf32, #tpu.memory_space<vmem>>) target(%dma_start3A_144 : memref<40x128xf32, #tpu.memory_space<vmem_shared>>) target_semaphore(%run_scoped3A : memref<!tpu.dma_semaphore, #tpu.memory_space<semaphore_mem>>)
        %dma_wait3A = arith.constant 0 : i32
        %dma_wait3A_148 = arith.constant 0 : i32
        %dma_wait3A_149 = tpu.memref_slice %arg11[%dma_wait3A, %dma_wait3A_148] : memref<80x128xf32, #tpu.memory_space<vmem>> -> memref<40x128xf32, #tpu.memory_space<vmem>>
        %dma_wait3A_150 = arith.constant 0 : i32
        %dma_wait3A_151 = tpu.memref_slice %arg14[%mul3A_138, %dma_wait3A_150] : memref<5000x128xf32, #tpu.memory_space<vmem_shared>> -> memref<40x128xf32, #tpu.memory_space<vmem_shared>>
        %dma_wait3A_152 = arith.constant 0 : i32
        %dma_wait3A_153 = tpu.memref_slice %arg14[%mul3A_138, %dma_wait3A_152] : memref<5000x128xf32, #tpu.memory_space<vmem_shared>> -> memref<40x128xf32, #tpu.memory_space<vmem_shared>>
        %dma_wait3A_154 = arith.constant 0 : i32
        %dma_wait3A_155 = arith.constant 0 : i32
        %dma_wait3A_156 = tpu.memref_slice %arg11[%dma_wait3A_154, %dma_wait3A_155] : memref<80x128xf32, #tpu.memory_space<vmem>> -> memref<40x128xf32, #tpu.memory_space<vmem>>
        tpu.wait_dma2 semaphore(%run_scoped3A : memref<!tpu.dma_semaphore, #tpu.memory_space<semaphore_mem>>) src(%dma_wait3A_156 : memref<40x128xf32, #tpu.memory_space<vmem>>) dst(%dma_wait3A_153 : memref<40x128xf32, #tpu.memory_space<vmem_shared>>)
        tpu.yield
      }) : () -> ()
    } else {
    }
    %mul3A_33 = arith.constant 8 : i32
    %mul3A_34 = arith.muli %arg1, %mul3A_33 : i32
    %add3A_35 = arith.constant 2 : i32
    %add3A_36 = arith.addi %mul3A_34, %add3A_35 : i32
    %lt3A_37 = arith.constant 125 : i32
    %lt3A_38 = arith.cmpi slt, %add3A_36, %lt3A_37 : i32
    %convert_element_type3A_39 = arith.extui %lt3A_38 : i1 to i32
    %cond3A_40 = arith.constant 0 : i32
    %cond3A_41 = arith.cmpi ne, %convert_element_type3A_39, %cond3A_40 : i32
    scf.if %cond3A_41 {
      %mul3A_137 = arith.constant 40 : i32
      %mul3A_138 = arith.muli %add3A_36, %mul3A_137 : i32
      "tpu.region"() ({
        %run_scoped3A = tpu.sem_alloc : memref<!tpu.dma_semaphore, #tpu.memory_space<semaphore_mem>>
        %dma_start3A = arith.constant 0 : i32
        %dma_start3A_139 = arith.constant 0 : i32
        %dma_start3A_140 = tpu.memref_slice %arg11[%dma_start3A, %dma_start3A_139] : memref<80x128xf32, #tpu.memory_space<vmem>> -> memref<40x128xf32, #tpu.memory_space<vmem>>
        %dma_start3A_141 = arith.constant 0 : i32
        %dma_start3A_142 = tpu.memref_slice %arg14[%mul3A_138, %dma_start3A_141] : memref<5000x128xf32, #tpu.memory_space<vmem_shared>> -> memref<40x128xf32, #tpu.memory_space<vmem_shared>>
        %dma_start3A_143 = arith.constant 0 : i32
        %dma_start3A_144 = tpu.memref_slice %arg14[%mul3A_138, %dma_start3A_143] : memref<5000x128xf32, #tpu.memory_space<vmem_shared>> -> memref<40x128xf32, #tpu.memory_space<vmem_shared>>
        %dma_start3A_145 = arith.constant 0 : i32
        %dma_start3A_146 = arith.constant 0 : i32
        %dma_start3A_147 = tpu.memref_slice %arg11[%dma_start3A_145, %dma_start3A_146] : memref<80x128xf32, #tpu.memory_space<vmem>> -> memref<40x128xf32, #tpu.memory_space<vmem>>
        tpu.enqueue_dma source(%dma_start3A_147 : memref<40x128xf32, #tpu.memory_space<vmem>>) target(%dma_start3A_144 : memref<40x128xf32, #tpu.memory_space<vmem_shared>>) target_semaphore(%run_scoped3A : memref<!tpu.dma_semaphore, #tpu.memory_space<semaphore_mem>>)
        %dma_wait3A = arith.constant 0 : i32
        %dma_wait3A_148 = arith.constant 0 : i32
        %dma_wait3A_149 = tpu.memref_slice %arg11[%dma_wait3A, %dma_wait3A_148] : memref<80x128xf32, #tpu.memory_space<vmem>> -> memref<40x128xf32, #tpu.memory_space<vmem>>
        %dma_wait3A_150 = arith.constant 0 : i32
        %dma_wait3A_151 = tpu.memref_slice %arg14[%mul3A_138, %dma_wait3A_150] : memref<5000x128xf32, #tpu.memory_space<vmem_shared>> -> memref<40x128xf32, #tpu.memory_space<vmem_shared>>
        %dma_wait3A_152 = arith.constant 0 : i32
        %dma_wait3A_153 = tpu.memref_slice %arg14[%mul3A_138, %dma_wait3A_152] : memref<5000x128xf32, #tpu.memory_space<vmem_shared>> -> memref<40x128xf32, #tpu.memory_space<vmem_shared>>
        %dma_wait3A_154 = arith.constant 0 : i32
        %dma_wait3A_155 = arith.constant 0 : i32
        %dma_wait3A_156 = tpu.memref_slice %arg11[%dma_wait3A_154, %dma_wait3A_155] : memref<80x128xf32, #tpu.memory_space<vmem>> -> memref<40x128xf32, #tpu.memory_space<vmem>>
        tpu.wait_dma2 semaphore(%run_scoped3A : memref<!tpu.dma_semaphore, #tpu.memory_space<semaphore_mem>>) src(%dma_wait3A_156 : memref<40x128xf32, #tpu.memory_space<vmem>>) dst(%dma_wait3A_153 : memref<40x128xf32, #tpu.memory_space<vmem_shared>>)
        tpu.yield
      }) : () -> ()
    } else {
    }
    %mul3A_42 = arith.constant 8 : i32
    %mul3A_43 = arith.muli %arg1, %mul3A_42 : i32
    %add3A_44 = arith.constant 3 : i32
    %add3A_45 = arith.addi %mul3A_43, %add3A_44 : i32
    %lt3A_46 = arith.constant 125 : i32
    %lt3A_47 = arith.cmpi slt, %add3A_45, %lt3A_46 : i32
    %convert_element_type3A_48 = arith.extui %lt3A_47 : i1 to i32
    %cond3A_49 = arith.constant 0 : i32
    %cond3A_50 = arith.cmpi ne, %convert_element_type3A_48, %cond3A_49 : i32
    scf.if %cond3A_50 {
      %mul3A_137 = arith.constant 40 : i32
      %mul3A_138 = arith.muli %add3A_45, %mul3A_137 : i32
      "tpu.region"() ({
        %run_scoped3A = tpu.sem_alloc : memref<!tpu.dma_semaphore, #tpu.memory_space<semaphore_mem>>
        %dma_start3A = arith.constant 0 : i32
        %dma_start3A_139 = arith.constant 0 : i32
        %dma_start3A_140 = tpu.memref_slice %arg11[%dma_start3A, %dma_start3A_139] : memref<80x128xf32, #tpu.memory_space<vmem>> -> memref<40x128xf32, #tpu.memory_space<vmem>>
        %dma_start3A_141 = arith.constant 0 : i32
        %dma_start3A_142 = tpu.memref_slice %arg14[%mul3A_138, %dma_start3A_141] : memref<5000x128xf32, #tpu.memory_space<vmem_shared>> -> memref<40x128xf32, #tpu.memory_space<vmem_shared>>
        %dma_start3A_143 = arith.constant 0 : i32
        %dma_start3A_144 = tpu.memref_slice %arg14[%mul3A_138, %dma_start3A_143] : memref<5000x128xf32, #tpu.memory_space<vmem_shared>> -> memref<40x128xf32, #tpu.memory_space<vmem_shared>>
        %dma_start3A_145 = arith.constant 0 : i32
        %dma_start3A_146 = arith.constant 0 : i32
        %dma_start3A_147 = tpu.memref_slice %arg11[%dma_start3A_145, %dma_start3A_146] : memref<80x128xf32, #tpu.memory_space<vmem>> -> memref<40x128xf32, #tpu.memory_space<vmem>>
        tpu.enqueue_dma source(%dma_start3A_147 : memref<40x128xf32, #tpu.memory_space<vmem>>) target(%dma_start3A_144 : memref<40x128xf32, #tpu.memory_space<vmem_shared>>) target_semaphore(%run_scoped3A : memref<!tpu.dma_semaphore, #tpu.memory_space<semaphore_mem>>)
        %dma_wait3A = arith.constant 0 : i32
        %dma_wait3A_148 = arith.constant 0 : i32
        %dma_wait3A_149 = tpu.memref_slice %arg11[%dma_wait3A, %dma_wait3A_148] : memref<80x128xf32, #tpu.memory_space<vmem>> -> memref<40x128xf32, #tpu.memory_space<vmem>>
        %dma_wait3A_150 = arith.constant 0 : i32
        %dma_wait3A_151 = tpu.memref_slice %arg14[%mul3A_138, %dma_wait3A_150] : memref<5000x128xf32, #tpu.memory_space<vmem_shared>> -> memref<40x128xf32, #tpu.memory_space<vmem_shared>>
        %dma_wait3A_152 = arith.constant 0 : i32
        %dma_wait3A_153 = tpu.memref_slice %arg14[%mul3A_138, %dma_wait3A_152] : memref<5000x128xf32, #tpu.memory_space<vmem_shared>> -> memref<40x128xf32, #tpu.memory_space<vmem_shared>>
        %dma_wait3A_154 = arith.constant 0 : i32
        %dma_wait3A_155 = arith.constant 0 : i32
        %dma_wait3A_156 = tpu.memref_slice %arg11[%dma_wait3A_154, %dma_wait3A_155] : memref<80x128xf32, #tpu.memory_space<vmem>> -> memref<40x128xf32, #tpu.memory_space<vmem>>
        tpu.wait_dma2 semaphore(%run_scoped3A : memref<!tpu.dma_semaphore, #tpu.memory_space<semaphore_mem>>) src(%dma_wait3A_156 : memref<40x128xf32, #tpu.memory_space<vmem>>) dst(%dma_wait3A_153 : memref<40x128xf32, #tpu.memory_space<vmem_shared>>)
        tpu.yield
      }) : () -> ()
    } else {
    }
    %mul3A_51 = arith.constant 8 : i32
    %mul3A_52 = arith.muli %arg1, %mul3A_51 : i32
    %add3A_53 = arith.constant 4 : i32
    %add3A_54 = arith.addi %mul3A_52, %add3A_53 : i32
    %lt3A_55 = arith.constant 125 : i32
    %lt3A_56 = arith.cmpi slt, %add3A_54, %lt3A_55 : i32
    %convert_element_type3A_57 = arith.extui %lt3A_56 : i1 to i32
    %cond3A_58 = arith.constant 0 : i32
    %cond3A_59 = arith.cmpi ne, %convert_element_type3A_57, %cond3A_58 : i32
    scf.if %cond3A_59 {
      %mul3A_137 = arith.constant 40 : i32
      %mul3A_138 = arith.muli %add3A_54, %mul3A_137 : i32
      "tpu.region"() ({
        %run_scoped3A = tpu.sem_alloc : memref<!tpu.dma_semaphore, #tpu.memory_space<semaphore_mem>>
        %dma_start3A = arith.constant 0 : i32
        %dma_start3A_139 = arith.constant 0 : i32
        %dma_start3A_140 = tpu.memref_slice %arg11[%dma_start3A, %dma_start3A_139] : memref<80x128xf32, #tpu.memory_space<vmem>> -> memref<40x128xf32, #tpu.memory_space<vmem>>
        %dma_start3A_141 = arith.constant 0 : i32
        %dma_start3A_142 = tpu.memref_slice %arg14[%mul3A_138, %dma_start3A_141] : memref<5000x128xf32, #tpu.memory_space<vmem_shared>> -> memref<40x128xf32, #tpu.memory_space<vmem_shared>>
        %dma_start3A_143 = arith.constant 0 : i32
        %dma_start3A_144 = tpu.memref_slice %arg14[%mul3A_138, %dma_start3A_143] : memref<5000x128xf32, #tpu.memory_space<vmem_shared>> -> memref<40x128xf32, #tpu.memory_space<vmem_shared>>
        %dma_start3A_145 = arith.constant 0 : i32
        %dma_start3A_146 = arith.constant 0 : i32
        %dma_start3A_147 = tpu.memref_slice %arg11[%dma_start3A_145, %dma_start3A_146] : memref<80x128xf32, #tpu.memory_space<vmem>> -> memref<40x128xf32, #tpu.memory_space<vmem>>
        tpu.enqueue_dma source(%dma_start3A_147 : memref<40x128xf32, #tpu.memory_space<vmem>>) target(%dma_start3A_144 : memref<40x128xf32, #tpu.memory_space<vmem_shared>>) target_semaphore(%run_scoped3A : memref<!tpu.dma_semaphore, #tpu.memory_space<semaphore_mem>>)
        %dma_wait3A = arith.constant 0 : i32
        %dma_wait3A_148 = arith.constant 0 : i32
        %dma_wait3A_149 = tpu.memref_slice %arg11[%dma_wait3A, %dma_wait3A_148] : memref<80x128xf32, #tpu.memory_space<vmem>> -> memref<40x128xf32, #tpu.memory_space<vmem>>
        %dma_wait3A_150 = arith.constant 0 : i32
        %dma_wait3A_151 = tpu.memref_slice %arg14[%mul3A_138, %dma_wait3A_150] : memref<5000x128xf32, #tpu.memory_space<vmem_shared>> -> memref<40x128xf32, #tpu.memory_space<vmem_shared>>
        %dma_wait3A_152 = arith.constant 0 : i32
        %dma_wait3A_153 = tpu.memref_slice %arg14[%mul3A_138, %dma_wait3A_152] : memref<5000x128xf32, #tpu.memory_space<vmem_shared>> -> memref<40x128xf32, #tpu.memory_space<vmem_shared>>
        %dma_wait3A_154 = arith.constant 0 : i32
        %dma_wait3A_155 = arith.constant 0 : i32
        %dma_wait3A_156 = tpu.memref_slice %arg11[%dma_wait3A_154, %dma_wait3A_155] : memref<80x128xf32, #tpu.memory_space<vmem>> -> memref<40x128xf32, #tpu.memory_space<vmem>>
        tpu.wait_dma2 semaphore(%run_scoped3A : memref<!tpu.dma_semaphore, #tpu.memory_space<semaphore_mem>>) src(%dma_wait3A_156 : memref<40x128xf32, #tpu.memory_space<vmem>>) dst(%dma_wait3A_153 : memref<40x128xf32, #tpu.memory_space<vmem_shared>>)
        tpu.yield
      }) : () -> ()
    } else {
    }
    %mul3A_60 = arith.constant 8 : i32
    %mul3A_61 = arith.muli %arg1, %mul3A_60 : i32
    %add3A_62 = arith.constant 5 : i32
    %add3A_63 = arith.addi %mul3A_61, %add3A_62 : i32
    %lt3A_64 = arith.constant 125 : i32
    %lt3A_65 = arith.cmpi slt, %add3A_63, %lt3A_64 : i32
    %convert_element_type3A_66 = arith.extui %lt3A_65 : i1 to i32
    %cond3A_67 = arith.constant 0 : i32
    %cond3A_68 = arith.cmpi ne, %convert_element_type3A_66, %cond3A_67 : i32
    scf.if %cond3A_68 {
      %mul3A_137 = arith.constant 40 : i32
      %mul3A_138 = arith.muli %add3A_63, %mul3A_137 : i32
      "tpu.region"() ({
        %run_scoped3A = tpu.sem_alloc : memref<!tpu.dma_semaphore, #tpu.memory_space<semaphore_mem>>
        %dma_start3A = arith.constant 0 : i32
        %dma_start3A_139 = arith.constant 0 : i32
        %dma_start3A_140 = tpu.memref_slice %arg11[%dma_start3A, %dma_start3A_139] : memref<80x128xf32, #tpu.memory_space<vmem>> -> memref<40x128xf32, #tpu.memory_space<vmem>>
        %dma_start3A_141 = arith.constant 0 : i32
        %dma_start3A_142 = tpu.memref_slice %arg14[%mul3A_138, %dma_start3A_141] : memref<5000x128xf32, #tpu.memory_space<vmem_shared>> -> memref<40x128xf32, #tpu.memory_space<vmem_shared>>
        %dma_start3A_143 = arith.constant 0 : i32
        %dma_start3A_144 = tpu.memref_slice %arg14[%mul3A_138, %dma_start3A_143] : memref<5000x128xf32, #tpu.memory_space<vmem_shared>> -> memref<40x128xf32, #tpu.memory_space<vmem_shared>>
        %dma_start3A_145 = arith.constant 0 : i32
        %dma_start3A_146 = arith.constant 0 : i32
        %dma_start3A_147 = tpu.memref_slice %arg11[%dma_start3A_145, %dma_start3A_146] : memref<80x128xf32, #tpu.memory_space<vmem>> -> memref<40x128xf32, #tpu.memory_space<vmem>>
        tpu.enqueue_dma source(%dma_start3A_147 : memref<40x128xf32, #tpu.memory_space<vmem>>) target(%dma_start3A_144 : memref<40x128xf32, #tpu.memory_space<vmem_shared>>) target_semaphore(%run_scoped3A : memref<!tpu.dma_semaphore, #tpu.memory_space<semaphore_mem>>)
        %dma_wait3A = arith.constant 0 : i32
        %dma_wait3A_148 = arith.constant 0 : i32
        %dma_wait3A_149 = tpu.memref_slice %arg11[%dma_wait3A, %dma_wait3A_148] : memref<80x128xf32, #tpu.memory_space<vmem>> -> memref<40x128xf32, #tpu.memory_space<vmem>>
        %dma_wait3A_150 = arith.constant 0 : i32
        %dma_wait3A_151 = tpu.memref_slice %arg14[%mul3A_138, %dma_wait3A_150] : memref<5000x128xf32, #tpu.memory_space<vmem_shared>> -> memref<40x128xf32, #tpu.memory_space<vmem_shared>>
        %dma_wait3A_152 = arith.constant 0 : i32
        %dma_wait3A_153 = tpu.memref_slice %arg14[%mul3A_138, %dma_wait3A_152] : memref<5000x128xf32, #tpu.memory_space<vmem_shared>> -> memref<40x128xf32, #tpu.memory_space<vmem_shared>>
        %dma_wait3A_154 = arith.constant 0 : i32
        %dma_wait3A_155 = arith.constant 0 : i32
        %dma_wait3A_156 = tpu.memref_slice %arg11[%dma_wait3A_154, %dma_wait3A_155] : memref<80x128xf32, #tpu.memory_space<vmem>> -> memref<40x128xf32, #tpu.memory_space<vmem>>
        tpu.wait_dma2 semaphore(%run_scoped3A : memref<!tpu.dma_semaphore, #tpu.memory_space<semaphore_mem>>) src(%dma_wait3A_156 : memref<40x128xf32, #tpu.memory_space<vmem>>) dst(%dma_wait3A_153 : memref<40x128xf32, #tpu.memory_space<vmem_shared>>)
        tpu.yield
      }) : () -> ()
    } else {
    }
    %mul3A_69 = arith.constant 8 : i32
    %mul3A_70 = arith.muli %arg1, %mul3A_69 : i32
    %add3A_71 = arith.constant 6 : i32
    %add3A_72 = arith.addi %mul3A_70, %add3A_71 : i32
    %lt3A_73 = arith.constant 125 : i32
    %lt3A_74 = arith.cmpi slt, %add3A_72, %lt3A_73 : i32
    %convert_element_type3A_75 = arith.extui %lt3A_74 : i1 to i32
    %cond3A_76 = arith.constant 0 : i32
    %cond3A_77 = arith.cmpi ne, %convert_element_type3A_75, %cond3A_76 : i32
    scf.if %cond3A_77 {
      %mul3A_137 = arith.constant 40 : i32
      %mul3A_138 = arith.muli %add3A_72, %mul3A_137 : i32
      "tpu.region"() ({
        %run_scoped3A = tpu.sem_alloc : memref<!tpu.dma_semaphore, #tpu.memory_space<semaphore_mem>>
        %dma_start3A = arith.constant 0 : i32
        %dma_start3A_139 = arith.constant 0 : i32
        %dma_start3A_140 = tpu.memref_slice %arg11[%dma_start3A, %dma_start3A_139] : memref<80x128xf32, #tpu.memory_space<vmem>> -> memref<40x128xf32, #tpu.memory_space<vmem>>
        %dma_start3A_141 = arith.constant 0 : i32
        %dma_start3A_142 = tpu.memref_slice %arg14[%mul3A_138, %dma_start3A_141] : memref<5000x128xf32, #tpu.memory_space<vmem_shared>> -> memref<40x128xf32, #tpu.memory_space<vmem_shared>>
        %dma_start3A_143 = arith.constant 0 : i32
        %dma_start3A_144 = tpu.memref_slice %arg14[%mul3A_138, %dma_start3A_143] : memref<5000x128xf32, #tpu.memory_space<vmem_shared>> -> memref<40x128xf32, #tpu.memory_space<vmem_shared>>
        %dma_start3A_145 = arith.constant 0 : i32
        %dma_start3A_146 = arith.constant 0 : i32
        %dma_start3A_147 = tpu.memref_slice %arg11[%dma_start3A_145, %dma_start3A_146] : memref<80x128xf32, #tpu.memory_space<vmem>> -> memref<40x128xf32, #tpu.memory_space<vmem>>
        tpu.enqueue_dma source(%dma_start3A_147 : memref<40x128xf32, #tpu.memory_space<vmem>>) target(%dma_start3A_144 : memref<40x128xf32, #tpu.memory_space<vmem_shared>>) target_semaphore(%run_scoped3A : memref<!tpu.dma_semaphore, #tpu.memory_space<semaphore_mem>>)
        %dma_wait3A = arith.constant 0 : i32
        %dma_wait3A_148 = arith.constant 0 : i32
        %dma_wait3A_149 = tpu.memref_slice %arg11[%dma_wait3A, %dma_wait3A_148] : memref<80x128xf32, #tpu.memory_space<vmem>> -> memref<40x128xf32, #tpu.memory_space<vmem>>
        %dma_wait3A_150 = arith.constant 0 : i32
        %dma_wait3A_151 = tpu.memref_slice %arg14[%mul3A_138, %dma_wait3A_150] : memref<5000x128xf32, #tpu.memory_space<vmem_shared>> -> memref<40x128xf32, #tpu.memory_space<vmem_shared>>
        %dma_wait3A_152 = arith.constant 0 : i32
        %dma_wait3A_153 = tpu.memref_slice %arg14[%mul3A_138, %dma_wait3A_152] : memref<5000x128xf32, #tpu.memory_space<vmem_shared>> -> memref<40x128xf32, #tpu.memory_space<vmem_shared>>
        %dma_wait3A_154 = arith.constant 0 : i32
        %dma_wait3A_155 = arith.constant 0 : i32
        %dma_wait3A_156 = tpu.memref_slice %arg11[%dma_wait3A_154, %dma_wait3A_155] : memref<80x128xf32, #tpu.memory_space<vmem>> -> memref<40x128xf32, #tpu.memory_space<vmem>>
        tpu.wait_dma2 semaphore(%run_scoped3A : memref<!tpu.dma_semaphore, #tpu.memory_space<semaphore_mem>>) src(%dma_wait3A_156 : memref<40x128xf32, #tpu.memory_space<vmem>>) dst(%dma_wait3A_153 : memref<40x128xf32, #tpu.memory_space<vmem_shared>>)
        tpu.yield
      }) : () -> ()
    } else {
    }
    %mul3A_78 = arith.constant 8 : i32
    %mul3A_79 = arith.muli %arg1, %mul3A_78 : i32
    %add3A_80 = arith.constant 7 : i32
    %add3A_81 = arith.addi %mul3A_79, %add3A_80 : i32
    %lt3A_82 = arith.constant 125 : i32
    %lt3A_83 = arith.cmpi slt, %add3A_81, %lt3A_82 : i32
    %convert_element_type3A_84 = arith.extui %lt3A_83 : i1 to i32
    %cond3A_85 = arith.constant 0 : i32
    %cond3A_86 = arith.cmpi ne, %convert_element_type3A_84, %cond3A_85 : i32
    scf.if %cond3A_86 {
      %mul3A_137 = arith.constant 40 : i32
      %mul3A_138 = arith.muli %add3A_81, %mul3A_137 : i32
      "tpu.region"() ({
        %run_scoped3A = tpu.sem_alloc : memref<!tpu.dma_semaphore, #tpu.memory_space<semaphore_mem>>
        %dma_start3A = arith.constant 0 : i32
        %dma_start3A_139 = arith.constant 0 : i32
        %dma_start3A_140 = tpu.memref_slice %arg11[%dma_start3A, %dma_start3A_139] : memref<80x128xf32, #tpu.memory_space<vmem>> -> memref<40x128xf32, #tpu.memory_space<vmem>>
        %dma_start3A_141 = arith.constant 0 : i32
        %dma_start3A_142 = tpu.memref_slice %arg14[%mul3A_138, %dma_start3A_141] : memref<5000x128xf32, #tpu.memory_space<vmem_shared>> -> memref<40x128xf32, #tpu.memory_space<vmem_shared>>
        %dma_start3A_143 = arith.constant 0 : i32
        %dma_start3A_144 = tpu.memref_slice %arg14[%mul3A_138, %dma_start3A_143] : memref<5000x128xf32, #tpu.memory_space<vmem_shared>> -> memref<40x128xf32, #tpu.memory_space<vmem_shared>>
        %dma_start3A_145 = arith.constant 0 : i32
        %dma_start3A_146 = arith.constant 0 : i32
        %dma_start3A_147 = tpu.memref_slice %arg11[%dma_start3A_145, %dma_start3A_146] : memref<80x128xf32, #tpu.memory_space<vmem>> -> memref<40x128xf32, #tpu.memory_space<vmem>>
        tpu.enqueue_dma source(%dma_start3A_147 : memref<40x128xf32, #tpu.memory_space<vmem>>) target(%dma_start3A_144 : memref<40x128xf32, #tpu.memory_space<vmem_shared>>) target_semaphore(%run_scoped3A : memref<!tpu.dma_semaphore, #tpu.memory_space<semaphore_mem>>)
        %dma_wait3A = arith.constant 0 : i32
        %dma_wait3A_148 = arith.constant 0 : i32
        %dma_wait3A_149 = tpu.memref_slice %arg11[%dma_wait3A, %dma_wait3A_148] : memref<80x128xf32, #tpu.memory_space<vmem>> -> memref<40x128xf32, #tpu.memory_space<vmem>>
        %dma_wait3A_150 = arith.constant 0 : i32
        %dma_wait3A_151 = tpu.memref_slice %arg14[%mul3A_138, %dma_wait3A_150] : memref<5000x128xf32, #tpu.memory_space<vmem_shared>> -> memref<40x128xf32, #tpu.memory_space<vmem_shared>>
        %dma_wait3A_152 = arith.constant 0 : i32
        %dma_wait3A_153 = tpu.memref_slice %arg14[%mul3A_138, %dma_wait3A_152] : memref<5000x128xf32, #tpu.memory_space<vmem_shared>> -> memref<40x128xf32, #tpu.memory_space<vmem_shared>>
        %dma_wait3A_154 = arith.constant 0 : i32
        %dma_wait3A_155 = arith.constant 0 : i32
        %dma_wait3A_156 = tpu.memref_slice %arg11[%dma_wait3A_154, %dma_wait3A_155] : memref<80x128xf32, #tpu.memory_space<vmem>> -> memref<40x128xf32, #tpu.memory_space<vmem>>
        tpu.wait_dma2 semaphore(%run_scoped3A : memref<!tpu.dma_semaphore, #tpu.memory_space<semaphore_mem>>) src(%dma_wait3A_156 : memref<40x128xf32, #tpu.memory_space<vmem>>) dst(%dma_wait3A_153 : memref<40x128xf32, #tpu.memory_space<vmem_shared>>)
        tpu.yield
      }) : () -> ()
    } else {
    }
    %lt3A_87 = arith.constant 5 : i32
    %lt3A_88 = arith.cmpi slt, %arg1, %lt3A_87 : i32
    %convert_element_type3A_89 = arith.extui %lt3A_88 : i1 to i32
    %cond3A_90 = arith.constant 0 : i32
    %cond3A_91 = arith.cmpi ne, %convert_element_type3A_89, %cond3A_90 : i32
    scf.if %cond3A_91 {
      %mul3A_137 = arith.constant 2000 : i32
      %mul3A_138 = arith.muli %arg1, %mul3A_137 : i32
      "tpu.region"() ({
        %run_scoped3A = tpu.sem_alloc : memref<!tpu.dma_semaphore, #tpu.memory_space<semaphore_mem>>
        %dma_start3A = tpu.memref_slice %arg15[%mul3A_138] : memref<10000xf32, #tpu.memory_space<vmem_shared>> -> memref<2000xf32, #tpu.memory_space<vmem_shared>>
        %dma_start3A_139 = tpu.memref_slice %arg15[%mul3A_138] : memref<10000xf32, #tpu.memory_space<vmem_shared>> -> memref<2000xf32, #tpu.memory_space<vmem_shared>>
        tpu.enqueue_dma source(%arg13 : memref<2000xf32, #tpu.memory_space<vmem>>) target(%dma_start3A_139 : memref<2000xf32, #tpu.memory_space<vmem_shared>>) target_semaphore(%run_scoped3A : memref<!tpu.dma_semaphore, #tpu.memory_space<semaphore_mem>>)
        %dma_wait3A = tpu.memref_slice %arg15[%mul3A_138] : memref<10000xf32, #tpu.memory_space<vmem_shared>> -> memref<2000xf32, #tpu.memory_space<vmem_shared>>
        %dma_wait3A_140 = tpu.memref_slice %arg15[%mul3A_138] : memref<10000xf32, #tpu.memory_space<vmem_shared>> -> memref<2000xf32, #tpu.memory_space<vmem_shared>>
        tpu.wait_dma2 semaphore(%run_scoped3A : memref<!tpu.dma_semaphore, #tpu.memory_space<semaphore_mem>>) src(%arg13 : memref<2000xf32, #tpu.memory_space<vmem>>) dst(%dma_wait3A_140 : memref<2000xf32, #tpu.memory_space<vmem_shared>>)
        tpu.yield
      }) : () -> ()
    } else {
    }
    %barrier3A = arith.constant 0 : index
    tpu.barrier barrier_id(%barrier3A)
    %mul3A_92 = arith.constant 10000 : i32
    %mul3A_93 = arith.muli %arg1, %mul3A_92 : i32
    %mul3A_94 = arith.constant 16 : i32
    %mul3A_95 = arith.muli %arg0, %mul3A_94 : i32
    %add3A_96 = arith.addi %mul3A_95, %arg1 : i32
    %mul3A_97 = arith.constant 10000 : i32
    %mul3A_98 = arith.muli %add3A_96, %mul3A_97 : i32
    %scan3A_99 = arith.constant 0 : i32
    %scan3A_100 = arith.constant 0 : i32
    %scan3A_101 = arith.constant 5 : i32
    %scan3A_102 = arith.addi %scan3A_100, %scan3A_101 : i32
    %scan3A_103 = arith.constant 1 : i32
    %scan3A_104 = scf.for %scan3A_137 = %scan3A_100 to %scan3A_102 step %scan3A_103 iter_args(%scan3A_138 = %scan3A_99) -> (i32)  : i32 {
      %mul3A_139 = arith.constant 2000 : i32
      %mul3A_140 = arith.muli %scan3A_137, %mul3A_139 : i32
      %add3A_141 = arith.addi %mul3A_98, %mul3A_140 : i32
      "tpu.region"() ({
        %run_scoped3A = tpu.sem_alloc : memref<!tpu.dma_semaphore, #tpu.memory_space<semaphore_mem>>
        %dma_start3A_222 = tpu.memref_slice %arg2[%add3A_141] : memref<320000xi32, #tpu.memory_space<hbm>> -> memref<2000xi32, #tpu.memory_space<hbm>>
        %dma_start3A_223 = tpu.memref_slice %arg2[%add3A_141] : memref<320000xi32, #tpu.memory_space<hbm>> -> memref<2000xi32, #tpu.memory_space<hbm>>
        tpu.enqueue_dma source(%dma_start3A_223 : memref<2000xi32, #tpu.memory_space<hbm>>) target(%arg7 : memref<2000xi32, #tpu.memory_space<vmem>>) target_semaphore(%run_scoped3A : memref<!tpu.dma_semaphore, #tpu.memory_space<semaphore_mem>>)
        %dma_wait3A_224 = tpu.memref_slice %arg2[%add3A_141] : memref<320000xi32, #tpu.memory_space<hbm>> -> memref<2000xi32, #tpu.memory_space<hbm>>
        %dma_wait3A_225 = tpu.memref_slice %arg2[%add3A_141] : memref<320000xi32, #tpu.memory_space<hbm>> -> memref<2000xi32, #tpu.memory_space<hbm>>
        tpu.wait_dma2 semaphore(%run_scoped3A : memref<!tpu.dma_semaphore, #tpu.memory_space<semaphore_mem>>) src(%dma_wait3A_225 : memref<2000xi32, #tpu.memory_space<hbm>>) dst(%arg7 : memref<2000xi32, #tpu.memory_space<vmem>>)
        tpu.yield
      }) : () -> ()
      %dma_start3A = arith.constant 0 : i32
      %dma_start3A_142 = tpu.memref_slice %arg7[%dma_start3A] : memref<2000xi32, #tpu.memory_space<vmem>> -> memref<80xi32, #tpu.memory_space<vmem>>
      %dma_start3A_143 = arith.constant 0 : i32
      %dma_start3A_144 = arith.constant 0 : i32
      %dma_start3A_145 = tpu.memref_slice %arg4[%dma_start3A_143, %dma_start3A_144] : memref<10001x128xf32, #tpu.memory_space<hbm>> -> memref<10001x128xf32, #tpu.memory_space<hbm>>
      tpu.enqueue_indirect_dma source(%dma_start3A_145 : memref<10001x128xf32, #tpu.memory_space<hbm>>) target(%arg11 : memref<80x128xf32, #tpu.memory_space<vmem>>) offsets(%dma_start3A_142 : memref<80xi32, #tpu.memory_space<vmem>>) semaphore(%arg16 : memref<!tpu.dma_semaphore, #tpu.memory_space<semaphore_mem>>)
      %scan3A_146 = arith.constant 0 : i32
      %scan3A_147 = arith.constant 0 : i32
      %scan3A_148 = arith.constant 12 : i32
      %scan3A_149 = arith.addi %scan3A_147, %scan3A_148 : i32
      %scan3A_150 = arith.constant 1 : i32
      %scan3A_151 = scf.for %scan3A_222 = %scan3A_147 to %scan3A_149 step %scan3A_150 iter_args(%scan3A_223 = %scan3A_146) -> (i32)  : i32 {
        %mul3A_224 = arith.constant 2 : i32
        %mul3A_225 = arith.muli %mul3A_224, %scan3A_222 : i32
        %add3A_226 = arith.constant 1 : i32
        %add3A_227 = arith.addi %mul3A_225, %add3A_226 : i32
        %mul3A_228 = arith.constant 80 : i32
        %mul3A_229 = arith.muli %add3A_227, %mul3A_228 : i32
        %dma_start3A_230 = tpu.memref_slice %arg7[%mul3A_229] : memref<2000xi32, #tpu.memory_space<vmem>> -> memref<80xi32, #tpu.memory_space<vmem>>
        %dma_start3A_231 = arith.constant 0 : i32
        %dma_start3A_232 = arith.constant 0 : i32
        %dma_start3A_233 = tpu.memref_slice %arg4[%dma_start3A_231, %dma_start3A_232] : memref<10001x128xf32, #tpu.memory_space<hbm>> -> memref<10001x128xf32, #tpu.memory_space<hbm>>
        tpu.enqueue_indirect_dma source(%dma_start3A_233 : memref<10001x128xf32, #tpu.memory_space<hbm>>) target(%arg12 : memref<80x128xf32, #tpu.memory_space<vmem>>) offsets(%dma_start3A_230 : memref<80xi32, #tpu.memory_space<vmem>>) semaphore(%arg17 : memref<!tpu.dma_semaphore, #tpu.memory_space<semaphore_mem>>)
        %mul3A_234 = arith.constant 2 : i32
        %mul3A_235 = arith.muli %mul3A_234, %scan3A_222 : i32
        %mul3A_236 = arith.constant 80 : i32
        %mul3A_237 = arith.muli %mul3A_235, %mul3A_236 : i32
        %dma_wait3A_238 = tpu.memref_slice %arg7[%mul3A_237] : memref<2000xi32, #tpu.memory_space<vmem>> -> memref<80xi32, #tpu.memory_space<vmem>>
        %dma_wait3A_239 = arith.constant 0 : i32
        %dma_wait3A_240 = arith.constant 0 : i32
        %dma_wait3A_241 = tpu.memref_slice %arg4[%dma_wait3A_239, %dma_wait3A_240] : memref<10001x128xf32, #tpu.memory_space<hbm>> -> memref<10001x128xf32, #tpu.memory_space<hbm>>
        tpu.wait_indirect_dma semaphore(%arg16 : memref<!tpu.dma_semaphore, #tpu.memory_space<semaphore_mem>>) src(%dma_wait3A_241 : memref<10001x128xf32, #tpu.memory_space<hbm>>) dst(%arg11 : memref<80x128xf32, #tpu.memory_space<vmem>>)
        %mul3A_242 = arith.constant 25 : i32
        %mul3A_243 = arith.muli %scan3A_137, %mul3A_242 : i32
        %add3A_244 = arith.addi %mul3A_243, %mul3A_235 : i32
        %mul3A_245 = arith.constant 80 : i32
        %mul3A_246 = arith.muli %add3A_244, %mul3A_245 : i32
        %add3A_247 = arith.addi %mul3A_93, %mul3A_246 : i32
        %add3A_248 = arith.constant 0 : i32
        %add3A_249 = arith.addi %add3A_247, %add3A_248 : i32
        %iota3A_250 = tpu.iota {dimensions = array<i32: 0>} : vector<16xi32>
        %add3A_251 = vector.broadcast %add3A_249 : i32 to vector<16xi32>
        %add3A_252 = arith.addi %add3A_251, %iota3A_250 : vector<16xi32>
        %shift_right_arithmetic3A_253 = arith.constant 5 : i32
        %shift_right_arithmetic3A_254 = vector.broadcast %shift_right_arithmetic3A_253 : i32 to vector<16xi32>
        %shift_right_arithmetic3A_255 = arith.shrsi %add3A_252, %shift_right_arithmetic3A_254 : vector<16xi32>
        %swap3A_256 = arith.constant 0 : index
        %swap3A_257 = tpu.vector_load %arg9[%swap3A_256] {strides = array<i32>} : memref<80xi32, #tpu.memory_space<vmem>>, vector<16xi32>,
        %swap3A_258 = vector.shape_cast %swap3A_257 : vector<16xi32> to vector<16xi32>
        %swap3A_259 = vector.shape_cast %shift_right_arithmetic3A_255 : vector<16xi32> to vector<16xi32>
        tpu.vector_store %arg9[%swap3A_256], %swap3A_259 {strides = array<i32>} : memref<80xi32, #tpu.memory_space<vmem>>, vector<16xi32>,
        %add3A_260 = arith.constant 16 : i32
        %add3A_261 = arith.addi %add3A_247, %add3A_260 : i32
        %iota3A_262 = tpu.iota {dimensions = array<i32: 0>} : vector<16xi32>
        %add3A_263 = vector.broadcast %add3A_261 : i32 to vector<16xi32>
        %add3A_264 = arith.addi %add3A_263, %iota3A_262 : vector<16xi32>
        %shift_right_arithmetic3A_265 = arith.constant 5 : i32
        %shift_right_arithmetic3A_266 = vector.broadcast %shift_right_arithmetic3A_265 : i32 to vector<16xi32>
        %shift_right_arithmetic3A_267 = arith.shrsi %add3A_264, %shift_right_arithmetic3A_266 : vector<16xi32>
        %swap3A_268 = arith.constant 16 : index
        %swap3A_269 = tpu.vector_load %arg9[%swap3A_268] {strides = array<i32>} : memref<80xi32, #tpu.memory_space<vmem>>, vector<16xi32>,
        %swap3A_270 = vector.shape_cast %swap3A_269 : vector<16xi32> to vector<16xi32>
        %swap3A_271 = vector.shape_cast %shift_right_arithmetic3A_267 : vector<16xi32> to vector<16xi32>
        tpu.vector_store %arg9[%swap3A_268], %swap3A_271 {strides = array<i32>} : memref<80xi32, #tpu.memory_space<vmem>>, vector<16xi32>,
        %add3A_272 = arith.constant 32 : i32
        %add3A_273 = arith.addi %add3A_247, %add3A_272 : i32
        %iota3A_274 = tpu.iota {dimensions = array<i32: 0>} : vector<16xi32>
        %add3A_275 = vector.broadcast %add3A_273 : i32 to vector<16xi32>
        %add3A_276 = arith.addi %add3A_275, %iota3A_274 : vector<16xi32>
        %shift_right_arithmetic3A_277 = arith.constant 5 : i32
        %shift_right_arithmetic3A_278 = vector.broadcast %shift_right_arithmetic3A_277 : i32 to vector<16xi32>
        %shift_right_arithmetic3A_279 = arith.shrsi %add3A_276, %shift_right_arithmetic3A_278 : vector<16xi32>
        %swap3A_280 = arith.constant 32 : index
        %swap3A_281 = tpu.vector_load %arg9[%swap3A_280] {strides = array<i32>} : memref<80xi32, #tpu.memory_space<vmem>>, vector<16xi32>,
        %swap3A_282 = vector.shape_cast %swap3A_281 : vector<16xi32> to vector<16xi32>
        %swap3A_283 = vector.shape_cast %shift_right_arithmetic3A_279 : vector<16xi32> to vector<16xi32>
        tpu.vector_store %arg9[%swap3A_280], %swap3A_283 {strides = array<i32>} : memref<80xi32, #tpu.memory_space<vmem>>, vector<16xi32>,
        %add3A_284 = arith.constant 48 : i32
        %add3A_285 = arith.addi %add3A_247, %add3A_284 : i32
        %iota3A_286 = tpu.iota {dimensions = array<i32: 0>} : vector<16xi32>
        %add3A_287 = vector.broadcast %add3A_285 : i32 to vector<16xi32>
        %add3A_288 = arith.addi %add3A_287, %iota3A_286 : vector<16xi32>
        %shift_right_arithmetic3A_289 = arith.constant 5 : i32
        %shift_right_arithmetic3A_290 = vector.broadcast %shift_right_arithmetic3A_289 : i32 to vector<16xi32>
        %shift_right_arithmetic3A_291 = arith.shrsi %add3A_288, %shift_right_arithmetic3A_290 : vector<16xi32>
        %swap3A_292 = arith.constant 48 : index
        %swap3A_293 = tpu.vector_load %arg9[%swap3A_292] {strides = array<i32>} : memref<80xi32, #tpu.memory_space<vmem>>, vector<16xi32>,
        %swap3A_294 = vector.shape_cast %swap3A_293 : vector<16xi32> to vector<16xi32>
        %swap3A_295 = vector.shape_cast %shift_right_arithmetic3A_291 : vector<16xi32> to vector<16xi32>
        tpu.vector_store %arg9[%swap3A_292], %swap3A_295 {strides = array<i32>} : memref<80xi32, #tpu.memory_space<vmem>>, vector<16xi32>,
        %add3A_296 = arith.constant 64 : i32
        %add3A_297 = arith.addi %add3A_247, %add3A_296 : i32
        %iota3A_298 = tpu.iota {dimensions = array<i32: 0>} : vector<16xi32>
        %add3A_299 = vector.broadcast %add3A_297 : i32 to vector<16xi32>
        %add3A_300 = arith.addi %add3A_299, %iota3A_298 : vector<16xi32>
        %shift_right_arithmetic3A_301 = arith.constant 5 : i32
        %shift_right_arithmetic3A_302 = vector.broadcast %shift_right_arithmetic3A_301 : i32 to vector<16xi32>
        %shift_right_arithmetic3A_303 = arith.shrsi %add3A_300, %shift_right_arithmetic3A_302 : vector<16xi32>
        %swap3A_304 = arith.constant 64 : index
        %swap3A_305 = tpu.vector_load %arg9[%swap3A_304] {strides = array<i32>} : memref<80xi32, #tpu.memory_space<vmem>>, vector<16xi32>,
        %swap3A_306 = vector.shape_cast %swap3A_305 : vector<16xi32> to vector<16xi32>
        %swap3A_307 = vector.shape_cast %shift_right_arithmetic3A_303 : vector<16xi32> to vector<16xi32>
        tpu.vector_store %arg9[%swap3A_304], %swap3A_307 {strides = array<i32>} : memref<80xi32, #tpu.memory_space<vmem>>, vector<16xi32>,
        "tpu.region"() ({
          %run_scoped3A = tpu.sem_alloc : memref<!tpu.dma_semaphore, #tpu.memory_space<semaphore_mem>>
          %dma_start3A_395 = arith.constant 0 : i32
          %dma_start3A_396 = arith.constant 0 : i32
          %dma_start3A_397 = tpu.memref_slice %arg14[%dma_start3A_395, %dma_start3A_396] : memref<5000x128xf32, #tpu.memory_space<vmem_shared>> -> memref<5000x128xf32, #tpu.memory_space<vmem_shared>>
          tpu.enqueue_indirect_dma source(%arg11 : memref<80x128xf32, #tpu.memory_space<vmem>>) target(%dma_start3A_397 : memref<5000x128xf32, #tpu.memory_space<vmem_shared>>) offsets(%arg9 : memref<80xi32, #tpu.memory_space<vmem>>) semaphore(%run_scoped3A : memref<!tpu.dma_semaphore, #tpu.memory_space<semaphore_mem>>) {add = true}
          %dma_wait3A_398 = arith.constant 0 : i32
          %dma_wait3A_399 = arith.constant 0 : i32
          %dma_wait3A_400 = tpu.memref_slice %arg14[%dma_wait3A_398, %dma_wait3A_399] : memref<5000x128xf32, #tpu.memory_space<vmem_shared>> -> memref<5000x128xf32, #tpu.memory_space<vmem_shared>>
          tpu.wait_indirect_dma semaphore(%run_scoped3A : memref<!tpu.dma_semaphore, #tpu.memory_space<semaphore_mem>>) src(%arg11 : memref<80x128xf32, #tpu.memory_space<vmem>>) dst(%dma_wait3A_400 : memref<5000x128xf32, #tpu.memory_space<vmem_shared>>)
          tpu.yield
        }) : () -> ()
        %mul3A_308 = arith.constant 2 : i32
        %mul3A_309 = arith.muli %mul3A_308, %scan3A_222 : i32
        %add3A_310 = arith.constant 2 : i32
        %add3A_311 = arith.addi %mul3A_309, %add3A_310 : i32
        %mul3A_312 = arith.constant 80 : i32
        %mul3A_313 = arith.muli %add3A_311, %mul3A_312 : i32
        %dma_start3A_314 = tpu.memref_slice %arg7[%mul3A_313] : memref<2000xi32, #tpu.memory_space<vmem>> -> memref<80xi32, #tpu.memory_space<vmem>>
        %dma_start3A_315 = arith.constant 0 : i32
        %dma_start3A_316 = arith.constant 0 : i32
        %dma_start3A_317 = tpu.memref_slice %arg4[%dma_start3A_315, %dma_start3A_316] : memref<10001x128xf32, #tpu.memory_space<hbm>> -> memref<10001x128xf32, #tpu.memory_space<hbm>>
        tpu.enqueue_indirect_dma source(%dma_start3A_317 : memref<10001x128xf32, #tpu.memory_space<hbm>>) target(%arg11 : memref<80x128xf32, #tpu.memory_space<vmem>>) offsets(%dma_start3A_314 : memref<80xi32, #tpu.memory_space<vmem>>) semaphore(%arg16 : memref<!tpu.dma_semaphore, #tpu.memory_space<semaphore_mem>>)
        %mul3A_318 = arith.constant 2 : i32
        %mul3A_319 = arith.muli %mul3A_318, %scan3A_222 : i32
        %add3A_320 = arith.constant 1 : i32
        %add3A_321 = arith.addi %mul3A_319, %add3A_320 : i32
        %mul3A_322 = arith.constant 80 : i32
        %mul3A_323 = arith.muli %add3A_321, %mul3A_322 : i32
        %dma_wait3A_324 = tpu.memref_slice %arg7[%mul3A_323] : memref<2000xi32, #tpu.memory_space<vmem>> -> memref<80xi32, #tpu.memory_space<vmem>>
        %dma_wait3A_325 = arith.constant 0 : i32
        %dma_wait3A_326 = arith.constant 0 : i32
        %dma_wait3A_327 = tpu.memref_slice %arg4[%dma_wait3A_325, %dma_wait3A_326] : memref<10001x128xf32, #tpu.memory_space<hbm>> -> memref<10001x128xf32, #tpu.memory_space<hbm>>
        tpu.wait_indirect_dma semaphore(%arg17 : memref<!tpu.dma_semaphore, #tpu.memory_space<semaphore_mem>>) src(%dma_wait3A_327 : memref<10001x128xf32, #tpu.memory_space<hbm>>) dst(%arg12 : memref<80x128xf32, #tpu.memory_space<vmem>>)
        %mul3A_328 = arith.constant 25 : i32
        %mul3A_329 = arith.muli %scan3A_137, %mul3A_328 : i32
        %add3A_330 = arith.addi %mul3A_329, %add3A_321 : i32
        %mul3A_331 = arith.constant 80 : i32
        %mul3A_332 = arith.muli %add3A_330, %mul3A_331 : i32
        %add3A_333 = arith.addi %mul3A_93, %mul3A_332 : i32
        %add3A_334 = arith.constant 0 : i32
        %add3A_335 = arith.addi %add3A_333, %add3A_334 : i32
        %iota3A_336 = tpu.iota {dimensions = array<i32: 0>} : vector<16xi32>
        %add3A_337 = vector.broadcast %add3A_335 : i32 to vector<16xi32>
        %add3A_338 = arith.addi %add3A_337, %iota3A_336 : vector<16xi32>
        %shift_right_arithmetic3A_339 = arith.constant 5 : i32
        %shift_right_arithmetic3A_340 = vector.broadcast %shift_right_arithmetic3A_339 : i32 to vector<16xi32>
        %shift_right_arithmetic3A_341 = arith.shrsi %add3A_338, %shift_right_arithmetic3A_340 : vector<16xi32>
        %swap3A_342 = arith.constant 0 : index
        %swap3A_343 = tpu.vector_load %arg9[%swap3A_342] {strides = array<i32>} : memref<80xi32, #tpu.memory_space<vmem>>, vector<16xi32>,
        %swap3A_344 = vector.shape_cast %swap3A_343 : vector<16xi32> to vector<16xi32>
        %swap3A_345 = vector.shape_cast %shift_right_arithmetic3A_341 : vector<16xi32> to vector<16xi32>
        tpu.vector_store %arg9[%swap3A_342], %swap3A_345 {strides = array<i32>} : memref<80xi32, #tpu.memory_space<vmem>>, vector<16xi32>,
        %add3A_346 = arith.constant 16 : i32
        %add3A_347 = arith.addi %add3A_333, %add3A_346 : i32
        %iota3A_348 = tpu.iota {dimensions = array<i32: 0>} : vector<16xi32>
        %add3A_349 = vector.broadcast %add3A_347 : i32 to vector<16xi32>
        %add3A_350 = arith.addi %add3A_349, %iota3A_348 : vector<16xi32>
        %shift_right_arithmetic3A_351 = arith.constant 5 : i32
        %shift_right_arithmetic3A_352 = vector.broadcast %shift_right_arithmetic3A_351 : i32 to vector<16xi32>
        %shift_right_arithmetic3A_353 = arith.shrsi %add3A_350, %shift_right_arithmetic3A_352 : vector<16xi32>
        %swap3A_354 = arith.constant 16 : index
        %swap3A_355 = tpu.vector_load %arg9[%swap3A_354] {strides = array<i32>} : memref<80xi32, #tpu.memory_space<vmem>>, vector<16xi32>,
        %swap3A_356 = vector.shape_cast %swap3A_355 : vector<16xi32> to vector<16xi32>
        %swap3A_357 = vector.shape_cast %shift_right_arithmetic3A_353 : vector<16xi32> to vector<16xi32>
        tpu.vector_store %arg9[%swap3A_354], %swap3A_357 {strides = array<i32>} : memref<80xi32, #tpu.memory_space<vmem>>, vector<16xi32>,
        %add3A_358 = arith.constant 32 : i32
        %add3A_359 = arith.addi %add3A_333, %add3A_358 : i32
        %iota3A_360 = tpu.iota {dimensions = array<i32: 0>} : vector<16xi32>
        %add3A_361 = vector.broadcast %add3A_359 : i32 to vector<16xi32>
        %add3A_362 = arith.addi %add3A_361, %iota3A_360 : vector<16xi32>
        %shift_right_arithmetic3A_363 = arith.constant 5 : i32
        %shift_right_arithmetic3A_364 = vector.broadcast %shift_right_arithmetic3A_363 : i32 to vector<16xi32>
        %shift_right_arithmetic3A_365 = arith.shrsi %add3A_362, %shift_right_arithmetic3A_364 : vector<16xi32>
        %swap3A_366 = arith.constant 32 : index
        %swap3A_367 = tpu.vector_load %arg9[%swap3A_366] {strides = array<i32>} : memref<80xi32, #tpu.memory_space<vmem>>, vector<16xi32>,
        %swap3A_368 = vector.shape_cast %swap3A_367 : vector<16xi32> to vector<16xi32>
        %swap3A_369 = vector.shape_cast %shift_right_arithmetic3A_365 : vector<16xi32> to vector<16xi32>
        tpu.vector_store %arg9[%swap3A_366], %swap3A_369 {strides = array<i32>} : memref<80xi32, #tpu.memory_space<vmem>>, vector<16xi32>,
        %add3A_370 = arith.constant 48 : i32
        %add3A_371 = arith.addi %add3A_333, %add3A_370 : i32
        %iota3A_372 = tpu.iota {dimensions = array<i32: 0>} : vector<16xi32>
        %add3A_373 = vector.broadcast %add3A_371 : i32 to vector<16xi32>
        %add3A_374 = arith.addi %add3A_373, %iota3A_372 : vector<16xi32>
        %shift_right_arithmetic3A_375 = arith.constant 5 : i32
        %shift_right_arithmetic3A_376 = vector.broadcast %shift_right_arithmetic3A_375 : i32 to vector<16xi32>
        %shift_right_arithmetic3A_377 = arith.shrsi %add3A_374, %shift_right_arithmetic3A_376 : vector<16xi32>
        %swap3A_378 = arith.constant 48 : index
        %swap3A_379 = tpu.vector_load %arg9[%swap3A_378] {strides = array<i32>} : memref<80xi32, #tpu.memory_space<vmem>>, vector<16xi32>,
        %swap3A_380 = vector.shape_cast %swap3A_379 : vector<16xi32> to vector<16xi32>
        %swap3A_381 = vector.shape_cast %shift_right_arithmetic3A_377 : vector<16xi32> to vector<16xi32>
        tpu.vector_store %arg9[%swap3A_378], %swap3A_381 {strides = array<i32>} : memref<80xi32, #tpu.memory_space<vmem>>, vector<16xi32>,
        %add3A_382 = arith.constant 64 : i32
        %add3A_383 = arith.addi %add3A_333, %add3A_382 : i32
        %iota3A_384 = tpu.iota {dimensions = array<i32: 0>} : vector<16xi32>
        %add3A_385 = vector.broadcast %add3A_383 : i32 to vector<16xi32>
        %add3A_386 = arith.addi %add3A_385, %iota3A_384 : vector<16xi32>
        %shift_right_arithmetic3A_387 = arith.constant 5 : i32
        %shift_right_arithmetic3A_388 = vector.broadcast %shift_right_arithmetic3A_387 : i32 to vector<16xi32>
        %shift_right_arithmetic3A_389 = arith.shrsi %add3A_386, %shift_right_arithmetic3A_388 : vector<16xi32>
        %swap3A_390 = arith.constant 64 : index
        %swap3A_391 = tpu.vector_load %arg9[%swap3A_390] {strides = array<i32>} : memref<80xi32, #tpu.memory_space<vmem>>, vector<16xi32>,
        %swap3A_392 = vector.shape_cast %swap3A_391 : vector<16xi32> to vector<16xi32>
        %swap3A_393 = vector.shape_cast %shift_right_arithmetic3A_389 : vector<16xi32> to vector<16xi32>
        tpu.vector_store %arg9[%swap3A_390], %swap3A_393 {strides = array<i32>} : memref<80xi32, #tpu.memory_space<vmem>>, vector<16xi32>,
        "tpu.region"() ({
          %run_scoped3A = tpu.sem_alloc : memref<!tpu.dma_semaphore, #tpu.memory_space<semaphore_mem>>
          %dma_start3A_395 = arith.constant 0 : i32
          %dma_start3A_396 = arith.constant 0 : i32
          %dma_start3A_397 = tpu.memref_slice %arg14[%dma_start3A_395, %dma_start3A_396] : memref<5000x128xf32, #tpu.memory_space<vmem_shared>> -> memref<5000x128xf32, #tpu.memory_space<vmem_shared>>
          tpu.enqueue_indirect_dma source(%arg12 : memref<80x128xf32, #tpu.memory_space<vmem>>) target(%dma_start3A_397 : memref<5000x128xf32, #tpu.memory_space<vmem_shared>>) offsets(%arg9 : memref<80xi32, #tpu.memory_space<vmem>>) semaphore(%run_scoped3A : memref<!tpu.dma_semaphore, #tpu.memory_space<semaphore_mem>>) {add = true}
          %dma_wait3A_398 = arith.constant 0 : i32
          %dma_wait3A_399 = arith.constant 0 : i32
          %dma_wait3A_400 = tpu.memref_slice %arg14[%dma_wait3A_398, %dma_wait3A_399] : memref<5000x128xf32, #tpu.memory_space<vmem_shared>> -> memref<5000x128xf32, #tpu.memory_space<vmem_shared>>
          tpu.wait_indirect_dma semaphore(%run_scoped3A : memref<!tpu.dma_semaphore, #tpu.memory_space<semaphore_mem>>) src(%arg12 : memref<80x128xf32, #tpu.memory_space<vmem>>) dst(%dma_wait3A_400 : memref<5000x128xf32, #tpu.memory_space<vmem_shared>>)
          tpu.yield
        }) : () -> ()
        %scan3A_394 = arith.constant 0 : i32
        scf.yield %scan3A_394 : i32
      }
      %scan3A_152 = arith.constant 12 : i32
      %dma_wait3A = arith.constant 1920 : i32
      %dma_wait3A_153 = tpu.memref_slice %arg7[%dma_wait3A] : memref<2000xi32, #tpu.memory_space<vmem>> -> memref<80xi32, #tpu.memory_space<vmem>>
      %dma_wait3A_154 = arith.constant 0 : i32
      %dma_wait3A_155 = arith.constant 0 : i32
      %dma_wait3A_156 = tpu.memref_slice %arg4[%dma_wait3A_154, %dma_wait3A_155] : memref<10001x128xf32, #tpu.memory_space<hbm>> -> memref<10001x128xf32, #tpu.memory_space<hbm>>
      tpu.wait_indirect_dma semaphore(%arg16 : memref<!tpu.dma_semaphore, #tpu.memory_space<semaphore_mem>>) src(%dma_wait3A_156 : memref<10001x128xf32, #tpu.memory_space<hbm>>) dst(%arg11 : memref<80x128xf32, #tpu.memory_space<vmem>>)
      %mul3A_157 = arith.constant 25 : i32
      %mul3A_158 = arith.muli %scan3A_137, %mul3A_157 : i32
      %add3A_159 = arith.constant 24 : i32
      %add3A_160 = arith.addi %mul3A_158, %add3A_159 : i32
      %mul3A_161 = arith.constant 80 : i32
      %mul3A_162 = arith.muli %add3A_160, %mul3A_161 : i32
      %add3A_163 = arith.addi %mul3A_93, %mul3A_162 : i32
      %add3A_164 = arith.constant 0 : i32
      %add3A_165 = arith.addi %add3A_163, %add3A_164 : i32
      %iota3A = tpu.iota {dimensions = array<i32: 0>} : vector<16xi32>
      %add3A_166 = vector.broadcast %add3A_165 : i32 to vector<16xi32>
      %add3A_167 = arith.addi %add3A_166, %iota3A : vector<16xi32>
      %shift_right_arithmetic3A = arith.constant 5 : i32
      %shift_right_arithmetic3A_168 = vector.broadcast %shift_right_arithmetic3A : i32 to vector<16xi32>
      %shift_right_arithmetic3A_169 = arith.shrsi %add3A_167, %shift_right_arithmetic3A_168 : vector<16xi32>
      %swap3A = arith.constant 0 : index
      %swap3A_170 = tpu.vector_load %arg9[%swap3A] {strides = array<i32>} : memref<80xi32, #tpu.memory_space<vmem>>, vector<16xi32>,
      %swap3A_171 = vector.shape_cast %swap3A_170 : vector<16xi32> to vector<16xi32>
      %swap3A_172 = vector.shape_cast %shift_right_arithmetic3A_169 : vector<16xi32> to vector<16xi32>
      tpu.vector_store %arg9[%swap3A], %swap3A_172 {strides = array<i32>} : memref<80xi32, #tpu.memory_space<vmem>>, vector<16xi32>,
      %add3A_173 = arith.constant 16 : i32
      %add3A_174 = arith.addi %add3A_163, %add3A_173 : i32
      %iota3A_175 = tpu.iota {dimensions = array<i32: 0>} : vector<16xi32>
      %add3A_176 = vector.broadcast %add3A_174 : i32 to vector<16xi32>
      %add3A_177 = arith.addi %add3A_176, %iota3A_175 : vector<16xi32>
      %shift_right_arithmetic3A_178 = arith.constant 5 : i32
      %shift_right_arithmetic3A_179 = vector.broadcast %shift_right_arithmetic3A_178 : i32 to vector<16xi32>
      %shift_right_arithmetic3A_180 = arith.shrsi %add3A_177, %shift_right_arithmetic3A_179 : vector<16xi32>
      %swap3A_181 = arith.constant 16 : index
      %swap3A_182 = tpu.vector_load %arg9[%swap3A_181] {strides = array<i32>} : memref<80xi32, #tpu.memory_space<vmem>>, vector<16xi32>,
      %swap3A_183 = vector.shape_cast %swap3A_182 : vector<16xi32> to vector<16xi32>
      %swap3A_184 = vector.shape_cast %shift_right_arithmetic3A_180 : vector<16xi32> to vector<16xi32>
      tpu.vector_store %arg9[%swap3A_181], %swap3A_184 {strides = array<i32>} : memref<80xi32, #tpu.memory_space<vmem>>, vector<16xi32>,
      %add3A_185 = arith.constant 32 : i32
      %add3A_186 = arith.addi %add3A_163, %add3A_185 : i32
      %iota3A_187 = tpu.iota {dimensions = array<i32: 0>} : vector<16xi32>
      %add3A_188 = vector.broadcast %add3A_186 : i32 to vector<16xi32>
      %add3A_189 = arith.addi %add3A_188, %iota3A_187 : vector<16xi32>
      %shift_right_arithmetic3A_190 = arith.constant 5 : i32
      %shift_right_arithmetic3A_191 = vector.broadcast %shift_right_arithmetic3A_190 : i32 to vector<16xi32>
      %shift_right_arithmetic3A_192 = arith.shrsi %add3A_189, %shift_right_arithmetic3A_191 : vector<16xi32>
      %swap3A_193 = arith.constant 32 : index
      %swap3A_194 = tpu.vector_load %arg9[%swap3A_193] {strides = array<i32>} : memref<80xi32, #tpu.memory_space<vmem>>, vector<16xi32>,
      %swap3A_195 = vector.shape_cast %swap3A_194 : vector<16xi32> to vector<16xi32>
      %swap3A_196 = vector.shape_cast %shift_right_arithmetic3A_192 : vector<16xi32> to vector<16xi32>
      tpu.vector_store %arg9[%swap3A_193], %swap3A_196 {strides = array<i32>} : memref<80xi32, #tpu.memory_space<vmem>>, vector<16xi32>,
      %add3A_197 = arith.constant 48 : i32
      %add3A_198 = arith.addi %add3A_163, %add3A_197 : i32
      %iota3A_199 = tpu.iota {dimensions = array<i32: 0>} : vector<16xi32>
      %add3A_200 = vector.broadcast %add3A_198 : i32 to vector<16xi32>
      %add3A_201 = arith.addi %add3A_200, %iota3A_199 : vector<16xi32>
      %shift_right_arithmetic3A_202 = arith.constant 5 : i32
      %shift_right_arithmetic3A_203 = vector.broadcast %shift_right_arithmetic3A_202 : i32 to vector<16xi32>
      %shift_right_arithmetic3A_204 = arith.shrsi %add3A_201, %shift_right_arithmetic3A_203 : vector<16xi32>
      %swap3A_205 = arith.constant 48 : index
      %swap3A_206 = tpu.vector_load %arg9[%swap3A_205] {strides = array<i32>} : memref<80xi32, #tpu.memory_space<vmem>>, vector<16xi32>,
      %swap3A_207 = vector.shape_cast %swap3A_206 : vector<16xi32> to vector<16xi32>
      %swap3A_208 = vector.shape_cast %shift_right_arithmetic3A_204 : vector<16xi32> to vector<16xi32>
      tpu.vector_store %arg9[%swap3A_205], %swap3A_208 {strides = array<i32>} : memref<80xi32, #tpu.memory_space<vmem>>, vector<16xi32>,
      %add3A_209 = arith.constant 64 : i32
      %add3A_210 = arith.addi %add3A_163, %add3A_209 : i32
      %iota3A_211 = tpu.iota {dimensions = array<i32: 0>} : vector<16xi32>
      %add3A_212 = vector.broadcast %add3A_210 : i32 to vector<16xi32>
      %add3A_213 = arith.addi %add3A_212, %iota3A_211 : vector<16xi32>
      %shift_right_arithmetic3A_214 = arith.constant 5 : i32
      %shift_right_arithmetic3A_215 = vector.broadcast %shift_right_arithmetic3A_214 : i32 to vector<16xi32>
      %shift_right_arithmetic3A_216 = arith.shrsi %add3A_213, %shift_right_arithmetic3A_215 : vector<16xi32>
      %swap3A_217 = arith.constant 64 : index
      %swap3A_218 = tpu.vector_load %arg9[%swap3A_217] {strides = array<i32>} : memref<80xi32, #tpu.memory_space<vmem>>, vector<16xi32>,
      %swap3A_219 = vector.shape_cast %swap3A_218 : vector<16xi32> to vector<16xi32>
      %swap3A_220 = vector.shape_cast %shift_right_arithmetic3A_216 : vector<16xi32> to vector<16xi32>
      tpu.vector_store %arg9[%swap3A_217], %swap3A_220 {strides = array<i32>} : memref<80xi32, #tpu.memory_space<vmem>>, vector<16xi32>,
      "tpu.region"() ({
        %run_scoped3A = tpu.sem_alloc : memref<!tpu.dma_semaphore, #tpu.memory_space<semaphore_mem>>
        %dma_start3A_222 = arith.constant 0 : i32
        %dma_start3A_223 = arith.constant 0 : i32
        %dma_start3A_224 = tpu.memref_slice %arg14[%dma_start3A_222, %dma_start3A_223] : memref<5000x128xf32, #tpu.memory_space<vmem_shared>> -> memref<5000x128xf32, #tpu.memory_space<vmem_shared>>
        tpu.enqueue_indirect_dma source(%arg11 : memref<80x128xf32, #tpu.memory_space<vmem>>) target(%dma_start3A_224 : memref<5000x128xf32, #tpu.memory_space<vmem_shared>>) offsets(%arg9 : memref<80xi32, #tpu.memory_space<vmem>>) semaphore(%run_scoped3A : memref<!tpu.dma_semaphore, #tpu.memory_space<semaphore_mem>>) {add = true}
        %dma_wait3A_225 = arith.constant 0 : i32
        %dma_wait3A_226 = arith.constant 0 : i32
        %dma_wait3A_227 = tpu.memref_slice %arg14[%dma_wait3A_225, %dma_wait3A_226] : memref<5000x128xf32, #tpu.memory_space<vmem_shared>> -> memref<5000x128xf32, #tpu.memory_space<vmem_shared>>
        tpu.wait_indirect_dma semaphore(%run_scoped3A : memref<!tpu.dma_semaphore, #tpu.memory_space<semaphore_mem>>) src(%arg11 : memref<80x128xf32, #tpu.memory_space<vmem>>) dst(%dma_wait3A_227 : memref<5000x128xf32, #tpu.memory_space<vmem_shared>>)
        tpu.yield
      }) : () -> ()
      %scan3A_221 = arith.constant 0 : i32
      scf.yield %scan3A_221 : i32
    }
    %scan3A_105 = arith.constant 5 : i32
    %scan3A_106 = arith.constant 0 : i32
    %scan3A_107 = arith.constant 0 : i32
    %scan3A_108 = arith.constant 5 : i32
    %scan3A_109 = arith.addi %scan3A_107, %scan3A_108 : i32
    %scan3A_110 = arith.constant 1 : i32
    %scan3A_111 = scf.for %scan3A_137 = %scan3A_107 to %scan3A_109 step %scan3A_110 iter_args(%scan3A_138 = %scan3A_106) -> (i32)  : i32 {
      %mul3A_139 = arith.constant 16 : i32
      %mul3A_140 = arith.muli %arg0, %mul3A_139 : i32
      %add3A_141 = arith.addi %mul3A_140, %arg1 : i32
      %mul3A_142 = arith.constant 5 : i32
      %mul3A_143 = arith.muli %add3A_141, %mul3A_142 : i32
      %add3A_144 = arith.addi %mul3A_143, %scan3A_137 : i32
      "tpu.region"() ({
        %run_scoped3A = tpu.sem_alloc : memref<!tpu.dma_semaphore, #tpu.memory_space<semaphore_mem>>
        %dma_start3A = arith.constant 0 : i32
        %dma_start3A_160 = arith.constant 0 : i32
        %dma_start3A_161 = tpu.memref_slice %arg3[%add3A_144, %dma_start3A, %dma_start3A_160] : memref<160x25x80xi32, #tpu.memory_space<hbm>> -> memref<1x25x80xi32, #tpu.memory_space<hbm>>
        %dma_start3A_162 = tpu.memref_squeeze %dma_start3A_161 : memref<1x25x80xi32, #tpu.memory_space<hbm>> -> memref<25x80xi32, #tpu.memory_space<hbm>>
        %dma_start3A_163 = arith.constant 0 : i32
        %dma_start3A_164 = arith.constant 0 : i32
        %dma_start3A_165 = tpu.memref_slice %arg3[%add3A_144, %dma_start3A_163, %dma_start3A_164] : memref<160x25x80xi32, #tpu.memory_space<hbm>> -> memref<1x25x80xi32, #tpu.memory_space<hbm>>
        %dma_start3A_166 = tpu.memref_squeeze %dma_start3A_165 : memref<1x25x80xi32, #tpu.memory_space<hbm>> -> memref<25x80xi32, #tpu.memory_space<hbm>>
        tpu.enqueue_dma source(%dma_start3A_166 : memref<25x80xi32, #tpu.memory_space<hbm>>) target(%arg8 : memref<25x80xi32, #tpu.memory_space<vmem>>) target_semaphore(%run_scoped3A : memref<!tpu.dma_semaphore, #tpu.memory_space<semaphore_mem>>)
        %dma_wait3A = arith.constant 0 : i32
        %dma_wait3A_167 = arith.constant 0 : i32
        %dma_wait3A_168 = tpu.memref_slice %arg3[%add3A_144, %dma_wait3A, %dma_wait3A_167] : memref<160x25x80xi32, #tpu.memory_space<hbm>> -> memref<1x25x80xi32, #tpu.memory_space<hbm>>
        %dma_wait3A_169 = tpu.memref_squeeze %dma_wait3A_168 : memref<1x25x80xi32, #tpu.memory_space<hbm>> -> memref<25x80xi32, #tpu.memory_space<hbm>>
        %dma_wait3A_170 = arith.constant 0 : i32
        %dma_wait3A_171 = arith.constant 0 : i32
        %dma_wait3A_172 = tpu.memref_slice %arg3[%add3A_144, %dma_wait3A_170, %dma_wait3A_171] : memref<160x25x80xi32, #tpu.memory_space<hbm>> -> memref<1x25x80xi32, #tpu.memory_space<hbm>>
        %dma_wait3A_173 = tpu.memref_squeeze %dma_wait3A_172 : memref<1x25x80xi32, #tpu.memory_space<hbm>> -> memref<25x80xi32, #tpu.memory_space<hbm>>
        tpu.wait_dma2 semaphore(%run_scoped3A : memref<!tpu.dma_semaphore, #tpu.memory_space<semaphore_mem>>) src(%dma_wait3A_173 : memref<25x80xi32, #tpu.memory_space<hbm>>) dst(%arg8 : memref<25x80xi32, #tpu.memory_space<vmem>>)
        tpu.yield
      }) : () -> ()
      %scan3A_145 = arith.constant 0 : i32
      %scan3A_146 = arith.constant 0 : i32
      %scan3A_147 = arith.constant 25 : i32
      %scan3A_148 = arith.addi %scan3A_146, %scan3A_147 : i32
      %scan3A_149 = arith.constant 1 : i32
      %scan3A_150 = scf.for %scan3A_160 = %scan3A_146 to %scan3A_148 step %scan3A_149 iter_args(%scan3A_161 = %scan3A_145) -> (i32)  : i32 {
        %dma_start3A = arith.constant 0 : i32
        %dma_start3A_162 = tpu.memref_slice %arg8[%scan3A_160, %dma_start3A] : memref<25x80xi32, #tpu.memory_space<vmem>> -> memref<1x80xi32, #tpu.memory_space<vmem>>
        %dma_start3A_163 = tpu.memref_squeeze %dma_start3A_162 : memref<1x80xi32, #tpu.memory_space<vmem>> -> memref<80xi32, #tpu.memory_space<vmem>>
        %dma_start3A_164 = arith.constant 0 : i32
        %dma_start3A_165 = tpu.memref_slice %arg15[%dma_start3A_164] : memref<10000xf32, #tpu.memory_space<vmem_shared>> -> memref<10000xf32, #tpu.memory_space<vmem_shared>>
        tpu.enqueue_indirect_dma source(%arg10 : memref<80xf32, #tpu.memory_space<vmem>>) target(%dma_start3A_165 : memref<10000xf32, #tpu.memory_space<vmem_shared>>) offsets(%dma_start3A_163 : memref<80xi32, #tpu.memory_space<vmem>>) semaphore(%arg16 : memref<!tpu.dma_semaphore, #tpu.memory_space<semaphore_mem>>) {add = true}
        %scan3A_166 = arith.constant 0 : i32
        scf.yield %scan3A_166 : i32
      }
      %scan3A_151 = arith.constant 25 : i32
      %scan3A_152 = arith.constant 0 : i32
      %scan3A_153 = arith.constant 0 : i32
      %scan3A_154 = arith.constant 25 : i32
      %scan3A_155 = arith.addi %scan3A_153, %scan3A_154 : i32
      %scan3A_156 = arith.constant 1 : i32
      %scan3A_157 = scf.for %scan3A_160 = %scan3A_153 to %scan3A_155 step %scan3A_156 iter_args(%scan3A_161 = %scan3A_152) -> (i32)  : i32 {
        %dma_wait3A = arith.constant 0 : i32
        %dma_wait3A_162 = tpu.memref_slice %arg8[%scan3A_160, %dma_wait3A] : memref<25x80xi32, #tpu.memory_space<vmem>> -> memref<1x80xi32, #tpu.memory_space<vmem>>
        %dma_wait3A_163 = tpu.memref_squeeze %dma_wait3A_162 : memref<1x80xi32, #tpu.memory_space<vmem>> -> memref<80xi32, #tpu.memory_space<vmem>>
        %dma_wait3A_164 = arith.constant 0 : i32
        %dma_wait3A_165 = tpu.memref_slice %arg15[%dma_wait3A_164] : memref<10000xf32, #tpu.memory_space<vmem_shared>> -> memref<10000xf32, #tpu.memory_space<vmem_shared>>
        tpu.wait_indirect_dma semaphore(%arg16 : memref<!tpu.dma_semaphore, #tpu.memory_space<semaphore_mem>>) src(%arg10 : memref<80xf32, #tpu.memory_space<vmem>>) dst(%dma_wait3A_165 : memref<10000xf32, #tpu.memory_space<vmem_shared>>)
        %scan3A_166 = arith.constant 0 : i32
        scf.yield %scan3A_166 : i32
      }
      %scan3A_158 = arith.constant 25 : i32
      %scan3A_159 = arith.constant 0 : i32
      scf.yield %scan3A_159 : i32
    }
    %scan3A_112 = arith.constant 5 : i32
    %barrier3A_113 = arith.constant 0 : index
    tpu.barrier barrier_id(%barrier3A_113)
    %mul3A_114 = arith.constant 2 : i32
    %mul3A_115 = arith.muli %arg1, %mul3A_114 : i32
    %add3A_116 = arith.constant 0 : i32
    %add3A_117 = arith.addi %mul3A_115, %add3A_116 : i32
    %lt3A_118 = arith.constant 25 : i32
    %lt3A_119 = arith.cmpi slt, %add3A_117, %lt3A_118 : i32
    %convert_element_type3A_120 = arith.extui %lt3A_119 : i1 to i32
    %cond3A_121 = arith.constant 0 : i32
    %cond3A_122 = arith.cmpi ne, %convert_element_type3A_120, %cond3A_121 : i32
    scf.if %cond3A_122 {
      %mul3A_137 = arith.constant 200 : i32
      %mul3A_138 = arith.muli %add3A_117, %mul3A_137 : i32
      %mul3A_139 = arith.constant 5000 : i32
      %mul3A_140 = arith.muli %arg0, %mul3A_139 : i32
      %mul3A_141 = arith.constant 200 : i32
      %mul3A_142 = arith.muli %add3A_117, %mul3A_141 : i32
      %add3A_143 = arith.addi %mul3A_140, %mul3A_142 : i32
      "tpu.region"() ({
        %run_scoped3A = tpu.sem_alloc : memref<!tpu.dma_semaphore, #tpu.memory_space<semaphore_mem>>
        %dma_start3A = arith.constant 0 : i32
        %dma_start3A_144 = tpu.memref_slice %arg5[%add3A_143, %dma_start3A] : memref<10000x128xf32, #tpu.memory_space<hbm>> -> memref<200x128xf32, #tpu.memory_space<hbm>>
        %dma_start3A_145 = arith.constant 0 : i32
        %dma_start3A_146 = tpu.memref_slice %arg14[%mul3A_138, %dma_start3A_145] : memref<5000x128xf32, #tpu.memory_space<vmem_shared>> -> memref<200x128xf32, #tpu.memory_space<vmem_shared>>
        tpu.enqueue_dma source(%dma_start3A_146 : memref<200x128xf32, #tpu.memory_space<vmem_shared>>) target(%dma_start3A_144 : memref<200x128xf32, #tpu.memory_space<hbm>>) target_semaphore(%run_scoped3A : memref<!tpu.dma_semaphore, #tpu.memory_space<semaphore_mem>>)
        %dma_wait3A = arith.constant 0 : i32
        %dma_wait3A_147 = tpu.memref_slice %arg5[%add3A_143, %dma_wait3A] : memref<10000x128xf32, #tpu.memory_space<hbm>> -> memref<200x128xf32, #tpu.memory_space<hbm>>
        %dma_wait3A_148 = arith.constant 0 : i32
        %dma_wait3A_149 = tpu.memref_slice %arg14[%mul3A_138, %dma_wait3A_148] : memref<5000x128xf32, #tpu.memory_space<vmem_shared>> -> memref<200x128xf32, #tpu.memory_space<vmem_shared>>
        tpu.wait_dma2 semaphore(%run_scoped3A : memref<!tpu.dma_semaphore, #tpu.memory_space<semaphore_mem>>) src(%dma_wait3A_149 : memref<200x128xf32, #tpu.memory_space<vmem_shared>>) dst(%dma_wait3A_147 : memref<200x128xf32, #tpu.memory_space<hbm>>)
        tpu.yield
      }) : () -> ()
    } else {
    }
    %mul3A_123 = arith.constant 2 : i32
    %mul3A_124 = arith.muli %arg1, %mul3A_123 : i32
    %add3A_125 = arith.constant 1 : i32
    %add3A_126 = arith.addi %mul3A_124, %add3A_125 : i32
    %lt3A_127 = arith.constant 25 : i32
    %lt3A_128 = arith.cmpi slt, %add3A_126, %lt3A_127 : i32
    %convert_element_type3A_129 = arith.extui %lt3A_128 : i1 to i32
    %cond3A_130 = arith.constant 0 : i32
    %cond3A_131 = arith.cmpi ne, %convert_element_type3A_129, %cond3A_130 : i32
    scf.if %cond3A_131 {
      %mul3A_137 = arith.constant 200 : i32
      %mul3A_138 = arith.muli %add3A_126, %mul3A_137 : i32
      %mul3A_139 = arith.constant 5000 : i32
      %mul3A_140 = arith.muli %arg0, %mul3A_139 : i32
      %mul3A_141 = arith.constant 200 : i32
      %mul3A_142 = arith.muli %add3A_126, %mul3A_141 : i32
      %add3A_143 = arith.addi %mul3A_140, %mul3A_142 : i32
      "tpu.region"() ({
        %run_scoped3A = tpu.sem_alloc : memref<!tpu.dma_semaphore, #tpu.memory_space<semaphore_mem>>
        %dma_start3A = arith.constant 0 : i32
        %dma_start3A_144 = tpu.memref_slice %arg5[%add3A_143, %dma_start3A] : memref<10000x128xf32, #tpu.memory_space<hbm>> -> memref<200x128xf32, #tpu.memory_space<hbm>>
        %dma_start3A_145 = arith.constant 0 : i32
        %dma_start3A_146 = tpu.memref_slice %arg14[%mul3A_138, %dma_start3A_145] : memref<5000x128xf32, #tpu.memory_space<vmem_shared>> -> memref<200x128xf32, #tpu.memory_space<vmem_shared>>
        tpu.enqueue_dma source(%dma_start3A_146 : memref<200x128xf32, #tpu.memory_space<vmem_shared>>) target(%dma_start3A_144 : memref<200x128xf32, #tpu.memory_space<hbm>>) target_semaphore(%run_scoped3A : memref<!tpu.dma_semaphore, #tpu.memory_space<semaphore_mem>>)
        %dma_wait3A = arith.constant 0 : i32
        %dma_wait3A_147 = tpu.memref_slice %arg5[%add3A_143, %dma_wait3A] : memref<10000x128xf32, #tpu.memory_space<hbm>> -> memref<200x128xf32, #tpu.memory_space<hbm>>
        %dma_wait3A_148 = arith.constant 0 : i32
        %dma_wait3A_149 = tpu.memref_slice %arg14[%mul3A_138, %dma_wait3A_148] : memref<5000x128xf32, #tpu.memory_space<vmem_shared>> -> memref<200x128xf32, #tpu.memory_space<vmem_shared>>
        tpu.wait_dma2 semaphore(%run_scoped3A : memref<!tpu.dma_semaphore, #tpu.memory_space<semaphore_mem>>) src(%dma_wait3A_149 : memref<200x128xf32, #tpu.memory_space<vmem_shared>>) dst(%dma_wait3A_147 : memref<200x128xf32, #tpu.memory_space<hbm>>)
        tpu.yield
      }) : () -> ()
    } else {
    }
    %lt3A_132 = arith.constant 5 : i32
    %lt3A_133 = arith.cmpi slt, %arg1, %lt3A_132 : i32
    %convert_element_type3A_134 = arith.extui %lt3A_133 : i1 to i32
    %cond3A_135 = arith.constant 0 : i32
    %cond3A_136 = arith.cmpi ne, %convert_element_type3A_134, %cond3A_135 : i32
    scf.if %cond3A_136 {
      %mul3A_137 = arith.constant 2000 : i32
      %mul3A_138 = arith.muli %arg1, %mul3A_137 : i32
      "tpu.region"() ({
        %run_scoped3A = tpu.sem_alloc : memref<!tpu.dma_semaphore, #tpu.memory_space<semaphore_mem>>
        %dma_start3A = tpu.memref_slice %arg15[%mul3A_138] : memref<10000xf32, #tpu.memory_space<vmem_shared>> -> memref<2000xf32, #tpu.memory_space<vmem_shared>>
        %dma_start3A_144 = tpu.memref_slice %arg15[%mul3A_138] : memref<10000xf32, #tpu.memory_space<vmem_shared>> -> memref<2000xf32, #tpu.memory_space<vmem_shared>>
        tpu.enqueue_dma source(%dma_start3A_144 : memref<2000xf32, #tpu.memory_space<vmem_shared>>) target(%arg13 : memref<2000xf32, #tpu.memory_space<vmem>>) target_semaphore(%run_scoped3A : memref<!tpu.dma_semaphore, #tpu.memory_space<semaphore_mem>>)
        %dma_wait3A = tpu.memref_slice %arg15[%mul3A_138] : memref<10000xf32, #tpu.memory_space<vmem_shared>> -> memref<2000xf32, #tpu.memory_space<vmem_shared>>
        %dma_wait3A_145 = tpu.memref_slice %arg15[%mul3A_138] : memref<10000xf32, #tpu.memory_space<vmem_shared>> -> memref<2000xf32, #tpu.memory_space<vmem_shared>>
        tpu.wait_dma2 semaphore(%run_scoped3A : memref<!tpu.dma_semaphore, #tpu.memory_space<semaphore_mem>>) src(%dma_wait3A_145 : memref<2000xf32, #tpu.memory_space<vmem_shared>>) dst(%arg13 : memref<2000xf32, #tpu.memory_space<vmem>>)
        tpu.yield
      }) : () -> ()
      %mul3A_139 = arith.constant 10000 : i32
      %mul3A_140 = arith.muli %arg0, %mul3A_139 : i32
      %mul3A_141 = arith.constant 2000 : i32
      %mul3A_142 = arith.muli %arg1, %mul3A_141 : i32
      %add3A_143 = arith.addi %mul3A_140, %mul3A_142 : i32
      "tpu.region"() ({
        %run_scoped3A = tpu.sem_alloc : memref<!tpu.dma_semaphore, #tpu.memory_space<semaphore_mem>>
        %dma_start3A = tpu.memref_slice %arg6[%add3A_143] : memref<20000xf32, #tpu.memory_space<hbm>> -> memref<2000xf32, #tpu.memory_space<hbm>>
        %dma_start3A_144 = tpu.memref_slice %arg6[%add3A_143] : memref<20000xf32, #tpu.memory_space<hbm>> -> memref<2000xf32, #tpu.memory_space<hbm>>
        tpu.enqueue_dma source(%arg13 : memref<2000xf32, #tpu.memory_space<vmem>>) target(%dma_start3A_144 : memref<2000xf32, #tpu.memory_space<hbm>>) target_semaphore(%run_scoped3A : memref<!tpu.dma_semaphore, #tpu.memory_space<semaphore_mem>>)
        %dma_wait3A = tpu.memref_slice %arg6[%add3A_143] : memref<20000xf32, #tpu.memory_space<hbm>> -> memref<2000xf32, #tpu.memory_space<hbm>>
        %dma_wait3A_145 = tpu.memref_slice %arg6[%add3A_143] : memref<20000xf32, #tpu.memory_space<hbm>> -> memref<2000xf32, #tpu.memory_space<hbm>>
        tpu.wait_dma2 semaphore(%run_scoped3A : memref<!tpu.dma_semaphore, #tpu.memory_space<semaphore_mem>>) src(%arg13 : memref<2000xf32, #tpu.memory_space<vmem>>) dst(%dma_wait3A_145 : memref<2000xf32, #tpu.memory_space<hbm>>)
        tpu.yield
      }) : () -> ()
    } else {
    }
    return
  }
}

#map = affine_map<(d0, d1) -> (0, 0, 0, 0)>
#map1 = affine_map<(d0, d1) -> (0, 0, 0)>
module attributes {stable_mosaic.version = 14 : i64} {
  func.func @_sc_prop(%arg0: i32, %arg1: i32, %arg2: memref<16x8x20x125xi32, #tpu.memory_space<hbm>>, %arg3: memref<16x8x20x125xi32, #tpu.memory_space<hbm>>, %arg4: memref<2x10000x128xf32, #tpu.memory_space<hbm>>, %arg5: memref<2x10000x128xf32, #tpu.memory_space<hbm>>, %arg6: memref<2x20x125xi32, #tpu.memory_space<vmem>>, %arg7: memref<2x20x125xi32, #tpu.memory_space<vmem>>, %arg8: memref<125x128xf32, #tpu.memory_space<vmem>>, %arg9: memref<125x128xf32, #tpu.memory_space<vmem>>, %arg10: memref<10000x128xf32, #tpu.memory_space<vmem_shared>>, %arg11: memref<!tpu.dma_semaphore, #tpu.memory_space<semaphore_mem>>, %arg12: memref<!tpu.dma_semaphore, #tpu.memory_space<semaphore_mem>>, %arg13: memref<!tpu.dma_semaphore, #tpu.memory_space<semaphore_mem>>) attributes {dimension_semantics = [#tpu.dimension_semantics<core_parallel>, #tpu.dimension_semantics<subcore_parallel>], iteration_bounds = array<i64: 2, 16>, scalar_prefetch = 0 : i64, scratch_operands = 8 : i64, tpu.core_type = #tpu.core_type<sc_vector_subcore>, window_params = [{transform_indices = #map}, {transform_indices = #map}, {transform_indices = #map1}, {transform_indices = #map1}]} {
    %scan3A = arith.constant 0 : i32
    %scan3A_0 = arith.constant 0 : i32
    %scan3A_1 = arith.constant 125 : i32
    %scan3A_2 = arith.addi %scan3A_0, %scan3A_1 : i32
    %scan3A_3 = arith.constant 1 : i32
    %scan3A_4 = scf.for %scan3A_172 = %scan3A_0 to %scan3A_2 step %scan3A_3 iter_args(%scan3A_173 = %scan3A) -> (i32)  : i32 {
      %broadcast_in_dim3A = arith.constant 0.000000e+00 : f32
      %broadcast_in_dim3A_174 = vector.broadcast %broadcast_in_dim3A : f32 to vector<16xf32>
      %swap3A = arith.index_cast %scan3A_172 : i32 to index
      %swap3A_175 = arith.constant 0 : index
      %swap3A_176 = tpu.vector_load %arg8[%swap3A, %swap3A_175] {strides = array<i32>} : memref<125x128xf32, #tpu.memory_space<vmem>>, vector<1x16xf32>,
      %swap3A_177 = vector.shape_cast %swap3A_176 : vector<1x16xf32> to vector<16xf32>
      %swap3A_178 = vector.shape_cast %broadcast_in_dim3A_174 : vector<16xf32> to vector<1x16xf32>
      tpu.vector_store %arg8[%swap3A, %swap3A_175], %swap3A_178 {strides = array<i32>} : memref<125x128xf32, #tpu.memory_space<vmem>>, vector<1x16xf32>,
      %broadcast_in_dim3A_179 = arith.constant 0.000000e+00 : f32
      %broadcast_in_dim3A_180 = vector.broadcast %broadcast_in_dim3A_179 : f32 to vector<16xf32>
      %swap3A_181 = arith.index_cast %scan3A_172 : i32 to index
      %swap3A_182 = arith.constant 16 : index
      %swap3A_183 = tpu.vector_load %arg8[%swap3A_181, %swap3A_182] {strides = array<i32>} : memref<125x128xf32, #tpu.memory_space<vmem>>, vector<1x16xf32>,
      %swap3A_184 = vector.shape_cast %swap3A_183 : vector<1x16xf32> to vector<16xf32>
      %swap3A_185 = vector.shape_cast %broadcast_in_dim3A_180 : vector<16xf32> to vector<1x16xf32>
      tpu.vector_store %arg8[%swap3A_181, %swap3A_182], %swap3A_185 {strides = array<i32>} : memref<125x128xf32, #tpu.memory_space<vmem>>, vector<1x16xf32>,
      %broadcast_in_dim3A_186 = arith.constant 0.000000e+00 : f32
      %broadcast_in_dim3A_187 = vector.broadcast %broadcast_in_dim3A_186 : f32 to vector<16xf32>
      %swap3A_188 = arith.index_cast %scan3A_172 : i32 to index
      %swap3A_189 = arith.constant 32 : index
      %swap3A_190 = tpu.vector_load %arg8[%swap3A_188, %swap3A_189] {strides = array<i32>} : memref<125x128xf32, #tpu.memory_space<vmem>>, vector<1x16xf32>,
      %swap3A_191 = vector.shape_cast %swap3A_190 : vector<1x16xf32> to vector<16xf32>
      %swap3A_192 = vector.shape_cast %broadcast_in_dim3A_187 : vector<16xf32> to vector<1x16xf32>
      tpu.vector_store %arg8[%swap3A_188, %swap3A_189], %swap3A_192 {strides = array<i32>} : memref<125x128xf32, #tpu.memory_space<vmem>>, vector<1x16xf32>,
      %broadcast_in_dim3A_193 = arith.constant 0.000000e+00 : f32
      %broadcast_in_dim3A_194 = vector.broadcast %broadcast_in_dim3A_193 : f32 to vector<16xf32>
      %swap3A_195 = arith.index_cast %scan3A_172 : i32 to index
      %swap3A_196 = arith.constant 48 : index
      %swap3A_197 = tpu.vector_load %arg8[%swap3A_195, %swap3A_196] {strides = array<i32>} : memref<125x128xf32, #tpu.memory_space<vmem>>, vector<1x16xf32>,
      %swap3A_198 = vector.shape_cast %swap3A_197 : vector<1x16xf32> to vector<16xf32>
      %swap3A_199 = vector.shape_cast %broadcast_in_dim3A_194 : vector<16xf32> to vector<1x16xf32>
      tpu.vector_store %arg8[%swap3A_195, %swap3A_196], %swap3A_199 {strides = array<i32>} : memref<125x128xf32, #tpu.memory_space<vmem>>, vector<1x16xf32>,
      %broadcast_in_dim3A_200 = arith.constant 0.000000e+00 : f32
      %broadcast_in_dim3A_201 = vector.broadcast %broadcast_in_dim3A_200 : f32 to vector<16xf32>
      %swap3A_202 = arith.index_cast %scan3A_172 : i32 to index
      %swap3A_203 = arith.constant 64 : index
      %swap3A_204 = tpu.vector_load %arg8[%swap3A_202, %swap3A_203] {strides = array<i32>} : memref<125x128xf32, #tpu.memory_space<vmem>>, vector<1x16xf32>,
      %swap3A_205 = vector.shape_cast %swap3A_204 : vector<1x16xf32> to vector<16xf32>
      %swap3A_206 = vector.shape_cast %broadcast_in_dim3A_201 : vector<16xf32> to vector<1x16xf32>
      tpu.vector_store %arg8[%swap3A_202, %swap3A_203], %swap3A_206 {strides = array<i32>} : memref<125x128xf32, #tpu.memory_space<vmem>>, vector<1x16xf32>,
      %broadcast_in_dim3A_207 = arith.constant 0.000000e+00 : f32
      %broadcast_in_dim3A_208 = vector.broadcast %broadcast_in_dim3A_207 : f32 to vector<16xf32>
      %swap3A_209 = arith.index_cast %scan3A_172 : i32 to index
      %swap3A_210 = arith.constant 80 : index
      %swap3A_211 = tpu.vector_load %arg8[%swap3A_209, %swap3A_210] {strides = array<i32>} : memref<125x128xf32, #tpu.memory_space<vmem>>, vector<1x16xf32>,
      %swap3A_212 = vector.shape_cast %swap3A_211 : vector<1x16xf32> to vector<16xf32>
      %swap3A_213 = vector.shape_cast %broadcast_in_dim3A_208 : vector<16xf32> to vector<1x16xf32>
      tpu.vector_store %arg8[%swap3A_209, %swap3A_210], %swap3A_213 {strides = array<i32>} : memref<125x128xf32, #tpu.memory_space<vmem>>, vector<1x16xf32>,
      %broadcast_in_dim3A_214 = arith.constant 0.000000e+00 : f32
      %broadcast_in_dim3A_215 = vector.broadcast %broadcast_in_dim3A_214 : f32 to vector<16xf32>
      %swap3A_216 = arith.index_cast %scan3A_172 : i32 to index
      %swap3A_217 = arith.constant 96 : index
      %swap3A_218 = tpu.vector_load %arg8[%swap3A_216, %swap3A_217] {strides = array<i32>} : memref<125x128xf32, #tpu.memory_space<vmem>>, vector<1x16xf32>,
      %swap3A_219 = vector.shape_cast %swap3A_218 : vector<1x16xf32> to vector<16xf32>
      %swap3A_220 = vector.shape_cast %broadcast_in_dim3A_215 : vector<16xf32> to vector<1x16xf32>
      tpu.vector_store %arg8[%swap3A_216, %swap3A_217], %swap3A_220 {strides = array<i32>} : memref<125x128xf32, #tpu.memory_space<vmem>>, vector<1x16xf32>,
      %broadcast_in_dim3A_221 = arith.constant 0.000000e+00 : f32
      %broadcast_in_dim3A_222 = vector.broadcast %broadcast_in_dim3A_221 : f32 to vector<16xf32>
      %swap3A_223 = arith.index_cast %scan3A_172 : i32 to index
      %swap3A_224 = arith.constant 112 : index
      %swap3A_225 = tpu.vector_load %arg8[%swap3A_223, %swap3A_224] {strides = array<i32>} : memref<125x128xf32, #tpu.memory_space<vmem>>, vector<1x16xf32>,
      %swap3A_226 = vector.shape_cast %swap3A_225 : vector<1x16xf32> to vector<16xf32>
      %swap3A_227 = vector.shape_cast %broadcast_in_dim3A_222 : vector<16xf32> to vector<1x16xf32>
      tpu.vector_store %arg8[%swap3A_223, %swap3A_224], %swap3A_227 {strides = array<i32>} : memref<125x128xf32, #tpu.memory_space<vmem>>, vector<1x16xf32>,
      %scan3A_228 = arith.constant 0 : i32
      scf.yield %scan3A_228 : i32
    }
    %scan3A_5 = arith.constant 125 : i32
    %mul3A = arith.constant 8 : i32
    %mul3A_6 = arith.muli %arg1, %mul3A : i32
    %add3A = arith.constant 0 : i32
    %add3A_7 = arith.addi %mul3A_6, %add3A : i32
    %lt3A = arith.constant 125 : i32
    %lt3A_8 = arith.cmpi slt, %add3A_7, %lt3A : i32
    %convert_element_type3A = arith.extui %lt3A_8 : i1 to i32
    %cond3A = arith.constant 0 : i32
    %cond3A_9 = arith.cmpi ne, %convert_element_type3A, %cond3A : i32
    scf.if %cond3A_9 {
      %mul3A_172 = arith.constant 80 : i32
      %mul3A_173 = arith.muli %add3A_7, %mul3A_172 : i32
      "tpu.region"() ({
        %run_scoped3A = tpu.sem_alloc : memref<!tpu.dma_semaphore, #tpu.memory_space<semaphore_mem>>
        %dma_start3A_174 = arith.constant 0 : i32
        %dma_start3A_175 = arith.constant 0 : i32
        %dma_start3A_176 = tpu.memref_slice %arg8[%dma_start3A_174, %dma_start3A_175] : memref<125x128xf32, #tpu.memory_space<vmem>> -> memref<80x128xf32, #tpu.memory_space<vmem>>
        %dma_start3A_177 = arith.constant 0 : i32
        %dma_start3A_178 = tpu.memref_slice %arg10[%mul3A_173, %dma_start3A_177] : memref<10000x128xf32, #tpu.memory_space<vmem_shared>> -> memref<80x128xf32, #tpu.memory_space<vmem_shared>>
        %dma_start3A_179 = arith.constant 0 : i32
        %dma_start3A_180 = tpu.memref_slice %arg10[%mul3A_173, %dma_start3A_179] : memref<10000x128xf32, #tpu.memory_space<vmem_shared>> -> memref<80x128xf32, #tpu.memory_space<vmem_shared>>
        %dma_start3A_181 = arith.constant 0 : i32
        %dma_start3A_182 = arith.constant 0 : i32
        %dma_start3A_183 = tpu.memref_slice %arg8[%dma_start3A_181, %dma_start3A_182] : memref<125x128xf32, #tpu.memory_space<vmem>> -> memref<80x128xf32, #tpu.memory_space<vmem>>
        tpu.enqueue_dma source(%dma_start3A_183 : memref<80x128xf32, #tpu.memory_space<vmem>>) target(%dma_start3A_180 : memref<80x128xf32, #tpu.memory_space<vmem_shared>>) target_semaphore(%run_scoped3A : memref<!tpu.dma_semaphore, #tpu.memory_space<semaphore_mem>>)
        %dma_wait3A = arith.constant 0 : i32
        %dma_wait3A_184 = arith.constant 0 : i32
        %dma_wait3A_185 = tpu.memref_slice %arg8[%dma_wait3A, %dma_wait3A_184] : memref<125x128xf32, #tpu.memory_space<vmem>> -> memref<80x128xf32, #tpu.memory_space<vmem>>
        %dma_wait3A_186 = arith.constant 0 : i32
        %dma_wait3A_187 = tpu.memref_slice %arg10[%mul3A_173, %dma_wait3A_186] : memref<10000x128xf32, #tpu.memory_space<vmem_shared>> -> memref<80x128xf32, #tpu.memory_space<vmem_shared>>
        %dma_wait3A_188 = arith.constant 0 : i32
        %dma_wait3A_189 = tpu.memref_slice %arg10[%mul3A_173, %dma_wait3A_188] : memref<10000x128xf32, #tpu.memory_space<vmem_shared>> -> memref<80x128xf32, #tpu.memory_space<vmem_shared>>
        %dma_wait3A_190 = arith.constant 0 : i32
        %dma_wait3A_191 = arith.constant 0 : i32
        %dma_wait3A_192 = tpu.memref_slice %arg8[%dma_wait3A_190, %dma_wait3A_191] : memref<125x128xf32, #tpu.memory_space<vmem>> -> memref<80x128xf32, #tpu.memory_space<vmem>>
        tpu.wait_dma2 semaphore(%run_scoped3A : memref<!tpu.dma_semaphore, #tpu.memory_space<semaphore_mem>>) src(%dma_wait3A_192 : memref<80x128xf32, #tpu.memory_space<vmem>>) dst(%dma_wait3A_189 : memref<80x128xf32, #tpu.memory_space<vmem_shared>>)
        tpu.yield
      }) : () -> ()
    } else {
    }
    %mul3A_10 = arith.constant 8 : i32
    %mul3A_11 = arith.muli %arg1, %mul3A_10 : i32
    %add3A_12 = arith.constant 1 : i32
    %add3A_13 = arith.addi %mul3A_11, %add3A_12 : i32
    %lt3A_14 = arith.constant 125 : i32
    %lt3A_15 = arith.cmpi slt, %add3A_13, %lt3A_14 : i32
    %convert_element_type3A_16 = arith.extui %lt3A_15 : i1 to i32
    %cond3A_17 = arith.constant 0 : i32
    %cond3A_18 = arith.cmpi ne, %convert_element_type3A_16, %cond3A_17 : i32
    scf.if %cond3A_18 {
      %mul3A_172 = arith.constant 80 : i32
      %mul3A_173 = arith.muli %add3A_13, %mul3A_172 : i32
      "tpu.region"() ({
        %run_scoped3A = tpu.sem_alloc : memref<!tpu.dma_semaphore, #tpu.memory_space<semaphore_mem>>
        %dma_start3A_174 = arith.constant 0 : i32
        %dma_start3A_175 = arith.constant 0 : i32
        %dma_start3A_176 = tpu.memref_slice %arg8[%dma_start3A_174, %dma_start3A_175] : memref<125x128xf32, #tpu.memory_space<vmem>> -> memref<80x128xf32, #tpu.memory_space<vmem>>
        %dma_start3A_177 = arith.constant 0 : i32
        %dma_start3A_178 = tpu.memref_slice %arg10[%mul3A_173, %dma_start3A_177] : memref<10000x128xf32, #tpu.memory_space<vmem_shared>> -> memref<80x128xf32, #tpu.memory_space<vmem_shared>>
        %dma_start3A_179 = arith.constant 0 : i32
        %dma_start3A_180 = tpu.memref_slice %arg10[%mul3A_173, %dma_start3A_179] : memref<10000x128xf32, #tpu.memory_space<vmem_shared>> -> memref<80x128xf32, #tpu.memory_space<vmem_shared>>
        %dma_start3A_181 = arith.constant 0 : i32
        %dma_start3A_182 = arith.constant 0 : i32
        %dma_start3A_183 = tpu.memref_slice %arg8[%dma_start3A_181, %dma_start3A_182] : memref<125x128xf32, #tpu.memory_space<vmem>> -> memref<80x128xf32, #tpu.memory_space<vmem>>
        tpu.enqueue_dma source(%dma_start3A_183 : memref<80x128xf32, #tpu.memory_space<vmem>>) target(%dma_start3A_180 : memref<80x128xf32, #tpu.memory_space<vmem_shared>>) target_semaphore(%run_scoped3A : memref<!tpu.dma_semaphore, #tpu.memory_space<semaphore_mem>>)
        %dma_wait3A = arith.constant 0 : i32
        %dma_wait3A_184 = arith.constant 0 : i32
        %dma_wait3A_185 = tpu.memref_slice %arg8[%dma_wait3A, %dma_wait3A_184] : memref<125x128xf32, #tpu.memory_space<vmem>> -> memref<80x128xf32, #tpu.memory_space<vmem>>
        %dma_wait3A_186 = arith.constant 0 : i32
        %dma_wait3A_187 = tpu.memref_slice %arg10[%mul3A_173, %dma_wait3A_186] : memref<10000x128xf32, #tpu.memory_space<vmem_shared>> -> memref<80x128xf32, #tpu.memory_space<vmem_shared>>
        %dma_wait3A_188 = arith.constant 0 : i32
        %dma_wait3A_189 = tpu.memref_slice %arg10[%mul3A_173, %dma_wait3A_188] : memref<10000x128xf32, #tpu.memory_space<vmem_shared>> -> memref<80x128xf32, #tpu.memory_space<vmem_shared>>
        %dma_wait3A_190 = arith.constant 0 : i32
        %dma_wait3A_191 = arith.constant 0 : i32
        %dma_wait3A_192 = tpu.memref_slice %arg8[%dma_wait3A_190, %dma_wait3A_191] : memref<125x128xf32, #tpu.memory_space<vmem>> -> memref<80x128xf32, #tpu.memory_space<vmem>>
        tpu.wait_dma2 semaphore(%run_scoped3A : memref<!tpu.dma_semaphore, #tpu.memory_space<semaphore_mem>>) src(%dma_wait3A_192 : memref<80x128xf32, #tpu.memory_space<vmem>>) dst(%dma_wait3A_189 : memref<80x128xf32, #tpu.memory_space<vmem_shared>>)
        tpu.yield
      }) : () -> ()
    } else {
    }
    %mul3A_19 = arith.constant 8 : i32
    %mul3A_20 = arith.muli %arg1, %mul3A_19 : i32
    %add3A_21 = arith.constant 2 : i32
    %add3A_22 = arith.addi %mul3A_20, %add3A_21 : i32
    %lt3A_23 = arith.constant 125 : i32
    %lt3A_24 = arith.cmpi slt, %add3A_22, %lt3A_23 : i32
    %convert_element_type3A_25 = arith.extui %lt3A_24 : i1 to i32
    %cond3A_26 = arith.constant 0 : i32
    %cond3A_27 = arith.cmpi ne, %convert_element_type3A_25, %cond3A_26 : i32
    scf.if %cond3A_27 {
      %mul3A_172 = arith.constant 80 : i32
      %mul3A_173 = arith.muli %add3A_22, %mul3A_172 : i32
      "tpu.region"() ({
        %run_scoped3A = tpu.sem_alloc : memref<!tpu.dma_semaphore, #tpu.memory_space<semaphore_mem>>
        %dma_start3A_174 = arith.constant 0 : i32
        %dma_start3A_175 = arith.constant 0 : i32
        %dma_start3A_176 = tpu.memref_slice %arg8[%dma_start3A_174, %dma_start3A_175] : memref<125x128xf32, #tpu.memory_space<vmem>> -> memref<80x128xf32, #tpu.memory_space<vmem>>
        %dma_start3A_177 = arith.constant 0 : i32
        %dma_start3A_178 = tpu.memref_slice %arg10[%mul3A_173, %dma_start3A_177] : memref<10000x128xf32, #tpu.memory_space<vmem_shared>> -> memref<80x128xf32, #tpu.memory_space<vmem_shared>>
        %dma_start3A_179 = arith.constant 0 : i32
        %dma_start3A_180 = tpu.memref_slice %arg10[%mul3A_173, %dma_start3A_179] : memref<10000x128xf32, #tpu.memory_space<vmem_shared>> -> memref<80x128xf32, #tpu.memory_space<vmem_shared>>
        %dma_start3A_181 = arith.constant 0 : i32
        %dma_start3A_182 = arith.constant 0 : i32
        %dma_start3A_183 = tpu.memref_slice %arg8[%dma_start3A_181, %dma_start3A_182] : memref<125x128xf32, #tpu.memory_space<vmem>> -> memref<80x128xf32, #tpu.memory_space<vmem>>
        tpu.enqueue_dma source(%dma_start3A_183 : memref<80x128xf32, #tpu.memory_space<vmem>>) target(%dma_start3A_180 : memref<80x128xf32, #tpu.memory_space<vmem_shared>>) target_semaphore(%run_scoped3A : memref<!tpu.dma_semaphore, #tpu.memory_space<semaphore_mem>>)
        %dma_wait3A = arith.constant 0 : i32
        %dma_wait3A_184 = arith.constant 0 : i32
        %dma_wait3A_185 = tpu.memref_slice %arg8[%dma_wait3A, %dma_wait3A_184] : memref<125x128xf32, #tpu.memory_space<vmem>> -> memref<80x128xf32, #tpu.memory_space<vmem>>
        %dma_wait3A_186 = arith.constant 0 : i32
        %dma_wait3A_187 = tpu.memref_slice %arg10[%mul3A_173, %dma_wait3A_186] : memref<10000x128xf32, #tpu.memory_space<vmem_shared>> -> memref<80x128xf32, #tpu.memory_space<vmem_shared>>
        %dma_wait3A_188 = arith.constant 0 : i32
        %dma_wait3A_189 = tpu.memref_slice %arg10[%mul3A_173, %dma_wait3A_188] : memref<10000x128xf32, #tpu.memory_space<vmem_shared>> -> memref<80x128xf32, #tpu.memory_space<vmem_shared>>
        %dma_wait3A_190 = arith.constant 0 : i32
        %dma_wait3A_191 = arith.constant 0 : i32
        %dma_wait3A_192 = tpu.memref_slice %arg8[%dma_wait3A_190, %dma_wait3A_191] : memref<125x128xf32, #tpu.memory_space<vmem>> -> memref<80x128xf32, #tpu.memory_space<vmem>>
        tpu.wait_dma2 semaphore(%run_scoped3A : memref<!tpu.dma_semaphore, #tpu.memory_space<semaphore_mem>>) src(%dma_wait3A_192 : memref<80x128xf32, #tpu.memory_space<vmem>>) dst(%dma_wait3A_189 : memref<80x128xf32, #tpu.memory_space<vmem_shared>>)
        tpu.yield
      }) : () -> ()
    } else {
    }
    %mul3A_28 = arith.constant 8 : i32
    %mul3A_29 = arith.muli %arg1, %mul3A_28 : i32
    %add3A_30 = arith.constant 3 : i32
    %add3A_31 = arith.addi %mul3A_29, %add3A_30 : i32
    %lt3A_32 = arith.constant 125 : i32
    %lt3A_33 = arith.cmpi slt, %add3A_31, %lt3A_32 : i32
    %convert_element_type3A_34 = arith.extui %lt3A_33 : i1 to i32
    %cond3A_35 = arith.constant 0 : i32
    %cond3A_36 = arith.cmpi ne, %convert_element_type3A_34, %cond3A_35 : i32
    scf.if %cond3A_36 {
      %mul3A_172 = arith.constant 80 : i32
      %mul3A_173 = arith.muli %add3A_31, %mul3A_172 : i32
      "tpu.region"() ({
        %run_scoped3A = tpu.sem_alloc : memref<!tpu.dma_semaphore, #tpu.memory_space<semaphore_mem>>
        %dma_start3A_174 = arith.constant 0 : i32
        %dma_start3A_175 = arith.constant 0 : i32
        %dma_start3A_176 = tpu.memref_slice %arg8[%dma_start3A_174, %dma_start3A_175] : memref<125x128xf32, #tpu.memory_space<vmem>> -> memref<80x128xf32, #tpu.memory_space<vmem>>
        %dma_start3A_177 = arith.constant 0 : i32
        %dma_start3A_178 = tpu.memref_slice %arg10[%mul3A_173, %dma_start3A_177] : memref<10000x128xf32, #tpu.memory_space<vmem_shared>> -> memref<80x128xf32, #tpu.memory_space<vmem_shared>>
        %dma_start3A_179 = arith.constant 0 : i32
        %dma_start3A_180 = tpu.memref_slice %arg10[%mul3A_173, %dma_start3A_179] : memref<10000x128xf32, #tpu.memory_space<vmem_shared>> -> memref<80x128xf32, #tpu.memory_space<vmem_shared>>
        %dma_start3A_181 = arith.constant 0 : i32
        %dma_start3A_182 = arith.constant 0 : i32
        %dma_start3A_183 = tpu.memref_slice %arg8[%dma_start3A_181, %dma_start3A_182] : memref<125x128xf32, #tpu.memory_space<vmem>> -> memref<80x128xf32, #tpu.memory_space<vmem>>
        tpu.enqueue_dma source(%dma_start3A_183 : memref<80x128xf32, #tpu.memory_space<vmem>>) target(%dma_start3A_180 : memref<80x128xf32, #tpu.memory_space<vmem_shared>>) target_semaphore(%run_scoped3A : memref<!tpu.dma_semaphore, #tpu.memory_space<semaphore_mem>>)
        %dma_wait3A = arith.constant 0 : i32
        %dma_wait3A_184 = arith.constant 0 : i32
        %dma_wait3A_185 = tpu.memref_slice %arg8[%dma_wait3A, %dma_wait3A_184] : memref<125x128xf32, #tpu.memory_space<vmem>> -> memref<80x128xf32, #tpu.memory_space<vmem>>
        %dma_wait3A_186 = arith.constant 0 : i32
        %dma_wait3A_187 = tpu.memref_slice %arg10[%mul3A_173, %dma_wait3A_186] : memref<10000x128xf32, #tpu.memory_space<vmem_shared>> -> memref<80x128xf32, #tpu.memory_space<vmem_shared>>
        %dma_wait3A_188 = arith.constant 0 : i32
        %dma_wait3A_189 = tpu.memref_slice %arg10[%mul3A_173, %dma_wait3A_188] : memref<10000x128xf32, #tpu.memory_space<vmem_shared>> -> memref<80x128xf32, #tpu.memory_space<vmem_shared>>
        %dma_wait3A_190 = arith.constant 0 : i32
        %dma_wait3A_191 = arith.constant 0 : i32
        %dma_wait3A_192 = tpu.memref_slice %arg8[%dma_wait3A_190, %dma_wait3A_191] : memref<125x128xf32, #tpu.memory_space<vmem>> -> memref<80x128xf32, #tpu.memory_space<vmem>>
        tpu.wait_dma2 semaphore(%run_scoped3A : memref<!tpu.dma_semaphore, #tpu.memory_space<semaphore_mem>>) src(%dma_wait3A_192 : memref<80x128xf32, #tpu.memory_space<vmem>>) dst(%dma_wait3A_189 : memref<80x128xf32, #tpu.memory_space<vmem_shared>>)
        tpu.yield
      }) : () -> ()
    } else {
    }
    %mul3A_37 = arith.constant 8 : i32
    %mul3A_38 = arith.muli %arg1, %mul3A_37 : i32
    %add3A_39 = arith.constant 4 : i32
    %add3A_40 = arith.addi %mul3A_38, %add3A_39 : i32
    %lt3A_41 = arith.constant 125 : i32
    %lt3A_42 = arith.cmpi slt, %add3A_40, %lt3A_41 : i32
    %convert_element_type3A_43 = arith.extui %lt3A_42 : i1 to i32
    %cond3A_44 = arith.constant 0 : i32
    %cond3A_45 = arith.cmpi ne, %convert_element_type3A_43, %cond3A_44 : i32
    scf.if %cond3A_45 {
      %mul3A_172 = arith.constant 80 : i32
      %mul3A_173 = arith.muli %add3A_40, %mul3A_172 : i32
      "tpu.region"() ({
        %run_scoped3A = tpu.sem_alloc : memref<!tpu.dma_semaphore, #tpu.memory_space<semaphore_mem>>
        %dma_start3A_174 = arith.constant 0 : i32
        %dma_start3A_175 = arith.constant 0 : i32
        %dma_start3A_176 = tpu.memref_slice %arg8[%dma_start3A_174, %dma_start3A_175] : memref<125x128xf32, #tpu.memory_space<vmem>> -> memref<80x128xf32, #tpu.memory_space<vmem>>
        %dma_start3A_177 = arith.constant 0 : i32
        %dma_start3A_178 = tpu.memref_slice %arg10[%mul3A_173, %dma_start3A_177] : memref<10000x128xf32, #tpu.memory_space<vmem_shared>> -> memref<80x128xf32, #tpu.memory_space<vmem_shared>>
        %dma_start3A_179 = arith.constant 0 : i32
        %dma_start3A_180 = tpu.memref_slice %arg10[%mul3A_173, %dma_start3A_179] : memref<10000x128xf32, #tpu.memory_space<vmem_shared>> -> memref<80x128xf32, #tpu.memory_space<vmem_shared>>
        %dma_start3A_181 = arith.constant 0 : i32
        %dma_start3A_182 = arith.constant 0 : i32
        %dma_start3A_183 = tpu.memref_slice %arg8[%dma_start3A_181, %dma_start3A_182] : memref<125x128xf32, #tpu.memory_space<vmem>> -> memref<80x128xf32, #tpu.memory_space<vmem>>
        tpu.enqueue_dma source(%dma_start3A_183 : memref<80x128xf32, #tpu.memory_space<vmem>>) target(%dma_start3A_180 : memref<80x128xf32, #tpu.memory_space<vmem_shared>>) target_semaphore(%run_scoped3A : memref<!tpu.dma_semaphore, #tpu.memory_space<semaphore_mem>>)
        %dma_wait3A = arith.constant 0 : i32
        %dma_wait3A_184 = arith.constant 0 : i32
        %dma_wait3A_185 = tpu.memref_slice %arg8[%dma_wait3A, %dma_wait3A_184] : memref<125x128xf32, #tpu.memory_space<vmem>> -> memref<80x128xf32, #tpu.memory_space<vmem>>
        %dma_wait3A_186 = arith.constant 0 : i32
        %dma_wait3A_187 = tpu.memref_slice %arg10[%mul3A_173, %dma_wait3A_186] : memref<10000x128xf32, #tpu.memory_space<vmem_shared>> -> memref<80x128xf32, #tpu.memory_space<vmem_shared>>
        %dma_wait3A_188 = arith.constant 0 : i32
        %dma_wait3A_189 = tpu.memref_slice %arg10[%mul3A_173, %dma_wait3A_188] : memref<10000x128xf32, #tpu.memory_space<vmem_shared>> -> memref<80x128xf32, #tpu.memory_space<vmem_shared>>
        %dma_wait3A_190 = arith.constant 0 : i32
        %dma_wait3A_191 = arith.constant 0 : i32
        %dma_wait3A_192 = tpu.memref_slice %arg8[%dma_wait3A_190, %dma_wait3A_191] : memref<125x128xf32, #tpu.memory_space<vmem>> -> memref<80x128xf32, #tpu.memory_space<vmem>>
        tpu.wait_dma2 semaphore(%run_scoped3A : memref<!tpu.dma_semaphore, #tpu.memory_space<semaphore_mem>>) src(%dma_wait3A_192 : memref<80x128xf32, #tpu.memory_space<vmem>>) dst(%dma_wait3A_189 : memref<80x128xf32, #tpu.memory_space<vmem_shared>>)
        tpu.yield
      }) : () -> ()
    } else {
    }
    %mul3A_46 = arith.constant 8 : i32
    %mul3A_47 = arith.muli %arg1, %mul3A_46 : i32
    %add3A_48 = arith.constant 5 : i32
    %add3A_49 = arith.addi %mul3A_47, %add3A_48 : i32
    %lt3A_50 = arith.constant 125 : i32
    %lt3A_51 = arith.cmpi slt, %add3A_49, %lt3A_50 : i32
    %convert_element_type3A_52 = arith.extui %lt3A_51 : i1 to i32
    %cond3A_53 = arith.constant 0 : i32
    %cond3A_54 = arith.cmpi ne, %convert_element_type3A_52, %cond3A_53 : i32
    scf.if %cond3A_54 {
      %mul3A_172 = arith.constant 80 : i32
      %mul3A_173 = arith.muli %add3A_49, %mul3A_172 : i32
      "tpu.region"() ({
        %run_scoped3A = tpu.sem_alloc : memref<!tpu.dma_semaphore, #tpu.memory_space<semaphore_mem>>
        %dma_start3A_174 = arith.constant 0 : i32
        %dma_start3A_175 = arith.constant 0 : i32
        %dma_start3A_176 = tpu.memref_slice %arg8[%dma_start3A_174, %dma_start3A_175] : memref<125x128xf32, #tpu.memory_space<vmem>> -> memref<80x128xf32, #tpu.memory_space<vmem>>
        %dma_start3A_177 = arith.constant 0 : i32
        %dma_start3A_178 = tpu.memref_slice %arg10[%mul3A_173, %dma_start3A_177] : memref<10000x128xf32, #tpu.memory_space<vmem_shared>> -> memref<80x128xf32, #tpu.memory_space<vmem_shared>>
        %dma_start3A_179 = arith.constant 0 : i32
        %dma_start3A_180 = tpu.memref_slice %arg10[%mul3A_173, %dma_start3A_179] : memref<10000x128xf32, #tpu.memory_space<vmem_shared>> -> memref<80x128xf32, #tpu.memory_space<vmem_shared>>
        %dma_start3A_181 = arith.constant 0 : i32
        %dma_start3A_182 = arith.constant 0 : i32
        %dma_start3A_183 = tpu.memref_slice %arg8[%dma_start3A_181, %dma_start3A_182] : memref<125x128xf32, #tpu.memory_space<vmem>> -> memref<80x128xf32, #tpu.memory_space<vmem>>
        tpu.enqueue_dma source(%dma_start3A_183 : memref<80x128xf32, #tpu.memory_space<vmem>>) target(%dma_start3A_180 : memref<80x128xf32, #tpu.memory_space<vmem_shared>>) target_semaphore(%run_scoped3A : memref<!tpu.dma_semaphore, #tpu.memory_space<semaphore_mem>>)
        %dma_wait3A = arith.constant 0 : i32
        %dma_wait3A_184 = arith.constant 0 : i32
        %dma_wait3A_185 = tpu.memref_slice %arg8[%dma_wait3A, %dma_wait3A_184] : memref<125x128xf32, #tpu.memory_space<vmem>> -> memref<80x128xf32, #tpu.memory_space<vmem>>
        %dma_wait3A_186 = arith.constant 0 : i32
        %dma_wait3A_187 = tpu.memref_slice %arg10[%mul3A_173, %dma_wait3A_186] : memref<10000x128xf32, #tpu.memory_space<vmem_shared>> -> memref<80x128xf32, #tpu.memory_space<vmem_shared>>
        %dma_wait3A_188 = arith.constant 0 : i32
        %dma_wait3A_189 = tpu.memref_slice %arg10[%mul3A_173, %dma_wait3A_188] : memref<10000x128xf32, #tpu.memory_space<vmem_shared>> -> memref<80x128xf32, #tpu.memory_space<vmem_shared>>
        %dma_wait3A_190 = arith.constant 0 : i32
        %dma_wait3A_191 = arith.constant 0 : i32
        %dma_wait3A_192 = tpu.memref_slice %arg8[%dma_wait3A_190, %dma_wait3A_191] : memref<125x128xf32, #tpu.memory_space<vmem>> -> memref<80x128xf32, #tpu.memory_space<vmem>>
        tpu.wait_dma2 semaphore(%run_scoped3A : memref<!tpu.dma_semaphore, #tpu.memory_space<semaphore_mem>>) src(%dma_wait3A_192 : memref<80x128xf32, #tpu.memory_space<vmem>>) dst(%dma_wait3A_189 : memref<80x128xf32, #tpu.memory_space<vmem_shared>>)
        tpu.yield
      }) : () -> ()
    } else {
    }
    %mul3A_55 = arith.constant 8 : i32
    %mul3A_56 = arith.muli %arg1, %mul3A_55 : i32
    %add3A_57 = arith.constant 6 : i32
    %add3A_58 = arith.addi %mul3A_56, %add3A_57 : i32
    %lt3A_59 = arith.constant 125 : i32
    %lt3A_60 = arith.cmpi slt, %add3A_58, %lt3A_59 : i32
    %convert_element_type3A_61 = arith.extui %lt3A_60 : i1 to i32
    %cond3A_62 = arith.constant 0 : i32
    %cond3A_63 = arith.cmpi ne, %convert_element_type3A_61, %cond3A_62 : i32
    scf.if %cond3A_63 {
      %mul3A_172 = arith.constant 80 : i32
      %mul3A_173 = arith.muli %add3A_58, %mul3A_172 : i32
      "tpu.region"() ({
        %run_scoped3A = tpu.sem_alloc : memref<!tpu.dma_semaphore, #tpu.memory_space<semaphore_mem>>
        %dma_start3A_174 = arith.constant 0 : i32
        %dma_start3A_175 = arith.constant 0 : i32
        %dma_start3A_176 = tpu.memref_slice %arg8[%dma_start3A_174, %dma_start3A_175] : memref<125x128xf32, #tpu.memory_space<vmem>> -> memref<80x128xf32, #tpu.memory_space<vmem>>
        %dma_start3A_177 = arith.constant 0 : i32
        %dma_start3A_178 = tpu.memref_slice %arg10[%mul3A_173, %dma_start3A_177] : memref<10000x128xf32, #tpu.memory_space<vmem_shared>> -> memref<80x128xf32, #tpu.memory_space<vmem_shared>>
        %dma_start3A_179 = arith.constant 0 : i32
        %dma_start3A_180 = tpu.memref_slice %arg10[%mul3A_173, %dma_start3A_179] : memref<10000x128xf32, #tpu.memory_space<vmem_shared>> -> memref<80x128xf32, #tpu.memory_space<vmem_shared>>
        %dma_start3A_181 = arith.constant 0 : i32
        %dma_start3A_182 = arith.constant 0 : i32
        %dma_start3A_183 = tpu.memref_slice %arg8[%dma_start3A_181, %dma_start3A_182] : memref<125x128xf32, #tpu.memory_space<vmem>> -> memref<80x128xf32, #tpu.memory_space<vmem>>
        tpu.enqueue_dma source(%dma_start3A_183 : memref<80x128xf32, #tpu.memory_space<vmem>>) target(%dma_start3A_180 : memref<80x128xf32, #tpu.memory_space<vmem_shared>>) target_semaphore(%run_scoped3A : memref<!tpu.dma_semaphore, #tpu.memory_space<semaphore_mem>>)
        %dma_wait3A = arith.constant 0 : i32
        %dma_wait3A_184 = arith.constant 0 : i32
        %dma_wait3A_185 = tpu.memref_slice %arg8[%dma_wait3A, %dma_wait3A_184] : memref<125x128xf32, #tpu.memory_space<vmem>> -> memref<80x128xf32, #tpu.memory_space<vmem>>
        %dma_wait3A_186 = arith.constant 0 : i32
        %dma_wait3A_187 = tpu.memref_slice %arg10[%mul3A_173, %dma_wait3A_186] : memref<10000x128xf32, #tpu.memory_space<vmem_shared>> -> memref<80x128xf32, #tpu.memory_space<vmem_shared>>
        %dma_wait3A_188 = arith.constant 0 : i32
        %dma_wait3A_189 = tpu.memref_slice %arg10[%mul3A_173, %dma_wait3A_188] : memref<10000x128xf32, #tpu.memory_space<vmem_shared>> -> memref<80x128xf32, #tpu.memory_space<vmem_shared>>
        %dma_wait3A_190 = arith.constant 0 : i32
        %dma_wait3A_191 = arith.constant 0 : i32
        %dma_wait3A_192 = tpu.memref_slice %arg8[%dma_wait3A_190, %dma_wait3A_191] : memref<125x128xf32, #tpu.memory_space<vmem>> -> memref<80x128xf32, #tpu.memory_space<vmem>>
        tpu.wait_dma2 semaphore(%run_scoped3A : memref<!tpu.dma_semaphore, #tpu.memory_space<semaphore_mem>>) src(%dma_wait3A_192 : memref<80x128xf32, #tpu.memory_space<vmem>>) dst(%dma_wait3A_189 : memref<80x128xf32, #tpu.memory_space<vmem_shared>>)
        tpu.yield
      }) : () -> ()
    } else {
    }
    %mul3A_64 = arith.constant 8 : i32
    %mul3A_65 = arith.muli %arg1, %mul3A_64 : i32
    %add3A_66 = arith.constant 7 : i32
    %add3A_67 = arith.addi %mul3A_65, %add3A_66 : i32
    %lt3A_68 = arith.constant 125 : i32
    %lt3A_69 = arith.cmpi slt, %add3A_67, %lt3A_68 : i32
    %convert_element_type3A_70 = arith.extui %lt3A_69 : i1 to i32
    %cond3A_71 = arith.constant 0 : i32
    %cond3A_72 = arith.cmpi ne, %convert_element_type3A_70, %cond3A_71 : i32
    scf.if %cond3A_72 {
      %mul3A_172 = arith.constant 80 : i32
      %mul3A_173 = arith.muli %add3A_67, %mul3A_172 : i32
      "tpu.region"() ({
        %run_scoped3A = tpu.sem_alloc : memref<!tpu.dma_semaphore, #tpu.memory_space<semaphore_mem>>
        %dma_start3A_174 = arith.constant 0 : i32
        %dma_start3A_175 = arith.constant 0 : i32
        %dma_start3A_176 = tpu.memref_slice %arg8[%dma_start3A_174, %dma_start3A_175] : memref<125x128xf32, #tpu.memory_space<vmem>> -> memref<80x128xf32, #tpu.memory_space<vmem>>
        %dma_start3A_177 = arith.constant 0 : i32
        %dma_start3A_178 = tpu.memref_slice %arg10[%mul3A_173, %dma_start3A_177] : memref<10000x128xf32, #tpu.memory_space<vmem_shared>> -> memref<80x128xf32, #tpu.memory_space<vmem_shared>>
        %dma_start3A_179 = arith.constant 0 : i32
        %dma_start3A_180 = tpu.memref_slice %arg10[%mul3A_173, %dma_start3A_179] : memref<10000x128xf32, #tpu.memory_space<vmem_shared>> -> memref<80x128xf32, #tpu.memory_space<vmem_shared>>
        %dma_start3A_181 = arith.constant 0 : i32
        %dma_start3A_182 = arith.constant 0 : i32
        %dma_start3A_183 = tpu.memref_slice %arg8[%dma_start3A_181, %dma_start3A_182] : memref<125x128xf32, #tpu.memory_space<vmem>> -> memref<80x128xf32, #tpu.memory_space<vmem>>
        tpu.enqueue_dma source(%dma_start3A_183 : memref<80x128xf32, #tpu.memory_space<vmem>>) target(%dma_start3A_180 : memref<80x128xf32, #tpu.memory_space<vmem_shared>>) target_semaphore(%run_scoped3A : memref<!tpu.dma_semaphore, #tpu.memory_space<semaphore_mem>>)
        %dma_wait3A = arith.constant 0 : i32
        %dma_wait3A_184 = arith.constant 0 : i32
        %dma_wait3A_185 = tpu.memref_slice %arg8[%dma_wait3A, %dma_wait3A_184] : memref<125x128xf32, #tpu.memory_space<vmem>> -> memref<80x128xf32, #tpu.memory_space<vmem>>
        %dma_wait3A_186 = arith.constant 0 : i32
        %dma_wait3A_187 = tpu.memref_slice %arg10[%mul3A_173, %dma_wait3A_186] : memref<10000x128xf32, #tpu.memory_space<vmem_shared>> -> memref<80x128xf32, #tpu.memory_space<vmem_shared>>
        %dma_wait3A_188 = arith.constant 0 : i32
        %dma_wait3A_189 = tpu.memref_slice %arg10[%mul3A_173, %dma_wait3A_188] : memref<10000x128xf32, #tpu.memory_space<vmem_shared>> -> memref<80x128xf32, #tpu.memory_space<vmem_shared>>
        %dma_wait3A_190 = arith.constant 0 : i32
        %dma_wait3A_191 = arith.constant 0 : i32
        %dma_wait3A_192 = tpu.memref_slice %arg8[%dma_wait3A_190, %dma_wait3A_191] : memref<125x128xf32, #tpu.memory_space<vmem>> -> memref<80x128xf32, #tpu.memory_space<vmem>>
        tpu.wait_dma2 semaphore(%run_scoped3A : memref<!tpu.dma_semaphore, #tpu.memory_space<semaphore_mem>>) src(%dma_wait3A_192 : memref<80x128xf32, #tpu.memory_space<vmem>>) dst(%dma_wait3A_189 : memref<80x128xf32, #tpu.memory_space<vmem_shared>>)
        tpu.yield
      }) : () -> ()
    } else {
    }
    %barrier3A = arith.constant 0 : index
    tpu.barrier barrier_id(%barrier3A)
    %dma_start3A = arith.constant 0 : i32
    %dma_start3A_73 = arith.constant 0 : i32
    %dma_start3A_74 = arith.constant 0 : i32
    %dma_start3A_75 = arith.constant 0 : i32
    %dma_start3A_76 = tpu.memref_slice %arg6[%dma_start3A_73, %dma_start3A_74, %dma_start3A_75] : memref<2x20x125xi32, #tpu.memory_space<vmem>> -> memref<1x20x125xi32, #tpu.memory_space<vmem>>
    %dma_start3A_77 = tpu.memref_squeeze %dma_start3A_76 : memref<1x20x125xi32, #tpu.memory_space<vmem>> -> memref<20x125xi32, #tpu.memory_space<vmem>>
    %dma_start3A_78 = arith.constant 0 : i32
    %dma_start3A_79 = arith.constant 0 : i32
    %dma_start3A_80 = arith.constant 0 : i32
    %dma_start3A_81 = tpu.memref_slice %arg2[%arg1, %dma_start3A_78, %dma_start3A_79, %dma_start3A_80] : memref<16x8x20x125xi32, #tpu.memory_space<hbm>> -> memref<1x8x20x125xi32, #tpu.memory_space<hbm>>
    %dma_start3A_82 = tpu.memref_squeeze %dma_start3A_81 : memref<1x8x20x125xi32, #tpu.memory_space<hbm>> -> memref<8x20x125xi32, #tpu.memory_space<hbm>>
    %dma_start3A_83 = arith.constant 0 : i32
    %dma_start3A_84 = arith.constant 0 : i32
    %dma_start3A_85 = tpu.memref_slice %dma_start3A_82[%dma_start3A, %dma_start3A_83, %dma_start3A_84] : memref<8x20x125xi32, #tpu.memory_space<hbm>> -> memref<1x20x125xi32, #tpu.memory_space<hbm>>
    %dma_start3A_86 = tpu.memref_squeeze %dma_start3A_85 : memref<1x20x125xi32, #tpu.memory_space<hbm>> -> memref<20x125xi32, #tpu.memory_space<hbm>>
    %dma_start3A_87 = arith.constant 0 : i32
    %dma_start3A_88 = arith.constant 0 : i32
    %dma_start3A_89 = tpu.memref_slice %arg6[%dma_start3A_73, %dma_start3A_87, %dma_start3A_88] : memref<2x20x125xi32, #tpu.memory_space<vmem>> -> memref<1x20x125xi32, #tpu.memory_space<vmem>>
    %dma_start3A_90 = tpu.memref_squeeze %dma_start3A_89 : memref<1x20x125xi32, #tpu.memory_space<vmem>> -> memref<20x125xi32, #tpu.memory_space<vmem>>
    %dma_start3A_91 = arith.constant 0 : i32
    %dma_start3A_92 = arith.constant 0 : i32
    %dma_start3A_93 = arith.constant 0 : i32
    %dma_start3A_94 = tpu.memref_slice %arg2[%arg1, %dma_start3A_91, %dma_start3A_92, %dma_start3A_93] : memref<16x8x20x125xi32, #tpu.memory_space<hbm>> -> memref<1x8x20x125xi32, #tpu.memory_space<hbm>>
    %dma_start3A_95 = tpu.memref_squeeze %dma_start3A_94 : memref<1x8x20x125xi32, #tpu.memory_space<hbm>> -> memref<8x20x125xi32, #tpu.memory_space<hbm>>
    %dma_start3A_96 = arith.constant 0 : i32
    %dma_start3A_97 = arith.constant 0 : i32
    %dma_start3A_98 = tpu.memref_slice %dma_start3A_95[%dma_start3A, %dma_start3A_96, %dma_start3A_97] : memref<8x20x125xi32, #tpu.memory_space<hbm>> -> memref<1x20x125xi32, #tpu.memory_space<hbm>>
    %dma_start3A_99 = tpu.memref_squeeze %dma_start3A_98 : memref<1x20x125xi32, #tpu.memory_space<hbm>> -> memref<20x125xi32, #tpu.memory_space<hbm>>
    tpu.enqueue_dma source(%dma_start3A_99 : memref<20x125xi32, #tpu.memory_space<hbm>>) target(%dma_start3A_90 : memref<20x125xi32, #tpu.memory_space<vmem>>) target_semaphore(%arg13 : memref<!tpu.dma_semaphore, #tpu.memory_space<semaphore_mem>>)
    %dma_start3A_100 = arith.constant 0 : i32
    %dma_start3A_101 = arith.constant 0 : i32
    %dma_start3A_102 = arith.constant 0 : i32
    %dma_start3A_103 = arith.constant 0 : i32
    %dma_start3A_104 = tpu.memref_slice %arg7[%dma_start3A_101, %dma_start3A_102, %dma_start3A_103] : memref<2x20x125xi32, #tpu.memory_space<vmem>> -> memref<1x20x125xi32, #tpu.memory_space<vmem>>
    %dma_start3A_105 = tpu.memref_squeeze %dma_start3A_104 : memref<1x20x125xi32, #tpu.memory_space<vmem>> -> memref<20x125xi32, #tpu.memory_space<vmem>>
    %dma_start3A_106 = arith.constant 0 : i32
    %dma_start3A_107 = arith.constant 0 : i32
    %dma_start3A_108 = arith.constant 0 : i32
    %dma_start3A_109 = tpu.memref_slice %arg3[%arg1, %dma_start3A_106, %dma_start3A_107, %dma_start3A_108] : memref<16x8x20x125xi32, #tpu.memory_space<hbm>> -> memref<1x8x20x125xi32, #tpu.memory_space<hbm>>
    %dma_start3A_110 = tpu.memref_squeeze %dma_start3A_109 : memref<1x8x20x125xi32, #tpu.memory_space<hbm>> -> memref<8x20x125xi32, #tpu.memory_space<hbm>>
    %dma_start3A_111 = arith.constant 0 : i32
    %dma_start3A_112 = arith.constant 0 : i32
    %dma_start3A_113 = tpu.memref_slice %dma_start3A_110[%dma_start3A_100, %dma_start3A_111, %dma_start3A_112] : memref<8x20x125xi32, #tpu.memory_space<hbm>> -> memref<1x20x125xi32, #tpu.memory_space<hbm>>
    %dma_start3A_114 = tpu.memref_squeeze %dma_start3A_113 : memref<1x20x125xi32, #tpu.memory_space<hbm>> -> memref<20x125xi32, #tpu.memory_space<hbm>>
    %dma_start3A_115 = arith.constant 0 : i32
    %dma_start3A_116 = arith.constant 0 : i32
    %dma_start3A_117 = tpu.memref_slice %arg7[%dma_start3A_101, %dma_start3A_115, %dma_start3A_116] : memref<2x20x125xi32, #tpu.memory_space<vmem>> -> memref<1x20x125xi32, #tpu.memory_space<vmem>>
    %dma_start3A_118 = tpu.memref_squeeze %dma_start3A_117 : memref<1x20x125xi32, #tpu.memory_space<vmem>> -> memref<20x125xi32, #tpu.memory_space<vmem>>
    %dma_start3A_119 = arith.constant 0 : i32
    %dma_start3A_120 = arith.constant 0 : i32
    %dma_start3A_121 = arith.constant 0 : i32
    %dma_start3A_122 = tpu.memref_slice %arg3[%arg1, %dma_start3A_119, %dma_start3A_120, %dma_start3A_121] : memref<16x8x20x125xi32, #tpu.memory_space<hbm>> -> memref<1x8x20x125xi32, #tpu.memory_space<hbm>>
    %dma_start3A_123 = tpu.memref_squeeze %dma_start3A_122 : memref<1x8x20x125xi32, #tpu.memory_space<hbm>> -> memref<8x20x125xi32, #tpu.memory_space<hbm>>
    %dma_start3A_124 = arith.constant 0 : i32
    %dma_start3A_125 = arith.constant 0 : i32
    %dma_start3A_126 = tpu.memref_slice %dma_start3A_123[%dma_start3A_100, %dma_start3A_124, %dma_start3A_125] : memref<8x20x125xi32, #tpu.memory_space<hbm>> -> memref<1x20x125xi32, #tpu.memory_space<hbm>>
    %dma_start3A_127 = tpu.memref_squeeze %dma_start3A_126 : memref<1x20x125xi32, #tpu.memory_space<hbm>> -> memref<20x125xi32, #tpu.memory_space<hbm>>
    tpu.enqueue_dma source(%dma_start3A_127 : memref<20x125xi32, #tpu.memory_space<hbm>>) target(%dma_start3A_118 : memref<20x125xi32, #tpu.memory_space<vmem>>) target_semaphore(%arg13 : memref<!tpu.dma_semaphore, #tpu.memory_space<semaphore_mem>>)
    %scan3A_128 = arith.constant 0 : i32
    %scan3A_129 = arith.constant 0 : i32
    %scan3A_130 = arith.constant 8 : i32
    %scan3A_131 = arith.addi %scan3A_129, %scan3A_130 : i32
    %scan3A_132 = arith.constant 1 : i32
    %scan3A_133 = scf.for %scan3A_172 = %scan3A_129 to %scan3A_131 step %scan3A_132 iter_args(%scan3A_173 = %scan3A_128) -> (i32)  : i32 {
      %jit3A = arith.constant 2 : i32
      %eq3A = arith.constant 0 : i32
      %eq3A_174 = arith.cmpi eq, %jit3A, %eq3A : i32
      %jit3A_175 = arith.constant 1 : i32
      %select_n3A = arith.select %eq3A_174, %jit3A_175, %jit3A : i32
      %rem3A = arith.remsi %scan3A_172, %select_n3A : i32
      %ne3A = arith.constant 0 : i32
      %ne3A_176 = arith.cmpi ne, %rem3A, %ne3A : i32
      %lt3A_177 = arith.constant 0 : i32
      %lt3A_178 = arith.cmpi slt, %rem3A, %lt3A_177 : i32
      %lt3A_179 = arith.constant 0 : i32
      %lt3A_180 = arith.cmpi slt, %select_n3A, %lt3A_179 : i32
      %ne3A_181 = arith.xori %lt3A_178, %lt3A_180 : i1
      %and3A = arith.andi %ne3A_181, %ne3A_176 : i1
      %add3A_182 = arith.addi %rem3A, %select_n3A : i32
      %select_n3A_183 = arith.select %and3A, %add3A_182, %rem3A : i32
      %dma_wait3A = arith.constant 0 : i32
      %dma_wait3A_184 = arith.constant 0 : i32
      %dma_wait3A_185 = tpu.memref_slice %arg6[%select_n3A_183, %dma_wait3A, %dma_wait3A_184] : memref<2x20x125xi32, #tpu.memory_space<vmem>> -> memref<1x20x125xi32, #tpu.memory_space<vmem>>
      %dma_wait3A_186 = tpu.memref_squeeze %dma_wait3A_185 : memref<1x20x125xi32, #tpu.memory_space<vmem>> -> memref<20x125xi32, #tpu.memory_space<vmem>>
      %dma_wait3A_187 = arith.constant 0 : i32
      %dma_wait3A_188 = arith.constant 0 : i32
      %dma_wait3A_189 = arith.constant 0 : i32
      %dma_wait3A_190 = tpu.memref_slice %arg2[%arg1, %dma_wait3A_187, %dma_wait3A_188, %dma_wait3A_189] : memref<16x8x20x125xi32, #tpu.memory_space<hbm>> -> memref<1x8x20x125xi32, #tpu.memory_space<hbm>>
      %dma_wait3A_191 = tpu.memref_squeeze %dma_wait3A_190 : memref<1x8x20x125xi32, #tpu.memory_space<hbm>> -> memref<8x20x125xi32, #tpu.memory_space<hbm>>
      %dma_wait3A_192 = arith.constant 0 : i32
      %dma_wait3A_193 = arith.constant 0 : i32
      %dma_wait3A_194 = tpu.memref_slice %dma_wait3A_191[%scan3A_172, %dma_wait3A_192, %dma_wait3A_193] : memref<8x20x125xi32, #tpu.memory_space<hbm>> -> memref<1x20x125xi32, #tpu.memory_space<hbm>>
      %dma_wait3A_195 = tpu.memref_squeeze %dma_wait3A_194 : memref<1x20x125xi32, #tpu.memory_space<hbm>> -> memref<20x125xi32, #tpu.memory_space<hbm>>
      %dma_wait3A_196 = arith.constant 0 : i32
      %dma_wait3A_197 = arith.constant 0 : i32
      %dma_wait3A_198 = tpu.memref_slice %arg6[%select_n3A_183, %dma_wait3A_196, %dma_wait3A_197] : memref<2x20x125xi32, #tpu.memory_space<vmem>> -> memref<1x20x125xi32, #tpu.memory_space<vmem>>
      %dma_wait3A_199 = tpu.memref_squeeze %dma_wait3A_198 : memref<1x20x125xi32, #tpu.memory_space<vmem>> -> memref<20x125xi32, #tpu.memory_space<vmem>>
      %dma_wait3A_200 = arith.constant 0 : i32
      %dma_wait3A_201 = arith.constant 0 : i32
      %dma_wait3A_202 = arith.constant 0 : i32
      %dma_wait3A_203 = tpu.memref_slice %arg2[%arg1, %dma_wait3A_200, %dma_wait3A_201, %dma_wait3A_202] : memref<16x8x20x125xi32, #tpu.memory_space<hbm>> -> memref<1x8x20x125xi32, #tpu.memory_space<hbm>>
      %dma_wait3A_204 = tpu.memref_squeeze %dma_wait3A_203 : memref<1x8x20x125xi32, #tpu.memory_space<hbm>> -> memref<8x20x125xi32, #tpu.memory_space<hbm>>
      %dma_wait3A_205 = arith.constant 0 : i32
      %dma_wait3A_206 = arith.constant 0 : i32
      %dma_wait3A_207 = tpu.memref_slice %dma_wait3A_204[%scan3A_172, %dma_wait3A_205, %dma_wait3A_206] : memref<8x20x125xi32, #tpu.memory_space<hbm>> -> memref<1x20x125xi32, #tpu.memory_space<hbm>>
      %dma_wait3A_208 = tpu.memref_squeeze %dma_wait3A_207 : memref<1x20x125xi32, #tpu.memory_space<hbm>> -> memref<20x125xi32, #tpu.memory_space<hbm>>
      tpu.wait_dma2 semaphore(%arg13 : memref<!tpu.dma_semaphore, #tpu.memory_space<semaphore_mem>>) src(%dma_wait3A_208 : memref<20x125xi32, #tpu.memory_space<hbm>>) dst(%dma_wait3A_199 : memref<20x125xi32, #tpu.memory_space<vmem>>)
      %dma_wait3A_209 = arith.constant 0 : i32
      %dma_wait3A_210 = arith.constant 0 : i32
      %dma_wait3A_211 = tpu.memref_slice %arg7[%select_n3A_183, %dma_wait3A_209, %dma_wait3A_210] : memref<2x20x125xi32, #tpu.memory_space<vmem>> -> memref<1x20x125xi32, #tpu.memory_space<vmem>>
      %dma_wait3A_212 = tpu.memref_squeeze %dma_wait3A_211 : memref<1x20x125xi32, #tpu.memory_space<vmem>> -> memref<20x125xi32, #tpu.memory_space<vmem>>
      %dma_wait3A_213 = arith.constant 0 : i32
      %dma_wait3A_214 = arith.constant 0 : i32
      %dma_wait3A_215 = arith.constant 0 : i32
      %dma_wait3A_216 = tpu.memref_slice %arg3[%arg1, %dma_wait3A_213, %dma_wait3A_214, %dma_wait3A_215] : memref<16x8x20x125xi32, #tpu.memory_space<hbm>> -> memref<1x8x20x125xi32, #tpu.memory_space<hbm>>
      %dma_wait3A_217 = tpu.memref_squeeze %dma_wait3A_216 : memref<1x8x20x125xi32, #tpu.memory_space<hbm>> -> memref<8x20x125xi32, #tpu.memory_space<hbm>>
      %dma_wait3A_218 = arith.constant 0 : i32
      %dma_wait3A_219 = arith.constant 0 : i32
      %dma_wait3A_220 = tpu.memref_slice %dma_wait3A_217[%scan3A_172, %dma_wait3A_218, %dma_wait3A_219] : memref<8x20x125xi32, #tpu.memory_space<hbm>> -> memref<1x20x125xi32, #tpu.memory_space<hbm>>
      %dma_wait3A_221 = tpu.memref_squeeze %dma_wait3A_220 : memref<1x20x125xi32, #tpu.memory_space<hbm>> -> memref<20x125xi32, #tpu.memory_space<hbm>>
      %dma_wait3A_222 = arith.constant 0 : i32
      %dma_wait3A_223 = arith.constant 0 : i32
      %dma_wait3A_224 = tpu.memref_slice %arg7[%select_n3A_183, %dma_wait3A_222, %dma_wait3A_223] : memref<2x20x125xi32, #tpu.memory_space<vmem>> -> memref<1x20x125xi32, #tpu.memory_space<vmem>>
      %dma_wait3A_225 = tpu.memref_squeeze %dma_wait3A_224 : memref<1x20x125xi32, #tpu.memory_space<vmem>> -> memref<20x125xi32, #tpu.memory_space<vmem>>
      %dma_wait3A_226 = arith.constant 0 : i32
      %dma_wait3A_227 = arith.constant 0 : i32
      %dma_wait3A_228 = arith.constant 0 : i32
      %dma_wait3A_229 = tpu.memref_slice %arg3[%arg1, %dma_wait3A_226, %dma_wait3A_227, %dma_wait3A_228] : memref<16x8x20x125xi32, #tpu.memory_space<hbm>> -> memref<1x8x20x125xi32, #tpu.memory_space<hbm>>
      %dma_wait3A_230 = tpu.memref_squeeze %dma_wait3A_229 : memref<1x8x20x125xi32, #tpu.memory_space<hbm>> -> memref<8x20x125xi32, #tpu.memory_space<hbm>>
      %dma_wait3A_231 = arith.constant 0 : i32
      %dma_wait3A_232 = arith.constant 0 : i32
      %dma_wait3A_233 = tpu.memref_slice %dma_wait3A_230[%scan3A_172, %dma_wait3A_231, %dma_wait3A_232] : memref<8x20x125xi32, #tpu.memory_space<hbm>> -> memref<1x20x125xi32, #tpu.memory_space<hbm>>
      %dma_wait3A_234 = tpu.memref_squeeze %dma_wait3A_233 : memref<1x20x125xi32, #tpu.memory_space<hbm>> -> memref<20x125xi32, #tpu.memory_space<hbm>>
      tpu.wait_dma2 semaphore(%arg13 : memref<!tpu.dma_semaphore, #tpu.memory_space<semaphore_mem>>) src(%dma_wait3A_234 : memref<20x125xi32, #tpu.memory_space<hbm>>) dst(%dma_wait3A_225 : memref<20x125xi32, #tpu.memory_space<vmem>>)
      %dma_start3A_235 = arith.constant 0 : i32
      %dma_start3A_236 = arith.constant 0 : i32
      %dma_start3A_237 = arith.constant 0 : i32
      %dma_start3A_238 = tpu.memref_slice %arg6[%select_n3A_183, %dma_start3A_236, %dma_start3A_237] : memref<2x20x125xi32, #tpu.memory_space<vmem>> -> memref<1x20x125xi32, #tpu.memory_space<vmem>>
      %dma_start3A_239 = tpu.memref_squeeze %dma_start3A_238 : memref<1x20x125xi32, #tpu.memory_space<vmem>> -> memref<20x125xi32, #tpu.memory_space<vmem>>
      %dma_start3A_240 = arith.constant 0 : i32
      %dma_start3A_241 = tpu.memref_slice %dma_start3A_239[%dma_start3A_235, %dma_start3A_240] : memref<20x125xi32, #tpu.memory_space<vmem>> -> memref<1x125xi32, #tpu.memory_space<vmem>>
      %dma_start3A_242 = tpu.memref_squeeze %dma_start3A_241 : memref<1x125xi32, #tpu.memory_space<vmem>> -> memref<125xi32, #tpu.memory_space<vmem>>
      %dma_start3A_243 = arith.constant 0 : i32
      %dma_start3A_244 = arith.constant 0 : i32
      %dma_start3A_245 = tpu.memref_slice %arg4[%arg0, %dma_start3A_243, %dma_start3A_244] : memref<2x10000x128xf32, #tpu.memory_space<hbm>> -> memref<1x10000x128xf32, #tpu.memory_space<hbm>>
      %dma_start3A_246 = tpu.memref_squeeze %dma_start3A_245 : memref<1x10000x128xf32, #tpu.memory_space<hbm>> -> memref<10000x128xf32, #tpu.memory_space<hbm>>
      %dma_start3A_247 = arith.constant 0 : i32
      %dma_start3A_248 = arith.constant 0 : i32
      %dma_start3A_249 = tpu.memref_slice %dma_start3A_246[%dma_start3A_247, %dma_start3A_248] : memref<10000x128xf32, #tpu.memory_space<hbm>> -> memref<10000x128xf32, #tpu.memory_space<hbm>>
      tpu.enqueue_indirect_dma source(%dma_start3A_249 : memref<10000x128xf32, #tpu.memory_space<hbm>>) target(%arg8 : memref<125x128xf32, #tpu.memory_space<vmem>>) offsets(%dma_start3A_242 : memref<125xi32, #tpu.memory_space<vmem>>) semaphore(%arg11 : memref<!tpu.dma_semaphore, #tpu.memory_space<semaphore_mem>>)
      %add3A_250 = arith.constant 1 : i32
      %add3A_251 = arith.addi %scan3A_172, %add3A_250 : i32
      %lt3A_252 = arith.constant 8 : i32
      %lt3A_253 = arith.cmpi slt, %add3A_251, %lt3A_252 : i32
      %convert_element_type3A_254 = arith.extui %lt3A_253 : i1 to i32
      %cond3A_255 = arith.constant 0 : i32
      %cond3A_256 = arith.cmpi ne, %convert_element_type3A_254, %cond3A_255 : i32
      scf.if %cond3A_256 {
        %add3A_311 = arith.constant 1 : i32
        %add3A_312 = arith.addi %scan3A_172, %add3A_311 : i32
        %sub3A = arith.constant 1 : i32
        %sub3A_313 = arith.subi %sub3A, %select_n3A_183 : i32
        %dma_start3A_314 = arith.constant 0 : i32
        %dma_start3A_315 = arith.constant 0 : i32
        %dma_start3A_316 = tpu.memref_slice %arg6[%sub3A_313, %dma_start3A_314, %dma_start3A_315] : memref<2x20x125xi32, #tpu.memory_space<vmem>> -> memref<1x20x125xi32, #tpu.memory_space<vmem>>
        %dma_start3A_317 = tpu.memref_squeeze %dma_start3A_316 : memref<1x20x125xi32, #tpu.memory_space<vmem>> -> memref<20x125xi32, #tpu.memory_space<vmem>>
        %dma_start3A_318 = arith.constant 0 : i32
        %dma_start3A_319 = arith.constant 0 : i32
        %dma_start3A_320 = arith.constant 0 : i32
        %dma_start3A_321 = tpu.memref_slice %arg2[%arg1, %dma_start3A_318, %dma_start3A_319, %dma_start3A_320] : memref<16x8x20x125xi32, #tpu.memory_space<hbm>> -> memref<1x8x20x125xi32, #tpu.memory_space<hbm>>
        %dma_start3A_322 = tpu.memref_squeeze %dma_start3A_321 : memref<1x8x20x125xi32, #tpu.memory_space<hbm>> -> memref<8x20x125xi32, #tpu.memory_space<hbm>>
        %dma_start3A_323 = arith.constant 0 : i32
        %dma_start3A_324 = arith.constant 0 : i32
        %dma_start3A_325 = tpu.memref_slice %dma_start3A_322[%add3A_312, %dma_start3A_323, %dma_start3A_324] : memref<8x20x125xi32, #tpu.memory_space<hbm>> -> memref<1x20x125xi32, #tpu.memory_space<hbm>>
        %dma_start3A_326 = tpu.memref_squeeze %dma_start3A_325 : memref<1x20x125xi32, #tpu.memory_space<hbm>> -> memref<20x125xi32, #tpu.memory_space<hbm>>
        %dma_start3A_327 = arith.constant 0 : i32
        %dma_start3A_328 = arith.constant 0 : i32
        %dma_start3A_329 = tpu.memref_slice %arg6[%sub3A_313, %dma_start3A_327, %dma_start3A_328] : memref<2x20x125xi32, #tpu.memory_space<vmem>> -> memref<1x20x125xi32, #tpu.memory_space<vmem>>
        %dma_start3A_330 = tpu.memref_squeeze %dma_start3A_329 : memref<1x20x125xi32, #tpu.memory_space<vmem>> -> memref<20x125xi32, #tpu.memory_space<vmem>>
        %dma_start3A_331 = arith.constant 0 : i32
        %dma_start3A_332 = arith.constant 0 : i32
        %dma_start3A_333 = arith.constant 0 : i32
        %dma_start3A_334 = tpu.memref_slice %arg2[%arg1, %dma_start3A_331, %dma_start3A_332, %dma_start3A_333] : memref<16x8x20x125xi32, #tpu.memory_space<hbm>> -> memref<1x8x20x125xi32, #tpu.memory_space<hbm>>
        %dma_start3A_335 = tpu.memref_squeeze %dma_start3A_334 : memref<1x8x20x125xi32, #tpu.memory_space<hbm>> -> memref<8x20x125xi32, #tpu.memory_space<hbm>>
        %dma_start3A_336 = arith.constant 0 : i32
        %dma_start3A_337 = arith.constant 0 : i32
        %dma_start3A_338 = tpu.memref_slice %dma_start3A_335[%add3A_312, %dma_start3A_336, %dma_start3A_337] : memref<8x20x125xi32, #tpu.memory_space<hbm>> -> memref<1x20x125xi32, #tpu.memory_space<hbm>>
        %dma_start3A_339 = tpu.memref_squeeze %dma_start3A_338 : memref<1x20x125xi32, #tpu.memory_space<hbm>> -> memref<20x125xi32, #tpu.memory_space<hbm>>
        tpu.enqueue_dma source(%dma_start3A_339 : memref<20x125xi32, #tpu.memory_space<hbm>>) target(%dma_start3A_330 : memref<20x125xi32, #tpu.memory_space<vmem>>) target_semaphore(%arg13 : memref<!tpu.dma_semaphore, #tpu.memory_space<semaphore_mem>>)
        %dma_start3A_340 = arith.constant 0 : i32
        %dma_start3A_341 = arith.constant 0 : i32
        %dma_start3A_342 = tpu.memref_slice %arg7[%sub3A_313, %dma_start3A_340, %dma_start3A_341] : memref<2x20x125xi32, #tpu.memory_space<vmem>> -> memref<1x20x125xi32, #tpu.memory_space<vmem>>
        %dma_start3A_343 = tpu.memref_squeeze %dma_start3A_342 : memref<1x20x125xi32, #tpu.memory_space<vmem>> -> memref<20x125xi32, #tpu.memory_space<vmem>>
        %dma_start3A_344 = arith.constant 0 : i32
        %dma_start3A_345 = arith.constant 0 : i32
        %dma_start3A_346 = arith.constant 0 : i32
        %dma_start3A_347 = tpu.memref_slice %arg3[%arg1, %dma_start3A_344, %dma_start3A_345, %dma_start3A_346] : memref<16x8x20x125xi32, #tpu.memory_space<hbm>> -> memref<1x8x20x125xi32, #tpu.memory_space<hbm>>
        %dma_start3A_348 = tpu.memref_squeeze %dma_start3A_347 : memref<1x8x20x125xi32, #tpu.memory_space<hbm>> -> memref<8x20x125xi32, #tpu.memory_space<hbm>>
        %dma_start3A_349 = arith.constant 0 : i32
        %dma_start3A_350 = arith.constant 0 : i32
        %dma_start3A_351 = tpu.memref_slice %dma_start3A_348[%add3A_312, %dma_start3A_349, %dma_start3A_350] : memref<8x20x125xi32, #tpu.memory_space<hbm>> -> memref<1x20x125xi32, #tpu.memory_space<hbm>>
        %dma_start3A_352 = tpu.memref_squeeze %dma_start3A_351 : memref<1x20x125xi32, #tpu.memory_space<hbm>> -> memref<20x125xi32, #tpu.memory_space<hbm>>
        %dma_start3A_353 = arith.constant 0 : i32
        %dma_start3A_354 = arith.constant 0 : i32
        %dma_start3A_355 = tpu.memref_slice %arg7[%sub3A_313, %dma_start3A_353, %dma_start3A_354] : memref<2x20x125xi32, #tpu.memory_space<vmem>> -> memref<1x20x125xi32, #tpu.memory_space<vmem>>
        %dma_start3A_356 = tpu.memref_squeeze %dma_start3A_355 : memref<1x20x125xi32, #tpu.memory_space<vmem>> -> memref<20x125xi32, #tpu.memory_space<vmem>>
        %dma_start3A_357 = arith.constant 0 : i32
        %dma_start3A_358 = arith.constant 0 : i32
        %dma_start3A_359 = arith.constant 0 : i32
        %dma_start3A_360 = tpu.memref_slice %arg3[%arg1, %dma_start3A_357, %dma_start3A_358, %dma_start3A_359] : memref<16x8x20x125xi32, #tpu.memory_space<hbm>> -> memref<1x8x20x125xi32, #tpu.memory_space<hbm>>
        %dma_start3A_361 = tpu.memref_squeeze %dma_start3A_360 : memref<1x8x20x125xi32, #tpu.memory_space<hbm>> -> memref<8x20x125xi32, #tpu.memory_space<hbm>>
        %dma_start3A_362 = arith.constant 0 : i32
        %dma_start3A_363 = arith.constant 0 : i32
        %dma_start3A_364 = tpu.memref_slice %dma_start3A_361[%add3A_312, %dma_start3A_362, %dma_start3A_363] : memref<8x20x125xi32, #tpu.memory_space<hbm>> -> memref<1x20x125xi32, #tpu.memory_space<hbm>>
        %dma_start3A_365 = tpu.memref_squeeze %dma_start3A_364 : memref<1x20x125xi32, #tpu.memory_space<hbm>> -> memref<20x125xi32, #tpu.memory_space<hbm>>
        tpu.enqueue_dma source(%dma_start3A_365 : memref<20x125xi32, #tpu.memory_space<hbm>>) target(%dma_start3A_356 : memref<20x125xi32, #tpu.memory_space<vmem>>) target_semaphore(%arg13 : memref<!tpu.dma_semaphore, #tpu.memory_space<semaphore_mem>>)
      } else {
      }
      %scan3A_257 = arith.constant 0 : i32
      %scan3A_258 = arith.constant 0 : i32
      %scan3A_259 = arith.constant 9 : i32
      %scan3A_260 = arith.addi %scan3A_258, %scan3A_259 : i32
      %scan3A_261 = arith.constant 1 : i32
      %scan3A_262 = scf.for %scan3A_311 = %scan3A_258 to %scan3A_260 step %scan3A_261 iter_args(%scan3A_312 = %scan3A_257) -> (i32)  : i32 {
        %mul3A_313 = arith.constant 2 : i32
        %mul3A_314 = arith.muli %mul3A_313, %scan3A_311 : i32
        %add3A_315 = arith.constant 1 : i32
        %add3A_316 = arith.addi %mul3A_314, %add3A_315 : i32
        %dma_start3A_317 = arith.constant 0 : i32
        %dma_start3A_318 = arith.constant 0 : i32
        %dma_start3A_319 = tpu.memref_slice %arg6[%select_n3A_183, %dma_start3A_317, %dma_start3A_318] : memref<2x20x125xi32, #tpu.memory_space<vmem>> -> memref<1x20x125xi32, #tpu.memory_space<vmem>>
        %dma_start3A_320 = tpu.memref_squeeze %dma_start3A_319 : memref<1x20x125xi32, #tpu.memory_space<vmem>> -> memref<20x125xi32, #tpu.memory_space<vmem>>
        %dma_start3A_321 = arith.constant 0 : i32
        %dma_start3A_322 = tpu.memref_slice %dma_start3A_320[%add3A_316, %dma_start3A_321] : memref<20x125xi32, #tpu.memory_space<vmem>> -> memref<1x125xi32, #tpu.memory_space<vmem>>
        %dma_start3A_323 = tpu.memref_squeeze %dma_start3A_322 : memref<1x125xi32, #tpu.memory_space<vmem>> -> memref<125xi32, #tpu.memory_space<vmem>>
        %dma_start3A_324 = arith.constant 0 : i32
        %dma_start3A_325 = arith.constant 0 : i32
        %dma_start3A_326 = tpu.memref_slice %arg4[%arg0, %dma_start3A_324, %dma_start3A_325] : memref<2x10000x128xf32, #tpu.memory_space<hbm>> -> memref<1x10000x128xf32, #tpu.memory_space<hbm>>
        %dma_start3A_327 = tpu.memref_squeeze %dma_start3A_326 : memref<1x10000x128xf32, #tpu.memory_space<hbm>> -> memref<10000x128xf32, #tpu.memory_space<hbm>>
        %dma_start3A_328 = arith.constant 0 : i32
        %dma_start3A_329 = arith.constant 0 : i32
        %dma_start3A_330 = tpu.memref_slice %dma_start3A_327[%dma_start3A_328, %dma_start3A_329] : memref<10000x128xf32, #tpu.memory_space<hbm>> -> memref<10000x128xf32, #tpu.memory_space<hbm>>
        tpu.enqueue_indirect_dma source(%dma_start3A_330 : memref<10000x128xf32, #tpu.memory_space<hbm>>) target(%arg9 : memref<125x128xf32, #tpu.memory_space<vmem>>) offsets(%dma_start3A_323 : memref<125xi32, #tpu.memory_space<vmem>>) semaphore(%arg12 : memref<!tpu.dma_semaphore, #tpu.memory_space<semaphore_mem>>)
        %mul3A_331 = arith.constant 2 : i32
        %mul3A_332 = arith.muli %mul3A_331, %scan3A_311 : i32
        %dma_wait3A_333 = arith.constant 0 : i32
        %dma_wait3A_334 = arith.constant 0 : i32
        %dma_wait3A_335 = tpu.memref_slice %arg6[%select_n3A_183, %dma_wait3A_333, %dma_wait3A_334] : memref<2x20x125xi32, #tpu.memory_space<vmem>> -> memref<1x20x125xi32, #tpu.memory_space<vmem>>
        %dma_wait3A_336 = tpu.memref_squeeze %dma_wait3A_335 : memref<1x20x125xi32, #tpu.memory_space<vmem>> -> memref<20x125xi32, #tpu.memory_space<vmem>>
        %dma_wait3A_337 = arith.constant 0 : i32
        %dma_wait3A_338 = tpu.memref_slice %dma_wait3A_336[%mul3A_332, %dma_wait3A_337] : memref<20x125xi32, #tpu.memory_space<vmem>> -> memref<1x125xi32, #tpu.memory_space<vmem>>
        %dma_wait3A_339 = tpu.memref_squeeze %dma_wait3A_338 : memref<1x125xi32, #tpu.memory_space<vmem>> -> memref<125xi32, #tpu.memory_space<vmem>>
        %dma_wait3A_340 = arith.constant 0 : i32
        %dma_wait3A_341 = arith.constant 0 : i32
        %dma_wait3A_342 = tpu.memref_slice %arg4[%arg0, %dma_wait3A_340, %dma_wait3A_341] : memref<2x10000x128xf32, #tpu.memory_space<hbm>> -> memref<1x10000x128xf32, #tpu.memory_space<hbm>>
        %dma_wait3A_343 = tpu.memref_squeeze %dma_wait3A_342 : memref<1x10000x128xf32, #tpu.memory_space<hbm>> -> memref<10000x128xf32, #tpu.memory_space<hbm>>
        %dma_wait3A_344 = arith.constant 0 : i32
        %dma_wait3A_345 = arith.constant 0 : i32
        %dma_wait3A_346 = tpu.memref_slice %dma_wait3A_343[%dma_wait3A_344, %dma_wait3A_345] : memref<10000x128xf32, #tpu.memory_space<hbm>> -> memref<10000x128xf32, #tpu.memory_space<hbm>>
        tpu.wait_indirect_dma semaphore(%arg11 : memref<!tpu.dma_semaphore, #tpu.memory_space<semaphore_mem>>) src(%dma_wait3A_346 : memref<10000x128xf32, #tpu.memory_space<hbm>>) dst(%arg8 : memref<125x128xf32, #tpu.memory_space<vmem>>)
        "tpu.region"() ({
          %run_scoped3A_384 = tpu.sem_alloc : memref<!tpu.dma_semaphore, #tpu.memory_space<semaphore_mem>>
          %dma_start3A_385 = arith.constant 0 : i32
          %dma_start3A_386 = arith.constant 0 : i32
          %dma_start3A_387 = tpu.memref_slice %arg7[%select_n3A_183, %dma_start3A_385, %dma_start3A_386] : memref<2x20x125xi32, #tpu.memory_space<vmem>> -> memref<1x20x125xi32, #tpu.memory_space<vmem>>
          %dma_start3A_388 = tpu.memref_squeeze %dma_start3A_387 : memref<1x20x125xi32, #tpu.memory_space<vmem>> -> memref<20x125xi32, #tpu.memory_space<vmem>>
          %dma_start3A_389 = arith.constant 0 : i32
          %dma_start3A_390 = tpu.memref_slice %dma_start3A_388[%mul3A_332, %dma_start3A_389] : memref<20x125xi32, #tpu.memory_space<vmem>> -> memref<1x125xi32, #tpu.memory_space<vmem>>
          %dma_start3A_391 = tpu.memref_squeeze %dma_start3A_390 : memref<1x125xi32, #tpu.memory_space<vmem>> -> memref<125xi32, #tpu.memory_space<vmem>>
          %dma_start3A_392 = arith.constant 0 : i32
          %dma_start3A_393 = arith.constant 0 : i32
          %dma_start3A_394 = tpu.memref_slice %arg10[%dma_start3A_392, %dma_start3A_393] : memref<10000x128xf32, #tpu.memory_space<vmem_shared>> -> memref<10000x128xf32, #tpu.memory_space<vmem_shared>>
          tpu.enqueue_indirect_dma source(%arg8 : memref<125x128xf32, #tpu.memory_space<vmem>>) target(%dma_start3A_394 : memref<10000x128xf32, #tpu.memory_space<vmem_shared>>) offsets(%dma_start3A_391 : memref<125xi32, #tpu.memory_space<vmem>>) semaphore(%run_scoped3A_384 : memref<!tpu.dma_semaphore, #tpu.memory_space<semaphore_mem>>) {add = true}
          %dma_wait3A_395 = arith.constant 0 : i32
          %dma_wait3A_396 = arith.constant 0 : i32
          %dma_wait3A_397 = tpu.memref_slice %arg7[%select_n3A_183, %dma_wait3A_395, %dma_wait3A_396] : memref<2x20x125xi32, #tpu.memory_space<vmem>> -> memref<1x20x125xi32, #tpu.memory_space<vmem>>
          %dma_wait3A_398 = tpu.memref_squeeze %dma_wait3A_397 : memref<1x20x125xi32, #tpu.memory_space<vmem>> -> memref<20x125xi32, #tpu.memory_space<vmem>>
          %dma_wait3A_399 = arith.constant 0 : i32
          %dma_wait3A_400 = tpu.memref_slice %dma_wait3A_398[%mul3A_332, %dma_wait3A_399] : memref<20x125xi32, #tpu.memory_space<vmem>> -> memref<1x125xi32, #tpu.memory_space<vmem>>
          %dma_wait3A_401 = tpu.memref_squeeze %dma_wait3A_400 : memref<1x125xi32, #tpu.memory_space<vmem>> -> memref<125xi32, #tpu.memory_space<vmem>>
          %dma_wait3A_402 = arith.constant 0 : i32
          %dma_wait3A_403 = arith.constant 0 : i32
          %dma_wait3A_404 = tpu.memref_slice %arg10[%dma_wait3A_402, %dma_wait3A_403] : memref<10000x128xf32, #tpu.memory_space<vmem_shared>> -> memref<10000x128xf32, #tpu.memory_space<vmem_shared>>
          tpu.wait_indirect_dma semaphore(%run_scoped3A_384 : memref<!tpu.dma_semaphore, #tpu.memory_space<semaphore_mem>>) src(%arg8 : memref<125x128xf32, #tpu.memory_space<vmem>>) dst(%dma_wait3A_404 : memref<10000x128xf32, #tpu.memory_space<vmem_shared>>)
          tpu.yield
        }) : () -> ()
        %mul3A_347 = arith.constant 2 : i32
        %mul3A_348 = arith.muli %mul3A_347, %scan3A_311 : i32
        %add3A_349 = arith.constant 2 : i32
        %add3A_350 = arith.addi %mul3A_348, %add3A_349 : i32
        %dma_start3A_351 = arith.constant 0 : i32
        %dma_start3A_352 = arith.constant 0 : i32
        %dma_start3A_353 = tpu.memref_slice %arg6[%select_n3A_183, %dma_start3A_351, %dma_start3A_352] : memref<2x20x125xi32, #tpu.memory_space<vmem>> -> memref<1x20x125xi32, #tpu.memory_space<vmem>>
        %dma_start3A_354 = tpu.memref_squeeze %dma_start3A_353 : memref<1x20x125xi32, #tpu.memory_space<vmem>> -> memref<20x125xi32, #tpu.memory_space<vmem>>
        %dma_start3A_355 = arith.constant 0 : i32
        %dma_start3A_356 = tpu.memref_slice %dma_start3A_354[%add3A_350, %dma_start3A_355] : memref<20x125xi32, #tpu.memory_space<vmem>> -> memref<1x125xi32, #tpu.memory_space<vmem>>
        %dma_start3A_357 = tpu.memref_squeeze %dma_start3A_356 : memref<1x125xi32, #tpu.memory_space<vmem>> -> memref<125xi32, #tpu.memory_space<vmem>>
        %dma_start3A_358 = arith.constant 0 : i32
        %dma_start3A_359 = arith.constant 0 : i32
        %dma_start3A_360 = tpu.memref_slice %arg4[%arg0, %dma_start3A_358, %dma_start3A_359] : memref<2x10000x128xf32, #tpu.memory_space<hbm>> -> memref<1x10000x128xf32, #tpu.memory_space<hbm>>
        %dma_start3A_361 = tpu.memref_squeeze %dma_start3A_360 : memref<1x10000x128xf32, #tpu.memory_space<hbm>> -> memref<10000x128xf32, #tpu.memory_space<hbm>>
        %dma_start3A_362 = arith.constant 0 : i32
        %dma_start3A_363 = arith.constant 0 : i32
        %dma_start3A_364 = tpu.memref_slice %dma_start3A_361[%dma_start3A_362, %dma_start3A_363] : memref<10000x128xf32, #tpu.memory_space<hbm>> -> memref<10000x128xf32, #tpu.memory_space<hbm>>
        tpu.enqueue_indirect_dma source(%dma_start3A_364 : memref<10000x128xf32, #tpu.memory_space<hbm>>) target(%arg8 : memref<125x128xf32, #tpu.memory_space<vmem>>) offsets(%dma_start3A_357 : memref<125xi32, #tpu.memory_space<vmem>>) semaphore(%arg11 : memref<!tpu.dma_semaphore, #tpu.memory_space<semaphore_mem>>)
        %mul3A_365 = arith.constant 2 : i32
        %mul3A_366 = arith.muli %mul3A_365, %scan3A_311 : i32
        %add3A_367 = arith.constant 1 : i32
        %add3A_368 = arith.addi %mul3A_366, %add3A_367 : i32
        %dma_wait3A_369 = arith.constant 0 : i32
        %dma_wait3A_370 = arith.constant 0 : i32
        %dma_wait3A_371 = tpu.memref_slice %arg6[%select_n3A_183, %dma_wait3A_369, %dma_wait3A_370] : memref<2x20x125xi32, #tpu.memory_space<vmem>> -> memref<1x20x125xi32, #tpu.memory_space<vmem>>
        %dma_wait3A_372 = tpu.memref_squeeze %dma_wait3A_371 : memref<1x20x125xi32, #tpu.memory_space<vmem>> -> memref<20x125xi32, #tpu.memory_space<vmem>>
        %dma_wait3A_373 = arith.constant 0 : i32
        %dma_wait3A_374 = tpu.memref_slice %dma_wait3A_372[%add3A_368, %dma_wait3A_373] : memref<20x125xi32, #tpu.memory_space<vmem>> -> memref<1x125xi32, #tpu.memory_space<vmem>>
        %dma_wait3A_375 = tpu.memref_squeeze %dma_wait3A_374 : memref<1x125xi32, #tpu.memory_space<vmem>> -> memref<125xi32, #tpu.memory_space<vmem>>
        %dma_wait3A_376 = arith.constant 0 : i32
        %dma_wait3A_377 = arith.constant 0 : i32
        %dma_wait3A_378 = tpu.memref_slice %arg4[%arg0, %dma_wait3A_376, %dma_wait3A_377] : memref<2x10000x128xf32, #tpu.memory_space<hbm>> -> memref<1x10000x128xf32, #tpu.memory_space<hbm>>
        %dma_wait3A_379 = tpu.memref_squeeze %dma_wait3A_378 : memref<1x10000x128xf32, #tpu.memory_space<hbm>> -> memref<10000x128xf32, #tpu.memory_space<hbm>>
        %dma_wait3A_380 = arith.constant 0 : i32
        %dma_wait3A_381 = arith.constant 0 : i32
        %dma_wait3A_382 = tpu.memref_slice %dma_wait3A_379[%dma_wait3A_380, %dma_wait3A_381] : memref<10000x128xf32, #tpu.memory_space<hbm>> -> memref<10000x128xf32, #tpu.memory_space<hbm>>
        tpu.wait_indirect_dma semaphore(%arg12 : memref<!tpu.dma_semaphore, #tpu.memory_space<semaphore_mem>>) src(%dma_wait3A_382 : memref<10000x128xf32, #tpu.memory_space<hbm>>) dst(%arg9 : memref<125x128xf32, #tpu.memory_space<vmem>>)
        "tpu.region"() ({
          %run_scoped3A_384 = tpu.sem_alloc : memref<!tpu.dma_semaphore, #tpu.memory_space<semaphore_mem>>
          %dma_start3A_385 = arith.constant 0 : i32
          %dma_start3A_386 = arith.constant 0 : i32
          %dma_start3A_387 = tpu.memref_slice %arg7[%select_n3A_183, %dma_start3A_385, %dma_start3A_386] : memref<2x20x125xi32, #tpu.memory_space<vmem>> -> memref<1x20x125xi32, #tpu.memory_space<vmem>>
          %dma_start3A_388 = tpu.memref_squeeze %dma_start3A_387 : memref<1x20x125xi32, #tpu.memory_space<vmem>> -> memref<20x125xi32, #tpu.memory_space<vmem>>
          %dma_start3A_389 = arith.constant 0 : i32
          %dma_start3A_390 = tpu.memref_slice %dma_start3A_388[%add3A_368, %dma_start3A_389] : memref<20x125xi32, #tpu.memory_space<vmem>> -> memref<1x125xi32, #tpu.memory_space<vmem>>
          %dma_start3A_391 = tpu.memref_squeeze %dma_start3A_390 : memref<1x125xi32, #tpu.memory_space<vmem>> -> memref<125xi32, #tpu.memory_space<vmem>>
          %dma_start3A_392 = arith.constant 0 : i32
          %dma_start3A_393 = arith.constant 0 : i32
          %dma_start3A_394 = tpu.memref_slice %arg10[%dma_start3A_392, %dma_start3A_393] : memref<10000x128xf32, #tpu.memory_space<vmem_shared>> -> memref<10000x128xf32, #tpu.memory_space<vmem_shared>>
          tpu.enqueue_indirect_dma source(%arg9 : memref<125x128xf32, #tpu.memory_space<vmem>>) target(%dma_start3A_394 : memref<10000x128xf32, #tpu.memory_space<vmem_shared>>) offsets(%dma_start3A_391 : memref<125xi32, #tpu.memory_space<vmem>>) semaphore(%run_scoped3A_384 : memref<!tpu.dma_semaphore, #tpu.memory_space<semaphore_mem>>) {add = true}
          %dma_wait3A_395 = arith.constant 0 : i32
          %dma_wait3A_396 = arith.constant 0 : i32
          %dma_wait3A_397 = tpu.memref_slice %arg7[%select_n3A_183, %dma_wait3A_395, %dma_wait3A_396] : memref<2x20x125xi32, #tpu.memory_space<vmem>> -> memref<1x20x125xi32, #tpu.memory_space<vmem>>
          %dma_wait3A_398 = tpu.memref_squeeze %dma_wait3A_397 : memref<1x20x125xi32, #tpu.memory_space<vmem>> -> memref<20x125xi32, #tpu.memory_space<vmem>>
          %dma_wait3A_399 = arith.constant 0 : i32
          %dma_wait3A_400 = tpu.memref_slice %dma_wait3A_398[%add3A_368, %dma_wait3A_399] : memref<20x125xi32, #tpu.memory_space<vmem>> -> memref<1x125xi32, #tpu.memory_space<vmem>>
          %dma_wait3A_401 = tpu.memref_squeeze %dma_wait3A_400 : memref<1x125xi32, #tpu.memory_space<vmem>> -> memref<125xi32, #tpu.memory_space<vmem>>
          %dma_wait3A_402 = arith.constant 0 : i32
          %dma_wait3A_403 = arith.constant 0 : i32
          %dma_wait3A_404 = tpu.memref_slice %arg10[%dma_wait3A_402, %dma_wait3A_403] : memref<10000x128xf32, #tpu.memory_space<vmem_shared>> -> memref<10000x128xf32, #tpu.memory_space<vmem_shared>>
          tpu.wait_indirect_dma semaphore(%run_scoped3A_384 : memref<!tpu.dma_semaphore, #tpu.memory_space<semaphore_mem>>) src(%arg9 : memref<125x128xf32, #tpu.memory_space<vmem>>) dst(%dma_wait3A_404 : memref<10000x128xf32, #tpu.memory_space<vmem_shared>>)
          tpu.yield
        }) : () -> ()
        %scan3A_383 = arith.constant 0 : i32
        scf.yield %scan3A_383 : i32
      }
      %scan3A_263 = arith.constant 9 : i32
      %dma_start3A_264 = arith.constant 19 : i32
      %dma_start3A_265 = arith.constant 0 : i32
      %dma_start3A_266 = arith.constant 0 : i32
      %dma_start3A_267 = tpu.memref_slice %arg6[%select_n3A_183, %dma_start3A_265, %dma_start3A_266] : memref<2x20x125xi32, #tpu.memory_space<vmem>> -> memref<1x20x125xi32, #tpu.memory_space<vmem>>
      %dma_start3A_268 = tpu.memref_squeeze %dma_start3A_267 : memref<1x20x125xi32, #tpu.memory_space<vmem>> -> memref<20x125xi32, #tpu.memory_space<vmem>>
      %dma_start3A_269 = arith.constant 0 : i32
      %dma_start3A_270 = tpu.memref_slice %dma_start3A_268[%dma_start3A_264, %dma_start3A_269] : memref<20x125xi32, #tpu.memory_space<vmem>> -> memref<1x125xi32, #tpu.memory_space<vmem>>
      %dma_start3A_271 = tpu.memref_squeeze %dma_start3A_270 : memref<1x125xi32, #tpu.memory_space<vmem>> -> memref<125xi32, #tpu.memory_space<vmem>>
      %dma_start3A_272 = arith.constant 0 : i32
      %dma_start3A_273 = arith.constant 0 : i32
      %dma_start3A_274 = tpu.memref_slice %arg4[%arg0, %dma_start3A_272, %dma_start3A_273] : memref<2x10000x128xf32, #tpu.memory_space<hbm>> -> memref<1x10000x128xf32, #tpu.memory_space<hbm>>
      %dma_start3A_275 = tpu.memref_squeeze %dma_start3A_274 : memref<1x10000x128xf32, #tpu.memory_space<hbm>> -> memref<10000x128xf32, #tpu.memory_space<hbm>>
      %dma_start3A_276 = arith.constant 0 : i32
      %dma_start3A_277 = arith.constant 0 : i32
      %dma_start3A_278 = tpu.memref_slice %dma_start3A_275[%dma_start3A_276, %dma_start3A_277] : memref<10000x128xf32, #tpu.memory_space<hbm>> -> memref<10000x128xf32, #tpu.memory_space<hbm>>
      tpu.enqueue_indirect_dma source(%dma_start3A_278 : memref<10000x128xf32, #tpu.memory_space<hbm>>) target(%arg9 : memref<125x128xf32, #tpu.memory_space<vmem>>) offsets(%dma_start3A_271 : memref<125xi32, #tpu.memory_space<vmem>>) semaphore(%arg12 : memref<!tpu.dma_semaphore, #tpu.memory_space<semaphore_mem>>)
      %dma_wait3A_279 = arith.constant 18 : i32
      %dma_wait3A_280 = arith.constant 0 : i32
      %dma_wait3A_281 = arith.constant 0 : i32
      %dma_wait3A_282 = tpu.memref_slice %arg6[%select_n3A_183, %dma_wait3A_280, %dma_wait3A_281] : memref<2x20x125xi32, #tpu.memory_space<vmem>> -> memref<1x20x125xi32, #tpu.memory_space<vmem>>
      %dma_wait3A_283 = tpu.memref_squeeze %dma_wait3A_282 : memref<1x20x125xi32, #tpu.memory_space<vmem>> -> memref<20x125xi32, #tpu.memory_space<vmem>>
      %dma_wait3A_284 = arith.constant 0 : i32
      %dma_wait3A_285 = tpu.memref_slice %dma_wait3A_283[%dma_wait3A_279, %dma_wait3A_284] : memref<20x125xi32, #tpu.memory_space<vmem>> -> memref<1x125xi32, #tpu.memory_space<vmem>>
      %dma_wait3A_286 = tpu.memref_squeeze %dma_wait3A_285 : memref<1x125xi32, #tpu.memory_space<vmem>> -> memref<125xi32, #tpu.memory_space<vmem>>
      %dma_wait3A_287 = arith.constant 0 : i32
      %dma_wait3A_288 = arith.constant 0 : i32
      %dma_wait3A_289 = tpu.memref_slice %arg4[%arg0, %dma_wait3A_287, %dma_wait3A_288] : memref<2x10000x128xf32, #tpu.memory_space<hbm>> -> memref<1x10000x128xf32, #tpu.memory_space<hbm>>
      %dma_wait3A_290 = tpu.memref_squeeze %dma_wait3A_289 : memref<1x10000x128xf32, #tpu.memory_space<hbm>> -> memref<10000x128xf32, #tpu.memory_space<hbm>>
      %dma_wait3A_291 = arith.constant 0 : i32
      %dma_wait3A_292 = arith.constant 0 : i32
      %dma_wait3A_293 = tpu.memref_slice %dma_wait3A_290[%dma_wait3A_291, %dma_wait3A_292] : memref<10000x128xf32, #tpu.memory_space<hbm>> -> memref<10000x128xf32, #tpu.memory_space<hbm>>
      tpu.wait_indirect_dma semaphore(%arg11 : memref<!tpu.dma_semaphore, #tpu.memory_space<semaphore_mem>>) src(%dma_wait3A_293 : memref<10000x128xf32, #tpu.memory_space<hbm>>) dst(%arg8 : memref<125x128xf32, #tpu.memory_space<vmem>>)
      %run_scoped3A = arith.constant 18 : i32
      "tpu.region"() ({
        %run_scoped3A_311 = tpu.sem_alloc : memref<!tpu.dma_semaphore, #tpu.memory_space<semaphore_mem>>
        %dma_start3A_312 = arith.constant 0 : i32
        %dma_start3A_313 = arith.constant 0 : i32
        %dma_start3A_314 = tpu.memref_slice %arg7[%select_n3A_183, %dma_start3A_312, %dma_start3A_313] : memref<2x20x125xi32, #tpu.memory_space<vmem>> -> memref<1x20x125xi32, #tpu.memory_space<vmem>>
        %dma_start3A_315 = tpu.memref_squeeze %dma_start3A_314 : memref<1x20x125xi32, #tpu.memory_space<vmem>> -> memref<20x125xi32, #tpu.memory_space<vmem>>
        %dma_start3A_316 = arith.constant 0 : i32
        %dma_start3A_317 = tpu.memref_slice %dma_start3A_315[%run_scoped3A, %dma_start3A_316] : memref<20x125xi32, #tpu.memory_space<vmem>> -> memref<1x125xi32, #tpu.memory_space<vmem>>
        %dma_start3A_318 = tpu.memref_squeeze %dma_start3A_317 : memref<1x125xi32, #tpu.memory_space<vmem>> -> memref<125xi32, #tpu.memory_space<vmem>>
        %dma_start3A_319 = arith.constant 0 : i32
        %dma_start3A_320 = arith.constant 0 : i32
        %dma_start3A_321 = tpu.memref_slice %arg10[%dma_start3A_319, %dma_start3A_320] : memref<10000x128xf32, #tpu.memory_space<vmem_shared>> -> memref<10000x128xf32, #tpu.memory_space<vmem_shared>>
        tpu.enqueue_indirect_dma source(%arg8 : memref<125x128xf32, #tpu.memory_space<vmem>>) target(%dma_start3A_321 : memref<10000x128xf32, #tpu.memory_space<vmem_shared>>) offsets(%dma_start3A_318 : memref<125xi32, #tpu.memory_space<vmem>>) semaphore(%run_scoped3A_311 : memref<!tpu.dma_semaphore, #tpu.memory_space<semaphore_mem>>) {add = true}
        %dma_wait3A_322 = arith.constant 0 : i32
        %dma_wait3A_323 = arith.constant 0 : i32
        %dma_wait3A_324 = tpu.memref_slice %arg7[%select_n3A_183, %dma_wait3A_322, %dma_wait3A_323] : memref<2x20x125xi32, #tpu.memory_space<vmem>> -> memref<1x20x125xi32, #tpu.memory_space<vmem>>
        %dma_wait3A_325 = tpu.memref_squeeze %dma_wait3A_324 : memref<1x20x125xi32, #tpu.memory_space<vmem>> -> memref<20x125xi32, #tpu.memory_space<vmem>>
        %dma_wait3A_326 = arith.constant 0 : i32
        %dma_wait3A_327 = tpu.memref_slice %dma_wait3A_325[%run_scoped3A, %dma_wait3A_326] : memref<20x125xi32, #tpu.memory_space<vmem>> -> memref<1x125xi32, #tpu.memory_space<vmem>>
        %dma_wait3A_328 = tpu.memref_squeeze %dma_wait3A_327 : memref<1x125xi32, #tpu.memory_space<vmem>> -> memref<125xi32, #tpu.memory_space<vmem>>
        %dma_wait3A_329 = arith.constant 0 : i32
        %dma_wait3A_330 = arith.constant 0 : i32
        %dma_wait3A_331 = tpu.memref_slice %arg10[%dma_wait3A_329, %dma_wait3A_330] : memref<10000x128xf32, #tpu.memory_space<vmem_shared>> -> memref<10000x128xf32, #tpu.memory_space<vmem_shared>>
        tpu.wait_indirect_dma semaphore(%run_scoped3A_311 : memref<!tpu.dma_semaphore, #tpu.memory_space<semaphore_mem>>) src(%arg8 : memref<125x128xf32, #tpu.memory_space<vmem>>) dst(%dma_wait3A_331 : memref<10000x128xf32, #tpu.memory_space<vmem_shared>>)
        tpu.yield
      }) : () -> ()
      %dma_wait3A_294 = arith.constant 19 : i32
      %dma_wait3A_295 = arith.constant 0 : i32
      %dma_wait3A_296 = arith.constant 0 : i32
      %dma_wait3A_297 = tpu.memref_slice %arg6[%select_n3A_183, %dma_wait3A_295, %dma_wait3A_296] : memref<2x20x125xi32, #tpu.memory_space<vmem>> -> memref<1x20x125xi32, #tpu.memory_space<vmem>>
      %dma_wait3A_298 = tpu.memref_squeeze %dma_wait3A_297 : memref<1x20x125xi32, #tpu.memory_space<vmem>> -> memref<20x125xi32, #tpu.memory_space<vmem>>
      %dma_wait3A_299 = arith.constant 0 : i32
      %dma_wait3A_300 = tpu.memref_slice %dma_wait3A_298[%dma_wait3A_294, %dma_wait3A_299] : memref<20x125xi32, #tpu.memory_space<vmem>> -> memref<1x125xi32, #tpu.memory_space<vmem>>
      %dma_wait3A_301 = tpu.memref_squeeze %dma_wait3A_300 : memref<1x125xi32, #tpu.memory_space<vmem>> -> memref<125xi32, #tpu.memory_space<vmem>>
      %dma_wait3A_302 = arith.constant 0 : i32
      %dma_wait3A_303 = arith.constant 0 : i32
      %dma_wait3A_304 = tpu.memref_slice %arg4[%arg0, %dma_wait3A_302, %dma_wait3A_303] : memref<2x10000x128xf32, #tpu.memory_space<hbm>> -> memref<1x10000x128xf32, #tpu.memory_space<hbm>>
      %dma_wait3A_305 = tpu.memref_squeeze %dma_wait3A_304 : memref<1x10000x128xf32, #tpu.memory_space<hbm>> -> memref<10000x128xf32, #tpu.memory_space<hbm>>
      %dma_wait3A_306 = arith.constant 0 : i32
      %dma_wait3A_307 = arith.constant 0 : i32
      %dma_wait3A_308 = tpu.memref_slice %dma_wait3A_305[%dma_wait3A_306, %dma_wait3A_307] : memref<10000x128xf32, #tpu.memory_space<hbm>> -> memref<10000x128xf32, #tpu.memory_space<hbm>>
      tpu.wait_indirect_dma semaphore(%arg12 : memref<!tpu.dma_semaphore, #tpu.memory_space<semaphore_mem>>) src(%dma_wait3A_308 : memref<10000x128xf32, #tpu.memory_space<hbm>>) dst(%arg9 : memref<125x128xf32, #tpu.memory_space<vmem>>)
      %run_scoped3A_309 = arith.constant 19 : i32
      "tpu.region"() ({
        %run_scoped3A_311 = tpu.sem_alloc : memref<!tpu.dma_semaphore, #tpu.memory_space<semaphore_mem>>
        %dma_start3A_312 = arith.constant 0 : i32
        %dma_start3A_313 = arith.constant 0 : i32
        %dma_start3A_314 = tpu.memref_slice %arg7[%select_n3A_183, %dma_start3A_312, %dma_start3A_313] : memref<2x20x125xi32, #tpu.memory_space<vmem>> -> memref<1x20x125xi32, #tpu.memory_space<vmem>>
        %dma_start3A_315 = tpu.memref_squeeze %dma_start3A_314 : memref<1x20x125xi32, #tpu.memory_space<vmem>> -> memref<20x125xi32, #tpu.memory_space<vmem>>
        %dma_start3A_316 = arith.constant 0 : i32
        %dma_start3A_317 = tpu.memref_slice %dma_start3A_315[%run_scoped3A_309, %dma_start3A_316] : memref<20x125xi32, #tpu.memory_space<vmem>> -> memref<1x125xi32, #tpu.memory_space<vmem>>
        %dma_start3A_318 = tpu.memref_squeeze %dma_start3A_317 : memref<1x125xi32, #tpu.memory_space<vmem>> -> memref<125xi32, #tpu.memory_space<vmem>>
        %dma_start3A_319 = arith.constant 0 : i32
        %dma_start3A_320 = arith.constant 0 : i32
        %dma_start3A_321 = tpu.memref_slice %arg10[%dma_start3A_319, %dma_start3A_320] : memref<10000x128xf32, #tpu.memory_space<vmem_shared>> -> memref<10000x128xf32, #tpu.memory_space<vmem_shared>>
        tpu.enqueue_indirect_dma source(%arg9 : memref<125x128xf32, #tpu.memory_space<vmem>>) target(%dma_start3A_321 : memref<10000x128xf32, #tpu.memory_space<vmem_shared>>) offsets(%dma_start3A_318 : memref<125xi32, #tpu.memory_space<vmem>>) semaphore(%run_scoped3A_311 : memref<!tpu.dma_semaphore, #tpu.memory_space<semaphore_mem>>) {add = true}
        %dma_wait3A_322 = arith.constant 0 : i32
        %dma_wait3A_323 = arith.constant 0 : i32
        %dma_wait3A_324 = tpu.memref_slice %arg7[%select_n3A_183, %dma_wait3A_322, %dma_wait3A_323] : memref<2x20x125xi32, #tpu.memory_space<vmem>> -> memref<1x20x125xi32, #tpu.memory_space<vmem>>
        %dma_wait3A_325 = tpu.memref_squeeze %dma_wait3A_324 : memref<1x20x125xi32, #tpu.memory_space<vmem>> -> memref<20x125xi32, #tpu.memory_space<vmem>>
        %dma_wait3A_326 = arith.constant 0 : i32
        %dma_wait3A_327 = tpu.memref_slice %dma_wait3A_325[%run_scoped3A_309, %dma_wait3A_326] : memref<20x125xi32, #tpu.memory_space<vmem>> -> memref<1x125xi32, #tpu.memory_space<vmem>>
        %dma_wait3A_328 = tpu.memref_squeeze %dma_wait3A_327 : memref<1x125xi32, #tpu.memory_space<vmem>> -> memref<125xi32, #tpu.memory_space<vmem>>
        %dma_wait3A_329 = arith.constant 0 : i32
        %dma_wait3A_330 = arith.constant 0 : i32
        %dma_wait3A_331 = tpu.memref_slice %arg10[%dma_wait3A_329, %dma_wait3A_330] : memref<10000x128xf32, #tpu.memory_space<vmem_shared>> -> memref<10000x128xf32, #tpu.memory_space<vmem_shared>>
        tpu.wait_indirect_dma semaphore(%run_scoped3A_311 : memref<!tpu.dma_semaphore, #tpu.memory_space<semaphore_mem>>) src(%arg9 : memref<125x128xf32, #tpu.memory_space<vmem>>) dst(%dma_wait3A_331 : memref<10000x128xf32, #tpu.memory_space<vmem_shared>>)
        tpu.yield
      }) : () -> ()
      %scan3A_310 = arith.constant 0 : i32
      scf.yield %scan3A_310 : i32
    }
    %scan3A_134 = arith.constant 8 : i32
    %barrier3A_135 = arith.constant 0 : index
    tpu.barrier barrier_id(%barrier3A_135)
    %mul3A_136 = arith.constant 4 : i32
    %mul3A_137 = arith.muli %arg1, %mul3A_136 : i32
    %add3A_138 = arith.constant 0 : i32
    %add3A_139 = arith.addi %mul3A_137, %add3A_138 : i32
    %lt3A_140 = arith.constant 50 : i32
    %lt3A_141 = arith.cmpi slt, %add3A_139, %lt3A_140 : i32
    %convert_element_type3A_142 = arith.extui %lt3A_141 : i1 to i32
    %cond3A_143 = arith.constant 0 : i32
    %cond3A_144 = arith.cmpi ne, %convert_element_type3A_142, %cond3A_143 : i32
    scf.if %cond3A_144 {
      %mul3A_172 = arith.constant 200 : i32
      %mul3A_173 = arith.muli %add3A_139, %mul3A_172 : i32
      %mul3A_174 = arith.constant 200 : i32
      %mul3A_175 = arith.muli %add3A_139, %mul3A_174 : i32
      "tpu.region"() ({
        %run_scoped3A = tpu.sem_alloc : memref<!tpu.dma_semaphore, #tpu.memory_space<semaphore_mem>>
        %dma_start3A_176 = arith.constant 0 : i32
        %dma_start3A_177 = tpu.memref_slice %arg5[%arg0, %mul3A_175, %dma_start3A_176] : memref<2x10000x128xf32, #tpu.memory_space<hbm>> -> memref<1x200x128xf32, #tpu.memory_space<hbm>>
        %dma_start3A_178 = tpu.memref_squeeze %dma_start3A_177 : memref<1x200x128xf32, #tpu.memory_space<hbm>> -> memref<200x128xf32, #tpu.memory_space<hbm>>
        %dma_start3A_179 = arith.constant 0 : i32
        %dma_start3A_180 = tpu.memref_slice %arg10[%mul3A_173, %dma_start3A_179] : memref<10000x128xf32, #tpu.memory_space<vmem_shared>> -> memref<200x128xf32, #tpu.memory_space<vmem_shared>>
        tpu.enqueue_dma source(%dma_start3A_180 : memref<200x128xf32, #tpu.memory_space<vmem_shared>>) target(%dma_start3A_178 : memref<200x128xf32, #tpu.memory_space<hbm>>) target_semaphore(%run_scoped3A : memref<!tpu.dma_semaphore, #tpu.memory_space<semaphore_mem>>)
        %dma_wait3A = arith.constant 0 : i32
        %dma_wait3A_181 = tpu.memref_slice %arg5[%arg0, %mul3A_175, %dma_wait3A] : memref<2x10000x128xf32, #tpu.memory_space<hbm>> -> memref<1x200x128xf32, #tpu.memory_space<hbm>>
        %dma_wait3A_182 = tpu.memref_squeeze %dma_wait3A_181 : memref<1x200x128xf32, #tpu.memory_space<hbm>> -> memref<200x128xf32, #tpu.memory_space<hbm>>
        %dma_wait3A_183 = arith.constant 0 : i32
        %dma_wait3A_184 = tpu.memref_slice %arg10[%mul3A_173, %dma_wait3A_183] : memref<10000x128xf32, #tpu.memory_space<vmem_shared>> -> memref<200x128xf32, #tpu.memory_space<vmem_shared>>
        tpu.wait_dma2 semaphore(%run_scoped3A : memref<!tpu.dma_semaphore, #tpu.memory_space<semaphore_mem>>) src(%dma_wait3A_184 : memref<200x128xf32, #tpu.memory_space<vmem_shared>>) dst(%dma_wait3A_182 : memref<200x128xf32, #tpu.memory_space<hbm>>)
        tpu.yield
      }) : () -> ()
    } else {
    }
    %mul3A_145 = arith.constant 4 : i32
    %mul3A_146 = arith.muli %arg1, %mul3A_145 : i32
    %add3A_147 = arith.constant 1 : i32
    %add3A_148 = arith.addi %mul3A_146, %add3A_147 : i32
    %lt3A_149 = arith.constant 50 : i32
    %lt3A_150 = arith.cmpi slt, %add3A_148, %lt3A_149 : i32
    %convert_element_type3A_151 = arith.extui %lt3A_150 : i1 to i32
    %cond3A_152 = arith.constant 0 : i32
    %cond3A_153 = arith.cmpi ne, %convert_element_type3A_151, %cond3A_152 : i32
    scf.if %cond3A_153 {
      %mul3A_172 = arith.constant 200 : i32
      %mul3A_173 = arith.muli %add3A_148, %mul3A_172 : i32
      %mul3A_174 = arith.constant 200 : i32
      %mul3A_175 = arith.muli %add3A_148, %mul3A_174 : i32
      "tpu.region"() ({
        %run_scoped3A = tpu.sem_alloc : memref<!tpu.dma_semaphore, #tpu.memory_space<semaphore_mem>>
        %dma_start3A_176 = arith.constant 0 : i32
        %dma_start3A_177 = tpu.memref_slice %arg5[%arg0, %mul3A_175, %dma_start3A_176] : memref<2x10000x128xf32, #tpu.memory_space<hbm>> -> memref<1x200x128xf32, #tpu.memory_space<hbm>>
        %dma_start3A_178 = tpu.memref_squeeze %dma_start3A_177 : memref<1x200x128xf32, #tpu.memory_space<hbm>> -> memref<200x128xf32, #tpu.memory_space<hbm>>
        %dma_start3A_179 = arith.constant 0 : i32
        %dma_start3A_180 = tpu.memref_slice %arg10[%mul3A_173, %dma_start3A_179] : memref<10000x128xf32, #tpu.memory_space<vmem_shared>> -> memref<200x128xf32, #tpu.memory_space<vmem_shared>>
        tpu.enqueue_dma source(%dma_start3A_180 : memref<200x128xf32, #tpu.memory_space<vmem_shared>>) target(%dma_start3A_178 : memref<200x128xf32, #tpu.memory_space<hbm>>) target_semaphore(%run_scoped3A : memref<!tpu.dma_semaphore, #tpu.memory_space<semaphore_mem>>)
        %dma_wait3A = arith.constant 0 : i32
        %dma_wait3A_181 = tpu.memref_slice %arg5[%arg0, %mul3A_175, %dma_wait3A] : memref<2x10000x128xf32, #tpu.memory_space<hbm>> -> memref<1x200x128xf32, #tpu.memory_space<hbm>>
        %dma_wait3A_182 = tpu.memref_squeeze %dma_wait3A_181 : memref<1x200x128xf32, #tpu.memory_space<hbm>> -> memref<200x128xf32, #tpu.memory_space<hbm>>
        %dma_wait3A_183 = arith.constant 0 : i32
        %dma_wait3A_184 = tpu.memref_slice %arg10[%mul3A_173, %dma_wait3A_183] : memref<10000x128xf32, #tpu.memory_space<vmem_shared>> -> memref<200x128xf32, #tpu.memory_space<vmem_shared>>
        tpu.wait_dma2 semaphore(%run_scoped3A : memref<!tpu.dma_semaphore, #tpu.memory_space<semaphore_mem>>) src(%dma_wait3A_184 : memref<200x128xf32, #tpu.memory_space<vmem_shared>>) dst(%dma_wait3A_182 : memref<200x128xf32, #tpu.memory_space<hbm>>)
        tpu.yield
      }) : () -> ()
    } else {
    }
    %mul3A_154 = arith.constant 4 : i32
    %mul3A_155 = arith.muli %arg1, %mul3A_154 : i32
    %add3A_156 = arith.constant 2 : i32
    %add3A_157 = arith.addi %mul3A_155, %add3A_156 : i32
    %lt3A_158 = arith.constant 50 : i32
    %lt3A_159 = arith.cmpi slt, %add3A_157, %lt3A_158 : i32
    %convert_element_type3A_160 = arith.extui %lt3A_159 : i1 to i32
    %cond3A_161 = arith.constant 0 : i32
    %cond3A_162 = arith.cmpi ne, %convert_element_type3A_160, %cond3A_161 : i32
    scf.if %cond3A_162 {
      %mul3A_172 = arith.constant 200 : i32
      %mul3A_173 = arith.muli %add3A_157, %mul3A_172 : i32
      %mul3A_174 = arith.constant 200 : i32
      %mul3A_175 = arith.muli %add3A_157, %mul3A_174 : i32
      "tpu.region"() ({
        %run_scoped3A = tpu.sem_alloc : memref<!tpu.dma_semaphore, #tpu.memory_space<semaphore_mem>>
        %dma_start3A_176 = arith.constant 0 : i32
        %dma_start3A_177 = tpu.memref_slice %arg5[%arg0, %mul3A_175, %dma_start3A_176] : memref<2x10000x128xf32, #tpu.memory_space<hbm>> -> memref<1x200x128xf32, #tpu.memory_space<hbm>>
        %dma_start3A_178 = tpu.memref_squeeze %dma_start3A_177 : memref<1x200x128xf32, #tpu.memory_space<hbm>> -> memref<200x128xf32, #tpu.memory_space<hbm>>
        %dma_start3A_179 = arith.constant 0 : i32
        %dma_start3A_180 = tpu.memref_slice %arg10[%mul3A_173, %dma_start3A_179] : memref<10000x128xf32, #tpu.memory_space<vmem_shared>> -> memref<200x128xf32, #tpu.memory_space<vmem_shared>>
        tpu.enqueue_dma source(%dma_start3A_180 : memref<200x128xf32, #tpu.memory_space<vmem_shared>>) target(%dma_start3A_178 : memref<200x128xf32, #tpu.memory_space<hbm>>) target_semaphore(%run_scoped3A : memref<!tpu.dma_semaphore, #tpu.memory_space<semaphore_mem>>)
        %dma_wait3A = arith.constant 0 : i32
        %dma_wait3A_181 = tpu.memref_slice %arg5[%arg0, %mul3A_175, %dma_wait3A] : memref<2x10000x128xf32, #tpu.memory_space<hbm>> -> memref<1x200x128xf32, #tpu.memory_space<hbm>>
        %dma_wait3A_182 = tpu.memref_squeeze %dma_wait3A_181 : memref<1x200x128xf32, #tpu.memory_space<hbm>> -> memref<200x128xf32, #tpu.memory_space<hbm>>
        %dma_wait3A_183 = arith.constant 0 : i32
        %dma_wait3A_184 = tpu.memref_slice %arg10[%mul3A_173, %dma_wait3A_183] : memref<10000x128xf32, #tpu.memory_space<vmem_shared>> -> memref<200x128xf32, #tpu.memory_space<vmem_shared>>
        tpu.wait_dma2 semaphore(%run_scoped3A : memref<!tpu.dma_semaphore, #tpu.memory_space<semaphore_mem>>) src(%dma_wait3A_184 : memref<200x128xf32, #tpu.memory_space<vmem_shared>>) dst(%dma_wait3A_182 : memref<200x128xf32, #tpu.memory_space<hbm>>)
        tpu.yield
      }) : () -> ()
    } else {
    }
    %mul3A_163 = arith.constant 4 : i32
    %mul3A_164 = arith.muli %arg1, %mul3A_163 : i32
    %add3A_165 = arith.constant 3 : i32
    %add3A_166 = arith.addi %mul3A_164, %add3A_165 : i32
    %lt3A_167 = arith.constant 50 : i32
    %lt3A_168 = arith.cmpi slt, %add3A_166, %lt3A_167 : i32
    %convert_element_type3A_169 = arith.extui %lt3A_168 : i1 to i32
    %cond3A_170 = arith.constant 0 : i32
    %cond3A_171 = arith.cmpi ne, %convert_element_type3A_169, %cond3A_170 : i32
    scf.if %cond3A_171 {
      %mul3A_172 = arith.constant 200 : i32
      %mul3A_173 = arith.muli %add3A_166, %mul3A_172 : i32
      %mul3A_174 = arith.constant 200 : i32
      %mul3A_175 = arith.muli %add3A_166, %mul3A_174 : i32
      "tpu.region"() ({
        %run_scoped3A = tpu.sem_alloc : memref<!tpu.dma_semaphore, #tpu.memory_space<semaphore_mem>>
        %dma_start3A_176 = arith.constant 0 : i32
        %dma_start3A_177 = tpu.memref_slice %arg5[%arg0, %mul3A_175, %dma_start3A_176] : memref<2x10000x128xf32, #tpu.memory_space<hbm>> -> memref<1x200x128xf32, #tpu.memory_space<hbm>>
        %dma_start3A_178 = tpu.memref_squeeze %dma_start3A_177 : memref<1x200x128xf32, #tpu.memory_space<hbm>> -> memref<200x128xf32, #tpu.memory_space<hbm>>
        %dma_start3A_179 = arith.constant 0 : i32
        %dma_start3A_180 = tpu.memref_slice %arg10[%mul3A_173, %dma_start3A_179] : memref<10000x128xf32, #tpu.memory_space<vmem_shared>> -> memref<200x128xf32, #tpu.memory_space<vmem_shared>>
        tpu.enqueue_dma source(%dma_start3A_180 : memref<200x128xf32, #tpu.memory_space<vmem_shared>>) target(%dma_start3A_178 : memref<200x128xf32, #tpu.memory_space<hbm>>) target_semaphore(%run_scoped3A : memref<!tpu.dma_semaphore, #tpu.memory_space<semaphore_mem>>)
        %dma_wait3A = arith.constant 0 : i32
        %dma_wait3A_181 = tpu.memref_slice %arg5[%arg0, %mul3A_175, %dma_wait3A] : memref<2x10000x128xf32, #tpu.memory_space<hbm>> -> memref<1x200x128xf32, #tpu.memory_space<hbm>>
        %dma_wait3A_182 = tpu.memref_squeeze %dma_wait3A_181 : memref<1x200x128xf32, #tpu.memory_space<hbm>> -> memref<200x128xf32, #tpu.memory_space<hbm>>
        %dma_wait3A_183 = arith.constant 0 : i32
        %dma_wait3A_184 = tpu.memref_slice %arg10[%mul3A_173, %dma_wait3A_183] : memref<10000x128xf32, #tpu.memory_space<vmem_shared>> -> memref<200x128xf32, #tpu.memory_space<vmem_shared>>
        tpu.wait_dma2 semaphore(%run_scoped3A : memref<!tpu.dma_semaphore, #tpu.memory_space<semaphore_mem>>) src(%dma_wait3A_184 : memref<200x128xf32, #tpu.memory_space<vmem_shared>>) dst(%dma_wait3A_182 : memref<200x128xf32, #tpu.memory_space<hbm>>)
        tpu.yield
      }) : () -> ()
    } else {
    }
    return
  }
}

module attributes {stable_mosaic.version = 14 : i64} {
  func.func @_tc1_body(%arg0: i32, %arg1: memref<1000x128xf32, #tpu.memory_space<vmem>>, %arg2: memref<1000x2xf32, #tpu.memory_space<vmem>>, %arg3: memref<128x128xf32, #tpu.memory_space<vmem>>, %arg4: memref<128x128xf32, #tpu.memory_space<vmem>>, %arg5: memref<2x1000x128xf32, #tpu.memory_space<vmem>>, %arg6: memref<1000x1xf32, #tpu.memory_space<vmem>>) attributes {dimension_semantics = [#tpu.dimension_semantics<arbitrary>], iteration_bounds = array<i64: 10>, scalar_prefetch = 0 : i64, scratch_operands = 0 : i64, tpu.core_type = #tpu.core_type<tc>, window_params = [{transform_indices = @transform_0, window_bounds = array<i64: 1000, 128>}, {transform_indices = @transform_1, window_bounds = array<i64: 1000, 2>}, {pipeline_mode = #tpu.pipeline_mode<synchronous>, transform_indices = @transform_2, window_bounds = array<i64: 128, 128>}, {pipeline_mode = #tpu.pipeline_mode<synchronous>, transform_indices = @transform_3, window_bounds = array<i64: 128, 128>}, {transform_indices = @transform_4, window_bounds = array<i64: 2, 1000, 128>}, {transform_indices = @transform_5, window_bounds = array<i64: 1000, 1>}]} {
    %get3A = arith.constant 0 : index
    %get3A_0 = arith.constant 0 : index
    %get3A_1 = vector.load %arg2[%get3A, %get3A_0] : memref<1000x2xf32, #tpu.memory_space<vmem>>, vector<1000x1xf32>
    %get3A_2 = arith.constant 0 : index
    %get3A_3 = arith.constant 1 : index
    %get3A_4 = vector.load %arg2[%get3A_2, %get3A_3] : memref<1000x2xf32, #tpu.memory_space<vmem>>, vector<1000x1xf32>
    %add3A = arith.addf %get3A_1, %get3A_4 : vector<1000x1xf32>
    %add3A_5 = arith.constant 1.000000e+00 : f32
    %add3A_6 = vector.broadcast %add3A_5 : f32 to vector<1000x1xf32>
    %add3A_7 = arith.addf %add3A, %add3A_6 : vector<1000x1xf32>
    %max3A = arith.constant 1.000000e+00 : f32
    %max3A_8 = vector.broadcast %max3A : f32 to vector<1000x1xf32>
    %max3A_9 = arith.maximumf %add3A_7, %max3A_8 : vector<1000x1xf32>
    %rsqrt3A = math.rsqrt %max3A_9 : vector<1000x1xf32>
    %swap3A = arith.constant 0 : index
    %swap3A_10 = arith.constant 0 : index
    %swap3A_11 = vector.load %arg6[%swap3A, %swap3A_10] : memref<1000x1xf32, #tpu.memory_space<vmem>>, vector<1000x1xf32>
    tpu.vector_store %arg6[%swap3A, %swap3A_10], %rsqrt3A {strides = array<i32>} : memref<1000x1xf32, #tpu.memory_space<vmem>>, vector<1000x1xf32>,
    %mul3A = arith.constant 3.125000e-02 : f32
    %mul3A_12 = vector.broadcast %mul3A : f32 to vector<1000x1xf32>
    %mul3A_13 = arith.mulf %rsqrt3A, %mul3A_12 : vector<1000x1xf32>
    %get3A_14 = arith.constant 0 : index
    %get3A_15 = arith.constant 0 : index
    %get3A_16 = vector.load %arg1[%get3A_14, %get3A_15] : memref<1000x128xf32, #tpu.memory_space<vmem>>, vector<1000x128xf32>
    %get3A_17 = arith.constant 0 : index
    %get3A_18 = arith.constant 0 : index
    %get3A_19 = vector.load %arg3[%get3A_17, %get3A_18] : memref<128x128xf32, #tpu.memory_space<vmem>>, vector<128x128xf32>
    %dot_general3A = arith.constant dense<0.000000e+00> : vector<1000x128xf32>
    %dot_general3A_20 = tpu.matmul %get3A_16, %get3A_19, %dot_general3A {dimension_numbers = #tpu.dot_dimension_numbers<[1], [0], [0], [1], [0, 0, 1, 1], [], []>, transpose_lhs_hint = false} : vector<1000x128xf32>, vector<128x128xf32>, vector<1000x128xf32> -> vector<1000x128xf32>
    %mul3A_21 = vector.broadcast %mul3A_13 : vector<1000x1xf32> to vector<1000x128xf32>
    %mul3A_22 = arith.mulf %dot_general3A_20, %mul3A_21 : vector<1000x128xf32>
    %swap3A_23 = arith.constant 0 : index
    %swap3A_24 = arith.constant 0 : index
    %swap3A_25 = arith.constant 0 : index
    %swap3A_26 = vector.load %arg5[%swap3A_23, %swap3A_24, %swap3A_25] : memref<2x1000x128xf32, #tpu.memory_space<vmem>>, vector<1x1000x128xf32>
    %swap3A_27 = vector.shape_cast %swap3A_26 : vector<1x1000x128xf32> to vector<1000x128xf32>
    %swap3A_28 = vector.shape_cast %mul3A_22 : vector<1000x128xf32> to vector<1x1000x128xf32>
    tpu.vector_store %arg5[%swap3A_23, %swap3A_24, %swap3A_25], %swap3A_28 {strides = array<i32>} : memref<2x1000x128xf32, #tpu.memory_space<vmem>>, vector<1x1000x128xf32>,
    %get3A_29 = arith.constant 0 : index
    %get3A_30 = arith.constant 0 : index
    %get3A_31 = vector.load %arg4[%get3A_29, %get3A_30] : memref<128x128xf32, #tpu.memory_space<vmem>>, vector<128x128xf32>
    %dot_general3A_32 = arith.constant dense<0.000000e+00> : vector<1000x128xf32>
    %dot_general3A_33 = tpu.matmul %get3A_16, %get3A_31, %dot_general3A_32 {dimension_numbers = #tpu.dot_dimension_numbers<[1], [0], [0], [1], [0, 0, 1, 1], [], []>, transpose_lhs_hint = false} : vector<1000x128xf32>, vector<128x128xf32>, vector<1000x128xf32> -> vector<1000x128xf32>
    %mul3A_34 = vector.broadcast %mul3A_13 : vector<1000x1xf32> to vector<1000x128xf32>
    %mul3A_35 = arith.mulf %dot_general3A_33, %mul3A_34 : vector<1000x128xf32>
    %swap3A_36 = arith.constant 1 : index
    %swap3A_37 = arith.constant 0 : index
    %swap3A_38 = arith.constant 0 : index
    %swap3A_39 = vector.load %arg5[%swap3A_36, %swap3A_37, %swap3A_38] : memref<2x1000x128xf32, #tpu.memory_space<vmem>>, vector<1x1000x128xf32>
    %swap3A_40 = vector.shape_cast %swap3A_39 : vector<1x1000x128xf32> to vector<1000x128xf32>
    %swap3A_41 = vector.shape_cast %mul3A_35 : vector<1000x128xf32> to vector<1x1000x128xf32>
    tpu.vector_store %arg5[%swap3A_36, %swap3A_37, %swap3A_38], %swap3A_41 {strides = array<i32>} : memref<2x1000x128xf32, #tpu.memory_space<vmem>>, vector<1x1000x128xf32>,
    return
  }
  func.func @transform_0(%arg0: i32) -> (i32, i32) {
    %c0_i32 = arith.constant 0 : i32
    %c0_i32_0 = arith.constant 0 : i32
    return %arg0, %c0_i32 : i32, i32
  }
  func.func @transform_1(%arg0: i32) -> (i32, i32) {
    %c0_i32 = arith.constant 0 : i32
    %c0_i32_0 = arith.constant 0 : i32
    return %arg0, %c0_i32 : i32, i32
  }
  func.func @transform_2(%arg0: i32) -> (i32, i32) {
    %c0_i32 = arith.constant 0 : i32
    %c0_i32_0 = arith.constant 0 : i32
    %c0_i32_1 = arith.constant 0 : i32
    return %c0_i32, %c0_i32_0 : i32, i32
  }
  func.func @transform_3(%arg0: i32) -> (i32, i32) {
    %c0_i32 = arith.constant 0 : i32
    %c0_i32_0 = arith.constant 0 : i32
    %c0_i32_1 = arith.constant 0 : i32
    return %c0_i32, %c0_i32_0 : i32, i32
  }
  func.func @transform_4(%arg0: i32) -> (i32, i32, i32) {
    %c0_i32 = arith.constant 0 : i32
    %c0_i32_0 = arith.constant 0 : i32
    %c0_i32_1 = arith.constant 0 : i32
    return %c0_i32, %arg0, %c0_i32_0 : i32, i32, i32
  }
  func.func @transform_5(%arg0: i32) -> (i32, i32) {
    %c0_i32 = arith.constant 0 : i32
    %c0_i32_0 = arith.constant 0 : i32
    return %arg0, %c0_i32 : i32, i32
  }
}

module attributes {stable_mosaic.version = 14 : i64} {
  func.func @_tc2_body(%arg0: i32, %arg1: memref<2x1000x128xf32, #tpu.memory_space<vmem>>, %arg2: memref<2x1000x128xf32, #tpu.memory_space<vmem>>, %arg3: memref<1000x1xf32, #tpu.memory_space<vmem>>, %arg4: memref<1x1x1000xi32, #tpu.memory_space<vmem>>, %arg5: memref<1x128xf32, #tpu.memory_space<vmem>>, %arg6: memref<1x128xf32, #tpu.memory_space<vmem>>, %arg7: memref<128x128xf32, #tpu.memory_space<vmem>>, %arg8: memref<1x128xf32, #tpu.memory_space<vmem>>, %arg9: memref<1x128xf32, #tpu.memory_space<vmem>>, %arg10: memref<128x128xf32, #tpu.memory_space<vmem>>, %arg11: memref<2x1000x128xf32, #tpu.memory_space<vmem>>, %arg12: memref<16x128xf32, #tpu.memory_space<vmem>>, %arg13: memref<16x128xf32, #tpu.memory_space<vmem>>) attributes {dimension_semantics = [#tpu.dimension_semantics<arbitrary>], iteration_bounds = array<i64: 10>, scalar_prefetch = 0 : i64, scratch_operands = 0 : i64, tpu.core_type = #tpu.core_type<tc>, window_params = [{transform_indices = @transform_0, window_bounds = array<i64: 2, 1000, 128>}, {transform_indices = @transform_1, window_bounds = array<i64: 2, 1000, 128>}, {transform_indices = @transform_2, window_bounds = array<i64: 1000, 1>}, {transform_indices = @transform_3, window_bounds = array<i64: 1, 1, 1000>}, {pipeline_mode = #tpu.pipeline_mode<synchronous>, transform_indices = @transform_4, window_bounds = array<i64: 1, 128>}, {pipeline_mode = #tpu.pipeline_mode<synchronous>, transform_indices = @transform_5, window_bounds = array<i64: 1, 128>}, {pipeline_mode = #tpu.pipeline_mode<synchronous>, transform_indices = @transform_6, window_bounds = array<i64: 128, 128>}, {pipeline_mode = #tpu.pipeline_mode<synchronous>, transform_indices = @transform_7, window_bounds = array<i64: 1, 128>}, {pipeline_mode = #tpu.pipeline_mode<synchronous>, transform_indices = @transform_8, window_bounds = array<i64: 1, 128>}, {pipeline_mode = #tpu.pipeline_mode<synchronous>, transform_indices = @transform_9, window_bounds = array<i64: 128, 128>}, {transform_indices = @transform_10, window_bounds = array<i64: 2, 1000, 128>}, {pipeline_mode = #tpu.pipeline_mode<synchronous>, transform_indices = @transform_11, window_bounds = array<i64: 16, 128>}, {pipeline_mode = #tpu.pipeline_mode<synchronous>, transform_indices = @transform_12, window_bounds = array<i64: 16, 128>}]} {
    %get3A = arith.constant 0 : index
    %get3A_0 = arith.constant 0 : index
    %get3A_1 = vector.load %arg3[%get3A, %get3A_0] : memref<1000x1xf32, #tpu.memory_space<vmem>>, vector<1000x1xf32>
    %get3A_2 = arith.constant 0 : index
    %get3A_3 = arith.constant 0 : index
    %get3A_4 = arith.constant 0 : index
    %get3A_5 = vector.load %arg4[%get3A_2, %get3A_3, %get3A_4] : memref<1x1x1000xi32, #tpu.memory_space<vmem>>, vector<1x1x1000xi32>
    %reshape3A = vector.shape_cast %get3A_5 : vector<1x1x1000xi32> to vector<1x1000xi32>
    %iota3A = tpu.iota {dimensions = array<i32: 0>} : vector<16x1000xi32>
    %eq3A = vector.broadcast %reshape3A : vector<1x1000xi32> to vector<16x1000xi32>
    %eq3A_6 = arith.cmpi eq, %iota3A, %eq3A : vector<16x1000xi32>
    %convert_element_type3A = arith.extui %eq3A_6 : vector<16x1000xi1> to vector<16x1000xi32>
    %convert_element_type3A_7 = arith.sitofp %convert_element_type3A : vector<16x1000xi32> to vector<16x1000xf32>
    %get3A_8 = arith.constant 0 : index
    %get3A_9 = arith.constant 0 : index
    %get3A_10 = arith.constant 0 : index
    %get3A_11 = vector.load %arg1[%get3A_8, %get3A_9, %get3A_10] : memref<2x1000x128xf32, #tpu.memory_space<vmem>>, vector<1x1000x128xf32>
    %get3A_12 = vector.shape_cast %get3A_11 : vector<1x1000x128xf32> to vector<1000x128xf32>
    %get3A_13 = arith.constant 0 : index
    %get3A_14 = arith.constant 0 : index
    %get3A_15 = arith.constant 0 : index
    %get3A_16 = vector.load %arg2[%get3A_13, %get3A_14, %get3A_15] : memref<2x1000x128xf32, #tpu.memory_space<vmem>>, vector<1x1000x128xf32>
    %get3A_17 = vector.shape_cast %get3A_16 : vector<1x1000x128xf32> to vector<1000x128xf32>
    %add3A = arith.addf %get3A_12, %get3A_17 : vector<1000x128xf32>
    %mul3A = vector.broadcast %get3A_1 : vector<1000x1xf32> to vector<1000x128xf32>
    %mul3A_18 = arith.mulf %add3A, %mul3A : vector<1000x128xf32>
    %get3A_19 = arith.constant 0 : index
    %get3A_20 = arith.constant 0 : index
    %get3A_21 = vector.load %arg5[%get3A_19, %get3A_20] : memref<1x128xf32, #tpu.memory_space<vmem>>, vector<1x128xf32>
    %add3A_22 = vector.broadcast %get3A_21 : vector<1x128xf32> to vector<1000x128xf32>
    %add3A_23 = arith.addf %mul3A_18, %add3A_22 : vector<1000x128xf32>
    %get3A_24 = arith.constant 0 : index
    %get3A_25 = arith.constant 0 : index
    %get3A_26 = vector.load %arg6[%get3A_24, %get3A_25] : memref<1x128xf32, #tpu.memory_space<vmem>>, vector<1x128xf32>
    %gt3A = arith.constant 0.000000e+00 : f32
    %gt3A_27 = vector.broadcast %gt3A : f32 to vector<1000x128xf32>
    %gt3A_28 = arith.cmpf ogt, %add3A_23, %gt3A_27 : vector<1000x128xf32>
    %mul3A_29 = vector.broadcast %get3A_26 : vector<1x128xf32> to vector<1000x128xf32>
    %mul3A_30 = arith.mulf %mul3A_29, %add3A_23 : vector<1000x128xf32>
    %select_n3A = arith.select %gt3A_28, %add3A_23, %mul3A_30 : vector<1000x128xi1>, vector<1000x128xf32>
    %get3A_31 = arith.constant 0 : index
    %get3A_32 = arith.constant 0 : index
    %get3A_33 = vector.load %arg7[%get3A_31, %get3A_32] : memref<128x128xf32, #tpu.memory_space<vmem>>, vector<128x128xf32>
    %dot_general3A = arith.constant dense<0.000000e+00> : vector<1000x128xf32>
    %dot_general3A_34 = tpu.matmul %select_n3A, %get3A_33, %dot_general3A {dimension_numbers = #tpu.dot_dimension_numbers<[1], [0], [0], [1], [0, 0, 1, 1], [], []>, transpose_lhs_hint = false} : vector<1000x128xf32>, vector<128x128xf32>, vector<1000x128xf32> -> vector<1000x128xf32>
    %mul3A_35 = vector.broadcast %get3A_1 : vector<1000x1xf32> to vector<1000x128xf32>
    %mul3A_36 = arith.mulf %dot_general3A_34, %mul3A_35 : vector<1000x128xf32>
    %swap3A = arith.constant 0 : index
    %swap3A_37 = arith.constant 0 : index
    %swap3A_38 = arith.constant 0 : index
    %swap3A_39 = vector.load %arg11[%swap3A, %swap3A_37, %swap3A_38] : memref<2x1000x128xf32, #tpu.memory_space<vmem>>, vector<1x1000x128xf32>
    %swap3A_40 = vector.shape_cast %swap3A_39 : vector<1x1000x128xf32> to vector<1000x128xf32>
    %swap3A_41 = vector.shape_cast %mul3A_36 : vector<1000x128xf32> to vector<1x1000x128xf32>
    tpu.vector_store %arg11[%swap3A, %swap3A_37, %swap3A_38], %swap3A_41 {strides = array<i32>} : memref<2x1000x128xf32, #tpu.memory_space<vmem>>, vector<1x1000x128xf32>,
    %get3A_42 = arith.constant 1 : index
    %get3A_43 = arith.constant 0 : index
    %get3A_44 = arith.constant 0 : index
    %get3A_45 = vector.load %arg1[%get3A_42, %get3A_43, %get3A_44] : memref<2x1000x128xf32, #tpu.memory_space<vmem>>, vector<1x1000x128xf32>
    %get3A_46 = vector.shape_cast %get3A_45 : vector<1x1000x128xf32> to vector<1000x128xf32>
    %get3A_47 = arith.constant 1 : index
    %get3A_48 = arith.constant 0 : index
    %get3A_49 = arith.constant 0 : index
    %get3A_50 = vector.load %arg2[%get3A_47, %get3A_48, %get3A_49] : memref<2x1000x128xf32, #tpu.memory_space<vmem>>, vector<1x1000x128xf32>
    %get3A_51 = vector.shape_cast %get3A_50 : vector<1x1000x128xf32> to vector<1000x128xf32>
    %add3A_52 = arith.addf %get3A_46, %get3A_51 : vector<1000x128xf32>
    %mul3A_53 = vector.broadcast %get3A_1 : vector<1000x1xf32> to vector<1000x128xf32>
    %mul3A_54 = arith.mulf %add3A_52, %mul3A_53 : vector<1000x128xf32>
    %get3A_55 = arith.constant 0 : index
    %get3A_56 = arith.constant 0 : index
    %get3A_57 = vector.load %arg8[%get3A_55, %get3A_56] : memref<1x128xf32, #tpu.memory_space<vmem>>, vector<1x128xf32>
    %add3A_58 = vector.broadcast %get3A_57 : vector<1x128xf32> to vector<1000x128xf32>
    %add3A_59 = arith.addf %mul3A_54, %add3A_58 : vector<1000x128xf32>
    %get3A_60 = arith.constant 0 : index
    %get3A_61 = arith.constant 0 : index
    %get3A_62 = vector.load %arg9[%get3A_60, %get3A_61] : memref<1x128xf32, #tpu.memory_space<vmem>>, vector<1x128xf32>
    %gt3A_63 = arith.constant 0.000000e+00 : f32
    %gt3A_64 = vector.broadcast %gt3A_63 : f32 to vector<1000x128xf32>
    %gt3A_65 = arith.cmpf ogt, %add3A_59, %gt3A_64 : vector<1000x128xf32>
    %mul3A_66 = vector.broadcast %get3A_62 : vector<1x128xf32> to vector<1000x128xf32>
    %mul3A_67 = arith.mulf %mul3A_66, %add3A_59 : vector<1000x128xf32>
    %select_n3A_68 = arith.select %gt3A_65, %add3A_59, %mul3A_67 : vector<1000x128xi1>, vector<1000x128xf32>
    %get3A_69 = arith.constant 0 : index
    %get3A_70 = arith.constant 0 : index
    %get3A_71 = vector.load %arg10[%get3A_69, %get3A_70] : memref<128x128xf32, #tpu.memory_space<vmem>>, vector<128x128xf32>
    %dot_general3A_72 = arith.constant dense<0.000000e+00> : vector<1000x128xf32>
    %dot_general3A_73 = tpu.matmul %select_n3A_68, %get3A_71, %dot_general3A_72 {dimension_numbers = #tpu.dot_dimension_numbers<[1], [0], [0], [1], [0, 0, 1, 1], [], []>, transpose_lhs_hint = false} : vector<1000x128xf32>, vector<128x128xf32>, vector<1000x128xf32> -> vector<1000x128xf32>
    %mul3A_74 = vector.broadcast %get3A_1 : vector<1000x1xf32> to vector<1000x128xf32>
    %mul3A_75 = arith.mulf %dot_general3A_73, %mul3A_74 : vector<1000x128xf32>
    %swap3A_76 = arith.constant 1 : index
    %swap3A_77 = arith.constant 0 : index
    %swap3A_78 = arith.constant 0 : index
    %swap3A_79 = vector.load %arg11[%swap3A_76, %swap3A_77, %swap3A_78] : memref<2x1000x128xf32, #tpu.memory_space<vmem>>, vector<1x1000x128xf32>
    %swap3A_80 = vector.shape_cast %swap3A_79 : vector<1x1000x128xf32> to vector<1000x128xf32>
    %swap3A_81 = vector.shape_cast %mul3A_75 : vector<1000x128xf32> to vector<1x1000x128xf32>
    tpu.vector_store %arg11[%swap3A_76, %swap3A_77, %swap3A_78], %swap3A_81 {strides = array<i32>} : memref<2x1000x128xf32, #tpu.memory_space<vmem>>, vector<1x1000x128xf32>,
    %eq3A_82 = arith.constant 0 : i32
    %eq3A_83 = arith.cmpi eq, %arg0, %eq3A_82 : i32
    %convert_element_type3A_84 = arith.extui %eq3A_83 : i1 to i32
    %cond3A = arith.constant 0 : i32
    %cond3A_85 = arith.cmpi ne, %convert_element_type3A_84, %cond3A : i32
    scf.if %cond3A_85 {
      %broadcast_in_dim3A = arith.constant 0.000000e+00 : f32
      %broadcast_in_dim3A_104 = vector.broadcast %broadcast_in_dim3A : f32 to vector<16x128xf32>
      %swap3A_105 = arith.constant 0 : index
      %swap3A_106 = arith.constant 0 : index
      %swap3A_107 = vector.load %arg12[%swap3A_105, %swap3A_106] : memref<16x128xf32, #tpu.memory_space<vmem>>, vector<16x128xf32>
      tpu.vector_store %arg12[%swap3A_105, %swap3A_106], %broadcast_in_dim3A_104 {strides = array<i32>} : memref<16x128xf32, #tpu.memory_space<vmem>>, vector<16x128xf32>,
      %broadcast_in_dim3A_108 = arith.constant 0.000000e+00 : f32
      %broadcast_in_dim3A_109 = vector.broadcast %broadcast_in_dim3A_108 : f32 to vector<16x128xf32>
      %swap3A_110 = arith.constant 0 : index
      %swap3A_111 = arith.constant 0 : index
      %swap3A_112 = vector.load %arg13[%swap3A_110, %swap3A_111] : memref<16x128xf32, #tpu.memory_space<vmem>>, vector<16x128xf32>
      tpu.vector_store %arg13[%swap3A_110, %swap3A_111], %broadcast_in_dim3A_109 {strides = array<i32>} : memref<16x128xf32, #tpu.memory_space<vmem>>, vector<16x128xf32>,
    } else {
    }
    %get3A_86 = arith.constant 0 : index
    %get3A_87 = arith.constant 0 : index
    %get3A_88 = vector.load %arg12[%get3A_86, %get3A_87] : memref<16x128xf32, #tpu.memory_space<vmem>>, vector<16x128xf32>
    %dot_general3A_89 = arith.constant dense<0.000000e+00> : vector<16x128xf32>
    %dot_general3A_90 = tpu.matmul %convert_element_type3A_7, %select_n3A, %dot_general3A_89 {dimension_numbers = #tpu.dot_dimension_numbers<[1], [0], [0], [1], [0, 0, 1, 1], [], []>, transpose_lhs_hint = false} : vector<16x1000xf32>, vector<1000x128xf32>, vector<16x128xf32> -> vector<16x128xf32>
    %add3A_91 = arith.addf %get3A_88, %dot_general3A_90 : vector<16x128xf32>
    %swap3A_92 = arith.constant 0 : index
    %swap3A_93 = arith.constant 0 : index
    %swap3A_94 = vector.load %arg12[%swap3A_92, %swap3A_93] : memref<16x128xf32, #tpu.memory_space<vmem>>, vector<16x128xf32>
    tpu.vector_store %arg12[%swap3A_92, %swap3A_93], %add3A_91 {strides = array<i32>} : memref<16x128xf32, #tpu.memory_space<vmem>>, vector<16x128xf32>,
    %get3A_95 = arith.constant 0 : index
    %get3A_96 = arith.constant 0 : index
    %get3A_97 = vector.load %arg13[%get3A_95, %get3A_96] : memref<16x128xf32, #tpu.memory_space<vmem>>, vector<16x128xf32>
    %dot_general3A_98 = arith.constant dense<0.000000e+00> : vector<16x128xf32>
    %dot_general3A_99 = tpu.matmul %convert_element_type3A_7, %select_n3A_68, %dot_general3A_98 {dimension_numbers = #tpu.dot_dimension_numbers<[1], [0], [0], [1], [0, 0, 1, 1], [], []>, transpose_lhs_hint = false} : vector<16x1000xf32>, vector<1000x128xf32>, vector<16x128xf32> -> vector<16x128xf32>
    %add3A_100 = arith.addf %get3A_97, %dot_general3A_99 : vector<16x128xf32>
    %swap3A_101 = arith.constant 0 : index
    %swap3A_102 = arith.constant 0 : index
    %swap3A_103 = vector.load %arg13[%swap3A_101, %swap3A_102] : memref<16x128xf32, #tpu.memory_space<vmem>>, vector<16x128xf32>
    tpu.vector_store %arg13[%swap3A_101, %swap3A_102], %add3A_100 {strides = array<i32>} : memref<16x128xf32, #tpu.memory_space<vmem>>, vector<16x128xf32>,
    return
  }
  func.func @transform_0(%arg0: i32) -> (i32, i32, i32) {
    %c0_i32 = arith.constant 0 : i32
    %c0_i32_0 = arith.constant 0 : i32
    %c0_i32_1 = arith.constant 0 : i32
    return %c0_i32, %arg0, %c0_i32_0 : i32, i32, i32
  }
  func.func @transform_1(%arg0: i32) -> (i32, i32, i32) {
    %c0_i32 = arith.constant 0 : i32
    %c0_i32_0 = arith.constant 0 : i32
    %c0_i32_1 = arith.constant 0 : i32
    return %c0_i32, %arg0, %c0_i32_0 : i32, i32, i32
  }
  func.func @transform_2(%arg0: i32) -> (i32, i32) {
    %c0_i32 = arith.constant 0 : i32
    %c0_i32_0 = arith.constant 0 : i32
    return %arg0, %c0_i32 : i32, i32
  }
  func.func @transform_3(%arg0: i32) -> (i32, i32, i32) {
    %c0_i32 = arith.constant 0 : i32
    %c0_i32_0 = arith.constant 0 : i32
    %c0_i32_1 = arith.constant 0 : i32
    return %arg0, %c0_i32, %c0_i32_0 : i32, i32, i32
  }
  func.func @transform_4(%arg0: i32) -> (i32, i32) {
    %c0_i32 = arith.constant 0 : i32
    %c0_i32_0 = arith.constant 0 : i32
    %c0_i32_1 = arith.constant 0 : i32
    return %c0_i32, %c0_i32_0 : i32, i32
  }
  func.func @transform_5(%arg0: i32) -> (i32, i32) {
    %c0_i32 = arith.constant 0 : i32
    %c0_i32_0 = arith.constant 0 : i32
    %c0_i32_1 = arith.constant 0 : i32
    return %c0_i32, %c0_i32_0 : i32, i32
  }
  func.func @transform_6(%arg0: i32) -> (i32, i32) {
    %c0_i32 = arith.constant 0 : i32
    %c0_i32_0 = arith.constant 0 : i32
    %c0_i32_1 = arith.constant 0 : i32
    return %c0_i32, %c0_i32_0 : i32, i32
  }
  func.func @transform_7(%arg0: i32) -> (i32, i32) {
    %c0_i32 = arith.constant 0 : i32
    %c0_i32_0 = arith.constant 0 : i32
    %c0_i32_1 = arith.constant 0 : i32
    return %c0_i32, %c0_i32_0 : i32, i32
  }
  func.func @transform_8(%arg0: i32) -> (i32, i32) {
    %c0_i32 = arith.constant 0 : i32
    %c0_i32_0 = arith.constant 0 : i32
    %c0_i32_1 = arith.constant 0 : i32
    return %c0_i32, %c0_i32_0 : i32, i32
  }
  func.func @transform_9(%arg0: i32) -> (i32, i32) {
    %c0_i32 = arith.constant 0 : i32
    %c0_i32_0 = arith.constant 0 : i32
    %c0_i32_1 = arith.constant 0 : i32
    return %c0_i32, %c0_i32_0 : i32, i32
  }
  func.func @transform_10(%arg0: i32) -> (i32, i32, i32) {
    %c0_i32 = arith.constant 0 : i32
    %c0_i32_0 = arith.constant 0 : i32
    %c0_i32_1 = arith.constant 0 : i32
    return %c0_i32, %arg0, %c0_i32_0 : i32, i32, i32
  }
  func.func @transform_11(%arg0: i32) -> (i32, i32) {
    %c0_i32 = arith.constant 0 : i32
    %c0_i32_0 = arith.constant 0 : i32
    %c0_i32_1 = arith.constant 0 : i32
    return %c0_i32, %c0_i32_0 : i32, i32
  }
  func.func @transform_12(%arg0: i32) -> (i32, i32) {
    %c0_i32 = arith.constant 0 : i32
    %c0_i32_0 = arith.constant 0 : i32
    %c0_i32_1 = arith.constant 0 : i32
    return %c0_i32, %c0_i32_0 : i32, i32
  }
}

module attributes {stable_mosaic.version = 14 : i64} {
  func.func @_tc3_body(%arg0: i32, %arg1: memref<2x1000x128xf32, #tpu.memory_space<vmem>>, %arg2: memref<2x1000x128xf32, #tpu.memory_space<vmem>>, %arg3: memref<1000x1xf32, #tpu.memory_space<vmem>>, %arg4: memref<1x1x1000xi32, #tpu.memory_space<vmem>>, %arg5: memref<1x128xf32, #tpu.memory_space<vmem>>, %arg6: memref<1x128xf32, #tpu.memory_space<vmem>>, %arg7: memref<1x128xf32, #tpu.memory_space<vmem>>, %arg8: memref<1x128xf32, #tpu.memory_space<vmem>>, %arg9: memref<16x128xf32, #tpu.memory_space<vmem>>, %arg10: memref<16x128xf32, #tpu.memory_space<vmem>>, %arg11: memref<128x128xf32, #tpu.memory_space<vmem>>, %arg12: memref<1x128xf32, #tpu.memory_space<vmem>>, %arg13: memref<1x1xf32, #tpu.memory_space<vmem>>, %arg14: memref<128x128xf32, #tpu.memory_space<vmem>>, %arg15: memref<1x128xf32, #tpu.memory_space<vmem>>, %arg16: memref<1x1xf32, #tpu.memory_space<vmem>>, %arg17: memref<128x128xf32, #tpu.memory_space<vmem>>, %arg18: memref<1x128xf32, #tpu.memory_space<vmem>>, %arg19: memref<1x1xf32, #tpu.memory_space<vmem>>, %arg20: memref<128x128xf32, #tpu.memory_space<vmem>>, %arg21: memref<1x128xf32, #tpu.memory_space<vmem>>, %arg22: memref<256x128xf32, #tpu.memory_space<vmem>>, %arg23: memref<1x128xf32, #tpu.memory_space<vmem>>, %arg24: memref<1x1xf32, #tpu.memory_space<vmem>>, %arg25: memref<128x128xf32, #tpu.memory_space<vmem>>, %arg26: memref<1x128xf32, #tpu.memory_space<vmem>>, %arg27: memref<1x1xf32, #tpu.memory_space<vmem>>, %arg28: memref<128x128xf32, #tpu.memory_space<vmem>>, %arg29: memref<1x128xf32, #tpu.memory_space<vmem>>, %arg30: memref<1x1xf32, #tpu.memory_space<vmem>>, %arg31: memref<256x128xf32, #tpu.memory_space<vmem>>, %arg32: memref<1x128xf32, #tpu.memory_space<vmem>>, %arg33: memref<1000x128xf32, #tpu.memory_space<vmem>>, %arg34: memref<1000x128xf32, #tpu.memory_space<vmem>>, %arg35: memref<16x128xf32, #tpu.memory_space<vmem>>, %arg36: memref<16x128xf32, #tpu.memory_space<vmem>>, %arg37: memref<16x128xf32, #tpu.memory_space<vmem>>, %arg38: memref<16x128xf32, #tpu.memory_space<vmem>>) attributes {dimension_semantics = [#tpu.dimension_semantics<arbitrary>], iteration_bounds = array<i64: 10>, scalar_prefetch = 0 : i64, scratch_operands = 0 : i64, tpu.core_type = #tpu.core_type<tc>, window_params = [{transform_indices = @transform_0, window_bounds = array<i64: 2, 1000, 128>}, {transform_indices = @transform_1, window_bounds = array<i64: 2, 1000, 128>}, {transform_indices = @transform_2, window_bounds = array<i64: 1000, 1>}, {transform_indices = @transform_3, window_bounds = array<i64: 1, 1, 1000>}, {pipeline_mode = #tpu.pipeline_mode<synchronous>, transform_indices = @transform_4, window_bounds = array<i64: 1, 128>}, {pipeline_mode = #tpu.pipeline_mode<synchronous>, transform_indices = @transform_5, window_bounds = array<i64: 1, 128>}, {pipeline_mode = #tpu.pipeline_mode<synchronous>, transform_indices = @transform_6, window_bounds = array<i64: 1, 128>}, {pipeline_mode = #tpu.pipeline_mode<synchronous>, transform_indices = @transform_7, window_bounds = array<i64: 1, 128>}, {pipeline_mode = #tpu.pipeline_mode<synchronous>, transform_indices = @transform_8, window_bounds = array<i64: 16, 128>}, {pipeline_mode = #tpu.pipeline_mode<synchronous>, transform_indices = @transform_9, window_bounds = array<i64: 16, 128>}, {pipeline_mode = #tpu.pipeline_mode<synchronous>, transform_indices = @transform_10, window_bounds = array<i64: 128, 128>}, {pipeline_mode = #tpu.pipeline_mode<synchronous>, transform_indices = @transform_11, window_bounds = array<i64: 1, 128>}, {pipeline_mode = #tpu.pipeline_mode<synchronous>, transform_indices = @transform_12, window_bounds = array<i64: 1, 1>}, {pipeline_mode = #tpu.pipeline_mode<synchronous>, transform_indices = @transform_13, window_bounds = array<i64: 128, 128>}, {pipeline_mode = #tpu.pipeline_mode<synchronous>, transform_indices = @transform_14, window_bounds = array<i64: 1, 128>}, {pipeline_mode = #tpu.pipeline_mode<synchronous>, transform_indices = @transform_15, window_bounds = array<i64: 1, 1>}, {pipeline_mode = #tpu.pipeline_mode<synchronous>, transform_indices = @transform_16, window_bounds = array<i64: 128, 128>}, {pipeline_mode = #tpu.pipeline_mode<synchronous>, transform_indices = @transform_17, window_bounds = array<i64: 1, 128>}, {pipeline_mode = #tpu.pipeline_mode<synchronous>, transform_indices = @transform_18, window_bounds = array<i64: 1, 1>}, {pipeline_mode = #tpu.pipeline_mode<synchronous>, transform_indices = @transform_19, window_bounds = array<i64: 128, 128>}, {pipeline_mode = #tpu.pipeline_mode<synchronous>, transform_indices = @transform_20, window_bounds = array<i64: 1, 128>}, {pipeline_mode = #tpu.pipeline_mode<synchronous>, transform_indices = @transform_21, window_bounds = array<i64: 256, 128>}, {pipeline_mode = #tpu.pipeline_mode<synchronous>, transform_indices = @transform_22, window_bounds = array<i64: 1, 128>}, {pipeline_mode = #tpu.pipeline_mode<synchronous>, transform_indices = @transform_23, window_bounds = array<i64: 1, 1>}, {pipeline_mode = #tpu.pipeline_mode<synchronous>, transform_indices = @transform_24, window_bounds = array<i64: 128, 128>}, {pipeline_mode = #tpu.pipeline_mode<synchronous>, transform_indices = @transform_25, window_bounds = array<i64: 1, 128>}, {pipeline_mode = #tpu.pipeline_mode<synchronous>, transform_indices = @transform_26, window_bounds = array<i64: 1, 1>}, {pipeline_mode = #tpu.pipeline_mode<synchronous>, transform_indices = @transform_27, window_bounds = array<i64: 128, 128>}, {pipeline_mode = #tpu.pipeline_mode<synchronous>, transform_indices = @transform_28, window_bounds = array<i64: 1, 128>}, {pipeline_mode = #tpu.pipeline_mode<synchronous>, transform_indices = @transform_29, window_bounds = array<i64: 1, 1>}, {pipeline_mode = #tpu.pipeline_mode<synchronous>, transform_indices = @transform_30, window_bounds = array<i64: 256, 128>}, {pipeline_mode = #tpu.pipeline_mode<synchronous>, transform_indices = @transform_31, window_bounds = array<i64: 1, 128>}, {transform_indices = @transform_32, window_bounds = array<i64: 1000, 128>}, {transform_indices = @transform_33, window_bounds = array<i64: 1000, 128>}, {pipeline_mode = #tpu.pipeline_mode<synchronous>, transform_indices = @transform_34, window_bounds = array<i64: 16, 128>}, {pipeline_mode = #tpu.pipeline_mode<synchronous>, transform_indices = @transform_35, window_bounds = array<i64: 16, 128>}, {pipeline_mode = #tpu.pipeline_mode<synchronous>, transform_indices = @transform_36, window_bounds = array<i64: 16, 128>}, {pipeline_mode = #tpu.pipeline_mode<synchronous>, transform_indices = @transform_37, window_bounds = array<i64: 16, 128>}]} {
    %get3A = arith.constant 0 : index
    %get3A_0 = arith.constant 0 : index
    %get3A_1 = vector.load %arg3[%get3A, %get3A_0] : memref<1000x1xf32, #tpu.memory_space<vmem>>, vector<1000x1xf32>
    %get3A_2 = arith.constant 0 : index
    %get3A_3 = arith.constant 0 : index
    %get3A_4 = arith.constant 0 : index
    %get3A_5 = vector.load %arg4[%get3A_2, %get3A_3, %get3A_4] : memref<1x1x1000xi32, #tpu.memory_space<vmem>>, vector<1x1x1000xi32>
    %reshape3A = vector.shape_cast %get3A_5 : vector<1x1x1000xi32> to vector<1x1000xi32>
    %iota3A = tpu.iota {dimensions = array<i32: 0>} : vector<16x1000xi32>
    %eq3A = vector.broadcast %reshape3A : vector<1x1000xi32> to vector<16x1000xi32>
    %eq3A_6 = arith.cmpi eq, %iota3A, %eq3A : vector<16x1000xi32>
    %convert_element_type3A = arith.extui %eq3A_6 : vector<16x1000xi1> to vector<16x1000xi32>
    %convert_element_type3A_7 = arith.sitofp %convert_element_type3A : vector<16x1000xi32> to vector<16x1000xf32>
    %get3A_8 = arith.constant 0 : index
    %get3A_9 = arith.constant 0 : index
    %get3A_10 = arith.constant 0 : index
    %get3A_11 = vector.load %arg1[%get3A_8, %get3A_9, %get3A_10] : memref<2x1000x128xf32, #tpu.memory_space<vmem>>, vector<1x1000x128xf32>
    %get3A_12 = vector.shape_cast %get3A_11 : vector<1x1000x128xf32> to vector<1000x128xf32>
    %get3A_13 = arith.constant 0 : index
    %get3A_14 = arith.constant 0 : index
    %get3A_15 = arith.constant 0 : index
    %get3A_16 = vector.load %arg2[%get3A_13, %get3A_14, %get3A_15] : memref<2x1000x128xf32, #tpu.memory_space<vmem>>, vector<1x1000x128xf32>
    %get3A_17 = vector.shape_cast %get3A_16 : vector<1x1000x128xf32> to vector<1000x128xf32>
    %add3A = arith.addf %get3A_12, %get3A_17 : vector<1000x128xf32>
    %mul3A = vector.broadcast %get3A_1 : vector<1000x1xf32> to vector<1000x128xf32>
    %mul3A_18 = arith.mulf %add3A, %mul3A : vector<1000x128xf32>
    %get3A_19 = arith.constant 0 : index
    %get3A_20 = arith.constant 0 : index
    %get3A_21 = vector.load %arg5[%get3A_19, %get3A_20] : memref<1x128xf32, #tpu.memory_space<vmem>>, vector<1x128xf32>
    %add3A_22 = vector.broadcast %get3A_21 : vector<1x128xf32> to vector<1000x128xf32>
    %add3A_23 = arith.addf %mul3A_18, %add3A_22 : vector<1000x128xf32>
    %get3A_24 = arith.constant 0 : index
    %get3A_25 = arith.constant 0 : index
    %get3A_26 = vector.load %arg6[%get3A_24, %get3A_25] : memref<1x128xf32, #tpu.memory_space<vmem>>, vector<1x128xf32>
    %gt3A = arith.constant 0.000000e+00 : f32
    %gt3A_27 = vector.broadcast %gt3A : f32 to vector<1000x128xf32>
    %gt3A_28 = arith.cmpf ogt, %add3A_23, %gt3A_27 : vector<1000x128xf32>
    %mul3A_29 = vector.broadcast %get3A_26 : vector<1x128xf32> to vector<1000x128xf32>
    %mul3A_30 = arith.mulf %mul3A_29, %add3A_23 : vector<1000x128xf32>
    %select_n3A = arith.select %gt3A_28, %add3A_23, %mul3A_30 : vector<1000x128xi1>, vector<1000x128xf32>
    %get3A_31 = arith.constant 1 : index
    %get3A_32 = arith.constant 0 : index
    %get3A_33 = arith.constant 0 : index
    %get3A_34 = vector.load %arg1[%get3A_31, %get3A_32, %get3A_33] : memref<2x1000x128xf32, #tpu.memory_space<vmem>>, vector<1x1000x128xf32>
    %get3A_35 = vector.shape_cast %get3A_34 : vector<1x1000x128xf32> to vector<1000x128xf32>
    %get3A_36 = arith.constant 1 : index
    %get3A_37 = arith.constant 0 : index
    %get3A_38 = arith.constant 0 : index
    %get3A_39 = vector.load %arg2[%get3A_36, %get3A_37, %get3A_38] : memref<2x1000x128xf32, #tpu.memory_space<vmem>>, vector<1x1000x128xf32>
    %get3A_40 = vector.shape_cast %get3A_39 : vector<1x1000x128xf32> to vector<1000x128xf32>
    %add3A_41 = arith.addf %get3A_35, %get3A_40 : vector<1000x128xf32>
    %mul3A_42 = vector.broadcast %get3A_1 : vector<1000x1xf32> to vector<1000x128xf32>
    %mul3A_43 = arith.mulf %add3A_41, %mul3A_42 : vector<1000x128xf32>
    %get3A_44 = arith.constant 0 : index
    %get3A_45 = arith.constant 0 : index
    %get3A_46 = vector.load %arg7[%get3A_44, %get3A_45] : memref<1x128xf32, #tpu.memory_space<vmem>>, vector<1x128xf32>
    %add3A_47 = vector.broadcast %get3A_46 : vector<1x128xf32> to vector<1000x128xf32>
    %add3A_48 = arith.addf %mul3A_43, %add3A_47 : vector<1000x128xf32>
    %get3A_49 = arith.constant 0 : index
    %get3A_50 = arith.constant 0 : index
    %get3A_51 = vector.load %arg8[%get3A_49, %get3A_50] : memref<1x128xf32, #tpu.memory_space<vmem>>, vector<1x128xf32>
    %gt3A_52 = arith.constant 0.000000e+00 : f32
    %gt3A_53 = vector.broadcast %gt3A_52 : f32 to vector<1000x128xf32>
    %gt3A_54 = arith.cmpf ogt, %add3A_48, %gt3A_53 : vector<1000x128xf32>
    %mul3A_55 = vector.broadcast %get3A_51 : vector<1x128xf32> to vector<1000x128xf32>
    %mul3A_56 = arith.mulf %mul3A_55, %add3A_48 : vector<1000x128xf32>
    %select_n3A_57 = arith.select %gt3A_54, %add3A_48, %mul3A_56 : vector<1000x128xi1>, vector<1000x128xf32>
    %eq3A_58 = arith.constant 0 : i32
    %eq3A_59 = arith.cmpi eq, %arg0, %eq3A_58 : i32
    %convert_element_type3A_60 = arith.extui %eq3A_59 : i1 to i32
    %cond3A = arith.constant 0 : i32
    %cond3A_61 = arith.cmpi ne, %convert_element_type3A_60, %cond3A : i32
    scf.if %cond3A_61 {
      %broadcast_in_dim3A = arith.constant 0.000000e+00 : f32
      %broadcast_in_dim3A_192 = vector.broadcast %broadcast_in_dim3A : f32 to vector<16x128xf32>
      %swap3A_193 = arith.constant 0 : index
      %swap3A_194 = arith.constant 0 : index
      %swap3A_195 = vector.load %arg37[%swap3A_193, %swap3A_194] : memref<16x128xf32, #tpu.memory_space<vmem>>, vector<16x128xf32>
      tpu.vector_store %arg37[%swap3A_193, %swap3A_194], %broadcast_in_dim3A_192 {strides = array<i32>} : memref<16x128xf32, #tpu.memory_space<vmem>>, vector<16x128xf32>,
      %broadcast_in_dim3A_196 = arith.constant 0.000000e+00 : f32
      %broadcast_in_dim3A_197 = vector.broadcast %broadcast_in_dim3A_196 : f32 to vector<16x128xf32>
      %swap3A_198 = arith.constant 0 : index
      %swap3A_199 = arith.constant 0 : index
      %swap3A_200 = vector.load %arg38[%swap3A_198, %swap3A_199] : memref<16x128xf32, #tpu.memory_space<vmem>>, vector<16x128xf32>
      tpu.vector_store %arg38[%swap3A_198, %swap3A_199], %broadcast_in_dim3A_197 {strides = array<i32>} : memref<16x128xf32, #tpu.memory_space<vmem>>, vector<16x128xf32>,
    } else {
    }
    %get3A_62 = arith.constant 0 : index
    %get3A_63 = arith.constant 0 : index
    %get3A_64 = vector.load %arg37[%get3A_62, %get3A_63] : memref<16x128xf32, #tpu.memory_space<vmem>>, vector<16x128xf32>
    %dot_general3A = arith.constant dense<0.000000e+00> : vector<16x128xf32>
    %dot_general3A_65 = tpu.matmul %convert_element_type3A_7, %select_n3A, %dot_general3A {dimension_numbers = #tpu.dot_dimension_numbers<[1], [0], [0], [1], [0, 0, 1, 1], [], []>, transpose_lhs_hint = false} : vector<16x1000xf32>, vector<1000x128xf32>, vector<16x128xf32> -> vector<16x128xf32>
    %add3A_66 = arith.addf %get3A_64, %dot_general3A_65 : vector<16x128xf32>
    %swap3A = arith.constant 0 : index
    %swap3A_67 = arith.constant 0 : index
    %swap3A_68 = vector.load %arg37[%swap3A, %swap3A_67] : memref<16x128xf32, #tpu.memory_space<vmem>>, vector<16x128xf32>
    tpu.vector_store %arg37[%swap3A, %swap3A_67], %add3A_66 {strides = array<i32>} : memref<16x128xf32, #tpu.memory_space<vmem>>, vector<16x128xf32>,
    %get3A_69 = arith.constant 0 : index
    %get3A_70 = arith.constant 0 : index
    %get3A_71 = vector.load %arg38[%get3A_69, %get3A_70] : memref<16x128xf32, #tpu.memory_space<vmem>>, vector<16x128xf32>
    %dot_general3A_72 = arith.constant dense<0.000000e+00> : vector<16x128xf32>
    %dot_general3A_73 = tpu.matmul %convert_element_type3A_7, %select_n3A_57, %dot_general3A_72 {dimension_numbers = #tpu.dot_dimension_numbers<[1], [0], [0], [1], [0, 0, 1, 1], [], []>, transpose_lhs_hint = false} : vector<16x1000xf32>, vector<1000x128xf32>, vector<16x128xf32> -> vector<16x128xf32>
    %add3A_74 = arith.addf %get3A_71, %dot_general3A_73 : vector<16x128xf32>
    %swap3A_75 = arith.constant 0 : index
    %swap3A_76 = arith.constant 0 : index
    %swap3A_77 = vector.load %arg38[%swap3A_75, %swap3A_76] : memref<16x128xf32, #tpu.memory_space<vmem>>, vector<16x128xf32>
    tpu.vector_store %arg38[%swap3A_75, %swap3A_76], %add3A_74 {strides = array<i32>} : memref<16x128xf32, #tpu.memory_space<vmem>>, vector<16x128xf32>,
    %get3A_78 = arith.constant 0 : index
    %get3A_79 = arith.constant 0 : index
    %get3A_80 = vector.load %arg11[%get3A_78, %get3A_79] : memref<128x128xf32, #tpu.memory_space<vmem>>, vector<128x128xf32>
    %get3A_81 = arith.constant 0 : index
    %get3A_82 = arith.constant 0 : index
    %get3A_83 = vector.load %arg12[%get3A_81, %get3A_82] : memref<1x128xf32, #tpu.memory_space<vmem>>, vector<1x128xf32>
    %get3A_84 = arith.constant 0 : index
    %get3A_85 = arith.constant 0 : index
    %get3A_86 = vector.load %arg13[%get3A_84, %get3A_85] : memref<1x1xf32, #tpu.memory_space<vmem>>, vector<1x1xf32>
    %get3A_87 = arith.constant 0 : index
    %get3A_88 = arith.constant 0 : index
    %get3A_89 = vector.load %arg14[%get3A_87, %get3A_88] : memref<128x128xf32, #tpu.memory_space<vmem>>, vector<128x128xf32>
    %get3A_90 = arith.constant 0 : index
    %get3A_91 = arith.constant 0 : index
    %get3A_92 = vector.load %arg15[%get3A_90, %get3A_91] : memref<1x128xf32, #tpu.memory_space<vmem>>, vector<1x128xf32>
    %get3A_93 = arith.constant 0 : index
    %get3A_94 = arith.constant 0 : index
    %get3A_95 = vector.load %arg16[%get3A_93, %get3A_94] : memref<1x1xf32, #tpu.memory_space<vmem>>, vector<1x1xf32>
    %get3A_96 = arith.constant 0 : index
    %get3A_97 = arith.constant 0 : index
    %get3A_98 = vector.load %arg17[%get3A_96, %get3A_97] : memref<128x128xf32, #tpu.memory_space<vmem>>, vector<128x128xf32>
    %get3A_99 = arith.constant 0 : index
    %get3A_100 = arith.constant 0 : index
    %get3A_101 = vector.load %arg18[%get3A_99, %get3A_100] : memref<1x128xf32, #tpu.memory_space<vmem>>, vector<1x128xf32>
    %get3A_102 = arith.constant 0 : index
    %get3A_103 = arith.constant 0 : index
    %get3A_104 = vector.load %arg19[%get3A_102, %get3A_103] : memref<1x1xf32, #tpu.memory_space<vmem>>, vector<1x1xf32>
    %get3A_105 = arith.constant 0 : index
    %get3A_106 = arith.constant 0 : index
    %get3A_107 = vector.load %arg20[%get3A_105, %get3A_106] : memref<128x128xf32, #tpu.memory_space<vmem>>, vector<128x128xf32>
    %get3A_108 = arith.constant 0 : index
    %get3A_109 = arith.constant 0 : index
    %get3A_110 = vector.load %arg21[%get3A_108, %get3A_109] : memref<1x128xf32, #tpu.memory_space<vmem>>, vector<1x128xf32>
    %dot_general3A_111 = arith.constant dense<0.000000e+00> : vector<1000x128xf32>
    %dot_general3A_112 = tpu.matmul %select_n3A, %get3A_80, %dot_general3A_111 {dimension_numbers = #tpu.dot_dimension_numbers<[1], [0], [0], [1], [0, 0, 1, 1], [], []>, transpose_lhs_hint = false} : vector<1000x128xf32>, vector<128x128xf32>, vector<1000x128xf32> -> vector<1000x128xf32>
    %add3A_113 = vector.broadcast %get3A_83 : vector<1x128xf32> to vector<1000x128xf32>
    %add3A_114 = arith.addf %dot_general3A_112, %add3A_113 : vector<1000x128xf32>
    %gt3A_115 = arith.constant 0.000000e+00 : f32
    %gt3A_116 = vector.broadcast %gt3A_115 : f32 to vector<1000x128xf32>
    %gt3A_117 = arith.cmpf ogt, %add3A_114, %gt3A_116 : vector<1000x128xf32>
    %mul3A_118 = vector.broadcast %get3A_86 : vector<1x1xf32> to vector<1000x128xf32>
    %mul3A_119 = arith.mulf %mul3A_118, %add3A_114 : vector<1000x128xf32>
    %select_n3A_120 = arith.select %gt3A_117, %add3A_114, %mul3A_119 : vector<1000x128xi1>, vector<1000x128xf32>
    %dot_general3A_121 = arith.constant dense<0.000000e+00> : vector<1000x128xf32>
    %dot_general3A_122 = tpu.matmul %select_n3A_120, %get3A_89, %dot_general3A_121 {dimension_numbers = #tpu.dot_dimension_numbers<[1], [0], [0], [1], [0, 0, 1, 1], [], []>, transpose_lhs_hint = false} : vector<1000x128xf32>, vector<128x128xf32>, vector<1000x128xf32> -> vector<1000x128xf32>
    %add3A_123 = vector.broadcast %get3A_92 : vector<1x128xf32> to vector<1000x128xf32>
    %add3A_124 = arith.addf %dot_general3A_122, %add3A_123 : vector<1000x128xf32>
    %gt3A_125 = arith.constant 0.000000e+00 : f32
    %gt3A_126 = vector.broadcast %gt3A_125 : f32 to vector<1000x128xf32>
    %gt3A_127 = arith.cmpf ogt, %add3A_124, %gt3A_126 : vector<1000x128xf32>
    %mul3A_128 = vector.broadcast %get3A_95 : vector<1x1xf32> to vector<1000x128xf32>
    %mul3A_129 = arith.mulf %mul3A_128, %add3A_124 : vector<1000x128xf32>
    %select_n3A_130 = arith.select %gt3A_127, %add3A_124, %mul3A_129 : vector<1000x128xi1>, vector<1000x128xf32>
    %dot_general3A_131 = arith.constant dense<0.000000e+00> : vector<1000x128xf32>
    %dot_general3A_132 = tpu.matmul %select_n3A_130, %get3A_98, %dot_general3A_131 {dimension_numbers = #tpu.dot_dimension_numbers<[1], [0], [0], [1], [0, 0, 1, 1], [], []>, transpose_lhs_hint = false} : vector<1000x128xf32>, vector<128x128xf32>, vector<1000x128xf32> -> vector<1000x128xf32>
    %add3A_133 = vector.broadcast %get3A_101 : vector<1x128xf32> to vector<1000x128xf32>
    %add3A_134 = arith.addf %dot_general3A_132, %add3A_133 : vector<1000x128xf32>
    %gt3A_135 = arith.constant 0.000000e+00 : f32
    %gt3A_136 = vector.broadcast %gt3A_135 : f32 to vector<1000x128xf32>
    %gt3A_137 = arith.cmpf ogt, %add3A_134, %gt3A_136 : vector<1000x128xf32>
    %mul3A_138 = vector.broadcast %get3A_104 : vector<1x1xf32> to vector<1000x128xf32>
    %mul3A_139 = arith.mulf %mul3A_138, %add3A_134 : vector<1000x128xf32>
    %select_n3A_140 = arith.select %gt3A_137, %add3A_134, %mul3A_139 : vector<1000x128xi1>, vector<1000x128xf32>
    %dot_general3A_141 = arith.constant dense<0.000000e+00> : vector<1000x128xf32>
    %dot_general3A_142 = tpu.matmul %select_n3A, %get3A_107, %dot_general3A_141 {dimension_numbers = #tpu.dot_dimension_numbers<[1], [0], [0], [1], [0, 0, 1, 1], [], []>, transpose_lhs_hint = false} : vector<1000x128xf32>, vector<128x128xf32>, vector<1000x128xf32> -> vector<1000x128xf32>
    %add3A_143 = arith.addf %select_n3A_140, %dot_general3A_142 : vector<1000x128xf32>
    %add3A_144 = vector.broadcast %get3A_110 : vector<1x128xf32> to vector<1000x128xf32>
    %add3A_145 = arith.addf %add3A_143, %add3A_144 : vector<1000x128xf32>
    %swap3A_146 = arith.constant 0 : index
    %swap3A_147 = arith.constant 0 : index
    %swap3A_148 = vector.load %arg33[%swap3A_146, %swap3A_147] : memref<1000x128xf32, #tpu.memory_space<vmem>>, vector<1000x128xf32>
    tpu.vector_store %arg33[%swap3A_146, %swap3A_147], %add3A_145 {strides = array<i32>} : memref<1000x128xf32, #tpu.memory_space<vmem>>, vector<1000x128xf32>,
    %dot_general3A_149 = arith.constant dense<0.000000e+00> : vector<1000x128xf32>
    %dot_general3A_150 = tpu.matmul %select_n3A_57, %get3A_80, %dot_general3A_149 {dimension_numbers = #tpu.dot_dimension_numbers<[1], [0], [0], [1], [0, 0, 1, 1], [], []>, transpose_lhs_hint = false} : vector<1000x128xf32>, vector<128x128xf32>, vector<1000x128xf32> -> vector<1000x128xf32>
    %add3A_151 = vector.broadcast %get3A_83 : vector<1x128xf32> to vector<1000x128xf32>
    %add3A_152 = arith.addf %dot_general3A_150, %add3A_151 : vector<1000x128xf32>
    %gt3A_153 = arith.constant 0.000000e+00 : f32
    %gt3A_154 = vector.broadcast %gt3A_153 : f32 to vector<1000x128xf32>
    %gt3A_155 = arith.cmpf ogt, %add3A_152, %gt3A_154 : vector<1000x128xf32>
    %mul3A_156 = vector.broadcast %get3A_86 : vector<1x1xf32> to vector<1000x128xf32>
    %mul3A_157 = arith.mulf %mul3A_156, %add3A_152 : vector<1000x128xf32>
    %select_n3A_158 = arith.select %gt3A_155, %add3A_152, %mul3A_157 : vector<1000x128xi1>, vector<1000x128xf32>
    %dot_general3A_159 = arith.constant dense<0.000000e+00> : vector<1000x128xf32>
    %dot_general3A_160 = tpu.matmul %select_n3A_158, %get3A_89, %dot_general3A_159 {dimension_numbers = #tpu.dot_dimension_numbers<[1], [0], [0], [1], [0, 0, 1, 1], [], []>, transpose_lhs_hint = false} : vector<1000x128xf32>, vector<128x128xf32>, vector<1000x128xf32> -> vector<1000x128xf32>
    %add3A_161 = vector.broadcast %get3A_92 : vector<1x128xf32> to vector<1000x128xf32>
    %add3A_162 = arith.addf %dot_general3A_160, %add3A_161 : vector<1000x128xf32>
    %gt3A_163 = arith.constant 0.000000e+00 : f32
    %gt3A_164 = vector.broadcast %gt3A_163 : f32 to vector<1000x128xf32>
    %gt3A_165 = arith.cmpf ogt, %add3A_162, %gt3A_164 : vector<1000x128xf32>
    %mul3A_166 = vector.broadcast %get3A_95 : vector<1x1xf32> to vector<1000x128xf32>
    %mul3A_167 = arith.mulf %mul3A_166, %add3A_162 : vector<1000x128xf32>
    %select_n3A_168 = arith.select %gt3A_165, %add3A_162, %mul3A_167 : vector<1000x128xi1>, vector<1000x128xf32>
    %dot_general3A_169 = arith.constant dense<0.000000e+00> : vector<1000x128xf32>
    %dot_general3A_170 = tpu.matmul %select_n3A_168, %get3A_98, %dot_general3A_169 {dimension_numbers = #tpu.dot_dimension_numbers<[1], [0], [0], [1], [0, 0, 1, 1], [], []>, transpose_lhs_hint = false} : vector<1000x128xf32>, vector<128x128xf32>, vector<1000x128xf32> -> vector<1000x128xf32>
    %add3A_171 = vector.broadcast %get3A_101 : vector<1x128xf32> to vector<1000x128xf32>
    %add3A_172 = arith.addf %dot_general3A_170, %add3A_171 : vector<1000x128xf32>
    %gt3A_173 = arith.constant 0.000000e+00 : f32
    %gt3A_174 = vector.broadcast %gt3A_173 : f32 to vector<1000x128xf32>
    %gt3A_175 = arith.cmpf ogt, %add3A_172, %gt3A_174 : vector<1000x128xf32>
    %mul3A_176 = vector.broadcast %get3A_104 : vector<1x1xf32> to vector<1000x128xf32>
    %mul3A_177 = arith.mulf %mul3A_176, %add3A_172 : vector<1000x128xf32>
    %select_n3A_178 = arith.select %gt3A_175, %add3A_172, %mul3A_177 : vector<1000x128xi1>, vector<1000x128xf32>
    %dot_general3A_179 = arith.constant dense<0.000000e+00> : vector<1000x128xf32>
    %dot_general3A_180 = tpu.matmul %select_n3A_57, %get3A_107, %dot_general3A_179 {dimension_numbers = #tpu.dot_dimension_numbers<[1], [0], [0], [1], [0, 0, 1, 1], [], []>, transpose_lhs_hint = false} : vector<1000x128xf32>, vector<128x128xf32>, vector<1000x128xf32> -> vector<1000x128xf32>
    %add3A_181 = arith.addf %select_n3A_178, %dot_general3A_180 : vector<1000x128xf32>
    %add3A_182 = vector.broadcast %get3A_110 : vector<1x128xf32> to vector<1000x128xf32>
    %add3A_183 = arith.addf %add3A_181, %add3A_182 : vector<1000x128xf32>
    %swap3A_184 = arith.constant 0 : index
    %swap3A_185 = arith.constant 0 : index
    %swap3A_186 = vector.load %arg34[%swap3A_184, %swap3A_185] : memref<1000x128xf32, #tpu.memory_space<vmem>>, vector<1000x128xf32>
    tpu.vector_store %arg34[%swap3A_184, %swap3A_185], %add3A_183 {strides = array<i32>} : memref<1000x128xf32, #tpu.memory_space<vmem>>, vector<1000x128xf32>,
    %eq3A_187 = arith.constant 9 : i32
    %eq3A_188 = arith.cmpi eq, %arg0, %eq3A_187 : i32
    %convert_element_type3A_189 = arith.extui %eq3A_188 : i1 to i32
    %cond3A_190 = arith.constant 0 : i32
    %cond3A_191 = arith.cmpi ne, %convert_element_type3A_189, %cond3A_190 : i32
    scf.if %cond3A_191 {
      %get3A_192 = arith.constant 0 : index
      %get3A_193 = arith.constant 0 : index
      %get3A_194 = vector.load %arg22[%get3A_192, %get3A_193] : memref<256x128xf32, #tpu.memory_space<vmem>>, vector<256x128xf32>
      %get3A_195 = arith.constant 0 : index
      %get3A_196 = arith.constant 0 : index
      %get3A_197 = vector.load %arg23[%get3A_195, %get3A_196] : memref<1x128xf32, #tpu.memory_space<vmem>>, vector<1x128xf32>
      %get3A_198 = arith.constant 0 : index
      %get3A_199 = arith.constant 0 : index
      %get3A_200 = vector.load %arg24[%get3A_198, %get3A_199] : memref<1x1xf32, #tpu.memory_space<vmem>>, vector<1x1xf32>
      %get3A_201 = arith.constant 0 : index
      %get3A_202 = arith.constant 0 : index
      %get3A_203 = vector.load %arg25[%get3A_201, %get3A_202] : memref<128x128xf32, #tpu.memory_space<vmem>>, vector<128x128xf32>
      %get3A_204 = arith.constant 0 : index
      %get3A_205 = arith.constant 0 : index
      %get3A_206 = vector.load %arg26[%get3A_204, %get3A_205] : memref<1x128xf32, #tpu.memory_space<vmem>>, vector<1x128xf32>
      %get3A_207 = arith.constant 0 : index
      %get3A_208 = arith.constant 0 : index
      %get3A_209 = vector.load %arg27[%get3A_207, %get3A_208] : memref<1x1xf32, #tpu.memory_space<vmem>>, vector<1x1xf32>
      %get3A_210 = arith.constant 0 : index
      %get3A_211 = arith.constant 0 : index
      %get3A_212 = vector.load %arg28[%get3A_210, %get3A_211] : memref<128x128xf32, #tpu.memory_space<vmem>>, vector<128x128xf32>
      %get3A_213 = arith.constant 0 : index
      %get3A_214 = arith.constant 0 : index
      %get3A_215 = vector.load %arg29[%get3A_213, %get3A_214] : memref<1x128xf32, #tpu.memory_space<vmem>>, vector<1x128xf32>
      %get3A_216 = arith.constant 0 : index
      %get3A_217 = arith.constant 0 : index
      %get3A_218 = vector.load %arg30[%get3A_216, %get3A_217] : memref<1x1xf32, #tpu.memory_space<vmem>>, vector<1x1xf32>
      %get3A_219 = arith.constant 0 : index
      %get3A_220 = arith.constant 0 : index
      %get3A_221 = vector.load %arg31[%get3A_219, %get3A_220] : memref<256x128xf32, #tpu.memory_space<vmem>>, vector<256x128xf32>
      %get3A_222 = arith.constant 0 : index
      %get3A_223 = arith.constant 0 : index
      %get3A_224 = vector.load %arg32[%get3A_222, %get3A_223] : memref<1x128xf32, #tpu.memory_space<vmem>>, vector<1x128xf32>
      %get3A_225 = arith.constant 0 : index
      %get3A_226 = arith.constant 0 : index
      %get3A_227 = vector.load %arg9[%get3A_225, %get3A_226] : memref<16x128xf32, #tpu.memory_space<vmem>>, vector<16x128xf32>
      %get3A_228 = arith.constant 0 : index
      %get3A_229 = arith.constant 0 : index
      %get3A_230 = vector.load %arg37[%get3A_228, %get3A_229] : memref<16x128xf32, #tpu.memory_space<vmem>>, vector<16x128xf32>
      %concatenate3A = tpu.concatenate %get3A_227, %get3A_230 in 1 : vector<16x128xf32>, vector<16x128xf32> -> vector<16x256xf32>
      %get3A_231 = arith.constant 0 : index
      %get3A_232 = arith.constant 0 : index
      %get3A_233 = vector.load %arg10[%get3A_231, %get3A_232] : memref<16x128xf32, #tpu.memory_space<vmem>>, vector<16x128xf32>
      %get3A_234 = arith.constant 0 : index
      %get3A_235 = arith.constant 0 : index
      %get3A_236 = vector.load %arg38[%get3A_234, %get3A_235] : memref<16x128xf32, #tpu.memory_space<vmem>>, vector<16x128xf32>
      %concatenate3A_237 = tpu.concatenate %get3A_233, %get3A_236 in 1 : vector<16x128xf32>, vector<16x128xf32> -> vector<16x256xf32>
      %dot_general3A_238 = arith.constant dense<0.000000e+00> : vector<16x128xf32>
      %dot_general3A_239 = tpu.matmul %concatenate3A, %get3A_194, %dot_general3A_238 {dimension_numbers = #tpu.dot_dimension_numbers<[1], [0], [0], [1], [0, 0, 1, 1], [], []>, transpose_lhs_hint = false} : vector<16x256xf32>, vector<256x128xf32>, vector<16x128xf32> -> vector<16x128xf32>
      %add3A_240 = vector.broadcast %get3A_197 : vector<1x128xf32> to vector<16x128xf32>
      %add3A_241 = arith.addf %dot_general3A_239, %add3A_240 : vector<16x128xf32>
      %gt3A_242 = arith.constant 0.000000e+00 : f32
      %gt3A_243 = vector.broadcast %gt3A_242 : f32 to vector<16x128xf32>
      %gt3A_244 = arith.cmpf ogt, %add3A_241, %gt3A_243 : vector<16x128xf32>
      %mul3A_245 = vector.broadcast %get3A_200 : vector<1x1xf32> to vector<16x128xf32>
      %mul3A_246 = arith.mulf %mul3A_245, %add3A_241 : vector<16x128xf32>
      %select_n3A_247 = arith.select %gt3A_244, %add3A_241, %mul3A_246 : vector<16x128xi1>, vector<16x128xf32>
      %dot_general3A_248 = arith.constant dense<0.000000e+00> : vector<16x128xf32>
      %dot_general3A_249 = tpu.matmul %select_n3A_247, %get3A_203, %dot_general3A_248 {dimension_numbers = #tpu.dot_dimension_numbers<[1], [0], [0], [1], [0, 0, 1, 1], [], []>, transpose_lhs_hint = false} : vector<16x128xf32>, vector<128x128xf32>, vector<16x128xf32> -> vector<16x128xf32>
      %add3A_250 = vector.broadcast %get3A_206 : vector<1x128xf32> to vector<16x128xf32>
      %add3A_251 = arith.addf %dot_general3A_249, %add3A_250 : vector<16x128xf32>
      %gt3A_252 = arith.constant 0.000000e+00 : f32
      %gt3A_253 = vector.broadcast %gt3A_252 : f32 to vector<16x128xf32>
      %gt3A_254 = arith.cmpf ogt, %add3A_251, %gt3A_253 : vector<16x128xf32>
      %mul3A_255 = vector.broadcast %get3A_209 : vector<1x1xf32> to vector<16x128xf32>
      %mul3A_256 = arith.mulf %mul3A_255, %add3A_251 : vector<16x128xf32>
      %select_n3A_257 = arith.select %gt3A_254, %add3A_251, %mul3A_256 : vector<16x128xi1>, vector<16x128xf32>
      %dot_general3A_258 = arith.constant dense<0.000000e+00> : vector<16x128xf32>
      %dot_general3A_259 = tpu.matmul %select_n3A_257, %get3A_212, %dot_general3A_258 {dimension_numbers = #tpu.dot_dimension_numbers<[1], [0], [0], [1], [0, 0, 1, 1], [], []>, transpose_lhs_hint = false} : vector<16x128xf32>, vector<128x128xf32>, vector<16x128xf32> -> vector<16x128xf32>
      %add3A_260 = vector.broadcast %get3A_215 : vector<1x128xf32> to vector<16x128xf32>
      %add3A_261 = arith.addf %dot_general3A_259, %add3A_260 : vector<16x128xf32>
      %gt3A_262 = arith.constant 0.000000e+00 : f32
      %gt3A_263 = vector.broadcast %gt3A_262 : f32 to vector<16x128xf32>
      %gt3A_264 = arith.cmpf ogt, %add3A_261, %gt3A_263 : vector<16x128xf32>
      %mul3A_265 = vector.broadcast %get3A_218 : vector<1x1xf32> to vector<16x128xf32>
      %mul3A_266 = arith.mulf %mul3A_265, %add3A_261 : vector<16x128xf32>
      %select_n3A_267 = arith.select %gt3A_264, %add3A_261, %mul3A_266 : vector<16x128xi1>, vector<16x128xf32>
      %dot_general3A_268 = arith.constant dense<0.000000e+00> : vector<16x128xf32>
      %dot_general3A_269 = tpu.matmul %concatenate3A, %get3A_221, %dot_general3A_268 {dimension_numbers = #tpu.dot_dimension_numbers<[1], [0], [0], [1], [0, 0, 1, 1], [], []>, transpose_lhs_hint = false} : vector<16x256xf32>, vector<256x128xf32>, vector<16x128xf32> -> vector<16x128xf32>
      %add3A_270 = arith.addf %select_n3A_267, %dot_general3A_269 : vector<16x128xf32>
      %add3A_271 = vector.broadcast %get3A_224 : vector<1x128xf32> to vector<16x128xf32>
      %add3A_272 = arith.addf %add3A_270, %add3A_271 : vector<16x128xf32>
      %swap3A_273 = arith.constant 0 : index
      %swap3A_274 = arith.constant 0 : index
      %swap3A_275 = vector.load %arg35[%swap3A_273, %swap3A_274] : memref<16x128xf32, #tpu.memory_space<vmem>>, vector<16x128xf32>
      tpu.vector_store %arg35[%swap3A_273, %swap3A_274], %add3A_272 {strides = array<i32>} : memref<16x128xf32, #tpu.memory_space<vmem>>, vector<16x128xf32>,
      %dot_general3A_276 = arith.constant dense<0.000000e+00> : vector<16x128xf32>
      %dot_general3A_277 = tpu.matmul %concatenate3A_237, %get3A_194, %dot_general3A_276 {dimension_numbers = #tpu.dot_dimension_numbers<[1], [0], [0], [1], [0, 0, 1, 1], [], []>, transpose_lhs_hint = false} : vector<16x256xf32>, vector<256x128xf32>, vector<16x128xf32> -> vector<16x128xf32>
      %add3A_278 = vector.broadcast %get3A_197 : vector<1x128xf32> to vector<16x128xf32>
      %add3A_279 = arith.addf %dot_general3A_277, %add3A_278 : vector<16x128xf32>
      %gt3A_280 = arith.constant 0.000000e+00 : f32
      %gt3A_281 = vector.broadcast %gt3A_280 : f32 to vector<16x128xf32>
      %gt3A_282 = arith.cmpf ogt, %add3A_279, %gt3A_281 : vector<16x128xf32>
      %mul3A_283 = vector.broadcast %get3A_200 : vector<1x1xf32> to vector<16x128xf32>
      %mul3A_284 = arith.mulf %mul3A_283, %add3A_279 : vector<16x128xf32>
      %select_n3A_285 = arith.select %gt3A_282, %add3A_279, %mul3A_284 : vector<16x128xi1>, vector<16x128xf32>
      %dot_general3A_286 = arith.constant dense<0.000000e+00> : vector<16x128xf32>
      %dot_general3A_287 = tpu.matmul %select_n3A_285, %get3A_203, %dot_general3A_286 {dimension_numbers = #tpu.dot_dimension_numbers<[1], [0], [0], [1], [0, 0, 1, 1], [], []>, transpose_lhs_hint = false} : vector<16x128xf32>, vector<128x128xf32>, vector<16x128xf32> -> vector<16x128xf32>
      %add3A_288 = vector.broadcast %get3A_206 : vector<1x128xf32> to vector<16x128xf32>
      %add3A_289 = arith.addf %dot_general3A_287, %add3A_288 : vector<16x128xf32>
      %gt3A_290 = arith.constant 0.000000e+00 : f32
      %gt3A_291 = vector.broadcast %gt3A_290 : f32 to vector<16x128xf32>
      %gt3A_292 = arith.cmpf ogt, %add3A_289, %gt3A_291 : vector<16x128xf32>
      %mul3A_293 = vector.broadcast %get3A_209 : vector<1x1xf32> to vector<16x128xf32>
      %mul3A_294 = arith.mulf %mul3A_293, %add3A_289 : vector<16x128xf32>
      %select_n3A_295 = arith.select %gt3A_292, %add3A_289, %mul3A_294 : vector<16x128xi1>, vector<16x128xf32>
      %dot_general3A_296 = arith.constant dense<0.000000e+00> : vector<16x128xf32>
      %dot_general3A_297 = tpu.matmul %select_n3A_295, %get3A_212, %dot_general3A_296 {dimension_numbers = #tpu.dot_dimension_numbers<[1], [0], [0], [1], [0, 0, 1, 1], [], []>, transpose_lhs_hint = false} : vector<16x128xf32>, vector<128x128xf32>, vector<16x128xf32> -> vector<16x128xf32>
      %add3A_298 = vector.broadcast %get3A_215 : vector<1x128xf32> to vector<16x128xf32>
      %add3A_299 = arith.addf %dot_general3A_297, %add3A_298 : vector<16x128xf32>
      %gt3A_300 = arith.constant 0.000000e+00 : f32
      %gt3A_301 = vector.broadcast %gt3A_300 : f32 to vector<16x128xf32>
      %gt3A_302 = arith.cmpf ogt, %add3A_299, %gt3A_301 : vector<16x128xf32>
      %mul3A_303 = vector.broadcast %get3A_218 : vector<1x1xf32> to vector<16x128xf32>
      %mul3A_304 = arith.mulf %mul3A_303, %add3A_299 : vector<16x128xf32>
      %select_n3A_305 = arith.select %gt3A_302, %add3A_299, %mul3A_304 : vector<16x128xi1>, vector<16x128xf32>
      %dot_general3A_306 = arith.constant dense<0.000000e+00> : vector<16x128xf32>
      %dot_general3A_307 = tpu.matmul %concatenate3A_237, %get3A_221, %dot_general3A_306 {dimension_numbers = #tpu.dot_dimension_numbers<[1], [0], [0], [1], [0, 0, 1, 1], [], []>, transpose_lhs_hint = false} : vector<16x256xf32>, vector<256x128xf32>, vector<16x128xf32> -> vector<16x128xf32>
      %add3A_308 = arith.addf %select_n3A_305, %dot_general3A_307 : vector<16x128xf32>
      %add3A_309 = vector.broadcast %get3A_224 : vector<1x128xf32> to vector<16x128xf32>
      %add3A_310 = arith.addf %add3A_308, %add3A_309 : vector<16x128xf32>
      %swap3A_311 = arith.constant 0 : index
      %swap3A_312 = arith.constant 0 : index
      %swap3A_313 = vector.load %arg36[%swap3A_311, %swap3A_312] : memref<16x128xf32, #tpu.memory_space<vmem>>, vector<16x128xf32>
      tpu.vector_store %arg36[%swap3A_311, %swap3A_312], %add3A_310 {strides = array<i32>} : memref<16x128xf32, #tpu.memory_space<vmem>>, vector<16x128xf32>,
    } else {
    }
    return
  }
  func.func @transform_0(%arg0: i32) -> (i32, i32, i32) {
    %c0_i32 = arith.constant 0 : i32
    %c0_i32_0 = arith.constant 0 : i32
    %c0_i32_1 = arith.constant 0 : i32
    return %c0_i32, %arg0, %c0_i32_0 : i32, i32, i32
  }
  func.func @transform_1(%arg0: i32) -> (i32, i32, i32) {
    %c0_i32 = arith.constant 0 : i32
    %c0_i32_0 = arith.constant 0 : i32
    %c0_i32_1 = arith.constant 0 : i32
    return %c0_i32, %arg0, %c0_i32_0 : i32, i32, i32
  }
  func.func @transform_2(%arg0: i32) -> (i32, i32) {
    %c0_i32 = arith.constant 0 : i32
    %c0_i32_0 = arith.constant 0 : i32
    return %arg0, %c0_i32 : i32, i32
  }
  func.func @transform_3(%arg0: i32) -> (i32, i32, i32) {
    %c0_i32 = arith.constant 0 : i32
    %c0_i32_0 = arith.constant 0 : i32
    %c0_i32_1 = arith.constant 0 : i32
    return %arg0, %c0_i32, %c0_i32_0 : i32, i32, i32
  }
  func.func @transform_4(%arg0: i32) -> (i32, i32) {
    %c0_i32 = arith.constant 0 : i32
    %c0_i32_0 = arith.constant 0 : i32
    %c0_i32_1 = arith.constant 0 : i32
    return %c0_i32, %c0_i32_0 : i32, i32
  }
  func.func @transform_5(%arg0: i32) -> (i32, i32) {
    %c0_i32 = arith.constant 0 : i32
    %c0_i32_0 = arith.constant 0 : i32
    %c0_i32_1 = arith.constant 0 : i32
    return %c0_i32, %c0_i32_0 : i32, i32
  }
  func.func @transform_6(%arg0: i32) -> (i32, i32) {
    %c0_i32 = arith.constant 0 : i32
    %c0_i32_0 = arith.constant 0 : i32
    %c0_i32_1 = arith.constant 0 : i32
    return %c0_i32, %c0_i32_0 : i32, i32
  }
  func.func @transform_7(%arg0: i32) -> (i32, i32) {
    %c0_i32 = arith.constant 0 : i32
    %c0_i32_0 = arith.constant 0 : i32
    %c0_i32_1 = arith.constant 0 : i32
    return %c0_i32, %c0_i32_0 : i32, i32
  }
  func.func @transform_8(%arg0: i32) -> (i32, i32) {
    %c0_i32 = arith.constant 0 : i32
    %c0_i32_0 = arith.constant 0 : i32
    %c0_i32_1 = arith.constant 0 : i32
    return %c0_i32, %c0_i32_0 : i32, i32
  }
  func.func @transform_9(%arg0: i32) -> (i32, i32) {
    %c0_i32 = arith.constant 0 : i32
    %c0_i32_0 = arith.constant 0 : i32
    %c0_i32_1 = arith.constant 0 : i32
    return %c0_i32, %c0_i32_0 : i32, i32
  }
  func.func @transform_10(%arg0: i32) -> (i32, i32) {
    %c0_i32 = arith.constant 0 : i32
    %c0_i32_0 = arith.constant 0 : i32
    %c0_i32_1 = arith.constant 0 : i32
    return %c0_i32, %c0_i32_0 : i32, i32
  }
  func.func @transform_11(%arg0: i32) -> (i32, i32) {
    %c0_i32 = arith.constant 0 : i32
    %c0_i32_0 = arith.constant 0 : i32
    %c0_i32_1 = arith.constant 0 : i32
    return %c0_i32, %c0_i32_0 : i32, i32
  }
  func.func @transform_12(%arg0: i32) -> (i32, i32) {
    %c0_i32 = arith.constant 0 : i32
    %c0_i32_0 = arith.constant 0 : i32
    %c0_i32_1 = arith.constant 0 : i32
    return %c0_i32, %c0_i32_0 : i32, i32
  }
  func.func @transform_13(%arg0: i32) -> (i32, i32) {
    %c0_i32 = arith.constant 0 : i32
    %c0_i32_0 = arith.constant 0 : i32
    %c0_i32_1 = arith.constant 0 : i32
    return %c0_i32, %c0_i32_0 : i32, i32
  }
  func.func @transform_14(%arg0: i32) -> (i32, i32) {
    %c0_i32 = arith.constant 0 : i32
    %c0_i32_0 = arith.constant 0 : i32
    %c0_i32_1 = arith.constant 0 : i32
    return %c0_i32, %c0_i32_0 : i32, i32
  }
  func.func @transform_15(%arg0: i32) -> (i32, i32) {
    %c0_i32 = arith.constant 0 : i32
    %c0_i32_0 = arith.constant 0 : i32
    %c0_i32_1 = arith.constant 0 : i32
    return %c0_i32, %c0_i32_0 : i32, i32
  }
  func.func @transform_16(%arg0: i32) -> (i32, i32) {
    %c0_i32 = arith.constant 0 : i32
    %c0_i32_0 = arith.constant 0 : i32
    %c0_i32_1 = arith.constant 0 : i32
    return %c0_i32, %c0_i32_0 : i32, i32
  }
  func.func @transform_17(%arg0: i32) -> (i32, i32) {
    %c0_i32 = arith.constant 0 : i32
    %c0_i32_0 = arith.constant 0 : i32
    %c0_i32_1 = arith.constant 0 : i32
    return %c0_i32, %c0_i32_0 : i32, i32
  }
  func.func @transform_18(%arg0: i32) -> (i32, i32) {
    %c0_i32 = arith.constant 0 : i32
    %c0_i32_0 = arith.constant 0 : i32
    %c0_i32_1 = arith.constant 0 : i32
    return %c0_i32, %c0_i32_0 : i32, i32
  }
  func.func @transform_19(%arg0: i32) -> (i32, i32) {
    %c0_i32 = arith.constant 0 : i32
    %c0_i32_0 = arith.constant 0 : i32
    %c0_i32_1 = arith.constant 0 : i32
    return %c0_i32, %c0_i32_0 : i32, i32
  }
  func.func @transform_20(%arg0: i32) -> (i32, i32) {
    %c0_i32 = arith.constant 0 : i32
    %c0_i32_0 = arith.constant 0 : i32
    %c0_i32_1 = arith.constant 0 : i32
    return %c0_i32, %c0_i32_0 : i32, i32
  }
  func.func @transform_21(%arg0: i32) -> (i32, i32) {
    %c0_i32 = arith.constant 0 : i32
    %c0_i32_0 = arith.constant 0 : i32
    %c0_i32_1 = arith.constant 0 : i32
    return %c0_i32, %c0_i32_0 : i32, i32
  }
  func.func @transform_22(%arg0: i32) -> (i32, i32) {
    %c0_i32 = arith.constant 0 : i32
    %c0_i32_0 = arith.constant 0 : i32
    %c0_i32_1 = arith.constant 0 : i32
    return %c0_i32, %c0_i32_0 : i32, i32
  }
  func.func @transform_23(%arg0: i32) -> (i32, i32) {
    %c0_i32 = arith.constant 0 : i32
    %c0_i32_0 = arith.constant 0 : i32
    %c0_i32_1 = arith.constant 0 : i32
    return %c0_i32, %c0_i32_0 : i32, i32
  }
  func.func @transform_24(%arg0: i32) -> (i32, i32) {
    %c0_i32 = arith.constant 0 : i32
    %c0_i32_0 = arith.constant 0 : i32
    %c0_i32_1 = arith.constant 0 : i32
    return %c0_i32, %c0_i32_0 : i32, i32
  }
  func.func @transform_25(%arg0: i32) -> (i32, i32) {
    %c0_i32 = arith.constant 0 : i32
    %c0_i32_0 = arith.constant 0 : i32
    %c0_i32_1 = arith.constant 0 : i32
    return %c0_i32, %c0_i32_0 : i32, i32
  }
  func.func @transform_26(%arg0: i32) -> (i32, i32) {
    %c0_i32 = arith.constant 0 : i32
    %c0_i32_0 = arith.constant 0 : i32
    %c0_i32_1 = arith.constant 0 : i32
    return %c0_i32, %c0_i32_0 : i32, i32
  }
  func.func @transform_27(%arg0: i32) -> (i32, i32) {
    %c0_i32 = arith.constant 0 : i32
    %c0_i32_0 = arith.constant 0 : i32
    %c0_i32_1 = arith.constant 0 : i32
    return %c0_i32, %c0_i32_0 : i32, i32
  }
  func.func @transform_28(%arg0: i32) -> (i32, i32) {
    %c0_i32 = arith.constant 0 : i32
    %c0_i32_0 = arith.constant 0 : i32
    %c0_i32_1 = arith.constant 0 : i32
    return %c0_i32, %c0_i32_0 : i32, i32
  }
  func.func @transform_29(%arg0: i32) -> (i32, i32) {
    %c0_i32 = arith.constant 0 : i32
    %c0_i32_0 = arith.constant 0 : i32
    %c0_i32_1 = arith.constant 0 : i32
    return %c0_i32, %c0_i32_0 : i32, i32
  }
  func.func @transform_30(%arg0: i32) -> (i32, i32) {
    %c0_i32 = arith.constant 0 : i32
    %c0_i32_0 = arith.constant 0 : i32
    %c0_i32_1 = arith.constant 0 : i32
    return %c0_i32, %c0_i32_0 : i32, i32
  }
  func.func @transform_31(%arg0: i32) -> (i32, i32) {
    %c0_i32 = arith.constant 0 : i32
    %c0_i32_0 = arith.constant 0 : i32
    %c0_i32_1 = arith.constant 0 : i32
    return %c0_i32, %c0_i32_0 : i32, i32
  }
  func.func @transform_32(%arg0: i32) -> (i32, i32) {
    %c0_i32 = arith.constant 0 : i32
    %c0_i32_0 = arith.constant 0 : i32
    return %arg0, %c0_i32 : i32, i32
  }
  func.func @transform_33(%arg0: i32) -> (i32, i32) {
    %c0_i32 = arith.constant 0 : i32
    %c0_i32_0 = arith.constant 0 : i32
    return %arg0, %c0_i32 : i32, i32
  }
  func.func @transform_34(%arg0: i32) -> (i32, i32) {
    %c0_i32 = arith.constant 0 : i32
    %c0_i32_0 = arith.constant 0 : i32
    %c0_i32_1 = arith.constant 0 : i32
    return %c0_i32, %c0_i32_0 : i32, i32
  }
  func.func @transform_35(%arg0: i32) -> (i32, i32) {
    %c0_i32 = arith.constant 0 : i32
    %c0_i32_0 = arith.constant 0 : i32
    %c0_i32_1 = arith.constant 0 : i32
    return %c0_i32, %c0_i32_0 : i32, i32
  }
  func.func @transform_36(%arg0: i32) -> (i32, i32) {
    %c0_i32 = arith.constant 0 : i32
    %c0_i32_0 = arith.constant 0 : i32
    %c0_i32_1 = arith.constant 0 : i32
    return %c0_i32, %c0_i32_0 : i32, i32
  }
  func.func @transform_37(%arg0: i32) -> (i32, i32) {
    %c0_i32 = arith.constant 0 : i32
    %c0_i32_0 = arith.constant 0 : i32
    %c0_i32_1 = arith.constant 0 : i32
    return %c0_i32, %c0_i32_0 : i32, i32
  }
}

</mosaic_0001>

<sc_bundles>
// kernel: kernel.11.cloned.1.call-start
scs
__scs_entry_jumppad:
0x0: {  	(pc) =	sbr.rel $0x88, $3  }
0x1: {  	(tag) =	ssettag $0x0;
	lr =	simm.s32 $0x1  }
0x2: {  	[smem:$0x3F7D] =	sst lr;
	_ =	strace $0xD0000000  }
0x3: {  	_ = 	snop  }
0x4: {  	_ = 	snop  }
0x5: {  	_ = 	snop  }
0x6: {  	_ = 	snop  }
0x7: {  	_ = 	snop  }
__scs_overlays_trampoline_lowered:
0x8: {  	[smem:$0x3F8C] =	sst s0  }
0x9: {  	[smem:$0x3F8D] =	sst s1  }
0xa: {  	[smem:$0x3F8E] =	sst s2  }
0xb: {  	[smem:$0x3F8F] =	sst s3  }
0xc: {  	[smem:$0x3F90] =	sst s4  }
0xd: {  	[smem:$0x3F91] =	sst s5  }
0xe: {  	[smem:$0x3F92] =	sst s6  }
0xf: {  	[smem:$0x3F93] =	sst s7  }
0x10: {  	[smem:$0x3F94] =	sst s8  }
0x11: {  	[smem:$0x3F95] =	sst s9;
	s0 =	simm.s32 @!p0 $0x0  }
0x12: {  	s1 =	sld [smem:$0x3F7B];
	s0 =	simm.s32 @p0 $0x1  }
0x13: {  	[smem:$0x3F96] =	sst s0;
	s0 =	simm.s32 @!p1 $0x0  }
0x14: {  	s2 =	sld [smem:$0x3F7A];
	s0 =	simm.s32 @p1 $0x1  }
0x15: {  	[smem:$0x3F97] =	sst s0;
	s0 =	simm.s32 @!p2 $0x0  }
0x16: {  	s3 =	sld [smem:$0x3FDB];
	s0 =	simm.s32 @p2 $0x1  }
0x17: {  	s4 =	simm.s32 $0x1BF5;
	[smem:$0x3F99] =	sst s0  }
0x18: {  	s0 =	sld [smem:$0x3F7C];
	_ =	swait.ge [sflag:s4], $0x0  }
0x19: {  	s7 =	sld [smem:$0x3F7D]  }
0x1a: {  	s8 =	sadd.s32 $0xFFFFE003, lr  }
0x1b: {  	s9 =	sadd.s32 $0xFFFFFEF7, lr;
	s5 =	simm.s32 $0xFFFFFFFF;
	p2 =	slt.u32 s8, $0xFFFFF086  }
0x1c: {  	p1 =	slt.u32 s9, $0xF7A;
	s5 =	simm.s32 @!p2 $0x0  }
0x1d: {  	s5 =	simm.s32 @p1 $0x1;
	p0 =	seq.s32 s7, s2  }
0x1e: {  	s7 =	smul.u32 @!p0 $0xF7A, s2;
	p2 =	seq.s32 @!p0 s5, $0x0  }
0x1f: {  	s9 =	smul.u32 $0xF7A, s1;
	s8 =	simm.s32 @!p0 $0x1BF5;
	p2 =	por !p2, p0  }
0x20: {  	[sflag:s8] =	ssyncset.s32 @!p0 $0xFFFFF086;
	s6 =	sadd.s32 @!p0 s3, s7;
	s7 =	simm.s32 @!p0 $0x108  }
0x21: {  	s3 =	sadd.s32 s3, s9;
	s6 =	sadd.s32 @!p0 $0x88, s6;
	s7 =	simm.s32 @p2 $0x1082  }
0x22: {  	[simem:s7], [sflag:s8] =	dma.local @!p0 [hbm:s6], $0xF7A  }
0x23: {  	s9 =	sor.u32 $0xD0000000, s2;
	s6 =	simm.s32 $0x108;
	_ =	swait.ge @!p0 [sflag:s8], $0x0  }
0x24: {  	s3 =	sadd.s32 $0x88, s3;
	s6 =	simm.s32 @!p1 $0x1082;
	[sflag:s4] =	ssyncset.s32 $0xFFFFF086  }
0x25: {  	[simem:s6], [sflag:s4] =	dma.local [hbm:s3], $0xF7A  }
0x26: {  	[smem:$0x3F7D] =	sst s1;
	(tag) =	ssettag s2;
	_ =	strace s9  }
0x27: {  	s1 =	sld [smem:$0x3F8D]  }
0x28: {  	s2 =	sld [smem:$0x3F8E]  }
0x29: {  	s4 =	sld [smem:$0x3F90]  }
0x2a: {  	p0 =	seq.s32 s5, $0x0;
	s5 =	sld [smem:$0x3F91]  }
0x2b: {  	s6 =	sld [smem:$0x3F92]  }
0x2c: {  	s7 =	sld [smem:$0x3F93]  }
0x2d: {  	s3 =	simm.s32 $0x108;
	s8 =	sld [smem:$0x3F94]  }
0x2e: {  	s3 =	simm.s32 @!p0 $0x1082;
	s9 =	sld [smem:$0x3F95]  }
0x2f: {  	lr =	sadd.s32 s0, s3;
	s0 =	sld [smem:$0x3F8C]  }
0x30: {  	s3 =	sld [smem:$0x3F8F]  }
0x31: {  	[smem:$0x3F98] =	sst s10  }
0x32: {  	s10 =	sld [smem:$0x3F96];
	_ =	sdelay $0x3  }
0x33: {  	p0 =	seq.s32 s10, $0x1;
	s10 =	sld [smem:$0x3F98];
	_ =	sdelay $0x3  }
0x34: {  	[smem:$0x3F98] =	sst s10  }
0x35: {  	s10 =	sld [smem:$0x3F97];
	_ =	sdelay $0x3  }
0x36: {  	p1 =	seq.s32 s10, $0x1;
	s10 =	sld [smem:$0x3F98];
	_ =	sdelay $0x3  }
0x37: {  	[smem:$0x3F98] =	sst s10  }
0x38: {  	s10 =	sld [smem:$0x3F99]  }
0x39: {  	_ = 	snop;
	(pc) =	sbr.ind lr, $3  }
0x3a: {  	_ = 	snop  }
0x3b: {  	_ = 	snop  }
0x3c: {  	p2 =	seq.s32 s10, $0x1;
	s10 =	sld [smem:$0x3F98]  }
0x3d: {  	_ =	shalt  }
0x3e: {  	_ =	shalt  }
0x3f: {  	_ =	shalt  }
0x40: {  	_ =	shalt  }
0x41: {  	_ =	shalt  }
0x42: {  	_ =	shalt  }
0x43: {  	_ =	shalt  }
0x44: {  	_ =	shalt  }
0x45: {  	_ =	shalt  }
0x46: {  	_ =	shalt  }
0x47: {  	_ =	shalt  }
0x48: {  	_ =	shalt  }
0x49: {  	_ =	shalt  }
0x4a: {  	_ =	shalt  }
0x4b: {  	_ =	shalt  }
0x4c: {  	_ =	shalt  }
0x4d: {  	_ =	shalt  }
0x4e: {  	_ =	shalt  }
0x4f: {  	_ =	shalt  }
0x50: {  	_ =	shalt  }
0x51: {  	_ =	shalt  }
0x52: {  	_ =	shalt  }
0x53: {  	_ =	shalt  }
0x54: {  	_ =	shalt  }
0x55: {  	_ =	shalt  }
0x56: {  	_ =	shalt  }
0x57: {  	_ =	shalt  }
0x58: {  	_ =	shalt  }
0x59: {  	_ =	shalt  }
0x5a: {  	_ =	shalt  }
0x5b: {  	_ =	shalt  }
0x5c: {  	_ =	shalt  }
0x5d: {  	_ =	shalt  }
0x5e: {  	_ =	shalt  }
0x5f: {  	_ =	shalt  }
0x60: {  	_ =	shalt  }
0x61: {  	_ =	shalt  }
0x62: {  	_ =	shalt  }
0x63: {  	_ =	shalt  }
0x64: {  	_ =	shalt  }
0x65: {  	_ =	shalt  }
0x66: {  	_ =	shalt  }
0x67: {  	_ =	shalt  }
0x68: {  	_ =	shalt  }
0x69: {  	_ =	shalt  }
0x6a: {  	_ =	shalt  }
0x6b: {  	_ =	shalt  }
0x6c: {  	_ =	shalt  }
0x6d: {  	_ =	shalt  }
0x6e: {  	_ =	shalt  }
0x6f: {  	_ =	shalt  }
0x70: {  	_ =	shalt  }
0x71: {  	_ =	shalt  }
0x72: {  	_ =	shalt  }
0x73: {  	_ =	shalt  }
0x74: {  	_ =	shalt  }
0x75: {  	_ =	shalt  }
0x76: {  	_ =	shalt  }
0x77: {  	_ =	shalt  }
0x78: {  	_ =	shalt  }
0x79: {  	_ =	shalt  }
0x7a: {  	_ =	shalt  }
0x7b: {  	_ =	shalt  }
0x7c: {  	_ =	shalt  }
0x7d: {  	_ =	shalt  }
0x7e: {  	_ =	shalt  }
0x7f: {  	_ =	shalt  }
0x80: {  	_ =	shalt  }
0x81: {  	_ =	shalt  }
0x82: {  	_ =	shalt  }
0x83: {  	_ =	shalt  }
0x84: {  	_ =	shalt  }
0x85: {  	_ =	shalt  }
0x86: {  	_ =	shalt  }
0x87: {  	_ =	shalt  }
.Lfunc_end0:
.L_simem_size_0:
called_computation.1_lowered:
.L_overlay_start_0:
0x88: {  	s2 =	sld [smem:$0x3FD9]  }
0x89: {  	s3 =	sld [smem:$0x3FFE];
	_ =	sdelay $0x1  }
0x8a: {  	s1 =	srdreg.scid  }
0x8b: {  	s0 =	sand.u32 $0x1, s1  }
0x8c: {  	s16 =	sshll.u32 s0, $0xA;
	s2 =	sadd.s32 s3, s2  }
0x8d: {  	s2 =	sadd.s32 s2, s16  }
0x8e: {  	[smem:$0x3FA4] =	sst s2  }
0x8f: {  	_ = 	snop  }
0x90: {  	(tm) =	ssettm $0x1  }
0x91: {  	s17 =	sld [smem:$0x3FFB];
	_ =	sdelay $0x3  }
0x92: {  	_ =	strace s17  }
0x93: {  	s2 =	sld [smem:$0x3FFC];
	_ =	sdelay $0x3  }
0x94: {  	_ =	strace s2  }
0x95: {  	s2 =	sld [smem:$0x3FFD];
	_ =	sdelay $0x3  }
0x96: {  	_ =	strace s2  }
0x97: {  	_ =	strace $0x8FFFFFFF  }
0x98: {  	s18 =	sld [smem:$0x3FDB];
	_ =	sdelay $0x1  }
0x99: {  	s19 =	simm.s32 $_scs_section_size  }
0x9a: {  	s4 =	simm.s32 $_size__tile_overlayer_lowered;
	s5 =	simm.s32 $_tile_overlayer_lowered  }
0x9b: {  	s22 =	simm.s32 $0x1BFF;
	s21 =	sshll.u32 s5, $0x1;
	s2 =	sadd.s32 s19, s18  }
0x9c: {  	s6 =	simm.s32 $0x0;
	s20 =	sshll.u32 s4, $0x1;
	s4 =	sadd.s32 s21, s2  }
0x9d: {  	[timem:s6], [sflag:s22] =	dma.local [hbm:s4], s20  }
0x9e: {  	_ =	swait.ge [sflag:s22], s20  }
0x9f: {  	s3 =	ssub.s32 $0x0, s20;
	[sflag:s22] =	ssyncset.done $0x0  }
0xa0: {  	[sflag:s22] =	ssyncadd.s32 s3;
	_ =	sdelay $0x1  }
0xa1: {  	s23 =	simm.s32 $0x1B8B  }
0xa2: {  	_ =	swait.ge [sflag:s23], $0x1  }
0xa3: {  	[sflag:s23] =	ssyncset.done $0x0  }
0xa4: {  	s25 =	simm.s32 $0x1B8E;
	s24 =	sld [smem:$0x3FFE];
	[sflag:s23] =	ssyncadd.s32 $0xFFFFFFFF  }
0xa5: {  	s26 =	simm.s32 $execute0_lowered;
	[smem:$0x3FD2] =	sst s25  }
0xa6: {  	s4 =	sshll.u32 s26, $0x1;
	_ =	strace $0x80000049;
	[dreg:$0x1] =	wrdreg $0xFFFFFFFF  }
0xa7: {  	s28 =	simm.s32 $_size_execute0_lowered;
	s2 =	sadd.s32 s2, s4;
	[dreg:$0x0] =	wrdreg $0x0  }
0xa8: {  	s4 =	sshll.u32 s28, $0x1;
	[dreg:$0x2] =	wrdreg s2  }
0xa9: {  	[dreg:$0x3] =	wrdreg s4  }
0xaa: {  	[dreg:$0x4] =	wrdreg $0xC0  }
0xab: {  	_ =	task [dreg:s6], $0x5FFFF  }
0xac: {  	[dreg:$0x1] =	wrdreg $0xFFFFFFFF  }
0xad: {  	[dreg:$0x0] =	wrdreg $0x60  }
0xae: {  	[dreg:$0x2] =	wrdreg s24  }
0xaf: {  	[dreg:$0x3] =	wrdreg $0xB0000  }
0xb0: {  	[dreg:$0x4] =	wrdreg $0x9  }
0xb1: {  	_ =	task.clear_ibuf [dreg:s6], $0x5FFFF;
	_ =	strace $0x90000049  }
0xb2: {  	s29 =	simm.s32 $0x9;
	_ =	strace $0x8000004B  }
0xb3: {  	_ =	swait.ge [sflag:s29], $0x1  }
0xb4: {  	[sflag:s29] =	ssyncadd.s32 $0xFFFFFFFF  }
0xb5: {  	_ =	strace $0x9000004B  }
0xb6: {  	_ =	sfence  }
0xb7: {  	s30 =	sld [smem:$0x0];
	_ =	sdelay $0x2  }
0xb8: {  	s31 =	sshll.u32 s1, $0xD;
	s1 =	sshrl.u32 s1, $0x2  }
0xb9: {  	s3 =	sand.u32 $0x4000, s31;
	s1 =	sadd.s32 s1, s30  }
0xba: {  	s0 =	sor.u32 s3, s0;
	s1 =	sshll.u32 s1, $0x11  }
0xbb: {  	s0 =	sor.u32 s1, s0  }
0xbc: {  	s0 =	sadd.s32 $0x8F2B, s0  }
0xbd: {  	[sflag:s0] =	ssyncadd.remote.s32 $0x1  }
0xbe: {  	_ =	sfence.sel $0xFFFF  }
0xbf: {  	[dreg:$0x0] =	wrdreg $0xFFFFFFFF;
	(pc) =	sbr.abs _section_cstart, $3  }
0xc0: {  	[dreg:$0x1] =	wrdreg $0xFFFFFFFF  }
0xc1: {  	_ =	task.clear_ibuf [dreg:s6], $0x2FFFF;
	_ =	strace $0x9FFFFFFF  }
0xc2: {  	(tm) =	ssettm $0x7FFFFFFF  }
0xc3: {  	_ =	shalt  }
tec
execute0_lowered:
.L_overlay_start_1:
0x0: {  	(tag) =	ssettag $0x1  }
0x1: {  	s1 =	rddreg [dreg:$0x0];
	s0 =	stileid.u32  }
0x2: {  	s3 =	srdreg.scid;
	s2 =	rddreg [dreg:$0x1];
	s28 =	simm.s32 $0x3  }
0x3: {  	s29 =	simm.s32 $0x7D;
	s30 =	simm.s32 $0x7000;
	s31 =	simm.s32 $0x1  }
0x4: {  	s4 =	smul.u32 $0xC00, s0;
	s5 =	sand.u32 $0x1, s3;
	s3 =	simm.s32 $0x0  }
0x5: {  	s7 =	smul.u32 $0x50000, s0;
	s9 =	sshll.u32 s0, $0x3;
	s12 =	sshll.u32 s0, $0x2  }
0x6: {  	s13 =	smul.u32 $0x19000, s0;
	p2 =	seq.s32 s0, $0xF;
	p4 =	sgt.u32 s0, $0xC  }
0x7: {  	s6 =	smul.u32 $0x27100, s5;
	[smem:$0x7FF] =	sst s3;
	s8 =	ssub.s32 $0x2, s5  }
0x8: {  	s5 =	smul.u32 $0x138800, s5;
	_ =	strace $0x8000004A;
	s17 =	sadd.s32 s4, s1  }
0x9: {  	s18 =	sshrl.u32 s7, $0x2;
	s19 =	sshrl.u32 s8, $0x1;
	s6 =	sadd.s32 s6, s1  }
0xa: {  	s1 =	sadd.s32 $0x75600, s1;
	s4 =	sadd.s32 s18, s2;
	s7 =	ssub.s32 s8, s19  }
0xb: {  	s19 =	sor.u32 $0x6, s9;
	s18 =	sor.u32 $0x1, s12;
	s25 =	sadd.s32 s13, s5  }
0xc: {  	s16 =	sadd.s32 $0x1B400, s17;
	s17 =	sadd.s32 $0xF400, s17;
	s20 =	sadd.s32 $0x2800, s4  }
0xd: {  	s21 =	sadd.s32 $0x5000, s4;
	s10 =	smul.u32 $0xA000, s19;
	s22 =	sadd.s32 $0x7800, s4  }
0xe: {  	s23 =	sadd.s32 $0xA000, s4;
	s14 =	smul.u32 $0x6400, s18;
	[dreg:$0x3] =	wrdreg s20  }
0xf: {  	s24 =	sadd.s32 $0xC800, s4;
	s9 =	smul.u32 $0x19000, s18;
	[dreg:$0x4] =	wrdreg s21  }
0x10: {  	s18 =	sadd.s32 $0x27400, s6;
	s20 =	sshllo.u32 s0, $0x3;
	[dreg:$0x5] =	wrdreg s22  }
0x11: {  	p0 =	sgt.u32 s19, $0x7C;
	[dreg:$0x6] =	wrdreg s23;
	s23 =	smul.u32 $0x64000, s0  }
0x12: {  	[dreg:$0x7] =	wrdreg s24;
	s21 =	sor.u32 $0x2, s12;
	s11 =	smul.u32 $0xA000, s20  }
0x13: {  	s22 =	sshllo.u32 s0, $0x2;
	s12 =	sshrl.u32 s25, $0x3;
	s26 =	smul.u32 $0x6400, s21  }
0x14: {  	s10 =	sshrl.u32 s10, $0x2;
	s15 =	smul.u32 $0x6400, s22;
	s12 =	sadd.s32 s1, s12  }
0x15: {  	s14 =	sadd.s32 s5, s14;
	s24 =	smul.u32 $0x19000, s21;
	p1 =	sgt.u32 s20, $0x7C  }
0x16: {  	p3 =	sgt.u32 s21, $0x31;
	s20 =	simm.s32 $0x3000;
	p5 =	sgt.u32 s22, $0x31  }
0x17: {  	s21 =	simm.s32 $0x4;
	s10 =	sadd.s32 s10, s2;
	s14 =	sshrl.u32 s14, $0x3  }
0x18: {  	s25 =	sshrl.u32 s23, $0x2;
	s11 =	sshrl.u32 s11, $0x2;
	s13 =	sadd.s32 s5, s26  }
0x19: {  	s5 =	sadd.s32 s5, s15;
	s26 =	smul.u32 $0x19000, s22;
	s6 =	sadd.s32 s25, s2  }
0x1a: {  	s11 =	sadd.s32 s11, s2;
	s8 =	sshrl.u32 s13, $0x3;
	s5 =	sshrl.u32 s5, $0x3  }
0x1b: {  	s13 =	sadd.s32 s1, s14;
	s22 =	sshrl.u32 @!p4 s6, $0x3;
	s14 =	sadd.s32 s1, s8  }
0x1c: {  	s15 =	sadd.s32 s1, s5;
	s5 =	simm.s32 @!p0 $0x0;
	s1 =	sshrl.u32 s9, $0x2  }
0x1d: {  	s19 =	sshrl.u32 s26, $0x2;
	s5 =	simm.s32 @p0 $0x1;
	s1 =	sadd.s32 s1, s2  }
0x1e: {  	s25 =	sadd.s32 s19, s2;
	[smem:$0x7FD] =	sst s5;
	s5 =	sshrl.u32 s24, $0x2  }
0x1f: {  	s19 =	smax.u32 s7, $0x1;
	s23 =	sshrl.u32 @!p4 s1, $0x3;
	s5 =	sadd.s32 s5, s2  }
0x20: {  	v0 =	vimm.f32 $0.0e+00;
	s25 =	sshrl.u32 @!p5 s25, $0x3;
	s1 =	simm.s32 $0x2;
	s24 =	sshrl.u32 @!p3 s5, $0x3  }
.LBB2_1:
0x21: {  	s5 =	simm.s32 $0x0;
	s6 =	simm.s32 $0x200  }
.LBB2_2:
0x22: {  	p6 =	sne.s32 s6, $0xF800;
	[tilespmem:s5+$0x3070] =	vst v0  }
0x23: {  	[tilespmem:s5+$0x3000] =	vst v0  }
0x24: {  	[tilespmem:s5+$0x3010] =	vst v0  }
.Ltmp0:
0x25: {  	[tilespmem:s5+$0x3020] =	vst v0;
	(pc) =	sbr.rel @p6 .LBB2_2-.Ltmp0, $4  }
0x26: {  	[tilespmem:s5+$0x3030] =	vst v0  }
0x27: {  	[tilespmem:s5+$0x3040] =	vst v0  }
0x28: {  	[tilespmem:s5+$0x3050] =	vst v0  }
0x29: {  	[tilespmem:s5+$0x3060] =	vst v0;
	s5 =	sshra.s32 s6, $0x2;
	s6 =	sadd.s32 $0x200, s6  }
0x2a: {  	[tilespmem:s5+$0x3070] =	vst v0  }
0x2b: {  	[tilespmem:s5+$0x3000] =	vst v0  }
0x2c: {  	[tilespmem:s5+$0x3010] =	vst v0  }
0x2d: {  	[tilespmem:s5+$0x3020] =	vst v0  }
0x2e: {  	[tilespmem:s5+$0x3030] =	vst v0  }
0x2f: {  	[tilespmem:s5+$0x3040] =	vst v0  }
0x30: {  	[tilespmem:s5+$0x3050] =	vst v0  }
0x31: {  	[tilespmem:s5+$0x3060] =	vst v0  }
0x32: {  	[spmem:s4] =	stream.linear.scatter [tilespmem:s20], [sflag:$0x4], $0x2800, $0x38;
	[tilespmem:$0x1E880] =	vst v63  }
0x33: {  	_ =	swait.ge [sflag:s21], $0x2800  }
0x34: {  	[sflag:s21] =	ssyncset.done $0x0  }
0x35: {  	s26 =	rddreg [dreg:$0x3];
	[sflag:s21] =	ssyncadd.s32 $0xFFFFD800  }
0x36: {  	[spmem:s26] =	stream.linear.scatter [tilespmem:s20], [sflag:$0x4], $0x2800, $0x38;
	[tilespmem:$0x1E880] =	vst v63  }
0x37: {  	_ =	swait.ge [sflag:s21], $0x2800  }
0x38: {  	[sflag:s21] =	ssyncset.done $0x0  }
0x39: {  	s6 =	rddreg [dreg:$0x4];
	[sflag:s21] =	ssyncadd.s32 $0xFFFFD800  }
0x3a: {  	[spmem:s6] =	stream.linear.scatter [tilespmem:s20], [sflag:$0x4], $0x2800, $0x38;
	[tilespmem:$0x1E880] =	vst v63  }
0x3b: {  	_ =	swait.ge [sflag:s21], $0x2800  }
0x3c: {  	[sflag:s21] =	ssyncset.done $0x0  }
0x3d: {  	s7 =	rddreg [dreg:$0x5];
	[sflag:s21] =	ssyncadd.s32 $0xFFFFD800  }
0x3e: {  	[spmem:s7] =	stream.linear.scatter [tilespmem:s20], [sflag:$0x4], $0x2800, $0x38;
	[tilespmem:$0x1E880] =	vst v63  }
0x3f: {  	_ =	swait.ge [sflag:s21], $0x2800  }
0x40: {  	[sflag:s21] =	ssyncset.done $0x0  }
0x41: {  	s8 =	rddreg [dreg:$0x6];
	[sflag:s21] =	ssyncadd.s32 $0xFFFFD800  }
0x42: {  	[spmem:s8] =	stream.linear.scatter [tilespmem:s20], [sflag:$0x4], $0x2800, $0x38;
	[tilespmem:$0x1E880] =	vst v63  }
0x43: {  	_ =	swait.ge [sflag:s21], $0x2800  }
0x44: {  	[sflag:s21] =	ssyncset.done $0x0  }
0x45: {  	s5 =	simm.s32 @!p2 $0x3000;
	s6 =	rddreg [dreg:$0x7];
	[sflag:s21] =	ssyncadd.s32 $0xFFFFD800  }
0x46: {  	[spmem:s6] =	stream.linear.scatter @!p2 [tilespmem:s5], [sflag:$0x4], $0x2800, $0x38;
	[tilespmem:$0x1E880] =	vst v63  }
0x47: {  	s5 =	simm.s32 @!p2 $0x4  }
0x48: {  	_ =	swait.ge @!p2 [sflag:s5], $0x2800  }
0x49: {  	s9 =	sld [smem:$0x7FD];
	_ =	sdelay $0x2  }
0x4a: {  	[sflag:s5] =	ssyncset.done @!p2 $0x0;
	p0 =	seq.s32 s9, $0x1  }
0x4b: {  	[sflag:s5] =	ssyncadd.s32 @!p2 $0xFFFFD800;
	s5 =	simm.s32 @!p0 $0x3000  }
0x4c: {  	[spmem:s10] =	stream.linear.scatter @!p0 [tilespmem:s5], [sflag:$0x4], $0x2800, $0x38;
	[tilespmem:$0x1E880] =	vst v63  }
0x4d: {  	s5 =	simm.s32 @!p0 $0x4  }
0x4e: {  	_ =	swait.ge @!p0 [sflag:s5], $0x2800  }
0x4f: {  	[sflag:s5] =	ssyncset.done @!p0 $0x0  }
0x50: {  	[sflag:s5] =	ssyncadd.s32 @!p0 $0xFFFFD800;
	s5 =	simm.s32 @!p1 $0x3000  }
0x51: {  	[spmem:s11] =	stream.linear.scatter @!p1 [tilespmem:s5], [sflag:$0x4], $0x2800, $0x38;
	[tilespmem:$0x1E880] =	vst v63  }
0x52: {  	s5 =	simm.s32 @!p1 $0x4  }
0x53: {  	_ =	swait.ge @!p1 [sflag:s5], $0x2800  }
0x54: {  	[sflag:s5] =	ssyncset.done @!p1 $0x0  }
0x55: {  	[sflag:s5] =	ssyncadd.s32 @!p1 $0xFFFFD800  }
0x56: {  	s26 =	simm.s32 $0x0;
	[bflag:$0x0] =	sbarrier.arrive $0xFFFF  }
0x57: {  	[tilespmem:s26], [sflag:$0x3] =	stream.linear.gather [hbm4b:s16+s26], $0xA00, $0x38;
	[tilespmem:$0x1E880] =	vst v63  }
0x58: {  	s7 =	simm.s32 $0x1800  }
0x59: {  	[tilespmem:s7], [sflag:$0x3] =	stream.linear.gather [hbm4b:s17+s26], $0xA00, $0x38;
	[tilespmem:$0x1E880] =	vst v63  }
0x5a: {  	_ =	swait.ge [sflag:s28], $0xA00  }
0x5b: {  	[sflag:s28] =	ssyncset.done $0x0  }
0x5c: {  	[sflag:s28] =	ssyncadd.s32 $0xFFFFF600  }
0x5d: {  	s6 =	sand.u32 $0x1, s26;
	p0 =	por $0x0, $0x0;
	_ =	swait.ge [sflag:s28], $0xA00  }
0x5e: {  	s5 =	smul.u32 $0xC00, s6;
	s6 =	sxor.u32 @!p0 $0x1, s6;
	[sflag:s28] =	ssyncset.done $0x0  }
0x5f: {  	s7 =	smul.u32 @!p0 $0xC00, s6;
	[sflag:s28] =	ssyncadd.s32 $0xFFFFF600  }
0x60: {  	[tilespmem:s20], [sflag:$0x1] =	stream.indirect.gather [hbm4b:s18+s29], $0x80, s5, s29, $0xb8;
	[tilespmem:$0x1E880] =	vst v63  }
0x61: {  	s8 =	simm.s32 @!p0 $0x0;
	s26 =	sadd.s32 $0x180, s16  }
0x62: {  	[tilespmem:s7], [sflag:$0x3] =	stream.linear.gather @!p0 [hbm4b:s26+s8], $0xA00, $0x38;
	[tilespmem:$0x1E880] =	vst v63  }
0x63: {  	s6 =	sadd.s32 $0x180, s17;
	s7 =	sadd.s32 @!p0 $0x1800, s7  }
0x64: {  	[tilespmem:s7], [sflag:$0x3] =	stream.linear.gather @!p0 [hbm4b:s6+s8], $0xA00, $0x38;
	[tilespmem:$0x1E880] =	vst v63  }
0x65: {  	s8 =	sadd.s32 $0x80, s5  }
0x66: {  	[tilespmem:s30], [sflag:$0x2] =	stream.indirect.gather [hbm4b:s18+s29], $0x80, s8, s29, $0xb8;
	[tilespmem:$0x1E880] =	vst v63  }
0x67: {  	_ =	swait.ge [sflag:s31], $0x3E80  }
0x68: {  	[sflag:s31] =	ssyncset.done $0x0  }
0x69: {  	s9 =	sadd.s32 $0x1800, s5;
	[sflag:s31] =	ssyncadd.s32 $0xFFFFC180  }
0x6a: {  	[spmem:s2] =	stream.indirect.scatter.add.f32 [tilespmem:s20], [sflag:$0x4], $0x80, s9, s29, $0xb8;
	[tilespmem:$0x1E880] =	vst v63  }
0x6b: {  	_ =	swait.ge [sflag:s21], $0x3E80  }
0x6c: {  	[sflag:s21] =	ssyncset.done $0x0  }
0x6d: {  	s8 =	sadd.s32 $0x100, s5;
	[sflag:s21] =	ssyncadd.s32 $0xFFFFC180  }
0x6e: {  	[tilespmem:s20], [sflag:$0x1] =	stream.indirect.gather [hbm4b:s18+s29], $0x80, s8, s29, $0xb8;
	[tilespmem:$0x1E880] =	vst v63  }
0x6f: {  	_ =	swait.ge [sflag:s1], $0x3E80  }
0x70: {  	[sflag:s1] =	ssyncset.done $0x0  }
0x71: {  	s9 =	sadd.s32 $0x1880, s5;
	[sflag:s1] =	ssyncadd.s32 $0xFFFFC180  }
0x72: {  	[spmem:s2] =	stream.indirect.scatter.add.f32 [tilespmem:s30], [sflag:$0x4], $0x80, s9, s29, $0xb8;
	[tilespmem:$0x1E880] =	vst v63  }
0x73: {  	_ =	swait.ge [sflag:s21], $0x3E80  }
0x74: {  	[sflag:s21] =	ssyncset.done $0x0  }
0x75: {  	s8 =	sadd.s32 $0x180, s5;
	[sflag:s21] =	ssyncadd.s32 $0xFFFFC180  }
0x76: {  	[tilespmem:s30], [sflag:$0x2] =	stream.indirect.gather [hbm4b:s18+s29], $0x80, s8, s29, $0xb8;
	[tilespmem:$0x1E880] =	vst v63  }
0x77: {  	_ =	swait.ge [sflag:s31], $0x3E80  }
0x78: {  	[sflag:s31] =	ssyncset.done $0x0  }
0x79: {  	s9 =	sadd.s32 $0x1900, s5;
	[sflag:s31] =	ssyncadd.s32 $0xFFFFC180  }
0x7a: {  	[spmem:s2] =	stream.indirect.scatter.add.f32 [tilespmem:s20], [sflag:$0x4], $0x80, s9, s29, $0xb8;
	[tilespmem:$0x1E880] =	vst v63  }
0x7b: {  	_ =	swait.ge [sflag:s21], $0x3E80  }
0x7c: {  	[sflag:s21] =	ssyncset.done $0x0  }
0x7d: {  	s8 =	sadd.s32 $0x200, s5;
	[sflag:s21] =	ssyncadd.s32 $0xFFFFC180  }
0x7e: {  	[tilespmem:s20], [sflag:$0x1] =	stream.indirect.gather [hbm4b:s18+s29], $0x80, s8, s29, $0xb8;
	[tilespmem:$0x1E880] =	vst v63  }
0x7f: {  	_ =	swait.ge [sflag:s1], $0x3E80  }
0x80: {  	[sflag:s1] =	ssyncset.done $0x0  }
0x81: {  	s9 =	sadd.s32 $0x1980, s5;
	[sflag:s1] =	ssyncadd.s32 $0xFFFFC180  }
0x82: {  	[spmem:s2] =	stream.indirect.scatter.add.f32 [tilespmem:s30], [sflag:$0x4], $0x80, s9, s29, $0xb8;
	[tilespmem:$0x1E880] =	vst v63  }
0x83: {  	_ =	swait.ge [sflag:s21], $0x3E80  }
0x84: {  	[sflag:s21] =	ssyncset.done $0x0  }
0x85: {  	s8 =	sadd.s32 $0x280, s5;
	[sflag:s21] =	ssyncadd.s32 $0xFFFFC180  }
0x86: {  	[tilespmem:s30], [sflag:$0x2] =	stream.indirect.gather [hbm4b:s18+s29], $0x80, s8, s29, $0xb8;
	[tilespmem:$0x1E880] =	vst v63  }
0x87: {  	_ =	swait.ge [sflag:s31], $0x3E80  }
0x88: {  	[sflag:s31] =	ssyncset.done $0x0  }
0x89: {  	s9 =	sadd.s32 $0x1A00, s5;
	[sflag:s31] =	ssyncadd.s32 $0xFFFFC180  }
0x8a: {  	[spmem:s2] =	stream.indirect.scatter.add.f32 [tilespmem:s20], [sflag:$0x4], $0x80, s9, s29, $0xb8;
	[tilespmem:$0x1E880] =	vst v63  }
0x8b: {  	_ =	swait.ge [sflag:s21], $0x3E80  }
0x8c: {  	[sflag:s21] =	ssyncset.done $0x0  }
0x8d: {  	s8 =	sadd.s32 $0x300, s5;
	[sflag:s21] =	ssyncadd.s32 $0xFFFFC180  }
0x8e: {  	[tilespmem:s20], [sflag:$0x1] =	stream.indirect.gather [hbm4b:s18+s29], $0x80, s8, s29, $0xb8;
	[tilespmem:$0x1E880] =	vst v63  }
0x8f: {  	_ =	swait.ge [sflag:s1], $0x3E80  }
0x90: {  	[sflag:s1] =	ssyncset.done $0x0  }
0x91: {  	s9 =	sadd.s32 $0x1A80, s5;
	[sflag:s1] =	ssyncadd.s32 $0xFFFFC180  }
0x92: {  	[spmem:s2] =	stream.indirect.scatter.add.f32 [tilespmem:s30], [sflag:$0x4], $0x80, s9, s29, $0xb8;
	[tilespmem:$0x1E880] =	vst v63  }
0x93: {  	_ =	swait.ge [sflag:s21], $0x3E80  }
0x94: {  	[sflag:s21] =	ssyncset.done $0x0  }
0x95: {  	s8 =	sadd.s32 $0x380, s5;
	[sflag:s21] =	ssyncadd.s32 $0xFFFFC180  }
0x96: {  	[tilespmem:s30], [sflag:$0x2] =	stream.indirect.gather [hbm4b:s18+s29], $0x80, s8, s29, $0xb8;
	[tilespmem:$0x1E880] =	vst v63  }
0x97: {  	_ =	swait.ge [sflag:s31], $0x3E80  }
0x98: {  	[sflag:s31] =	ssyncset.done $0x0  }
0x99: {  	s9 =	sadd.s32 $0x1B00, s5;
	[sflag:s31] =	ssyncadd.s32 $0xFFFFC180  }
0x9a: {  	[spmem:s2] =	stream.indirect.scatter.add.f32 [tilespmem:s20], [sflag:$0x4], $0x80, s9, s29, $0xb8;
	[tilespmem:$0x1E880] =	vst v63  }
0x9b: {  	_ =	swait.ge [sflag:s21], $0x3E80  }
0x9c: {  	[sflag:s21] =	ssyncset.done $0x0  }
0x9d: {  	s8 =	sadd.s32 $0x400, s5;
	[sflag:s21] =	ssyncadd.s32 $0xFFFFC180  }
0x9e: {  	[tilespmem:s20], [sflag:$0x1] =	stream.indirect.gather [hbm4b:s18+s29], $0x80, s8, s29, $0xb8;
	[tilespmem:$0x1E880] =	vst v63  }
0x9f: {  	_ =	swait.ge [sflag:s1], $0x3E80  }
0xa0: {  	[sflag:s1] =	ssyncset.done $0x0  }
0xa1: {  	s9 =	sadd.s32 $0x1B80, s5;
	[sflag:s1] =	ssyncadd.s32 $0xFFFFC180  }
0xa2: {  	[spmem:s2] =	stream.indirect.scatter.add.f32 [tilespmem:s30], [sflag:$0x4], $0x80, s9, s29, $0xb8;
	[tilespmem:$0x1E880] =	vst v63  }
0xa3: {  	_ =	swait.ge [sflag:s21], $0x3E80  }
0xa4: {  	[sflag:s21] =	ssyncset.done $0x0  }
0xa5: {  	s8 =	sadd.s32 $0x480, s5;
	[sflag:s21] =	ssyncadd.s32 $0xFFFFC180  }
0xa6: {  	[tilespmem:s30], [sflag:$0x2] =	stream.indirect.gather [hbm4b:s18+s29], $0x80, s8, s29, $0xb8;
	[tilespmem:$0x1E880] =	vst v63  }
0xa7: {  	_ =	swait.ge [sflag:s31], $0x3E80  }
0xa8: {  	[sflag:s31] =	ssyncset.done $0x0  }
0xa9: {  	s9 =	sadd.s32 $0x1C00, s5;
	[sflag:s31] =	ssyncadd.s32 $0xFFFFC180  }
0xaa: {  	[spmem:s2] =	stream.indirect.scatter.add.f32 [tilespmem:s20], [sflag:$0x4], $0x80, s9, s29, $0xb8;
	[tilespmem:$0x1E880] =	vst v63  }
0xab: {  	_ =	swait.ge [sflag:s21], $0x3E80  }
0xac: {  	[sflag:s21] =	ssyncset.done $0x0  }
0xad: {  	s8 =	sadd.s32 $0x500, s5;
	[sflag:s21] =	ssyncadd.s32 $0xFFFFC180  }
0xae: {  	[tilespmem:s20], [sflag:$0x1] =	stream.indirect.gather [hbm4b:s18+s29], $0x80, s8, s29, $0xb8;
	[tilespmem:$0x1E880] =	vst v63  }
0xaf: {  	_ =	swait.ge [sflag:s1], $0x3E80  }
0xb0: {  	[sflag:s1] =	ssyncset.done $0x0  }
0xb1: {  	s9 =	sadd.s32 $0x1C80, s5;
	[sflag:s1] =	ssyncadd.s32 $0xFFFFC180  }
0xb2: {  	[spmem:s2] =	stream.indirect.scatter.add.f32 [tilespmem:s30], [sflag:$0x4], $0x80, s9, s29, $0xb8;
	[tilespmem:$0x1E880] =	vst v63  }
0xb3: {  	_ =	swait.ge [sflag:s21], $0x3E80  }
0xb4: {  	[sflag:s21] =	ssyncset.done $0x0  }
0xb5: {  	s8 =	sadd.s32 $0x580, s5;
	[sflag:s21] =	ssyncadd.s32 $0xFFFFC180  }
0xb6: {  	[tilespmem:s30], [sflag:$0x2] =	stream.indirect.gather [hbm4b:s18+s29], $0x80, s8, s29, $0xb8;
	[tilespmem:$0x1E880] =	vst v63  }
0xb7: {  	_ =	swait.ge [sflag:s31], $0x3E80  }
0xb8: {  	[sflag:s31] =	ssyncset.done $0x0  }
0xb9: {  	s9 =	sadd.s32 $0x1D00, s5;
	[sflag:s31] =	ssyncadd.s32 $0xFFFFC180  }
0xba: {  	[spmem:s2] =	stream.indirect.scatter.add.f32 [tilespmem:s20], [sflag:$0x4], $0x80, s9, s29, $0xb8;
	[tilespmem:$0x1E880] =	vst v63  }
0xbb: {  	_ =	swait.ge [sflag:s21], $0x3E80  }
0xbc: {  	[sflag:s21] =	ssyncset.done $0x0  }
0xbd: {  	s8 =	sadd.s32 $0x600, s5;
	[sflag:s21] =	ssyncadd.s32 $0xFFFFC180  }
0xbe: {  	[tilespmem:s20], [sflag:$0x1] =	stream.indirect.gather [hbm4b:s18+s29], $0x80, s8, s29, $0xb8;
	[tilespmem:$0x1E880] =	vst v63  }
0xbf: {  	_ =	swait.ge [sflag:s1], $0x3E80  }
0xc0: {  	[sflag:s1] =	ssyncset.done $0x0  }
0xc1: {  	s9 =	sadd.s32 $0x1D80, s5;
	[sflag:s1] =	ssyncadd.s32 $0xFFFFC180  }
0xc2: {  	[spmem:s2] =	stream.indirect.scatter.add.f32 [tilespmem:s30], [sflag:$0x4], $0x80, s9, s29, $0xb8;
	[tilespmem:$0x1E880] =	vst v63  }
0xc3: {  	_ =	swait.ge [sflag:s21], $0x3E80  }
0xc4: {  	[sflag:s21] =	ssyncset.done $0x0  }
0xc5: {  	s8 =	sadd.s32 $0x680, s5;
	[sflag:s21] =	ssyncadd.s32 $0xFFFFC180  }
0xc6: {  	[tilespmem:s30], [sflag:$0x2] =	stream.indirect.gather [hbm4b:s18+s29], $0x80, s8, s29, $0xb8;
	[tilespmem:$0x1E880] =	vst v63  }
0xc7: {  	_ =	swait.ge [sflag:s31], $0x3E80  }
0xc8: {  	[sflag:s31] =	ssyncset.done $0x0  }
0xc9: {  	s9 =	sadd.s32 $0x1E00, s5;
	[sflag:s31] =	ssyncadd.s32 $0xFFFFC180  }
0xca: {  	[spmem:s2] =	stream.indirect.scatter.add.f32 [tilespmem:s20], [sflag:$0x4], $0x80, s9, s29, $0xb8;
	[tilespmem:$0x1E880] =	vst v63  }
0xcb: {  	_ =	swait.ge [sflag:s21], $0x3E80  }
0xcc: {  	[sflag:s21] =	ssyncset.done $0x0  }
0xcd: {  	s8 =	sadd.s32 $0x700, s5;
	[sflag:s21] =	ssyncadd.s32 $0xFFFFC180  }
0xce: {  	[tilespmem:s20], [sflag:$0x1] =	stream.indirect.gather [hbm4b:s18+s29], $0x80, s8, s29, $0xb8;
	[tilespmem:$0x1E880] =	vst v63  }
0xcf: {  	_ =	swait.ge [sflag:s1], $0x3E80  }
0xd0: {  	[sflag:s1] =	ssyncset.done $0x0  }
0xd1: {  	s9 =	sadd.s32 $0x1E80, s5;
	[sflag:s1] =	ssyncadd.s32 $0xFFFFC180  }
0xd2: {  	[spmem:s2] =	stream.indirect.scatter.add.f32 [tilespmem:s30], [sflag:$0x4], $0x80, s9, s29, $0xb8;
	[tilespmem:$0x1E880] =	vst v63  }
0xd3: {  	_ =	swait.ge [sflag:s21], $0x3E80  }
0xd4: {  	[sflag:s21] =	ssyncset.done $0x0  }
0xd5: {  	s8 =	sadd.s32 $0x780, s5;
	[sflag:s21] =	ssyncadd.s32 $0xFFFFC180  }
0xd6: {  	[tilespmem:s30], [sflag:$0x2] =	stream.indirect.gather [hbm4b:s18+s29], $0x80, s8, s29, $0xb8;
	[tilespmem:$0x1E880] =	vst v63  }
0xd7: {  	_ =	swait.ge [sflag:s31], $0x3E80  }
0xd8: {  	[sflag:s31] =	ssyncset.done $0x0  }
0xd9: {  	s9 =	sadd.s32 $0x1F00, s5;
	[sflag:s31] =	ssyncadd.s32 $0xFFFFC180  }
0xda: {  	[spmem:s2] =	stream.indirect.scatter.add.f32 [tilespmem:s20], [sflag:$0x4], $0x80, s9, s29, $0xb8;
	[tilespmem:$0x1E880] =	vst v63  }
0xdb: {  	_ =	swait.ge [sflag:s21], $0x3E80  }
0xdc: {  	[sflag:s21] =	ssyncset.done $0x0  }
0xdd: {  	s8 =	sadd.s32 $0x800, s5;
	[sflag:s21] =	ssyncadd.s32 $0xFFFFC180  }
0xde: {  	[tilespmem:s20], [sflag:$0x1] =	stream.indirect.gather [hbm4b:s18+s29], $0x80, s8, s29, $0xb8;
	[tilespmem:$0x1E880] =	vst v63  }
0xdf: {  	_ =	swait.ge [sflag:s1], $0x3E80  }
0xe0: {  	[sflag:s1] =	ssyncset.done $0x0  }
0xe1: {  	s9 =	sadd.s32 $0x1F80, s5;
	[sflag:s1] =	ssyncadd.s32 $0xFFFFC180  }
0xe2: {  	[spmem:s2] =	stream.indirect.scatter.add.f32 [tilespmem:s30], [sflag:$0x4], $0x80, s9, s29, $0xb8;
	[tilespmem:$0x1E880] =	vst v63  }
0xe3: {  	_ =	swait.ge [sflag:s21], $0x3E80  }
0xe4: {  	[sflag:s21] =	ssyncset.done $0x0  }
0xe5: {  	s8 =	sadd.s32 $0x880, s5;
	[sflag:s21] =	ssyncadd.s32 $0xFFFFC180  }
0xe6: {  	[tilespmem:s30], [sflag:$0x2] =	stream.indirect.gather [hbm4b:s18+s29], $0x80, s8, s29, $0xb8;
	[tilespmem:$0x1E880] =	vst v63  }
0xe7: {  	_ =	swait.ge [sflag:s31], $0x3E80  }
0xe8: {  	[sflag:s31] =	ssyncset.done $0x0  }
0xe9: {  	s9 =	sor.u32 $0x2000, s5;
	[sflag:s31] =	ssyncadd.s32 $0xFFFFC180  }
0xea: {  	[spmem:s2] =	stream.indirect.scatter.add.f32 [tilespmem:s20], [sflag:$0x4], $0x80, s9, s29, $0xb8;
	[tilespmem:$0x1E880] =	vst v63  }
0xeb: {  	_ =	swait.ge [sflag:s21], $0x3E80  }
0xec: {  	[sflag:s21] =	ssyncset.done $0x0  }
0xed: {  	s8 =	sadd.s32 $0x900, s5;
	[sflag:s21] =	ssyncadd.s32 $0xFFFFC180  }
0xee: {  	[tilespmem:s20], [sflag:$0x1] =	stream.indirect.gather [hbm4b:s18+s29], $0x80, s8, s29, $0xb8;
	[tilespmem:$0x1E880] =	vst v63  }
0xef: {  	_ =	swait.ge [sflag:s1], $0x3E80  }
0xf0: {  	[sflag:s1] =	ssyncset.done $0x0  }
0xf1: {  	s9 =	sadd.s32 $0x2080, s5;
	[sflag:s1] =	ssyncadd.s32 $0xFFFFC180  }
0xf2: {  	[spmem:s2] =	stream.indirect.scatter.add.f32 [tilespmem:s30], [sflag:$0x4], $0x80, s9, s29, $0xb8;
	[tilespmem:$0x1E880] =	vst v63  }
0xf3: {  	_ =	swait.ge [sflag:s21], $0x3E80  }
0xf4: {  	[sflag:s21] =	ssyncset.done $0x0  }
0xf5: {  	s8 =	sadd.s32 $0x980, s5;
	[sflag:s21] =	ssyncadd.s32 $0xFFFFC180  }
0xf6: {  	[tilespmem:s30], [sflag:$0x2] =	stream.indirect.gather [hbm4b:s18+s29], $0x80, s8, s29, $0xb8;
	[tilespmem:$0x1E880] =	vst v63  }
0xf7: {  	_ =	swait.ge [sflag:s31], $0x3E80  }
0xf8: {  	[sflag:s31] =	ssyncset.done $0x0  }
0xf9: {  	s9 =	sadd.s32 $0x2100, s5;
	[sflag:s31] =	ssyncadd.s32 $0xFFFFC180  }
0xfa: {  	[spmem:s2] =	stream.indirect.scatter.add.f32 [tilespmem:s20], [sflag:$0x4], $0x80, s9, s29, $0xb8;
	[tilespmem:$0x1E880] =	vst v63  }
0xfb: {  	_ =	swait.ge [sflag:s21], $0x3E80  }
0xfc: {  	[sflag:s21] =	ssyncset.done $0x0  }
0xfd: {  	[sflag:s21] =	ssyncadd.s32 $0xFFFFC180  }
0xfe: {  	_ =	swait.ge [sflag:s1], $0x3E80  }
0xff: {  	[sflag:s1] =	ssyncset.done $0x0  }
0x100: {  	s5 =	sadd.s32 $0x2180, s5;
	[sflag:s1] =	ssyncadd.s32 $0xFFFFC180  }
0x101: {  	[spmem:s2] =	stream.indirect.scatter.add.f32 [tilespmem:s30], [sflag:$0x4], $0x80, s5, s29, $0xb8;
	[tilespmem:$0x1E880] =	vst v63  }
0x102: {  	_ =	swait.ge [sflag:s21], $0x3E80  }
0x103: {  	s6 =	sadd.s32 $0x180, s6;
	s5 =	simm.s32 $0x1;
	[sflag:s21] =	ssyncset.done $0x0  }
.LBB2_4:
0x104: {  	[sflag:s21] =	ssyncadd.s32 $0xFFFFC180  }
0x105: {  	s26 =	sadd.s32 $0x180, s26;
	s7 =	smov.u32 s5;
	s5 =	sadd.s32 $0x1, s5  }
0x106: {  	_ =	swait.ge [sflag:s28], $0xA00;
	p6 =	sne.s32 s5, $0x8  }
0x107: {  	[sflag:s28] =	ssyncset.done $0x0  }
0x108: {  	[sflag:s28] =	ssyncadd.s32 $0xFFFFF600  }
0x109: {  	s8 =	sand.u32 $0x1, s7;
	p0 =	seq.s32 s7, $0x7;
	_ =	swait.ge [sflag:s28], $0xA00  }
0x10a: {  	s7 =	smul.u32 $0xC00, s8;
	s8 =	sxor.u32 @!p0 $0x1, s8;
	[sflag:s28] =	ssyncset.done $0x0  }
0x10b: {  	s8 =	smul.u32 @!p0 $0xC00, s8;
	[sflag:s28] =	ssyncadd.s32 $0xFFFFF600  }
0x10c: {  	[tilespmem:s20], [sflag:$0x1] =	stream.indirect.gather [hbm4b:s18+s29], $0x80, s7, s29, $0xb8;
	[tilespmem:$0x1E880] =	vst v63  }
0x10d: {  	s9 =	simm.s32 @!p0 $0x0  }
0x10e: {  	[tilespmem:s8], [sflag:$0x3] =	stream.linear.gather @!p0 [hbm4b:s26+s9], $0xA00, $0x38;
	[tilespmem:$0x1E880] =	vst v63  }
0x10f: {  	s8 =	sadd.s32 @!p0 $0x1800, s8  }
0x110: {  	[tilespmem:s8], [sflag:$0x3] =	stream.linear.gather @!p0 [hbm4b:s6+s9], $0xA00, $0x38;
	[tilespmem:$0x1E880] =	vst v63  }
0x111: {  	s8 =	sadd.s32 $0x80, s7  }
0x112: {  	[tilespmem:s30], [sflag:$0x2] =	stream.indirect.gather [hbm4b:s18+s29], $0x80, s8, s29, $0xb8;
	[tilespmem:$0x1E880] =	vst v63  }
0x113: {  	_ =	swait.ge [sflag:s31], $0x3E80  }
0x114: {  	[sflag:s31] =	ssyncset.done $0x0  }
0x115: {  	s8 =	sadd.s32 $0x1800, s7;
	[sflag:s31] =	ssyncadd.s32 $0xFFFFC180  }
0x116: {  	[spmem:s2] =	stream.indirect.scatter.add.f32 [tilespmem:s20], [sflag:$0x4], $0x80, s8, s29, $0xb8;
	[tilespmem:$0x1E880] =	vst v63  }
0x117: {  	_ =	swait.ge [sflag:s21], $0x3E80  }
0x118: {  	[sflag:s21] =	ssyncset.done $0x0  }
0x119: {  	s8 =	sadd.s32 $0x100, s7;
	[sflag:s21] =	ssyncadd.s32 $0xFFFFC180  }
0x11a: {  	[tilespmem:s20], [sflag:$0x1] =	stream.indirect.gather [hbm4b:s18+s29], $0x80, s8, s29, $0xb8;
	[tilespmem:$0x1E880] =	vst v63  }
0x11b: {  	_ =	swait.ge [sflag:s1], $0x3E80  }
0x11c: {  	[sflag:s1] =	ssyncset.done $0x0  }
0x11d: {  	s8 =	sadd.s32 $0x1880, s7;
	[sflag:s1] =	ssyncadd.s32 $0xFFFFC180  }
0x11e: {  	[spmem:s2] =	stream.indirect.scatter.add.f32 [tilespmem:s30], [sflag:$0x4], $0x80, s8, s29, $0xb8;
	[tilespmem:$0x1E880] =	vst v63  }
0x11f: {  	_ =	swait.ge [sflag:s21], $0x3E80  }
0x120: {  	[sflag:s21] =	ssyncset.done $0x0  }
0x121: {  	s8 =	sadd.s32 $0x180, s7;
	[sflag:s21] =	ssyncadd.s32 $0xFFFFC180  }
0x122: {  	[tilespmem:s30], [sflag:$0x2] =	stream.indirect.gather [hbm4b:s18+s29], $0x80, s8, s29, $0xb8;
	[tilespmem:$0x1E880] =	vst v63  }
0x123: {  	_ =	swait.ge [sflag:s31], $0x3E80  }
0x124: {  	[sflag:s31] =	ssyncset.done $0x0  }
0x125: {  	s8 =	sadd.s32 $0x1900, s7;
	[sflag:s31] =	ssyncadd.s32 $0xFFFFC180  }
0x126: {  	[spmem:s2] =	stream.indirect.scatter.add.f32 [tilespmem:s20], [sflag:$0x4], $0x80, s8, s29, $0xb8;
	[tilespmem:$0x1E880] =	vst v63  }
0x127: {  	_ =	swait.ge [sflag:s21], $0x3E80  }
0x128: {  	[sflag:s21] =	ssyncset.done $0x0  }
0x129: {  	s8 =	sadd.s32 $0x200, s7;
	[sflag:s21] =	ssyncadd.s32 $0xFFFFC180  }
0x12a: {  	[tilespmem:s20], [sflag:$0x1] =	stream.indirect.gather [hbm4b:s18+s29], $0x80, s8, s29, $0xb8;
	[tilespmem:$0x1E880] =	vst v63  }
0x12b: {  	_ =	swait.ge [sflag:s1], $0x3E80  }
0x12c: {  	[sflag:s1] =	ssyncset.done $0x0  }
0x12d: {  	s8 =	sadd.s32 $0x1980, s7;
	[sflag:s1] =	ssyncadd.s32 $0xFFFFC180  }
0x12e: {  	[spmem:s2] =	stream.indirect.scatter.add.f32 [tilespmem:s30], [sflag:$0x4], $0x80, s8, s29, $0xb8;
	[tilespmem:$0x1E880] =	vst v63  }
0x12f: {  	_ =	swait.ge [sflag:s21], $0x3E80  }
0x130: {  	[sflag:s21] =	ssyncset.done $0x0  }
0x131: {  	s8 =	sadd.s32 $0x280, s7;
	[sflag:s21] =	ssyncadd.s32 $0xFFFFC180  }
0x132: {  	[tilespmem:s30], [sflag:$0x2] =	stream.indirect.gather [hbm4b:s18+s29], $0x80, s8, s29, $0xb8;
	[tilespmem:$0x1E880] =	vst v63  }
0x133: {  	_ =	swait.ge [sflag:s31], $0x3E80  }
0x134: {  	[sflag:s31] =	ssyncset.done $0x0  }
0x135: {  	s8 =	sadd.s32 $0x1A00, s7;
	[sflag:s31] =	ssyncadd.s32 $0xFFFFC180  }
0x136: {  	[spmem:s2] =	stream.indirect.scatter.add.f32 [tilespmem:s20], [sflag:$0x4], $0x80, s8, s29, $0xb8;
	[tilespmem:$0x1E880] =	vst v63  }
0x137: {  	_ =	swait.ge [sflag:s21], $0x3E80  }
0x138: {  	[sflag:s21] =	ssyncset.done $0x0  }
0x139: {  	s8 =	sadd.s32 $0x300, s7;
	[sflag:s21] =	ssyncadd.s32 $0xFFFFC180  }
0x13a: {  	[tilespmem:s20], [sflag:$0x1] =	stream.indirect.gather [hbm4b:s18+s29], $0x80, s8, s29, $0xb8;
	[tilespmem:$0x1E880] =	vst v63  }
0x13b: {  	_ =	swait.ge [sflag:s1], $0x3E80  }
0x13c: {  	[sflag:s1] =	ssyncset.done $0x0  }
0x13d: {  	s8 =	sadd.s32 $0x1A80, s7;
	[sflag:s1] =	ssyncadd.s32 $0xFFFFC180  }
0x13e: {  	[spmem:s2] =	stream.indirect.scatter.add.f32 [tilespmem:s30], [sflag:$0x4], $0x80, s8, s29, $0xb8;
	[tilespmem:$0x1E880] =	vst v63  }
0x13f: {  	_ =	swait.ge [sflag:s21], $0x3E80  }
0x140: {  	[sflag:s21] =	ssyncset.done $0x0  }
0x141: {  	s8 =	sadd.s32 $0x380, s7;
	[sflag:s21] =	ssyncadd.s32 $0xFFFFC180  }
0x142: {  	[tilespmem:s30], [sflag:$0x2] =	stream.indirect.gather [hbm4b:s18+s29], $0x80, s8, s29, $0xb8;
	[tilespmem:$0x1E880] =	vst v63  }
0x143: {  	_ =	swait.ge [sflag:s31], $0x3E80  }
0x144: {  	[sflag:s31] =	ssyncset.done $0x0  }
0x145: {  	s8 =	sadd.s32 $0x1B00, s7;
	[sflag:s31] =	ssyncadd.s32 $0xFFFFC180  }
0x146: {  	[spmem:s2] =	stream.indirect.scatter.add.f32 [tilespmem:s20], [sflag:$0x4], $0x80, s8, s29, $0xb8;
	[tilespmem:$0x1E880] =	vst v63  }
0x147: {  	_ =	swait.ge [sflag:s21], $0x3E80  }
0x148: {  	[sflag:s21] =	ssyncset.done $0x0  }
0x149: {  	s8 =	sadd.s32 $0x400, s7;
	[sflag:s21] =	ssyncadd.s32 $0xFFFFC180  }
0x14a: {  	[tilespmem:s20], [sflag:$0x1] =	stream.indirect.gather [hbm4b:s18+s29], $0x80, s8, s29, $0xb8;
	[tilespmem:$0x1E880] =	vst v63  }
0x14b: {  	_ =	swait.ge [sflag:s1], $0x3E80  }
0x14c: {  	[sflag:s1] =	ssyncset.done $0x0  }
0x14d: {  	s8 =	sadd.s32 $0x1B80, s7;
	[sflag:s1] =	ssyncadd.s32 $0xFFFFC180  }
0x14e: {  	[spmem:s2] =	stream.indirect.scatter.add.f32 [tilespmem:s30], [sflag:$0x4], $0x80, s8, s29, $0xb8;
	[tilespmem:$0x1E880] =	vst v63  }
0x14f: {  	_ =	swait.ge [sflag:s21], $0x3E80  }
0x150: {  	[sflag:s21] =	ssyncset.done $0x0  }
0x151: {  	s8 =	sadd.s32 $0x480, s7;
	[sflag:s21] =	ssyncadd.s32 $0xFFFFC180  }
0x152: {  	[tilespmem:s30], [sflag:$0x2] =	stream.indirect.gather [hbm4b:s18+s29], $0x80, s8, s29, $0xb8;
	[tilespmem:$0x1E880] =	vst v63  }
0x153: {  	_ =	swait.ge [sflag:s31], $0x3E80  }
0x154: {  	[sflag:s31] =	ssyncset.done $0x0  }
0x155: {  	s8 =	sadd.s32 $0x1C00, s7;
	[sflag:s31] =	ssyncadd.s32 $0xFFFFC180  }
0x156: {  	[spmem:s2] =	stream.indirect.scatter.add.f32 [tilespmem:s20], [sflag:$0x4], $0x80, s8, s29, $0xb8;
	[tilespmem:$0x1E880] =	vst v63  }
0x157: {  	_ =	swait.ge [sflag:s21], $0x3E80  }
0x158: {  	[sflag:s21] =	ssyncset.done $0x0  }
0x159: {  	s8 =	sadd.s32 $0x500, s7;
	[sflag:s21] =	ssyncadd.s32 $0xFFFFC180  }
0x15a: {  	[tilespmem:s20], [sflag:$0x1] =	stream.indirect.gather [hbm4b:s18+s29], $0x80, s8, s29, $0xb8;
	[tilespmem:$0x1E880] =	vst v63  }
0x15b: {  	_ =	swait.ge [sflag:s1], $0x3E80  }
0x15c: {  	[sflag:s1] =	ssyncset.done $0x0  }
0x15d: {  	s8 =	sadd.s32 $0x1C80, s7;
	[sflag:s1] =	ssyncadd.s32 $0xFFFFC180  }
0x15e: {  	[spmem:s2] =	stream.indirect.scatter.add.f32 [tilespmem:s30], [sflag:$0x4], $0x80, s8, s29, $0xb8;
	[tilespmem:$0x1E880] =	vst v63  }
0x15f: {  	_ =	swait.ge [sflag:s21], $0x3E80  }
0x160: {  	[sflag:s21] =	ssyncset.done $0x0  }
0x161: {  	s8 =	sadd.s32 $0x580, s7;
	[sflag:s21] =	ssyncadd.s32 $0xFFFFC180  }
0x162: {  	[tilespmem:s30], [sflag:$0x2] =	stream.indirect.gather [hbm4b:s18+s29], $0x80, s8, s29, $0xb8;
	[tilespmem:$0x1E880] =	vst v63  }
0x163: {  	_ =	swait.ge [sflag:s31], $0x3E80  }
0x164: {  	[sflag:s31] =	ssyncset.done $0x0  }
0x165: {  	s8 =	sadd.s32 $0x1D00, s7;
	[sflag:s31] =	ssyncadd.s32 $0xFFFFC180  }
0x166: {  	[spmem:s2] =	stream.indirect.scatter.add.f32 [tilespmem:s20], [sflag:$0x4], $0x80, s8, s29, $0xb8;
	[tilespmem:$0x1E880] =	vst v63  }
0x167: {  	_ =	swait.ge [sflag:s21], $0x3E80  }
0x168: {  	[sflag:s21] =	ssyncset.done $0x0  }
0x169: {  	s8 =	sadd.s32 $0x600, s7;
	[sflag:s21] =	ssyncadd.s32 $0xFFFFC180  }
0x16a: {  	[tilespmem:s20], [sflag:$0x1] =	stream.indirect.gather [hbm4b:s18+s29], $0x80, s8, s29, $0xb8;
	[tilespmem:$0x1E880] =	vst v63  }
0x16b: {  	_ =	swait.ge [sflag:s1], $0x3E80  }
0x16c: {  	[sflag:s1] =	ssyncset.done $0x0  }
0x16d: {  	s8 =	sadd.s32 $0x1D80, s7;
	[sflag:s1] =	ssyncadd.s32 $0xFFFFC180  }
0x16e: {  	[spmem:s2] =	stream.indirect.scatter.add.f32 [tilespmem:s30], [sflag:$0x4], $0x80, s8, s29, $0xb8;
	[tilespmem:$0x1E880] =	vst v63  }
0x16f: {  	_ =	swait.ge [sflag:s21], $0x3E80  }
0x170: {  	[sflag:s21] =	ssyncset.done $0x0  }
0x171: {  	s8 =	sadd.s32 $0x680, s7;
	[sflag:s21] =	ssyncadd.s32 $0xFFFFC180  }
0x172: {  	[tilespmem:s30], [sflag:$0x2] =	stream.indirect.gather [hbm4b:s18+s29], $0x80, s8, s29, $0xb8;
	[tilespmem:$0x1E880] =	vst v63  }
0x173: {  	_ =	swait.ge [sflag:s31], $0x3E80  }
0x174: {  	[sflag:s31] =	ssyncset.done $0x0  }
0x175: {  	s8 =	sadd.s32 $0x1E00, s7;
	[sflag:s31] =	ssyncadd.s32 $0xFFFFC180  }
0x176: {  	[spmem:s2] =	stream.indirect.scatter.add.f32 [tilespmem:s20], [sflag:$0x4], $0x80, s8, s29, $0xb8;
	[tilespmem:$0x1E880] =	vst v63  }
0x177: {  	_ =	swait.ge [sflag:s21], $0x3E80  }
0x178: {  	[sflag:s21] =	ssyncset.done $0x0  }
0x179: {  	s8 =	sadd.s32 $0x700, s7;
	[sflag:s21] =	ssyncadd.s32 $0xFFFFC180  }
0x17a: {  	[tilespmem:s20], [sflag:$0x1] =	stream.indirect.gather [hbm4b:s18+s29], $0x80, s8, s29, $0xb8;
	[tilespmem:$0x1E880] =	vst v63  }
0x17b: {  	_ =	swait.ge [sflag:s1], $0x3E80  }
0x17c: {  	[sflag:s1] =	ssyncset.done $0x0  }
0x17d: {  	s8 =	sadd.s32 $0x1E80, s7;
	[sflag:s1] =	ssyncadd.s32 $0xFFFFC180  }
0x17e: {  	[spmem:s2] =	stream.indirect.scatter.add.f32 [tilespmem:s30], [sflag:$0x4], $0x80, s8, s29, $0xb8;
	[tilespmem:$0x1E880] =	vst v63  }
0x17f: {  	_ =	swait.ge [sflag:s21], $0x3E80  }
0x180: {  	[sflag:s21] =	ssyncset.done $0x0  }
0x181: {  	s8 =	sadd.s32 $0x780, s7;
	[sflag:s21] =	ssyncadd.s32 $0xFFFFC180  }
0x182: {  	[tilespmem:s30], [sflag:$0x2] =	stream.indirect.gather [hbm4b:s18+s29], $0x80, s8, s29, $0xb8;
	[tilespmem:$0x1E880] =	vst v63  }
0x183: {  	_ =	swait.ge [sflag:s31], $0x3E80  }
0x184: {  	[sflag:s31] =	ssyncset.done $0x0  }
0x185: {  	s8 =	sadd.s32 $0x1F00, s7;
	[sflag:s31] =	ssyncadd.s32 $0xFFFFC180  }
0x186: {  	[spmem:s2] =	stream.indirect.scatter.add.f32 [tilespmem:s20], [sflag:$0x4], $0x80, s8, s29, $0xb8;
	[tilespmem:$0x1E880] =	vst v63  }
0x187: {  	_ =	swait.ge [sflag:s21], $0x3E80  }
0x188: {  	[sflag:s21] =	ssyncset.done $0x0  }
0x189: {  	s8 =	sadd.s32 $0x800, s7;
	[sflag:s21] =	ssyncadd.s32 $0xFFFFC180  }
0x18a: {  	[tilespmem:s20], [sflag:$0x1] =	stream.indirect.gather [hbm4b:s18+s29], $0x80, s8, s29, $0xb8;
	[tilespmem:$0x1E880] =	vst v63  }
0x18b: {  	_ =	swait.ge [sflag:s1], $0x3E80  }
0x18c: {  	[sflag:s1] =	ssyncset.done $0x0  }
0x18d: {  	s8 =	sadd.s32 $0x1F80, s7;
	[sflag:s1] =	ssyncadd.s32 $0xFFFFC180  }
0x18e: {  	[spmem:s2] =	stream.indirect.scatter.add.f32 [tilespmem:s30], [sflag:$0x4], $0x80, s8, s29, $0xb8;
	[tilespmem:$0x1E880] =	vst v63  }
0x18f: {  	_ =	swait.ge [sflag:s21], $0x3E80  }
0x190: {  	[sflag:s21] =	ssyncset.done $0x0  }
0x191: {  	s8 =	sadd.s32 $0x880, s7;
	[sflag:s21] =	ssyncadd.s32 $0xFFFFC180  }
0x192: {  	[tilespmem:s30], [sflag:$0x2] =	stream.indirect.gather [hbm4b:s18+s29], $0x80, s8, s29, $0xb8;
	[tilespmem:$0x1E880] =	vst v63  }
0x193: {  	_ =	swait.ge [sflag:s31], $0x3E80  }
0x194: {  	[sflag:s31] =	ssyncset.done $0x0  }
0x195: {  	s8 =	sor.u32 $0x2000, s7;
	[sflag:s31] =	ssyncadd.s32 $0xFFFFC180  }
0x196: {  	[spmem:s2] =	stream.indirect.scatter.add.f32 [tilespmem:s20], [sflag:$0x4], $0x80, s8, s29, $0xb8;
	[tilespmem:$0x1E880] =	vst v63  }
0x197: {  	_ =	swait.ge [sflag:s21], $0x3E80  }
0x198: {  	[sflag:s21] =	ssyncset.done $0x0  }
0x199: {  	s8 =	sadd.s32 $0x900, s7;
	[sflag:s21] =	ssyncadd.s32 $0xFFFFC180  }
0x19a: {  	[tilespmem:s20], [sflag:$0x1] =	stream.indirect.gather [hbm4b:s18+s29], $0x80, s8, s29, $0xb8;
	[tilespmem:$0x1E880] =	vst v63  }
0x19b: {  	_ =	swait.ge [sflag:s1], $0x3E80  }
0x19c: {  	[sflag:s1] =	ssyncset.done $0x0  }
0x19d: {  	s8 =	sadd.s32 $0x2080, s7;
	[sflag:s1] =	ssyncadd.s32 $0xFFFFC180  }
0x19e: {  	[spmem:s2] =	stream.indirect.scatter.add.f32 [tilespmem:s30], [sflag:$0x4], $0x80, s8, s29, $0xb8;
	[tilespmem:$0x1E880] =	vst v63  }
0x19f: {  	_ =	swait.ge [sflag:s21], $0x3E80  }
0x1a0: {  	[sflag:s21] =	ssyncset.done $0x0  }
0x1a1: {  	s8 =	sadd.s32 $0x980, s7;
	[sflag:s21] =	ssyncadd.s32 $0xFFFFC180  }
0x1a2: {  	[tilespmem:s30], [sflag:$0x2] =	stream.indirect.gather [hbm4b:s18+s29], $0x80, s8, s29, $0xb8;
	[tilespmem:$0x1E880] =	vst v63  }
0x1a3: {  	_ =	swait.ge [sflag:s31], $0x3E80  }
0x1a4: {  	[sflag:s31] =	ssyncset.done $0x0  }
0x1a5: {  	s8 =	sadd.s32 $0x2100, s7;
	[sflag:s31] =	ssyncadd.s32 $0xFFFFC180  }
0x1a6: {  	[spmem:s2] =	stream.indirect.scatter.add.f32 [tilespmem:s20], [sflag:$0x4], $0x80, s8, s29, $0xb8;
	[tilespmem:$0x1E880] =	vst v63  }
0x1a7: {  	_ =	swait.ge [sflag:s21], $0x3E80  }
0x1a8: {  	[sflag:s21] =	ssyncset.done $0x0  }
0x1a9: {  	[sflag:s21] =	ssyncadd.s32 $0xFFFFC180  }
0x1aa: {  	_ =	swait.ge [sflag:s1], $0x3E80  }
.Ltmp1:
0x1ab: {  	[sflag:s1] =	ssyncset.done $0x0;
	(pc) =	sbr.rel @p6 .LBB2_4-.Ltmp1, $4  }
0x1ac: {  	s7 =	sadd.s32 $0x2180, s7;
	[sflag:s1] =	ssyncadd.s32 $0xFFFFC180  }
0x1ad: {  	[spmem:s2] =	stream.indirect.scatter.add.f32 [tilespmem:s30], [sflag:$0x4], $0x80, s7, s29, $0xb8;
	[tilespmem:$0x1E880] =	vst v63  }
0x1ae: {  	_ =	swait.ge [sflag:s21], $0x3E80  }
0x1af: {  	s6 =	sadd.s32 $0x180, s6;
	[sflag:s21] =	ssyncset.done $0x0  }
0x1b0: {  	[sflag:s21] =	ssyncadd.s32 $0xFFFFC180;
	s5 =	sshll.u32 @!p4 s0, $0x6  }
0x1b1: {  	s6 =	simm.s32 @!p4 $0x4;
	[bflag:$0x0] =	sbarrier.arrive $0xFFFF;
	s5 =	sor.u32 @!p4 $0x1C04, s5  }
0x1b2: {  	[hbm:s12], [sflag:s5] =	dma.local @!p4 [spmem:s22], $0xC80  }
0x1b3: {  	_ =	swait.ge @!p4 [sflag:s6], $0xC80  }
0x1b4: {  	[sflag:s6] =	ssyncset.done @!p4 $0x0  }
0x1b5: {  	[sflag:s6] =	ssyncadd.s32 @!p4 $0xFFFFF380  }
0x1b6: {  	[hbm:s13], [sflag:s5] =	dma.local @!p4 [spmem:s23], $0xC80  }
0x1b7: {  	_ =	swait.ge @!p4 [sflag:s6], $0xC80  }
0x1b8: {  	s5 =	sshll.u32 @!p3 s0, $0x6;
	[sflag:s6] =	ssyncset.done @!p4 $0x0  }
0x1b9: {  	s5 =	sor.u32 @!p3 $0x1C04, s5;
	[sflag:s6] =	ssyncadd.s32 @!p4 $0xFFFFF380  }
0x1ba: {  	[hbm:s14], [sflag:s5] =	dma.local @!p3 [spmem:s24], $0xC80  }
0x1bb: {  	s5 =	simm.s32 @!p3 $0x4  }
0x1bc: {  	_ =	swait.ge @!p3 [sflag:s5], $0xC80  }
0x1bd: {  	s3 =	sadd.s32 $0x1, s3;
	s6 =	sshll.u32 @!p5 s0, $0x6;
	[sflag:s5] =	ssyncset.done @!p3 $0x0  }
0x1be: {  	p0 =	sne.s32 s3, s19;
	[sflag:s5] =	ssyncadd.s32 @!p3 $0xFFFFF380;
	s5 =	sor.u32 @!p5 $0x1C04, s6  }
0x1bf: {  	[hbm:s15], [sflag:s5] =	dma.local @!p5 [spmem:s25], $0xC80  }
.Ltmp2:
0x1c0: {  	_ = 	snop;
	(pc) =	sbr.rel @p0 .LBB2_1-.Ltmp2, $4  }
0x1c1: {  	s5 =	simm.s32 @!p5 $0x4  }
0x1c2: {  	_ =	swait.ge @!p5 [sflag:s5], $0xC80  }
0x1c3: {  	[sflag:s5] =	ssyncset.done @!p5 $0x0  }
0x1c4: {  	[sflag:s5] =	ssyncadd.s32 @!p5 $0xFFFFF380  }
0x1c5: {  	_ =	sfence.sel $0x180000  }
0x1c6: {  	[bflag:$0x0] =	sbarrier.arrive $0xFFFF  }
0x1c7: {  	_ =	strace $0x9000004A  }
0x1c8: {  	[bflag:$0x2] =	sbarrier.arrive $0xFFFF  }
0x1c9: {  	p0 =	sne.s32 s0, $0x0;
	s0 =	rddreg [dreg:$0x2]  }
0x1ca: {  	s0 =	sadd.s32 @!p0 $0x100000, s0  }
0x1cb: {  	[sflag:s0] =	ssyncadd.tile.s32 @!p0 $0x1;
	_ =	shalt  }
.Lfunc_end2:
_tile_overlayer_lowered:
.L_overlay_start_2:
0x1cc: {  	(tag) =	ssettag $0x2  }
0x1cd: {  	s0 =	rddreg [dreg:$0x0];
	s2 =	stileid.u32  }
0x1ce: {  	s1 =	rddreg [dreg:$0x1];
	p0 =	sne.s32 s2, $0x0  }
0x1cf: {  	s3 =	rddreg [dreg:$0x2];
	[bflag:$0x3] =	sbarrier.arrive $0xFFFF;
	s2 =	simm.s32 @!p0 $0x1C04  }
0x1d0: {  	[timem:s3], [sflag:s2] =	dma.local @!p0 [hbm:s0], s1  }
0x1d1: {  	s0 =	simm.s32 @!p0 $0x4  }
0x1d2: {  	_ =	swait.ge @!p0 [sflag:s0], s1  }
0x1d3: {  	s1 =	ssub.s32 @!p0 $0x0, s1;
	[sflag:s0] =	ssyncset.done @!p0 $0x0  }
0x1d4: {  	[sflag:s0] =	ssyncadd.s32 @!p0 s1  }
0x1d5: {  	[bflag:$0x3] =	sbarrier.arrive $0xFFFF  }
0x1d6: {  	_ =	shalt  }

// kernel: kernel.14.cloned.1.call-start
scs
__scs_entry_jumppad:
0x0: {  	(pc) =	sbr.rel $0x88, $3  }
0x1: {  	(tag) =	ssettag $0x0;
	lr =	simm.s32 $0x1  }
0x2: {  	[smem:$0x3F7D] =	sst lr;
	_ =	strace $0xD0000000  }
0x3: {  	_ = 	snop  }
0x4: {  	_ = 	snop  }
0x5: {  	_ = 	snop  }
0x6: {  	_ = 	snop  }
0x7: {  	_ = 	snop  }
__scs_overlays_trampoline_lowered:
0x8: {  	[smem:$0x3F8C] =	sst s0  }
0x9: {  	[smem:$0x3F8D] =	sst s1  }
0xa: {  	[smem:$0x3F8E] =	sst s2  }
0xb: {  	[smem:$0x3F8F] =	sst s3  }
0xc: {  	[smem:$0x3F90] =	sst s4  }
0xd: {  	[smem:$0x3F91] =	sst s5  }
0xe: {  	[smem:$0x3F92] =	sst s6  }
0xf: {  	[smem:$0x3F93] =	sst s7  }
0x10: {  	[smem:$0x3F94] =	sst s8  }
0x11: {  	[smem:$0x3F95] =	sst s9;
	s0 =	simm.s32 @!p0 $0x0  }
0x12: {  	s1 =	sld [smem:$0x3F7B];
	s0 =	simm.s32 @p0 $0x1  }
0x13: {  	[smem:$0x3F96] =	sst s0;
	s0 =	simm.s32 @!p1 $0x0  }
0x14: {  	s2 =	sld [smem:$0x3F7A];
	s0 =	simm.s32 @p1 $0x1  }
0x15: {  	[smem:$0x3F97] =	sst s0;
	s0 =	simm.s32 @!p2 $0x0  }
0x16: {  	s3 =	sld [smem:$0x3FDB];
	s0 =	simm.s32 @p2 $0x1  }
0x17: {  	s4 =	simm.s32 $0x1BF5;
	[smem:$0x3F99] =	sst s0  }
0x18: {  	s0 =	sld [smem:$0x3F7C];
	_ =	swait.ge [sflag:s4], $0x0  }
0x19: {  	s7 =	sld [smem:$0x3F7D]  }
0x1a: {  	s8 =	sadd.s32 $0xFFFFE003, lr  }
0x1b: {  	s9 =	sadd.s32 $0xFFFFFEF7, lr;
	s5 =	simm.s32 $0xFFFFFFFF;
	p2 =	slt.u32 s8, $0xFFFFF086  }
0x1c: {  	p1 =	slt.u32 s9, $0xF7A;
	s5 =	simm.s32 @!p2 $0x0  }
0x1d: {  	s5 =	simm.s32 @p1 $0x1;
	p0 =	seq.s32 s7, s2  }
0x1e: {  	s7 =	smul.u32 @!p0 $0xF7A, s2;
	p2 =	seq.s32 @!p0 s5, $0x0  }
0x1f: {  	s9 =	smul.u32 $0xF7A, s1;
	s8 =	simm.s32 @!p0 $0x1BF5;
	p2 =	por !p2, p0  }
0x20: {  	[sflag:s8] =	ssyncset.s32 @!p0 $0xFFFFF086;
	s6 =	sadd.s32 @!p0 s3, s7;
	s7 =	simm.s32 @!p0 $0x108  }
0x21: {  	s3 =	sadd.s32 s3, s9;
	s6 =	sadd.s32 @!p0 $0x88, s6;
	s7 =	simm.s32 @p2 $0x1082  }
0x22: {  	[simem:s7], [sflag:s8] =	dma.local @!p0 [hbm:s6], $0xF7A  }
0x23: {  	s9 =	sor.u32 $0xD0000000, s2;
	s6 =	simm.s32 $0x108;
	_ =	swait.ge @!p0 [sflag:s8], $0x0  }
0x24: {  	s3 =	sadd.s32 $0x88, s3;
	s6 =	simm.s32 @!p1 $0x1082;
	[sflag:s4] =	ssyncset.s32 $0xFFFFF086  }
0x25: {  	[simem:s6], [sflag:s4] =	dma.local [hbm:s3], $0xF7A  }
0x26: {  	[smem:$0x3F7D] =	sst s1;
	(tag) =	ssettag s2;
	_ =	strace s9  }
0x27: {  	s1 =	sld [smem:$0x3F8D]  }
0x28: {  	s2 =	sld [smem:$0x3F8E]  }
0x29: {  	s4 =	sld [smem:$0x3F90]  }
0x2a: {  	p0 =	seq.s32 s5, $0x0;
	s5 =	sld [smem:$0x3F91]  }
0x2b: {  	s6 =	sld [smem:$0x3F92]  }
0x2c: {  	s7 =	sld [smem:$0x3F93]  }
0x2d: {  	s3 =	simm.s32 $0x108;
	s8 =	sld [smem:$0x3F94]  }
0x2e: {  	s3 =	simm.s32 @!p0 $0x1082;
	s9 =	sld [smem:$0x3F95]  }
0x2f: {  	lr =	sadd.s32 s0, s3;
	s0 =	sld [smem:$0x3F8C]  }
0x30: {  	s3 =	sld [smem:$0x3F8F]  }
0x31: {  	[smem:$0x3F98] =	sst s10  }
0x32: {  	s10 =	sld [smem:$0x3F96];
	_ =	sdelay $0x3  }
0x33: {  	p0 =	seq.s32 s10, $0x1;
	s10 =	sld [smem:$0x3F98];
	_ =	sdelay $0x3  }
0x34: {  	[smem:$0x3F98] =	sst s10  }
0x35: {  	s10 =	sld [smem:$0x3F97];
	_ =	sdelay $0x3  }
0x36: {  	p1 =	seq.s32 s10, $0x1;
	s10 =	sld [smem:$0x3F98];
	_ =	sdelay $0x3  }
0x37: {  	[smem:$0x3F98] =	sst s10  }
0x38: {  	s10 =	sld [smem:$0x3F99]  }
0x39: {  	_ = 	snop;
	(pc) =	sbr.ind lr, $3  }
0x3a: {  	_ = 	snop  }
0x3b: {  	_ = 	snop  }
0x3c: {  	p2 =	seq.s32 s10, $0x1;
	s10 =	sld [smem:$0x3F98]  }
0x3d: {  	_ =	shalt  }
0x3e: {  	_ =	shalt  }
0x3f: {  	_ =	shalt  }
0x40: {  	_ =	shalt  }
0x41: {  	_ =	shalt  }
0x42: {  	_ =	shalt  }
0x43: {  	_ =	shalt  }
0x44: {  	_ =	shalt  }
0x45: {  	_ =	shalt  }
0x46: {  	_ =	shalt  }
0x47: {  	_ =	shalt  }
0x48: {  	_ =	shalt  }
0x49: {  	_ =	shalt  }
0x4a: {  	_ =	shalt  }
0x4b: {  	_ =	shalt  }
0x4c: {  	_ =	shalt  }
0x4d: {  	_ =	shalt  }
0x4e: {  	_ =	shalt  }
0x4f: {  	_ =	shalt  }
0x50: {  	_ =	shalt  }
0x51: {  	_ =	shalt  }
0x52: {  	_ =	shalt  }
0x53: {  	_ =	shalt  }
0x54: {  	_ =	shalt  }
0x55: {  	_ =	shalt  }
0x56: {  	_ =	shalt  }
0x57: {  	_ =	shalt  }
0x58: {  	_ =	shalt  }
0x59: {  	_ =	shalt  }
0x5a: {  	_ =	shalt  }
0x5b: {  	_ =	shalt  }
0x5c: {  	_ =	shalt  }
0x5d: {  	_ =	shalt  }
0x5e: {  	_ =	shalt  }
0x5f: {  	_ =	shalt  }
0x60: {  	_ =	shalt  }
0x61: {  	_ =	shalt  }
0x62: {  	_ =	shalt  }
0x63: {  	_ =	shalt  }
0x64: {  	_ =	shalt  }
0x65: {  	_ =	shalt  }
0x66: {  	_ =	shalt  }
0x67: {  	_ =	shalt  }
0x68: {  	_ =	shalt  }
0x69: {  	_ =	shalt  }
0x6a: {  	_ =	shalt  }
0x6b: {  	_ =	shalt  }
0x6c: {  	_ =	shalt  }
0x6d: {  	_ =	shalt  }
0x6e: {  	_ =	shalt  }
0x6f: {  	_ =	shalt  }
0x70: {  	_ =	shalt  }
0x71: {  	_ =	shalt  }
0x72: {  	_ =	shalt  }
0x73: {  	_ =	shalt  }
0x74: {  	_ =	shalt  }
0x75: {  	_ =	shalt  }
0x76: {  	_ =	shalt  }
0x77: {  	_ =	shalt  }
0x78: {  	_ =	shalt  }
0x79: {  	_ =	shalt  }
0x7a: {  	_ =	shalt  }
0x7b: {  	_ =	shalt  }
0x7c: {  	_ =	shalt  }
0x7d: {  	_ =	shalt  }
0x7e: {  	_ =	shalt  }
0x7f: {  	_ =	shalt  }
0x80: {  	_ =	shalt  }
0x81: {  	_ =	shalt  }
0x82: {  	_ =	shalt  }
0x83: {  	_ =	shalt  }
0x84: {  	_ =	shalt  }
0x85: {  	_ =	shalt  }
0x86: {  	_ =	shalt  }
0x87: {  	_ =	shalt  }
.Lfunc_end0:
.L_simem_size_0:
called_computation.2_lowered:
.L_overlay_start_0:
0x88: {  	s2 =	sld [smem:$0x3FD9]  }
0x89: {  	s3 =	sld [smem:$0x3FFE];
	_ =	sdelay $0x1  }
0x8a: {  	s1 =	srdreg.scid  }
0x8b: {  	s0 =	sand.u32 $0x1, s1  }
0x8c: {  	s16 =	sshll.u32 s0, $0xA;
	s2 =	sadd.s32 s3, s2  }
0x8d: {  	s2 =	sadd.s32 s2, s16  }
0x8e: {  	[smem:$0x3FA4] =	sst s2  }
0x8f: {  	_ = 	snop  }
0x90: {  	(tm) =	ssettm $0x1  }
0x91: {  	s17 =	sld [smem:$0x3FFB];
	_ =	sdelay $0x3  }
0x92: {  	_ =	strace s17  }
0x93: {  	s2 =	sld [smem:$0x3FFC];
	_ =	sdelay $0x3  }
0x94: {  	_ =	strace s2  }
0x95: {  	s2 =	sld [smem:$0x3FFD];
	_ =	sdelay $0x3  }
0x96: {  	_ =	strace s2  }
0x97: {  	_ =	strace $0x8FFFFFFF  }
0x98: {  	s18 =	sld [smem:$0x3FDB];
	_ =	sdelay $0x1  }
0x99: {  	s19 =	simm.s32 $_scs_section_size  }
0x9a: {  	s4 =	simm.s32 $_size__tile_overlayer_lowered;
	s5 =	simm.s32 $_tile_overlayer_lowered  }
0x9b: {  	s22 =	simm.s32 $0x1BFF;
	s21 =	sshll.u32 s5, $0x1;
	s2 =	sadd.s32 s19, s18  }
0x9c: {  	s6 =	simm.s32 $0x0;
	s20 =	sshll.u32 s4, $0x1;
	s4 =	sadd.s32 s21, s2  }
0x9d: {  	[timem:s6], [sflag:s22] =	dma.local [hbm:s4], s20  }
0x9e: {  	_ =	swait.ge [sflag:s22], s20  }
0x9f: {  	s3 =	ssub.s32 $0x0, s20;
	[sflag:s22] =	ssyncset.done $0x0  }
0xa0: {  	[sflag:s22] =	ssyncadd.s32 s3;
	_ =	sdelay $0x1  }
0xa1: {  	s23 =	simm.s32 $0x1B8B  }
0xa2: {  	_ =	swait.ge [sflag:s23], $0x1  }
0xa3: {  	[sflag:s23] =	ssyncset.done $0x0  }
0xa4: {  	s25 =	simm.s32 $0x1B8E;
	s24 =	sld [smem:$0x3FFE];
	[sflag:s23] =	ssyncadd.s32 $0xFFFFFFFF  }
0xa5: {  	s26 =	simm.s32 $execute0_lowered;
	[smem:$0x3FD2] =	sst s25  }
0xa6: {  	s4 =	sshll.u32 s26, $0x1;
	_ =	strace $0x8000004C;
	[dreg:$0x1] =	wrdreg $0xFFFFFFFF  }
0xa7: {  	s28 =	simm.s32 $_size_execute0_lowered;
	s2 =	sadd.s32 s2, s4;
	[dreg:$0x0] =	wrdreg $0x0  }
0xa8: {  	s4 =	sshll.u32 s28, $0x1;
	[dreg:$0x2] =	wrdreg s2  }
0xa9: {  	[dreg:$0x3] =	wrdreg s4  }
0xaa: {  	[dreg:$0x4] =	wrdreg $0xC0  }
0xab: {  	_ =	task [dreg:s6], $0x5FFFF  }
0xac: {  	[dreg:$0x1] =	wrdreg $0xFFFFFFFF  }
0xad: {  	[dreg:$0x0] =	wrdreg $0x60  }
0xae: {  	[dreg:$0x2] =	wrdreg s24  }
0xaf: {  	[dreg:$0x3] =	wrdreg $0xB0000  }
0xb0: {  	[dreg:$0x4] =	wrdreg $0x9  }
0xb1: {  	_ =	task.clear_ibuf [dreg:s6], $0x5FFFF;
	_ =	strace $0x9000004C  }
0xb2: {  	s29 =	simm.s32 $0x9;
	_ =	strace $0x8000004E  }
0xb3: {  	_ =	swait.ge [sflag:s29], $0x1  }
0xb4: {  	[sflag:s29] =	ssyncadd.s32 $0xFFFFFFFF  }
0xb5: {  	_ =	strace $0x9000004E  }
0xb6: {  	_ =	sfence  }
0xb7: {  	s30 =	sld [smem:$0x0];
	_ =	sdelay $0x2  }
0xb8: {  	s31 =	sshll.u32 s1, $0xD;
	s1 =	sshrl.u32 s1, $0x2  }
0xb9: {  	s3 =	sand.u32 $0x4000, s31;
	s1 =	sadd.s32 s1, s30  }
0xba: {  	s0 =	sor.u32 s3, s0;
	s1 =	sshll.u32 s1, $0x11  }
0xbb: {  	s0 =	sor.u32 s1, s0  }
0xbc: {  	s0 =	sadd.s32 $0x8F2B, s0  }
0xbd: {  	[sflag:s0] =	ssyncadd.remote.s32 $0x1  }
0xbe: {  	_ =	sfence.sel $0xFFFF  }
0xbf: {  	[dreg:$0x0] =	wrdreg $0xFFFFFFFF;
	(pc) =	sbr.abs _section_cstart, $3  }
0xc0: {  	[dreg:$0x1] =	wrdreg $0xFFFFFFFF  }
0xc1: {  	_ =	task.clear_ibuf [dreg:s6], $0x2FFFF;
	_ =	strace $0x9FFFFFFF  }
0xc2: {  	(tm) =	ssettm $0x7FFFFFFF  }
0xc3: {  	_ =	shalt  }
tec
execute0_lowered:
.L_overlay_start_1:
0x0: {  	(tag) =	ssettag $0x1  }
0x1: {  	s1 =	rddreg [dreg:$0x0];
	s0 =	stileid.u32  }
0x2: {  	s3 =	srdreg.scid;
	s2 =	rddreg [dreg:$0x1];
	s28 =	simm.s32 $0x3  }
0x3: {  	s29 =	simm.s32 $0x7D;
	s30 =	simm.s32 $0x7000;
	s31 =	simm.s32 $0x1  }
0x4: {  	s4 =	smul.u32 $0xC00, s0;
	s5 =	sand.u32 $0x1, s3;
	s3 =	simm.s32 $0x0  }
0x5: {  	s7 =	smul.u32 $0x50000, s0;
	s9 =	sshll.u32 s0, $0x3;
	s12 =	sshll.u32 s0, $0x2  }
0x6: {  	s13 =	smul.u32 $0x19000, s0;
	p2 =	seq.s32 s0, $0xF;
	p4 =	sgt.u32 s0, $0xC  }
0x7: {  	s6 =	smul.u32 $0x27100, s5;
	[smem:$0x7FF] =	sst s3;
	s8 =	ssub.s32 $0x2, s5  }
0x8: {  	s5 =	smul.u32 $0x138800, s5;
	_ =	strace $0x8000004D;
	s17 =	sadd.s32 s4, s1  }
0x9: {  	s18 =	sshrl.u32 s7, $0x2;
	s19 =	sshrl.u32 s8, $0x1;
	s6 =	sadd.s32 s6, s1  }
0xa: {  	s1 =	sadd.s32 $0x75600, s1;
	s4 =	sadd.s32 s18, s2;
	s7 =	ssub.s32 s8, s19  }
0xb: {  	s19 =	sor.u32 $0x6, s9;
	s18 =	sor.u32 $0x1, s12;
	s25 =	sadd.s32 s13, s5  }
0xc: {  	s16 =	sadd.s32 $0x1B400, s17;
	s17 =	sadd.s32 $0xF400, s17;
	s20 =	sadd.s32 $0x2800, s4  }
0xd: {  	s21 =	sadd.s32 $0x5000, s4;
	s10 =	smul.u32 $0xA000, s19;
	s22 =	sadd.s32 $0x7800, s4  }
0xe: {  	s23 =	sadd.s32 $0xA000, s4;
	s14 =	smul.u32 $0x6400, s18;
	[dreg:$0x3] =	wrdreg s20  }
0xf: {  	s24 =	sadd.s32 $0xC800, s4;
	s9 =	smul.u32 $0x19000, s18;
	[dreg:$0x4] =	wrdreg s21  }
0x10: {  	s18 =	sadd.s32 $0x27400, s6;
	s20 =	sshllo.u32 s0, $0x3;
	[dreg:$0x5] =	wrdreg s22  }
0x11: {  	p0 =	sgt.u32 s19, $0x7C;
	[dreg:$0x6] =	wrdreg s23;
	s23 =	smul.u32 $0x64000, s0  }
0x12: {  	[dreg:$0x7] =	wrdreg s24;
	s21 =	sor.u32 $0x2, s12;
	s11 =	smul.u32 $0xA000, s20  }
0x13: {  	s22 =	sshllo.u32 s0, $0x2;
	s12 =	sshrl.u32 s25, $0x3;
	s26 =	smul.u32 $0x6400, s21  }
0x14: {  	s10 =	sshrl.u32 s10, $0x2;
	s15 =	smul.u32 $0x6400, s22;
	s12 =	sadd.s32 s1, s12  }
0x15: {  	s14 =	sadd.s32 s5, s14;
	s24 =	smul.u32 $0x19000, s21;
	p1 =	sgt.u32 s20, $0x7C  }
0x16: {  	p3 =	sgt.u32 s21, $0x31;
	s20 =	simm.s32 $0x3000;
	p5 =	sgt.u32 s22, $0x31  }
0x17: {  	s21 =	simm.s32 $0x4;
	s10 =	sadd.s32 s10, s2;
	s14 =	sshrl.u32 s14, $0x3  }
0x18: {  	s25 =	sshrl.u32 s23, $0x2;
	s11 =	sshrl.u32 s11, $0x2;
	s13 =	sadd.s32 s5, s26  }
0x19: {  	s5 =	sadd.s32 s5, s15;
	s26 =	smul.u32 $0x19000, s22;
	s6 =	sadd.s32 s25, s2  }
0x1a: {  	s11 =	sadd.s32 s11, s2;
	s8 =	sshrl.u32 s13, $0x3;
	s5 =	sshrl.u32 s5, $0x3  }
0x1b: {  	s13 =	sadd.s32 s1, s14;
	s22 =	sshrl.u32 @!p4 s6, $0x3;
	s14 =	sadd.s32 s1, s8  }
0x1c: {  	s15 =	sadd.s32 s1, s5;
	s5 =	simm.s32 @!p0 $0x0;
	s1 =	sshrl.u32 s9, $0x2  }
0x1d: {  	s19 =	sshrl.u32 s26, $0x2;
	s5 =	simm.s32 @p0 $0x1;
	s1 =	sadd.s32 s1, s2  }
0x1e: {  	s25 =	sadd.s32 s19, s2;
	[smem:$0x7FD] =	sst s5;
	s5 =	sshrl.u32 s24, $0x2  }
0x1f: {  	s19 =	smax.u32 s7, $0x1;
	s23 =	sshrl.u32 @!p4 s1, $0x3;
	s5 =	sadd.s32 s5, s2  }
0x20: {  	v0 =	vimm.f32 $0.0e+00;
	s25 =	sshrl.u32 @!p5 s25, $0x3;
	s1 =	simm.s32 $0x2;
	s24 =	sshrl.u32 @!p3 s5, $0x3  }
.LBB2_1:
0x21: {  	s5 =	simm.s32 $0x0;
	s6 =	simm.s32 $0x200  }
.LBB2_2:
0x22: {  	p6 =	sne.s32 s6, $0xF800;
	[tilespmem:s5+$0x3070] =	vst v0  }
0x23: {  	[tilespmem:s5+$0x3000] =	vst v0  }
0x24: {  	[tilespmem:s5+$0x3010] =	vst v0  }
.Ltmp0:
0x25: {  	[tilespmem:s5+$0x3020] =	vst v0;
	(pc) =	sbr.rel @p6 .LBB2_2-.Ltmp0, $4  }
0x26: {  	[tilespmem:s5+$0x3030] =	vst v0  }
0x27: {  	[tilespmem:s5+$0x3040] =	vst v0  }
0x28: {  	[tilespmem:s5+$0x3050] =	vst v0  }
0x29: {  	[tilespmem:s5+$0x3060] =	vst v0;
	s5 =	sshra.s32 s6, $0x2;
	s6 =	sadd.s32 $0x200, s6  }
0x2a: {  	[tilespmem:s5+$0x3070] =	vst v0  }
0x2b: {  	[tilespmem:s5+$0x3000] =	vst v0  }
0x2c: {  	[tilespmem:s5+$0x3010] =	vst v0  }
0x2d: {  	[tilespmem:s5+$0x3020] =	vst v0  }
0x2e: {  	[tilespmem:s5+$0x3030] =	vst v0  }
0x2f: {  	[tilespmem:s5+$0x3040] =	vst v0  }
0x30: {  	[tilespmem:s5+$0x3050] =	vst v0  }
0x31: {  	[tilespmem:s5+$0x3060] =	vst v0  }
0x32: {  	[spmem:s4] =	stream.linear.scatter [tilespmem:s20], [sflag:$0x4], $0x2800, $0x38;
	[tilespmem:$0x1E880] =	vst v63  }
0x33: {  	_ =	swait.ge [sflag:s21], $0x2800  }
0x34: {  	[sflag:s21] =	ssyncset.done $0x0  }
0x35: {  	s26 =	rddreg [dreg:$0x3];
	[sflag:s21] =	ssyncadd.s32 $0xFFFFD800  }
0x36: {  	[spmem:s26] =	stream.linear.scatter [tilespmem:s20], [sflag:$0x4], $0x2800, $0x38;
	[tilespmem:$0x1E880] =	vst v63  }
0x37: {  	_ =	swait.ge [sflag:s21], $0x2800  }
0x38: {  	[sflag:s21] =	ssyncset.done $0x0  }
0x39: {  	s6 =	rddreg [dreg:$0x4];
	[sflag:s21] =	ssyncadd.s32 $0xFFFFD800  }
0x3a: {  	[spmem:s6] =	stream.linear.scatter [tilespmem:s20], [sflag:$0x4], $0x2800, $0x38;
	[tilespmem:$0x1E880] =	vst v63  }
0x3b: {  	_ =	swait.ge [sflag:s21], $0x2800  }
0x3c: {  	[sflag:s21] =	ssyncset.done $0x0  }
0x3d: {  	s7 =	rddreg [dreg:$0x5];
	[sflag:s21] =	ssyncadd.s32 $0xFFFFD800  }
0x3e: {  	[spmem:s7] =	stream.linear.scatter [tilespmem:s20], [sflag:$0x4], $0x2800, $0x38;
	[tilespmem:$0x1E880] =	vst v63  }
0x3f: {  	_ =	swait.ge [sflag:s21], $0x2800  }
0x40: {  	[sflag:s21] =	ssyncset.done $0x0  }
0x41: {  	s8 =	rddreg [dreg:$0x6];
	[sflag:s21] =	ssyncadd.s32 $0xFFFFD800  }
0x42: {  	[spmem:s8] =	stream.linear.scatter [tilespmem:s20], [sflag:$0x4], $0x2800, $0x38;
	[tilespmem:$0x1E880] =	vst v63  }
0x43: {  	_ =	swait.ge [sflag:s21], $0x2800  }
0x44: {  	[sflag:s21] =	ssyncset.done $0x0  }
0x45: {  	s5 =	simm.s32 @!p2 $0x3000;
	s6 =	rddreg [dreg:$0x7];
	[sflag:s21] =	ssyncadd.s32 $0xFFFFD800  }
0x46: {  	[spmem:s6] =	stream.linear.scatter @!p2 [tilespmem:s5], [sflag:$0x4], $0x2800, $0x38;
	[tilespmem:$0x1E880] =	vst v63  }
0x47: {  	s5 =	simm.s32 @!p2 $0x4  }
0x48: {  	_ =	swait.ge @!p2 [sflag:s5], $0x2800  }
0x49: {  	s9 =	sld [smem:$0x7FD];
	_ =	sdelay $0x2  }
0x4a: {  	[sflag:s5] =	ssyncset.done @!p2 $0x0;
	p0 =	seq.s32 s9, $0x1  }
0x4b: {  	[sflag:s5] =	ssyncadd.s32 @!p2 $0xFFFFD800;
	s5 =	simm.s32 @!p0 $0x3000  }
0x4c: {  	[spmem:s10] =	stream.linear.scatter @!p0 [tilespmem:s5], [sflag:$0x4], $0x2800, $0x38;
	[tilespmem:$0x1E880] =	vst v63  }
0x4d: {  	s5 =	simm.s32 @!p0 $0x4  }
0x4e: {  	_ =	swait.ge @!p0 [sflag:s5], $0x2800  }
0x4f: {  	[sflag:s5] =	ssyncset.done @!p0 $0x0  }
0x50: {  	[sflag:s5] =	ssyncadd.s32 @!p0 $0xFFFFD800;
	s5 =	simm.s32 @!p1 $0x3000  }
0x51: {  	[spmem:s11] =	stream.linear.scatter @!p1 [tilespmem:s5], [sflag:$0x4], $0x2800, $0x38;
	[tilespmem:$0x1E880] =	vst v63  }
0x52: {  	s5 =	simm.s32 @!p1 $0x4  }
0x53: {  	_ =	swait.ge @!p1 [sflag:s5], $0x2800  }
0x54: {  	[sflag:s5] =	ssyncset.done @!p1 $0x0  }
0x55: {  	[sflag:s5] =	ssyncadd.s32 @!p1 $0xFFFFD800  }
0x56: {  	s26 =	simm.s32 $0x0;
	[bflag:$0x0] =	sbarrier.arrive $0xFFFF  }
0x57: {  	[tilespmem:s26], [sflag:$0x3] =	stream.linear.gather [hbm4b:s16+s26], $0xA00, $0x38;
	[tilespmem:$0x1E880] =	vst v63  }
0x58: {  	s7 =	simm.s32 $0x1800  }
0x59: {  	[tilespmem:s7], [sflag:$0x3] =	stream.linear.gather [hbm4b:s17+s26], $0xA00, $0x38;
	[tilespmem:$0x1E880] =	vst v63  }
0x5a: {  	_ =	swait.ge [sflag:s28], $0xA00  }
0x5b: {  	[sflag:s28] =	ssyncset.done $0x0  }
0x5c: {  	[sflag:s28] =	ssyncadd.s32 $0xFFFFF600  }
0x5d: {  	s6 =	sand.u32 $0x1, s26;
	p0 =	por $0x0, $0x0;
	_ =	swait.ge [sflag:s28], $0xA00  }
0x5e: {  	s5 =	smul.u32 $0xC00, s6;
	s6 =	sxor.u32 @!p0 $0x1, s6;
	[sflag:s28] =	ssyncset.done $0x0  }
0x5f: {  	s7 =	smul.u32 @!p0 $0xC00, s6;
	[sflag:s28] =	ssyncadd.s32 $0xFFFFF600  }
0x60: {  	[tilespmem:s20], [sflag:$0x1] =	stream.indirect.gather [hbm4b:s18+s29], $0x80, s5, s29, $0xb8;
	[tilespmem:$0x1E880] =	vst v63  }
0x61: {  	s8 =	simm.s32 @!p0 $0x0;
	s26 =	sadd.s32 $0x180, s16  }
0x62: {  	[tilespmem:s7], [sflag:$0x3] =	stream.linear.gather @!p0 [hbm4b:s26+s8], $0xA00, $0x38;
	[tilespmem:$0x1E880] =	vst v63  }
0x63: {  	s6 =	sadd.s32 $0x180, s17;
	s7 =	sadd.s32 @!p0 $0x1800, s7  }
0x64: {  	[tilespmem:s7], [sflag:$0x3] =	stream.linear.gather @!p0 [hbm4b:s6+s8], $0xA00, $0x38;
	[tilespmem:$0x1E880] =	vst v63  }
0x65: {  	s8 =	sadd.s32 $0x80, s5  }
0x66: {  	[tilespmem:s30], [sflag:$0x2] =	stream.indirect.gather [hbm4b:s18+s29], $0x80, s8, s29, $0xb8;
	[tilespmem:$0x1E880] =	vst v63  }
0x67: {  	_ =	swait.ge [sflag:s31], $0x3E80  }
0x68: {  	[sflag:s31] =	ssyncset.done $0x0  }
0x69: {  	s9 =	sadd.s32 $0x1800, s5;
	[sflag:s31] =	ssyncadd.s32 $0xFFFFC180  }
0x6a: {  	[spmem:s2] =	stream.indirect.scatter.add.f32 [tilespmem:s20], [sflag:$0x4], $0x80, s9, s29, $0xb8;
	[tilespmem:$0x1E880] =	vst v63  }
0x6b: {  	_ =	swait.ge [sflag:s21], $0x3E80  }
0x6c: {  	[sflag:s21] =	ssyncset.done $0x0  }
0x6d: {  	s8 =	sadd.s32 $0x100, s5;
	[sflag:s21] =	ssyncadd.s32 $0xFFFFC180  }
0x6e: {  	[tilespmem:s20], [sflag:$0x1] =	stream.indirect.gather [hbm4b:s18+s29], $0x80, s8, s29, $0xb8;
	[tilespmem:$0x1E880] =	vst v63  }
0x6f: {  	_ =	swait.ge [sflag:s1], $0x3E80  }
0x70: {  	[sflag:s1] =	ssyncset.done $0x0  }
0x71: {  	s9 =	sadd.s32 $0x1880, s5;
	[sflag:s1] =	ssyncadd.s32 $0xFFFFC180  }
0x72: {  	[spmem:s2] =	stream.indirect.scatter.add.f32 [tilespmem:s30], [sflag:$0x4], $0x80, s9, s29, $0xb8;
	[tilespmem:$0x1E880] =	vst v63  }
0x73: {  	_ =	swait.ge [sflag:s21], $0x3E80  }
0x74: {  	[sflag:s21] =	ssyncset.done $0x0  }
0x75: {  	s8 =	sadd.s32 $0x180, s5;
	[sflag:s21] =	ssyncadd.s32 $0xFFFFC180  }
0x76: {  	[tilespmem:s30], [sflag:$0x2] =	stream.indirect.gather [hbm4b:s18+s29], $0x80, s8, s29, $0xb8;
	[tilespmem:$0x1E880] =	vst v63  }
0x77: {  	_ =	swait.ge [sflag:s31], $0x3E80  }
0x78: {  	[sflag:s31] =	ssyncset.done $0x0  }
0x79: {  	s9 =	sadd.s32 $0x1900, s5;
	[sflag:s31] =	ssyncadd.s32 $0xFFFFC180  }
0x7a: {  	[spmem:s2] =	stream.indirect.scatter.add.f32 [tilespmem:s20], [sflag:$0x4], $0x80, s9, s29, $0xb8;
	[tilespmem:$0x1E880] =	vst v63  }
0x7b: {  	_ =	swait.ge [sflag:s21], $0x3E80  }
0x7c: {  	[sflag:s21] =	ssyncset.done $0x0  }
0x7d: {  	s8 =	sadd.s32 $0x200, s5;
	[sflag:s21] =	ssyncadd.s32 $0xFFFFC180  }
0x7e: {  	[tilespmem:s20], [sflag:$0x1] =	stream.indirect.gather [hbm4b:s18+s29], $0x80, s8, s29, $0xb8;
	[tilespmem:$0x1E880] =	vst v63  }
0x7f: {  	_ =	swait.ge [sflag:s1], $0x3E80  }
0x80: {  	[sflag:s1] =	ssyncset.done $0x0  }
0x81: {  	s9 =	sadd.s32 $0x1980, s5;
	[sflag:s1] =	ssyncadd.s32 $0xFFFFC180  }
0x82: {  	[spmem:s2] =	stream.indirect.scatter.add.f32 [tilespmem:s30], [sflag:$0x4], $0x80, s9, s29, $0xb8;
	[tilespmem:$0x1E880] =	vst v63  }
0x83: {  	_ =	swait.ge [sflag:s21], $0x3E80  }
0x84: {  	[sflag:s21] =	ssyncset.done $0x0  }
0x85: {  	s8 =	sadd.s32 $0x280, s5;
	[sflag:s21] =	ssyncadd.s32 $0xFFFFC180  }
0x86: {  	[tilespmem:s30], [sflag:$0x2] =	stream.indirect.gather [hbm4b:s18+s29], $0x80, s8, s29, $0xb8;
	[tilespmem:$0x1E880] =	vst v63  }
0x87: {  	_ =	swait.ge [sflag:s31], $0x3E80  }
0x88: {  	[sflag:s31] =	ssyncset.done $0x0  }
0x89: {  	s9 =	sadd.s32 $0x1A00, s5;
	[sflag:s31] =	ssyncadd.s32 $0xFFFFC180  }
0x8a: {  	[spmem:s2] =	stream.indirect.scatter.add.f32 [tilespmem:s20], [sflag:$0x4], $0x80, s9, s29, $0xb8;
	[tilespmem:$0x1E880] =	vst v63  }
0x8b: {  	_ =	swait.ge [sflag:s21], $0x3E80  }
0x8c: {  	[sflag:s21] =	ssyncset.done $0x0  }
0x8d: {  	s8 =	sadd.s32 $0x300, s5;
	[sflag:s21] =	ssyncadd.s32 $0xFFFFC180  }
0x8e: {  	[tilespmem:s20], [sflag:$0x1] =	stream.indirect.gather [hbm4b:s18+s29], $0x80, s8, s29, $0xb8;
	[tilespmem:$0x1E880] =	vst v63  }
0x8f: {  	_ =	swait.ge [sflag:s1], $0x3E80  }
0x90: {  	[sflag:s1] =	ssyncset.done $0x0  }
0x91: {  	s9 =	sadd.s32 $0x1A80, s5;
	[sflag:s1] =	ssyncadd.s32 $0xFFFFC180  }
0x92: {  	[spmem:s2] =	stream.indirect.scatter.add.f32 [tilespmem:s30], [sflag:$0x4], $0x80, s9, s29, $0xb8;
	[tilespmem:$0x1E880] =	vst v63  }
0x93: {  	_ =	swait.ge [sflag:s21], $0x3E80  }
0x94: {  	[sflag:s21] =	ssyncset.done $0x0  }
0x95: {  	s8 =	sadd.s32 $0x380, s5;
	[sflag:s21] =	ssyncadd.s32 $0xFFFFC180  }
0x96: {  	[tilespmem:s30], [sflag:$0x2] =	stream.indirect.gather [hbm4b:s18+s29], $0x80, s8, s29, $0xb8;
	[tilespmem:$0x1E880] =	vst v63  }
0x97: {  	_ =	swait.ge [sflag:s31], $0x3E80  }
0x98: {  	[sflag:s31] =	ssyncset.done $0x0  }
0x99: {  	s9 =	sadd.s32 $0x1B00, s5;
	[sflag:s31] =	ssyncadd.s32 $0xFFFFC180  }
0x9a: {  	[spmem:s2] =	stream.indirect.scatter.add.f32 [tilespmem:s20], [sflag:$0x4], $0x80, s9, s29, $0xb8;
	[tilespmem:$0x1E880] =	vst v63  }
0x9b: {  	_ =	swait.ge [sflag:s21], $0x3E80  }
0x9c: {  	[sflag:s21] =	ssyncset.done $0x0  }
0x9d: {  	s8 =	sadd.s32 $0x400, s5;
	[sflag:s21] =	ssyncadd.s32 $0xFFFFC180  }
0x9e: {  	[tilespmem:s20], [sflag:$0x1] =	stream.indirect.gather [hbm4b:s18+s29], $0x80, s8, s29, $0xb8;
	[tilespmem:$0x1E880] =	vst v63  }
0x9f: {  	_ =	swait.ge [sflag:s1], $0x3E80  }
0xa0: {  	[sflag:s1] =	ssyncset.done $0x0  }
0xa1: {  	s9 =	sadd.s32 $0x1B80, s5;
	[sflag:s1] =	ssyncadd.s32 $0xFFFFC180  }
0xa2: {  	[spmem:s2] =	stream.indirect.scatter.add.f32 [tilespmem:s30], [sflag:$0x4], $0x80, s9, s29, $0xb8;
	[tilespmem:$0x1E880] =	vst v63  }
0xa3: {  	_ =	swait.ge [sflag:s21], $0x3E80  }
0xa4: {  	[sflag:s21] =	ssyncset.done $0x0  }
0xa5: {  	s8 =	sadd.s32 $0x480, s5;
	[sflag:s21] =	ssyncadd.s32 $0xFFFFC180  }
0xa6: {  	[tilespmem:s30], [sflag:$0x2] =	stream.indirect.gather [hbm4b:s18+s29], $0x80, s8, s29, $0xb8;
	[tilespmem:$0x1E880] =	vst v63  }
0xa7: {  	_ =	swait.ge [sflag:s31], $0x3E80  }
0xa8: {  	[sflag:s31] =	ssyncset.done $0x0  }
0xa9: {  	s9 =	sadd.s32 $0x1C00, s5;
	[sflag:s31] =	ssyncadd.s32 $0xFFFFC180  }
0xaa: {  	[spmem:s2] =	stream.indirect.scatter.add.f32 [tilespmem:s20], [sflag:$0x4], $0x80, s9, s29, $0xb8;
	[tilespmem:$0x1E880] =	vst v63  }
0xab: {  	_ =	swait.ge [sflag:s21], $0x3E80  }
0xac: {  	[sflag:s21] =	ssyncset.done $0x0  }
0xad: {  	s8 =	sadd.s32 $0x500, s5;
	[sflag:s21] =	ssyncadd.s32 $0xFFFFC180  }
0xae: {  	[tilespmem:s20], [sflag:$0x1] =	stream.indirect.gather [hbm4b:s18+s29], $0x80, s8, s29, $0xb8;
	[tilespmem:$0x1E880] =	vst v63  }
0xaf: {  	_ =	swait.ge [sflag:s1], $0x3E80  }
0xb0: {  	[sflag:s1] =	ssyncset.done $0x0  }
0xb1: {  	s9 =	sadd.s32 $0x1C80, s5;
	[sflag:s1] =	ssyncadd.s32 $0xFFFFC180  }
0xb2: {  	[spmem:s2] =	stream.indirect.scatter.add.f32 [tilespmem:s30], [sflag:$0x4], $0x80, s9, s29, $0xb8;
	[tilespmem:$0x1E880] =	vst v63  }
0xb3: {  	_ =	swait.ge [sflag:s21], $0x3E80  }
0xb4: {  	[sflag:s21] =	ssyncset.done $0x0  }
0xb5: {  	s8 =	sadd.s32 $0x580, s5;
	[sflag:s21] =	ssyncadd.s32 $0xFFFFC180  }
0xb6: {  	[tilespmem:s30], [sflag:$0x2] =	stream.indirect.gather [hbm4b:s18+s29], $0x80, s8, s29, $0xb8;
	[tilespmem:$0x1E880] =	vst v63  }
0xb7: {  	_ =	swait.ge [sflag:s31], $0x3E80  }
0xb8: {  	[sflag:s31] =	ssyncset.done $0x0  }
0xb9: {  	s9 =	sadd.s32 $0x1D00, s5;
	[sflag:s31] =	ssyncadd.s32 $0xFFFFC180  }
0xba: {  	[spmem:s2] =	stream.indirect.scatter.add.f32 [tilespmem:s20], [sflag:$0x4], $0x80, s9, s29, $0xb8;
	[tilespmem:$0x1E880] =	vst v63  }
0xbb: {  	_ =	swait.ge [sflag:s21], $0x3E80  }
0xbc: {  	[sflag:s21] =	ssyncset.done $0x0  }
0xbd: {  	s8 =	sadd.s32 $0x600, s5;
	[sflag:s21] =	ssyncadd.s32 $0xFFFFC180  }
0xbe: {  	[tilespmem:s20], [sflag:$0x1] =	stream.indirect.gather [hbm4b:s18+s29], $0x80, s8, s29, $0xb8;
	[tilespmem:$0x1E880] =	vst v63  }
0xbf: {  	_ =	swait.ge [sflag:s1], $0x3E80  }
0xc0: {  	[sflag:s1] =	ssyncset.done $0x0  }
0xc1: {  	s9 =	sadd.s32 $0x1D80, s5;
	[sflag:s1] =	ssyncadd.s32 $0xFFFFC180  }
0xc2: {  	[spmem:s2] =	stream.indirect.scatter.add.f32 [tilespmem:s30], [sflag:$0x4], $0x80, s9, s29, $0xb8;
	[tilespmem:$0x1E880] =	vst v63  }
0xc3: {  	_ =	swait.ge [sflag:s21], $0x3E80  }
0xc4: {  	[sflag:s21] =	ssyncset.done $0x0  }
0xc5: {  	s8 =	sadd.s32 $0x680, s5;
	[sflag:s21] =	ssyncadd.s32 $0xFFFFC180  }
0xc6: {  	[tilespmem:s30], [sflag:$0x2] =	stream.indirect.gather [hbm4b:s18+s29], $0x80, s8, s29, $0xb8;
	[tilespmem:$0x1E880] =	vst v63  }
0xc7: {  	_ =	swait.ge [sflag:s31], $0x3E80  }
0xc8: {  	[sflag:s31] =	ssyncset.done $0x0  }
0xc9: {  	s9 =	sadd.s32 $0x1E00, s5;
	[sflag:s31] =	ssyncadd.s32 $0xFFFFC180  }
0xca: {  	[spmem:s2] =	stream.indirect.scatter.add.f32 [tilespmem:s20], [sflag:$0x4], $0x80, s9, s29, $0xb8;
	[tilespmem:$0x1E880] =	vst v63  }
0xcb: {  	_ =	swait.ge [sflag:s21], $0x3E80  }
0xcc: {  	[sflag:s21] =	ssyncset.done $0x0  }
0xcd: {  	s8 =	sadd.s32 $0x700, s5;
	[sflag:s21] =	ssyncadd.s32 $0xFFFFC180  }
0xce: {  	[tilespmem:s20], [sflag:$0x1] =	stream.indirect.gather [hbm4b:s18+s29], $0x80, s8, s29, $0xb8;
	[tilespmem:$0x1E880] =	vst v63  }
0xcf: {  	_ =	swait.ge [sflag:s1], $0x3E80  }
0xd0: {  	[sflag:s1] =	ssyncset.done $0x0  }
0xd1: {  	s9 =	sadd.s32 $0x1E80, s5;
	[sflag:s1] =	ssyncadd.s32 $0xFFFFC180  }
0xd2: {  	[spmem:s2] =	stream.indirect.scatter.add.f32 [tilespmem:s30], [sflag:$0x4], $0x80, s9, s29, $0xb8;
	[tilespmem:$0x1E880] =	vst v63  }
0xd3: {  	_ =	swait.ge [sflag:s21], $0x3E80  }
0xd4: {  	[sflag:s21] =	ssyncset.done $0x0  }
0xd5: {  	s8 =	sadd.s32 $0x780, s5;
	[sflag:s21] =	ssyncadd.s32 $0xFFFFC180  }
0xd6: {  	[tilespmem:s30], [sflag:$0x2] =	stream.indirect.gather [hbm4b:s18+s29], $0x80, s8, s29, $0xb8;
	[tilespmem:$0x1E880] =	vst v63  }
0xd7: {  	_ =	swait.ge [sflag:s31], $0x3E80  }
0xd8: {  	[sflag:s31] =	ssyncset.done $0x0  }
0xd9: {  	s9 =	sadd.s32 $0x1F00, s5;
	[sflag:s31] =	ssyncadd.s32 $0xFFFFC180  }
0xda: {  	[spmem:s2] =	stream.indirect.scatter.add.f32 [tilespmem:s20], [sflag:$0x4], $0x80, s9, s29, $0xb8;
	[tilespmem:$0x1E880] =	vst v63  }
0xdb: {  	_ =	swait.ge [sflag:s21], $0x3E80  }
0xdc: {  	[sflag:s21] =	ssyncset.done $0x0  }
0xdd: {  	s8 =	sadd.s32 $0x800, s5;
	[sflag:s21] =	ssyncadd.s32 $0xFFFFC180  }
0xde: {  	[tilespmem:s20], [sflag:$0x1] =	stream.indirect.gather [hbm4b:s18+s29], $0x80, s8, s29, $0xb8;
	[tilespmem:$0x1E880] =	vst v63  }
0xdf: {  	_ =	swait.ge [sflag:s1], $0x3E80  }
0xe0: {  	[sflag:s1] =	ssyncset.done $0x0  }
0xe1: {  	s9 =	sadd.s32 $0x1F80, s5;
	[sflag:s1] =	ssyncadd.s32 $0xFFFFC180  }
0xe2: {  	[spmem:s2] =	stream.indirect.scatter.add.f32 [tilespmem:s30], [sflag:$0x4], $0x80, s9, s29, $0xb8;
	[tilespmem:$0x1E880] =	vst v63  }
0xe3: {  	_ =	swait.ge [sflag:s21], $0x3E80  }
0xe4: {  	[sflag:s21] =	ssyncset.done $0x0  }
0xe5: {  	s8 =	sadd.s32 $0x880, s5;
	[sflag:s21] =	ssyncadd.s32 $0xFFFFC180  }
0xe6: {  	[tilespmem:s30], [sflag:$0x2] =	stream.indirect.gather [hbm4b:s18+s29], $0x80, s8, s29, $0xb8;
	[tilespmem:$0x1E880] =	vst v63  }
0xe7: {  	_ =	swait.ge [sflag:s31], $0x3E80  }
0xe8: {  	[sflag:s31] =	ssyncset.done $0x0  }
0xe9: {  	s9 =	sor.u32 $0x2000, s5;
	[sflag:s31] =	ssyncadd.s32 $0xFFFFC180  }
0xea: {  	[spmem:s2] =	stream.indirect.scatter.add.f32 [tilespmem:s20], [sflag:$0x4], $0x80, s9, s29, $0xb8;
	[tilespmem:$0x1E880] =	vst v63  }
0xeb: {  	_ =	swait.ge [sflag:s21], $0x3E80  }
0xec: {  	[sflag:s21] =	ssyncset.done $0x0  }
0xed: {  	s8 =	sadd.s32 $0x900, s5;
	[sflag:s21] =	ssyncadd.s32 $0xFFFFC180  }
0xee: {  	[tilespmem:s20], [sflag:$0x1] =	stream.indirect.gather [hbm4b:s18+s29], $0x80, s8, s29, $0xb8;
	[tilespmem:$0x1E880] =	vst v63  }
0xef: {  	_ =	swait.ge [sflag:s1], $0x3E80  }
0xf0: {  	[sflag:s1] =	ssyncset.done $0x0  }
0xf1: {  	s9 =	sadd.s32 $0x2080, s5;
	[sflag:s1] =	ssyncadd.s32 $0xFFFFC180  }
0xf2: {  	[spmem:s2] =	stream.indirect.scatter.add.f32 [tilespmem:s30], [sflag:$0x4], $0x80, s9, s29, $0xb8;
	[tilespmem:$0x1E880] =	vst v63  }
0xf3: {  	_ =	swait.ge [sflag:s21], $0x3E80  }
0xf4: {  	[sflag:s21] =	ssyncset.done $0x0  }
0xf5: {  	s8 =	sadd.s32 $0x980, s5;
	[sflag:s21] =	ssyncadd.s32 $0xFFFFC180  }
0xf6: {  	[tilespmem:s30], [sflag:$0x2] =	stream.indirect.gather [hbm4b:s18+s29], $0x80, s8, s29, $0xb8;
	[tilespmem:$0x1E880] =	vst v63  }
0xf7: {  	_ =	swait.ge [sflag:s31], $0x3E80  }
0xf8: {  	[sflag:s31] =	ssyncset.done $0x0  }
0xf9: {  	s9 =	sadd.s32 $0x2100, s5;
	[sflag:s31] =	ssyncadd.s32 $0xFFFFC180  }
0xfa: {  	[spmem:s2] =	stream.indirect.scatter.add.f32 [tilespmem:s20], [sflag:$0x4], $0x80, s9, s29, $0xb8;
	[tilespmem:$0x1E880] =	vst v63  }
0xfb: {  	_ =	swait.ge [sflag:s21], $0x3E80  }
0xfc: {  	[sflag:s21] =	ssyncset.done $0x0  }
0xfd: {  	[sflag:s21] =	ssyncadd.s32 $0xFFFFC180  }
0xfe: {  	_ =	swait.ge [sflag:s1], $0x3E80  }
0xff: {  	[sflag:s1] =	ssyncset.done $0x0  }
0x100: {  	s5 =	sadd.s32 $0x2180, s5;
	[sflag:s1] =	ssyncadd.s32 $0xFFFFC180  }
0x101: {  	[spmem:s2] =	stream.indirect.scatter.add.f32 [tilespmem:s30], [sflag:$0x4], $0x80, s5, s29, $0xb8;
	[tilespmem:$0x1E880] =	vst v63  }
0x102: {  	_ =	swait.ge [sflag:s21], $0x3E80  }
0x103: {  	s6 =	sadd.s32 $0x180, s6;
	s5 =	simm.s32 $0x1;
	[sflag:s21] =	ssyncset.done $0x0  }
.LBB2_4:
0x104: {  	[sflag:s21] =	ssyncadd.s32 $0xFFFFC180  }
0x105: {  	s26 =	sadd.s32 $0x180, s26;
	s7 =	smov.u32 s5;
	s5 =	sadd.s32 $0x1, s5  }
0x106: {  	_ =	swait.ge [sflag:s28], $0xA00;
	p6 =	sne.s32 s5, $0x8  }
0x107: {  	[sflag:s28] =	ssyncset.done $0x0  }
0x108: {  	[sflag:s28] =	ssyncadd.s32 $0xFFFFF600  }
0x109: {  	s8 =	sand.u32 $0x1, s7;
	p0 =	seq.s32 s7, $0x7;
	_ =	swait.ge [sflag:s28], $0xA00  }
0x10a: {  	s7 =	smul.u32 $0xC00, s8;
	s8 =	sxor.u32 @!p0 $0x1, s8;
	[sflag:s28] =	ssyncset.done $0x0  }
0x10b: {  	s8 =	smul.u32 @!p0 $0xC00, s8;
	[sflag:s28] =	ssyncadd.s32 $0xFFFFF600  }
0x10c: {  	[tilespmem:s20], [sflag:$0x1] =	stream.indirect.gather [hbm4b:s18+s29], $0x80, s7, s29, $0xb8;
	[tilespmem:$0x1E880] =	vst v63  }
0x10d: {  	s9 =	simm.s32 @!p0 $0x0  }
0x10e: {  	[tilespmem:s8], [sflag:$0x3] =	stream.linear.gather @!p0 [hbm4b:s26+s9], $0xA00, $0x38;
	[tilespmem:$0x1E880] =	vst v63  }
0x10f: {  	s8 =	sadd.s32 @!p0 $0x1800, s8  }
0x110: {  	[tilespmem:s8], [sflag:$0x3] =	stream.linear.gather @!p0 [hbm4b:s6+s9], $0xA00, $0x38;
	[tilespmem:$0x1E880] =	vst v63  }
0x111: {  	s8 =	sadd.s32 $0x80, s7  }
0x112: {  	[tilespmem:s30], [sflag:$0x2] =	stream.indirect.gather [hbm4b:s18+s29], $0x80, s8, s29, $0xb8;
	[tilespmem:$0x1E880] =	vst v63  }
0x113: {  	_ =	swait.ge [sflag:s31], $0x3E80  }
0x114: {  	[sflag:s31] =	ssyncset.done $0x0  }
0x115: {  	s8 =	sadd.s32 $0x1800, s7;
	[sflag:s31] =	ssyncadd.s32 $0xFFFFC180  }
0x116: {  	[spmem:s2] =	stream.indirect.scatter.add.f32 [tilespmem:s20], [sflag:$0x4], $0x80, s8, s29, $0xb8;
	[tilespmem:$0x1E880] =	vst v63  }
0x117: {  	_ =	swait.ge [sflag:s21], $0x3E80  }
0x118: {  	[sflag:s21] =	ssyncset.done $0x0  }
0x119: {  	s8 =	sadd.s32 $0x100, s7;
	[sflag:s21] =	ssyncadd.s32 $0xFFFFC180  }
0x11a: {  	[tilespmem:s20], [sflag:$0x1] =	stream.indirect.gather [hbm4b:s18+s29], $0x80, s8, s29, $0xb8;
	[tilespmem:$0x1E880] =	vst v63  }
0x11b: {  	_ =	swait.ge [sflag:s1], $0x3E80  }
0x11c: {  	[sflag:s1] =	ssyncset.done $0x0  }
0x11d: {  	s8 =	sadd.s32 $0x1880, s7;
	[sflag:s1] =	ssyncadd.s32 $0xFFFFC180  }
0x11e: {  	[spmem:s2] =	stream.indirect.scatter.add.f32 [tilespmem:s30], [sflag:$0x4], $0x80, s8, s29, $0xb8;
	[tilespmem:$0x1E880] =	vst v63  }
0x11f: {  	_ =	swait.ge [sflag:s21], $0x3E80  }
0x120: {  	[sflag:s21] =	ssyncset.done $0x0  }
0x121: {  	s8 =	sadd.s32 $0x180, s7;
	[sflag:s21] =	ssyncadd.s32 $0xFFFFC180  }
0x122: {  	[tilespmem:s30], [sflag:$0x2] =	stream.indirect.gather [hbm4b:s18+s29], $0x80, s8, s29, $0xb8;
	[tilespmem:$0x1E880] =	vst v63  }
0x123: {  	_ =	swait.ge [sflag:s31], $0x3E80  }
0x124: {  	[sflag:s31] =	ssyncset.done $0x0  }
0x125: {  	s8 =	sadd.s32 $0x1900, s7;
	[sflag:s31] =	ssyncadd.s32 $0xFFFFC180  }
0x126: {  	[spmem:s2] =	stream.indirect.scatter.add.f32 [tilespmem:s20], [sflag:$0x4], $0x80, s8, s29, $0xb8;
	[tilespmem:$0x1E880] =	vst v63  }
0x127: {  	_ =	swait.ge [sflag:s21], $0x3E80  }
0x128: {  	[sflag:s21] =	ssyncset.done $0x0  }
0x129: {  	s8 =	sadd.s32 $0x200, s7;
	[sflag:s21] =	ssyncadd.s32 $0xFFFFC180  }
0x12a: {  	[tilespmem:s20], [sflag:$0x1] =	stream.indirect.gather [hbm4b:s18+s29], $0x80, s8, s29, $0xb8;
	[tilespmem:$0x1E880] =	vst v63  }
0x12b: {  	_ =	swait.ge [sflag:s1], $0x3E80  }
0x12c: {  	[sflag:s1] =	ssyncset.done $0x0  }
0x12d: {  	s8 =	sadd.s32 $0x1980, s7;
	[sflag:s1] =	ssyncadd.s32 $0xFFFFC180  }
0x12e: {  	[spmem:s2] =	stream.indirect.scatter.add.f32 [tilespmem:s30], [sflag:$0x4], $0x80, s8, s29, $0xb8;
	[tilespmem:$0x1E880] =	vst v63  }
0x12f: {  	_ =	swait.ge [sflag:s21], $0x3E80  }
0x130: {  	[sflag:s21] =	ssyncset.done $0x0  }
0x131: {  	s8 =	sadd.s32 $0x280, s7;
	[sflag:s21] =	ssyncadd.s32 $0xFFFFC180  }
0x132: {  	[tilespmem:s30], [sflag:$0x2] =	stream.indirect.gather [hbm4b:s18+s29], $0x80, s8, s29, $0xb8;
	[tilespmem:$0x1E880] =	vst v63  }
0x133: {  	_ =	swait.ge [sflag:s31], $0x3E80  }
0x134: {  	[sflag:s31] =	ssyncset.done $0x0  }
0x135: {  	s8 =	sadd.s32 $0x1A00, s7;
	[sflag:s31] =	ssyncadd.s32 $0xFFFFC180  }
0x136: {  	[spmem:s2] =	stream.indirect.scatter.add.f32 [tilespmem:s20], [sflag:$0x4], $0x80, s8, s29, $0xb8;
	[tilespmem:$0x1E880] =	vst v63  }
0x137: {  	_ =	swait.ge [sflag:s21], $0x3E80  }
0x138: {  	[sflag:s21] =	ssyncset.done $0x0  }
0x139: {  	s8 =	sadd.s32 $0x300, s7;
	[sflag:s21] =	ssyncadd.s32 $0xFFFFC180  }
0x13a: {  	[tilespmem:s20], [sflag:$0x1] =	stream.indirect.gather [hbm4b:s18+s29], $0x80, s8, s29, $0xb8;
	[tilespmem:$0x1E880] =	vst v63  }
0x13b: {  	_ =	swait.ge [sflag:s1], $0x3E80  }
0x13c: {  	[sflag:s1] =	ssyncset.done $0x0  }
0x13d: {  	s8 =	sadd.s32 $0x1A80, s7;
	[sflag:s1] =	ssyncadd.s32 $0xFFFFC180  }
0x13e: {  	[spmem:s2] =	stream.indirect.scatter.add.f32 [tilespmem:s30], [sflag:$0x4], $0x80, s8, s29, $0xb8;
	[tilespmem:$0x1E880] =	vst v63  }
0x13f: {  	_ =	swait.ge [sflag:s21], $0x3E80  }
0x140: {  	[sflag:s21] =	ssyncset.done $0x0  }
0x141: {  	s8 =	sadd.s32 $0x380, s7;
	[sflag:s21] =	ssyncadd.s32 $0xFFFFC180  }
0x142: {  	[tilespmem:s30], [sflag:$0x2] =	stream.indirect.gather [hbm4b:s18+s29], $0x80, s8, s29, $0xb8;
	[tilespmem:$0x1E880] =	vst v63  }
0x143: {  	_ =	swait.ge [sflag:s31], $0x3E80  }
0x144: {  	[sflag:s31] =	ssyncset.done $0x0  }
0x145: {  	s8 =	sadd.s32 $0x1B00, s7;
	[sflag:s31] =	ssyncadd.s32 $0xFFFFC180  }
0x146: {  	[spmem:s2] =	stream.indirect.scatter.add.f32 [tilespmem:s20], [sflag:$0x4], $0x80, s8, s29, $0xb8;
	[tilespmem:$0x1E880] =	vst v63  }
0x147: {  	_ =	swait.ge [sflag:s21], $0x3E80  }
0x148: {  	[sflag:s21] =	ssyncset.done $0x0  }
0x149: {  	s8 =	sadd.s32 $0x400, s7;
	[sflag:s21] =	ssyncadd.s32 $0xFFFFC180  }
0x14a: {  	[tilespmem:s20], [sflag:$0x1] =	stream.indirect.gather [hbm4b:s18+s29], $0x80, s8, s29, $0xb8;
	[tilespmem:$0x1E880] =	vst v63  }
0x14b: {  	_ =	swait.ge [sflag:s1], $0x3E80  }
0x14c: {  	[sflag:s1] =	ssyncset.done $0x0  }
0x14d: {  	s8 =	sadd.s32 $0x1B80, s7;
	[sflag:s1] =	ssyncadd.s32 $0xFFFFC180  }
0x14e: {  	[spmem:s2] =	stream.indirect.scatter.add.f32 [tilespmem:s30], [sflag:$0x4], $0x80, s8, s29, $0xb8;
	[tilespmem:$0x1E880] =	vst v63  }
0x14f: {  	_ =	swait.ge [sflag:s21], $0x3E80  }
0x150: {  	[sflag:s21] =	ssyncset.done $0x0  }
0x151: {  	s8 =	sadd.s32 $0x480, s7;
	[sflag:s21] =	ssyncadd.s32 $0xFFFFC180  }
0x152: {  	[tilespmem:s30], [sflag:$0x2] =	stream.indirect.gather [hbm4b:s18+s29], $0x80, s8, s29, $0xb8;
	[tilespmem:$0x1E880] =	vst v63  }
0x153: {  	_ =	swait.ge [sflag:s31], $0x3E80  }
0x154: {  	[sflag:s31] =	ssyncset.done $0x0  }
0x155: {  	s8 =	sadd.s32 $0x1C00, s7;
	[sflag:s31] =	ssyncadd.s32 $0xFFFFC180  }
0x156: {  	[spmem:s2] =	stream.indirect.scatter.add.f32 [tilespmem:s20], [sflag:$0x4], $0x80, s8, s29, $0xb8;
	[tilespmem:$0x1E880] =	vst v63  }
0x157: {  	_ =	swait.ge [sflag:s21], $0x3E80  }
0x158: {  	[sflag:s21] =	ssyncset.done $0x0  }
0x159: {  	s8 =	sadd.s32 $0x500, s7;
	[sflag:s21] =	ssyncadd.s32 $0xFFFFC180  }
0x15a: {  	[tilespmem:s20], [sflag:$0x1] =	stream.indirect.gather [hbm4b:s18+s29], $0x80, s8, s29, $0xb8;
	[tilespmem:$0x1E880] =	vst v63  }
0x15b: {  	_ =	swait.ge [sflag:s1], $0x3E80  }
0x15c: {  	[sflag:s1] =	ssyncset.done $0x0  }
0x15d: {  	s8 =	sadd.s32 $0x1C80, s7;
	[sflag:s1] =	ssyncadd.s32 $0xFFFFC180  }
0x15e: {  	[spmem:s2] =	stream.indirect.scatter.add.f32 [tilespmem:s30], [sflag:$0x4], $0x80, s8, s29, $0xb8;
	[tilespmem:$0x1E880] =	vst v63  }
0x15f: {  	_ =	swait.ge [sflag:s21], $0x3E80  }
0x160: {  	[sflag:s21] =	ssyncset.done $0x0  }
0x161: {  	s8 =	sadd.s32 $0x580, s7;
	[sflag:s21] =	ssyncadd.s32 $0xFFFFC180  }
0x162: {  	[tilespmem:s30], [sflag:$0x2] =	stream.indirect.gather [hbm4b:s18+s29], $0x80, s8, s29, $0xb8;
	[tilespmem:$0x1E880] =	vst v63  }
0x163: {  	_ =	swait.ge [sflag:s31], $0x3E80  }
0x164: {  	[sflag:s31] =	ssyncset.done $0x0  }
0x165: {  	s8 =	sadd.s32 $0x1D00, s7;
	[sflag:s31] =	ssyncadd.s32 $0xFFFFC180  }
0x166: {  	[spmem:s2] =	stream.indirect.scatter.add.f32 [tilespmem:s20], [sflag:$0x4], $0x80, s8, s29, $0xb8;
	[tilespmem:$0x1E880] =	vst v63  }
0x167: {  	_ =	swait.ge [sflag:s21], $0x3E80  }
0x168: {  	[sflag:s21] =	ssyncset.done $0x0  }
0x169: {  	s8 =	sadd.s32 $0x600, s7;
	[sflag:s21] =	ssyncadd.s32 $0xFFFFC180  }
0x16a: {  	[tilespmem:s20], [sflag:$0x1] =	stream.indirect.gather [hbm4b:s18+s29], $0x80, s8, s29, $0xb8;
	[tilespmem:$0x1E880] =	vst v63  }
0x16b: {  	_ =	swait.ge [sflag:s1], $0x3E80  }
0x16c: {  	[sflag:s1] =	ssyncset.done $0x0  }
0x16d: {  	s8 =	sadd.s32 $0x1D80, s7;
	[sflag:s1] =	ssyncadd.s32 $0xFFFFC180  }
0x16e: {  	[spmem:s2] =	stream.indirect.scatter.add.f32 [tilespmem:s30], [sflag:$0x4], $0x80, s8, s29, $0xb8;
	[tilespmem:$0x1E880] =	vst v63  }
0x16f: {  	_ =	swait.ge [sflag:s21], $0x3E80  }
0x170: {  	[sflag:s21] =	ssyncset.done $0x0  }
0x171: {  	s8 =	sadd.s32 $0x680, s7;
	[sflag:s21] =	ssyncadd.s32 $0xFFFFC180  }
0x172: {  	[tilespmem:s30], [sflag:$0x2] =	stream.indirect.gather [hbm4b:s18+s29], $0x80, s8, s29, $0xb8;
	[tilespmem:$0x1E880] =	vst v63  }
0x173: {  	_ =	swait.ge [sflag:s31], $0x3E80  }
0x174: {  	[sflag:s31] =	ssyncset.done $0x0  }
0x175: {  	s8 =	sadd.s32 $0x1E00, s7;
	[sflag:s31] =	ssyncadd.s32 $0xFFFFC180  }
0x176: {  	[spmem:s2] =	stream.indirect.scatter.add.f32 [tilespmem:s20], [sflag:$0x4], $0x80, s8, s29, $0xb8;
	[tilespmem:$0x1E880] =	vst v63  }
0x177: {  	_ =	swait.ge [sflag:s21], $0x3E80  }
0x178: {  	[sflag:s21] =	ssyncset.done $0x0  }
0x179: {  	s8 =	sadd.s32 $0x700, s7;
	[sflag:s21] =	ssyncadd.s32 $0xFFFFC180  }
0x17a: {  	[tilespmem:s20], [sflag:$0x1] =	stream.indirect.gather [hbm4b:s18+s29], $0x80, s8, s29, $0xb8;
	[tilespmem:$0x1E880] =	vst v63  }
0x17b: {  	_ =	swait.ge [sflag:s1], $0x3E80  }
0x17c: {  	[sflag:s1] =	ssyncset.done $0x0  }
0x17d: {  	s8 =	sadd.s32 $0x1E80, s7;
	[sflag:s1] =	ssyncadd.s32 $0xFFFFC180  }
0x17e: {  	[spmem:s2] =	stream.indirect.scatter.add.f32 [tilespmem:s30], [sflag:$0x4], $0x80, s8, s29, $0xb8;
	[tilespmem:$0x1E880] =	vst v63  }
0x17f: {  	_ =	swait.ge [sflag:s21], $0x3E80  }
0x180: {  	[sflag:s21] =	ssyncset.done $0x0  }
0x181: {  	s8 =	sadd.s32 $0x780, s7;
	[sflag:s21] =	ssyncadd.s32 $0xFFFFC180  }
0x182: {  	[tilespmem:s30], [sflag:$0x2] =	stream.indirect.gather [hbm4b:s18+s29], $0x80, s8, s29, $0xb8;
	[tilespmem:$0x1E880] =	vst v63  }
0x183: {  	_ =	swait.ge [sflag:s31], $0x3E80  }
0x184: {  	[sflag:s31] =	ssyncset.done $0x0  }
0x185: {  	s8 =	sadd.s32 $0x1F00, s7;
	[sflag:s31] =	ssyncadd.s32 $0xFFFFC180  }
0x186: {  	[spmem:s2] =	stream.indirect.scatter.add.f32 [tilespmem:s20], [sflag:$0x4], $0x80, s8, s29, $0xb8;
	[tilespmem:$0x1E880] =	vst v63  }
0x187: {  	_ =	swait.ge [sflag:s21], $0x3E80  }
0x188: {  	[sflag:s21] =	ssyncset.done $0x0  }
0x189: {  	s8 =	sadd.s32 $0x800, s7;
	[sflag:s21] =	ssyncadd.s32 $0xFFFFC180  }
0x18a: {  	[tilespmem:s20], [sflag:$0x1] =	stream.indirect.gather [hbm4b:s18+s29], $0x80, s8, s29, $0xb8;
	[tilespmem:$0x1E880] =	vst v63  }
0x18b: {  	_ =	swait.ge [sflag:s1], $0x3E80  }
0x18c: {  	[sflag:s1] =	ssyncset.done $0x0  }
0x18d: {  	s8 =	sadd.s32 $0x1F80, s7;
	[sflag:s1] =	ssyncadd.s32 $0xFFFFC180  }
0x18e: {  	[spmem:s2] =	stream.indirect.scatter.add.f32 [tilespmem:s30], [sflag:$0x4], $0x80, s8, s29, $0xb8;
	[tilespmem:$0x1E880] =	vst v63  }
0x18f: {  	_ =	swait.ge [sflag:s21], $0x3E80  }
0x190: {  	[sflag:s21] =	ssyncset.done $0x0  }
0x191: {  	s8 =	sadd.s32 $0x880, s7;
	[sflag:s21] =	ssyncadd.s32 $0xFFFFC180  }
0x192: {  	[tilespmem:s30], [sflag:$0x2] =	stream.indirect.gather [hbm4b:s18+s29], $0x80, s8, s29, $0xb8;
	[tilespmem:$0x1E880] =	vst v63  }
0x193: {  	_ =	swait.ge [sflag:s31], $0x3E80  }
0x194: {  	[sflag:s31] =	ssyncset.done $0x0  }
0x195: {  	s8 =	sor.u32 $0x2000, s7;
	[sflag:s31] =	ssyncadd.s32 $0xFFFFC180  }
0x196: {  	[spmem:s2] =	stream.indirect.scatter.add.f32 [tilespmem:s20], [sflag:$0x4], $0x80, s8, s29, $0xb8;
	[tilespmem:$0x1E880] =	vst v63  }
0x197: {  	_ =	swait.ge [sflag:s21], $0x3E80  }
0x198: {  	[sflag:s21] =	ssyncset.done $0x0  }
0x199: {  	s8 =	sadd.s32 $0x900, s7;
	[sflag:s21] =	ssyncadd.s32 $0xFFFFC180  }
0x19a: {  	[tilespmem:s20], [sflag:$0x1] =	stream.indirect.gather [hbm4b:s18+s29], $0x80, s8, s29, $0xb8;
	[tilespmem:$0x1E880] =	vst v63  }
0x19b: {  	_ =	swait.ge [sflag:s1], $0x3E80  }
0x19c: {  	[sflag:s1] =	ssyncset.done $0x0  }
0x19d: {  	s8 =	sadd.s32 $0x2080, s7;
	[sflag:s1] =	ssyncadd.s32 $0xFFFFC180  }
0x19e: {  	[spmem:s2] =	stream.indirect.scatter.add.f32 [tilespmem:s30], [sflag:$0x4], $0x80, s8, s29, $0xb8;
	[tilespmem:$0x1E880] =	vst v63  }
0x19f: {  	_ =	swait.ge [sflag:s21], $0x3E80  }
0x1a0: {  	[sflag:s21] =	ssyncset.done $0x0  }
0x1a1: {  	s8 =	sadd.s32 $0x980, s7;
	[sflag:s21] =	ssyncadd.s32 $0xFFFFC180  }
0x1a2: {  	[tilespmem:s30], [sflag:$0x2] =	stream.indirect.gather [hbm4b:s18+s29], $0x80, s8, s29, $0xb8;
	[tilespmem:$0x1E880] =	vst v63  }
0x1a3: {  	_ =	swait.ge [sflag:s31], $0x3E80  }
0x1a4: {  	[sflag:s31] =	ssyncset.done $0x0  }
0x1a5: {  	s8 =	sadd.s32 $0x2100, s7;
	[sflag:s31] =	ssyncadd.s32 $0xFFFFC180  }
0x1a6: {  	[spmem:s2] =	stream.indirect.scatter.add.f32 [tilespmem:s20], [sflag:$0x4], $0x80, s8, s29, $0xb8;
	[tilespmem:$0x1E880] =	vst v63  }
0x1a7: {  	_ =	swait.ge [sflag:s21], $0x3E80  }
0x1a8: {  	[sflag:s21] =	ssyncset.done $0x0  }
0x1a9: {  	[sflag:s21] =	ssyncadd.s32 $0xFFFFC180  }
0x1aa: {  	_ =	swait.ge [sflag:s1], $0x3E80  }
.Ltmp1:
0x1ab: {  	[sflag:s1] =	ssyncset.done $0x0;
	(pc) =	sbr.rel @p6 .LBB2_4-.Ltmp1, $4  }
0x1ac: {  	s7 =	sadd.s32 $0x2180, s7;
	[sflag:s1] =	ssyncadd.s32 $0xFFFFC180  }
0x1ad: {  	[spmem:s2] =	stream.indirect.scatter.add.f32 [tilespmem:s30], [sflag:$0x4], $0x80, s7, s29, $0xb8;
	[tilespmem:$0x1E880] =	vst v63  }
0x1ae: {  	_ =	swait.ge [sflag:s21], $0x3E80  }
0x1af: {  	s6 =	sadd.s32 $0x180, s6;
	[sflag:s21] =	ssyncset.done $0x0  }
0x1b0: {  	[sflag:s21] =	ssyncadd.s32 $0xFFFFC180;
	s5 =	sshll.u32 @!p4 s0, $0x6  }
0x1b1: {  	s6 =	simm.s32 @!p4 $0x4;
	[bflag:$0x0] =	sbarrier.arrive $0xFFFF;
	s5 =	sor.u32 @!p4 $0x1C04, s5  }
0x1b2: {  	[hbm:s12], [sflag:s5] =	dma.local @!p4 [spmem:s22], $0xC80  }
0x1b3: {  	_ =	swait.ge @!p4 [sflag:s6], $0xC80  }
0x1b4: {  	[sflag:s6] =	ssyncset.done @!p4 $0x0  }
0x1b5: {  	[sflag:s6] =	ssyncadd.s32 @!p4 $0xFFFFF380  }
0x1b6: {  	[hbm:s13], [sflag:s5] =	dma.local @!p4 [spmem:s23], $0xC80  }
0x1b7: {  	_ =	swait.ge @!p4 [sflag:s6], $0xC80  }
0x1b8: {  	s5 =	sshll.u32 @!p3 s0, $0x6;
	[sflag:s6] =	ssyncset.done @!p4 $0x0  }
0x1b9: {  	s5 =	sor.u32 @!p3 $0x1C04, s5;
	[sflag:s6] =	ssyncadd.s32 @!p4 $0xFFFFF380  }
0x1ba: {  	[hbm:s14], [sflag:s5] =	dma.local @!p3 [spmem:s24], $0xC80  }
0x1bb: {  	s5 =	simm.s32 @!p3 $0x4  }
0x1bc: {  	_ =	swait.ge @!p3 [sflag:s5], $0xC80  }
0x1bd: {  	s3 =	sadd.s32 $0x1, s3;
	s6 =	sshll.u32 @!p5 s0, $0x6;
	[sflag:s5] =	ssyncset.done @!p3 $0x0  }
0x1be: {  	p0 =	sne.s32 s3, s19;
	[sflag:s5] =	ssyncadd.s32 @!p3 $0xFFFFF380;
	s5 =	sor.u32 @!p5 $0x1C04, s6  }
0x1bf: {  	[hbm:s15], [sflag:s5] =	dma.local @!p5 [spmem:s25], $0xC80  }
.Ltmp2:
0x1c0: {  	_ = 	snop;
	(pc) =	sbr.rel @p0 .LBB2_1-.Ltmp2, $4  }
0x1c1: {  	s5 =	simm.s32 @!p5 $0x4  }
0x1c2: {  	_ =	swait.ge @!p5 [sflag:s5], $0xC80  }
0x1c3: {  	[sflag:s5] =	ssyncset.done @!p5 $0x0  }
0x1c4: {  	[sflag:s5] =	ssyncadd.s32 @!p5 $0xFFFFF380  }
0x1c5: {  	_ =	sfence.sel $0x180000  }
0x1c6: {  	[bflag:$0x0] =	sbarrier.arrive $0xFFFF  }
0x1c7: {  	_ =	strace $0x9000004D  }
0x1c8: {  	[bflag:$0x2] =	sbarrier.arrive $0xFFFF  }
0x1c9: {  	p0 =	sne.s32 s0, $0x0;
	s0 =	rddreg [dreg:$0x2]  }
0x1ca: {  	s0 =	sadd.s32 @!p0 $0x100000, s0  }
0x1cb: {  	[sflag:s0] =	ssyncadd.tile.s32 @!p0 $0x1;
	_ =	shalt  }
.Lfunc_end2:
_tile_overlayer_lowered:
.L_overlay_start_2:
0x1cc: {  	(tag) =	ssettag $0x2  }
0x1cd: {  	s0 =	rddreg [dreg:$0x0];
	s2 =	stileid.u32  }
0x1ce: {  	s1 =	rddreg [dreg:$0x1];
	p0 =	sne.s32 s2, $0x0  }
0x1cf: {  	s3 =	rddreg [dreg:$0x2];
	[bflag:$0x3] =	sbarrier.arrive $0xFFFF;
	s2 =	simm.s32 @!p0 $0x1C04  }
0x1d0: {  	[timem:s3], [sflag:s2] =	dma.local @!p0 [hbm:s0], s1  }
0x1d1: {  	s0 =	simm.s32 @!p0 $0x4  }
0x1d2: {  	_ =	swait.ge @!p0 [sflag:s0], s1  }
0x1d3: {  	s1 =	ssub.s32 @!p0 $0x0, s1;
	[sflag:s0] =	ssyncset.done @!p0 $0x0  }
0x1d4: {  	[sflag:s0] =	ssyncadd.s32 @!p0 s1  }
0x1d5: {  	[bflag:$0x3] =	sbarrier.arrive $0xFFFF  }
0x1d6: {  	_ =	shalt  }

// kernel: kernel.8.cloned.1.call-start
scs
__scs_entry_jumppad:
0x0: {  	(pc) =	sbr.rel $0x88, $3  }
0x1: {  	(tag) =	ssettag $0x0;
	lr =	simm.s32 $0x1  }
0x2: {  	[smem:$0x3F7D] =	sst lr;
	_ =	strace $0xD0000000  }
0x3: {  	_ = 	snop  }
0x4: {  	_ = 	snop  }
0x5: {  	_ = 	snop  }
0x6: {  	_ = 	snop  }
0x7: {  	_ = 	snop  }
__scs_overlays_trampoline_lowered:
0x8: {  	[smem:$0x3F8C] =	sst s0  }
0x9: {  	[smem:$0x3F8D] =	sst s1  }
0xa: {  	[smem:$0x3F8E] =	sst s2  }
0xb: {  	[smem:$0x3F8F] =	sst s3  }
0xc: {  	[smem:$0x3F90] =	sst s4  }
0xd: {  	[smem:$0x3F91] =	sst s5  }
0xe: {  	[smem:$0x3F92] =	sst s6  }
0xf: {  	[smem:$0x3F93] =	sst s7  }
0x10: {  	[smem:$0x3F94] =	sst s8  }
0x11: {  	[smem:$0x3F95] =	sst s9;
	s0 =	simm.s32 @!p0 $0x0  }
0x12: {  	s1 =	sld [smem:$0x3F7B];
	s0 =	simm.s32 @p0 $0x1  }
0x13: {  	[smem:$0x3F96] =	sst s0;
	s0 =	simm.s32 @!p1 $0x0  }
0x14: {  	s2 =	sld [smem:$0x3F7A];
	s0 =	simm.s32 @p1 $0x1  }
0x15: {  	[smem:$0x3F97] =	sst s0;
	s0 =	simm.s32 @!p2 $0x0  }
0x16: {  	s3 =	sld [smem:$0x3FDB];
	s0 =	simm.s32 @p2 $0x1  }
0x17: {  	s4 =	simm.s32 $0x1BF5;
	[smem:$0x3F99] =	sst s0  }
0x18: {  	s0 =	sld [smem:$0x3F7C];
	_ =	swait.ge [sflag:s4], $0x0  }
0x19: {  	s7 =	sld [smem:$0x3F7D]  }
0x1a: {  	s8 =	sadd.s32 $0xFFFFE003, lr  }
0x1b: {  	s9 =	sadd.s32 $0xFFFFFEF7, lr;
	s5 =	simm.s32 $0xFFFFFFFF;
	p2 =	slt.u32 s8, $0xFFFFF086  }
0x1c: {  	p1 =	slt.u32 s9, $0xF7A;
	s5 =	simm.s32 @!p2 $0x0  }
0x1d: {  	s5 =	simm.s32 @p1 $0x1;
	p0 =	seq.s32 s7, s2  }
0x1e: {  	s7 =	smul.u32 @!p0 $0xF7A, s2;
	p2 =	seq.s32 @!p0 s5, $0x0  }
0x1f: {  	s9 =	smul.u32 $0xF7A, s1;
	s8 =	simm.s32 @!p0 $0x1BF5;
	p2 =	por !p2, p0  }
0x20: {  	[sflag:s8] =	ssyncset.s32 @!p0 $0xFFFFF086;
	s6 =	sadd.s32 @!p0 s3, s7;
	s7 =	simm.s32 @!p0 $0x108  }
0x21: {  	s3 =	sadd.s32 s3, s9;
	s6 =	sadd.s32 @!p0 $0x88, s6;
	s7 =	simm.s32 @p2 $0x1082  }
0x22: {  	[simem:s7], [sflag:s8] =	dma.local @!p0 [hbm:s6], $0xF7A  }
0x23: {  	s9 =	sor.u32 $0xD0000000, s2;
	s6 =	simm.s32 $0x108;
	_ =	swait.ge @!p0 [sflag:s8], $0x0  }
0x24: {  	s3 =	sadd.s32 $0x88, s3;
	s6 =	simm.s32 @!p1 $0x1082;
	[sflag:s4] =	ssyncset.s32 $0xFFFFF086  }
0x25: {  	[simem:s6], [sflag:s4] =	dma.local [hbm:s3], $0xF7A  }
0x26: {  	[smem:$0x3F7D] =	sst s1;
	(tag) =	ssettag s2;
	_ =	strace s9  }
0x27: {  	s1 =	sld [smem:$0x3F8D]  }
0x28: {  	s2 =	sld [smem:$0x3F8E]  }
0x29: {  	s4 =	sld [smem:$0x3F90]  }
0x2a: {  	p0 =	seq.s32 s5, $0x0;
	s5 =	sld [smem:$0x3F91]  }
0x2b: {  	s6 =	sld [smem:$0x3F92]  }
0x2c: {  	s7 =	sld [smem:$0x3F93]  }
0x2d: {  	s3 =	simm.s32 $0x108;
	s8 =	sld [smem:$0x3F94]  }
0x2e: {  	s3 =	simm.s32 @!p0 $0x1082;
	s9 =	sld [smem:$0x3F95]  }
0x2f: {  	lr =	sadd.s32 s0, s3;
	s0 =	sld [smem:$0x3F8C]  }
0x30: {  	s3 =	sld [smem:$0x3F8F]  }
0x31: {  	[smem:$0x3F98] =	sst s10  }
0x32: {  	s10 =	sld [smem:$0x3F96];
	_ =	sdelay $0x3  }
0x33: {  	p0 =	seq.s32 s10, $0x1;
	s10 =	sld [smem:$0x3F98];
	_ =	sdelay $0x3  }
0x34: {  	[smem:$0x3F98] =	sst s10  }
0x35: {  	s10 =	sld [smem:$0x3F97];
	_ =	sdelay $0x3  }
0x36: {  	p1 =	seq.s32 s10, $0x1;
	s10 =	sld [smem:$0x3F98];
	_ =	sdelay $0x3  }
0x37: {  	[smem:$0x3F98] =	sst s10  }
0x38: {  	s10 =	sld [smem:$0x3F99]  }
0x39: {  	_ = 	snop;
	(pc) =	sbr.ind lr, $3  }
0x3a: {  	_ = 	snop  }
0x3b: {  	_ = 	snop  }
0x3c: {  	p2 =	seq.s32 s10, $0x1;
	s10 =	sld [smem:$0x3F98]  }
0x3d: {  	_ =	shalt  }
0x3e: {  	_ =	shalt  }
0x3f: {  	_ =	shalt  }
0x40: {  	_ =	shalt  }
0x41: {  	_ =	shalt  }
0x42: {  	_ =	shalt  }
0x43: {  	_ =	shalt  }
0x44: {  	_ =	shalt  }
0x45: {  	_ =	shalt  }
0x46: {  	_ =	shalt  }
0x47: {  	_ =	shalt  }
0x48: {  	_ =	shalt  }
0x49: {  	_ =	shalt  }
0x4a: {  	_ =	shalt  }
0x4b: {  	_ =	shalt  }
0x4c: {  	_ =	shalt  }
0x4d: {  	_ =	shalt  }
0x4e: {  	_ =	shalt  }
0x4f: {  	_ =	shalt  }
0x50: {  	_ =	shalt  }
0x51: {  	_ =	shalt  }
0x52: {  	_ =	shalt  }
0x53: {  	_ =	shalt  }
0x54: {  	_ =	shalt  }
0x55: {  	_ =	shalt  }
0x56: {  	_ =	shalt  }
0x57: {  	_ =	shalt  }
0x58: {  	_ =	shalt  }
0x59: {  	_ =	shalt  }
0x5a: {  	_ =	shalt  }
0x5b: {  	_ =	shalt  }
0x5c: {  	_ =	shalt  }
0x5d: {  	_ =	shalt  }
0x5e: {  	_ =	shalt  }
0x5f: {  	_ =	shalt  }
0x60: {  	_ =	shalt  }
0x61: {  	_ =	shalt  }
0x62: {  	_ =	shalt  }
0x63: {  	_ =	shalt  }
0x64: {  	_ =	shalt  }
0x65: {  	_ =	shalt  }
0x66: {  	_ =	shalt  }
0x67: {  	_ =	shalt  }
0x68: {  	_ =	shalt  }
0x69: {  	_ =	shalt  }
0x6a: {  	_ =	shalt  }
0x6b: {  	_ =	shalt  }
0x6c: {  	_ =	shalt  }
0x6d: {  	_ =	shalt  }
0x6e: {  	_ =	shalt  }
0x6f: {  	_ =	shalt  }
0x70: {  	_ =	shalt  }
0x71: {  	_ =	shalt  }
0x72: {  	_ =	shalt  }
0x73: {  	_ =	shalt  }
0x74: {  	_ =	shalt  }
0x75: {  	_ =	shalt  }
0x76: {  	_ =	shalt  }
0x77: {  	_ =	shalt  }
0x78: {  	_ =	shalt  }
0x79: {  	_ =	shalt  }
0x7a: {  	_ =	shalt  }
0x7b: {  	_ =	shalt  }
0x7c: {  	_ =	shalt  }
0x7d: {  	_ =	shalt  }
0x7e: {  	_ =	shalt  }
0x7f: {  	_ =	shalt  }
0x80: {  	_ =	shalt  }
0x81: {  	_ =	shalt  }
0x82: {  	_ =	shalt  }
0x83: {  	_ =	shalt  }
0x84: {  	_ =	shalt  }
0x85: {  	_ =	shalt  }
0x86: {  	_ =	shalt  }
0x87: {  	_ =	shalt  }
.Lfunc_end0:
.L_simem_size_0:
called_computation_lowered:
.L_overlay_start_0:
0x88: {  	s2 =	sld [smem:$0x3FD9]  }
0x89: {  	s3 =	sld [smem:$0x3FFE];
	_ =	sdelay $0x1  }
0x8a: {  	s1 =	srdreg.scid  }
0x8b: {  	s0 =	sand.u32 $0x1, s1  }
0x8c: {  	s14 =	sshll.u32 s0, $0xA;
	s2 =	sadd.s32 s3, s2  }
0x8d: {  	s2 =	sadd.s32 s2, s14  }
0x8e: {  	[smem:$0x3FA4] =	sst s2  }
0x8f: {  	_ = 	snop  }
0x90: {  	s2 =	sld [smem:$0x3FD0];
	_ =	sdelay $0x2  }
0x91: {  	s4 =	simm.s32 $0xA;
	s5 =	simm.s32 $0x10;
	s15 =	sld [smem:$0x3FC6]  }
0x92: {  	[smem:s5], [sflag:s4] =	dma.local [hbm:s2], $0x1  }
0x93: {  	_ =	swait.eq [sflag:s4], $0x1  }
0x94: {  	[sflag:s4] =	ssyncset.done $0x0  }
0x95: {  	s16 =	sld [smem:$0x10];
	[sflag:s4] =	ssyncadd.s32 $0xFFFFFFFF  }
0x96: {  	s17 =	sld [smem:$0x12];
	(tm) =	ssettm $0x1  }
0x97: {  	s18 =	sld [smem:$0x3FFB];
	_ =	sdelay $0x3  }
0x98: {  	_ =	strace s18  }
0x99: {  	s5 =	sld [smem:$0x3FFC];
	_ =	sdelay $0x3  }
0x9a: {  	_ =	strace s5  }
0x9b: {  	s5 =	sld [smem:$0x3FFD];
	_ =	sdelay $0x3  }
0x9c: {  	_ =	strace s5  }
0x9d: {  	_ =	strace $0x8FFFFFFF  }
0x9e: {  	s19 =	sld [smem:$0x3FDB];
	_ =	sdelay $0x1  }
0x9f: {  	s6 =	simm.s32 $_scs_section_size  }
0xa0: {  	s7 =	simm.s32 $_size__tile_overlayer_lowered;
	s8 =	simm.s32 $_tile_overlayer_lowered  }
0xa1: {  	s22 =	simm.s32 $0x1BFF;
	s21 =	sshll.u32 s8, $0x1;
	s5 =	sadd.s32 s6, s19  }
0xa2: {  	s9 =	simm.s32 $0x0;
	s20 =	sshll.u32 s7, $0x1;
	s7 =	sadd.s32 s21, s5  }
0xa3: {  	[timem:s9], [sflag:s22] =	dma.local [hbm:s7], s20  }
0xa4: {  	_ =	swait.ge [sflag:s22], s20  }
0xa5: {  	s6 =	ssub.s32 $0x0, s20;
	[sflag:s22] =	ssyncset.done $0x0  }
0xa6: {  	[sflag:s22] =	ssyncadd.s32 s6;
	_ =	sdelay $0x1  }
0xa7: {  	s23 =	simm.s32 $0x1B8B  }
0xa8: {  	_ =	swait.ge [sflag:s23], $0x1  }
0xa9: {  	[sflag:s23] =	ssyncset.done $0x0  }
0xaa: {  	s25 =	simm.s32 $0x1B8E;
	s24 =	sld [smem:$0x3FFE];
	[sflag:s23] =	ssyncadd.s32 $0xFFFFFFFF  }
0xab: {  	s26 =	simm.s32 $execute0_lowered;
	[smem:$0x3FD2] =	sst s25  }
0xac: {  	s7 =	sshll.u32 s26, $0x1;
	_ =	strace $0x80000046;
	[dreg:$0x1] =	wrdreg $0xFFFFFFFF  }
0xad: {  	s28 =	simm.s32 $_size_execute0_lowered;
	s5 =	sadd.s32 s5, s7;
	[dreg:$0x0] =	wrdreg $0x0  }
0xae: {  	s7 =	sshll.u32 s28, $0x1;
	[dreg:$0x2] =	wrdreg s5  }
0xaf: {  	[dreg:$0x3] =	wrdreg s7  }
0xb0: {  	[dreg:$0x4] =	wrdreg $0xC0  }
0xb1: {  	_ =	task [dreg:s9], $0x5FFFF  }
0xb2: {  	[dreg:$0x1] =	wrdreg $0xFFFFFFFF  }
0xb3: {  	[dreg:$0x0] =	wrdreg $0x60  }
0xb4: {  	[dreg:$0x2] =	wrdreg s24  }
0xb5: {  	[dreg:$0x3] =	wrdreg s16  }
0xb6: {  	[dreg:$0x4] =	wrdreg s15  }
0xb7: {  	[dreg:$0x5] =	wrdreg s17  }
0xb8: {  	[dreg:$0x6] =	wrdreg $0x71000  }
0xb9: {  	[dreg:$0x7] =	wrdreg $0x10D400  }
0xba: {  	[dreg:$0x8] =	wrdreg $0x9  }
0xbb: {  	_ =	task.clear_ibuf [dreg:s9], $0x9FFFF;
	_ =	strace $0x90000046  }
0xbc: {  	s29 =	simm.s32 $0x9;
	_ =	strace $0x80000048  }
0xbd: {  	_ =	swait.ge [sflag:s29], $0x1  }
0xbe: {  	[sflag:s29] =	ssyncadd.s32 $0xFFFFFFFF  }
0xbf: {  	_ =	strace $0x90000048  }
0xc0: {  	_ =	sfence  }
0xc1: {  	s30 =	sld [smem:$0x0];
	_ =	sdelay $0x2  }
0xc2: {  	s31 =	sshll.u32 s1, $0xD;
	s1 =	sshrl.u32 s1, $0x2  }
0xc3: {  	s3 =	sand.u32 $0x4000, s31;
	s1 =	sadd.s32 s1, s30  }
0xc4: {  	s0 =	sor.u32 s3, s0;
	s1 =	sshll.u32 s1, $0x11  }
0xc5: {  	s0 =	sor.u32 s1, s0  }
0xc6: {  	s0 =	sadd.s32 $0x8F2B, s0  }
0xc7: {  	[sflag:s0] =	ssyncadd.remote.s32 $0x1  }
0xc8: {  	_ =	sfence.sel $0xFFFF  }
0xc9: {  	[dreg:$0x0] =	wrdreg $0xFFFFFFFF;
	(pc) =	sbr.abs _section_cstart, $3  }
0xca: {  	[dreg:$0x1] =	wrdreg $0xFFFFFFFF  }
0xcb: {  	_ =	task.clear_ibuf [dreg:s9], $0x2FFFF;
	_ =	strace $0x9FFFFFFF  }
0xcc: {  	(tm) =	ssettm $0x7FFFFFFF  }
0xcd: {  	_ =	shalt  }
tec
execute0_lowered:
.L_overlay_start_1:
0x0: {  	(tag) =	ssettag $0x1  }
0x1: {  	s2 =	rddreg [dreg:$0x0]  }
0x2: {  	s5 =	rddreg [dreg:$0x1]  }
0x3: {  	s1 =	rddreg [dreg:$0x2]  }
0x4: {  	s6 =	rddreg [dreg:$0x3];
	s0 =	srdreg.scid  }
0x5: {  	s17 =	stileid.u32;
	s3 =	rddreg [dreg:$0x4]  }
0x6: {  	s4 =	rddreg [dreg:$0x5];
	s7 =	sand.u32 $0x1, s0;
	s0 =	smul.u32 $0x7D0, s17  }
0x7: {  	s9 =	simm.s32 $0x0;
	s28 =	simm.s32 $0x3;
	s12 =	smul.u32 $0x28000, s17  }
0x8: {  	s29 =	simm.s32 $0x50;
	s30 =	simm.s32 $0x4100;
	s20 =	smul.u32 $0x1900, s17  }
0x9: {  	s31 =	simm.s32 $0x1;
	[smem:$0x7FF] =	sst s9;
	s23 =	smul.u32 $0xA00, s17  }
0xa: {  	s10 =	sadd.s32 $0x4C00, s2;
	s13 =	sshll.u32 s17, $0x3;
	s25 =	smul.u32 $0x1F40, s17  }
0xb: {  	p3 =	seq.s32 s17, $0xF;
	p4 =	sgt.u32 s17, $0x4;
	p5 =	sgt.u32 s17, $0xC  }
0xc: {  	s8 =	smul.u32 $0x2710, s7;
	_ =	strace $0x80000047;
	[dreg:$0xb] =	wrdreg s10  }
0xd: {  	s14 =	ssub.s32 $0x2, s7;
	s19 =	smul.u32 $0x13880, s7;
	s9 =	sshrl.u32 s12, $0x2  }
0xe: {  	s11 =	sshrl.u32 s14, $0x1;
	s8 =	sadd.s32 s0, s8;
	s18 =	sadd.s32 s9, s3  }
0xf: {  	s10 =	ssub.s32 s14, s11;
	s0 =	sadd.s32 s0, s4;
	[dreg:$0xc] =	wrdreg s18  }
0x10: {  	s8 =	sshrl.u32 s8, $0x3;
	s16 =	sadd.s32 $0x1400, s18;
	[dreg:$0x1a] =	wrdreg s0  }
0x11: {  	s12 =	sadd.s32 $0x2800, s18;
	s14 =	sadd.s32 $0x3C00, s18;
	[dreg:$0xd] =	wrdreg s16  }
0x12: {  	s21 =	sadd.s32 $0x5000, s18;
	s26 =	sadd.s32 $0x6400, s18;
	[dreg:$0xe] =	wrdreg s12  }
0x13: {  	s18 =	simm.s32 $0x900;
	s2 =	sadd.s32 s8, s2;
	[dreg:$0xf] =	wrdreg s14  }
0x14: {  	s8 =	sor.u32 $0x6, s13;
	s13 =	sshllo.u32 s17, $0x1;
	[dreg:$0x10] =	wrdreg s21  }
0x15: {  	s16 =	smul.u32 $0xA000, s7;
	s12 =	sadd.s32 s20, s19;
	[dreg:$0x13] =	wrdreg s26  }
0x16: {  	s14 =	sshll.u32 s7, $0x4;
	[dreg:$0x9] =	wrdreg s18;
	s20 =	simm.s32 $0x980  }
0x17: {  	s26 =	smax.u32 s10, $0x1;
	s10 =	simm.s32 $0x1880;
	s15 =	smul.u32 $0x5000, s8  }
0x18: {  	s7 =	simm.s32 $0xD80;
	s22 =	smul.u32 $0xC80, s13;
	s12 =	sadd.s32 s6, s12  }
0x19: {  	p0 =	sgt.u32 s8, $0x7C;
	[dreg:$0xa] =	wrdreg s20;
	s21 =	smul.u32 $0x19000, s13  }
0x1a: {  	p2 =	sgt.u32 s13, $0x18;
	[dreg:$0x1c] =	wrdreg s26;
	s26 =	simm.s32 $0x1900  }
0x1b: {  	s8 =	simm.s32 $0x2;
	s20 =	simm.s32 $0xF80;
	s5 =	sadd.s32 s16, s5  }
0x1c: {  	[dreg:$0x11] =	wrdreg s12;
	s12 =	smul.u32 $0x2710, s17;
	s16 =	simm.s32 $0x880  }
0x1d: {  	s9 =	sshrl.u32 s15, $0x2;
	s15 =	sshllo.u32 s17, $0x3;
	s11 =	sadd.s32 s19, s22  }
0x1e: {  	s5 =	sadd.s32 s23, s5;
	[dreg:$0x8] =	wrdreg s16;
	s19 =	smul.u32 $0x32000, s17  }
0x1f: {  	s23 =	sshrl.u32 s21, $0x2;
	s16 =	simm.s32 $0xD00;
	[dreg:$0x7] =	wrdreg s5  }
0x20: {  	s24 =	smul.u32 $0x5000, s15;
	s6 =	sadd.s32 s6, s11;
	[dreg:$0x15] =	wrdreg s12  }
0x21: {  	s9 =	sadd.s32 s9, s3;
	p1 =	sgt.u32 s15, $0x7C;
	[dreg:$0x12] =	wrdreg s6  }
0x22: {  	s5 =	sor.u32 s17, s14;
	[dreg:$0x14] =	wrdreg s9;
	s6 =	sshrl.u32 s25, $0x2  }
0x23: {  	s5 =	smul.u32 $0x2710, s5;
	s22 =	sshrl.u32 s19, $0x2;
	s25 =	sadd.s32 $0xEA00, s2  }
0x24: {  	s2 =	simm.s32 $0x1800;
	s6 =	sadd.s32 s6, s4;
	[dreg:$0x1b] =	wrdreg s25  }
0x25: {  	s19 =	simm.s32 $0xF00;
	s11 =	sshrl.u32 s24, $0x2;
	[dreg:$0x17] =	wrdreg s6  }
0x26: {  	s24 =	sadd.s32 $0x780, s12;
	s12 =	simm.s32 $0x1100;
	[dreg:$0x18] =	wrdreg s5  }
0x27: {  	s9 =	sadd.s32 s11, s3;
	[dreg:$0x19] =	wrdreg s24;
	s5 =	sadd.s32 s22, s3  }
0x28: {  	s6 =	sadd.s32 s23, s3;
	[dreg:$0x16] =	wrdreg s9;
	s0 =	sshrl.u32 @!p5 s5, $0x3  }
0x29: {  	s11 =	simm.s32 $0x1080;
	[dreg:$0x1d] =	wrdreg s0;
	s0 =	sshrl.u32 @!p2 s6, $0x3  }
0x2a: {  	v0 =	vimm.f32 $0.0e+00;
	v1 =	vimm.f32 $1.000000000e+00;
	s9 =	simm.s32 $0x1180;
	[dreg:$0x1e] =	wrdreg s0;
	s0 =	simm.s32 $0x0  }
.LBB2_1:
0x2b: {  	[dreg:$0x1f] =	wrdreg s0;
	s13 =	simm.s32 $0x0;
	s14 =	simm.s32 $0x200  }
.LBB2_2:
0x2c: {  	p6 =	sne.s32 s14, $0x9E00;
	[tilespmem:s13+$0x1970] =	vst v0  }
0x2d: {  	[tilespmem:s13+$0x1900] =	vst v0  }
0x2e: {  	[tilespmem:s13+$0x1910] =	vst v0  }
.Ltmp0:
0x2f: {  	[tilespmem:s13+$0x1920] =	vst v0;
	(pc) =	sbr.rel @p6 .LBB2_2-.Ltmp0, $4  }
0x30: {  	[tilespmem:s13+$0x1930] =	vst v0  }
0x31: {  	[tilespmem:s13+$0x1940] =	vst v0  }
0x32: {  	[tilespmem:s13+$0x1950] =	vst v0  }
0x33: {  	[tilespmem:s13+$0x1960] =	vst v0;
	s13 =	sshra.s32 s14, $0x2;
	s14 =	sadd.s32 $0x200, s14  }
0x34: {  	[tilespmem:s13+$0x1970] =	vst v0  }
0x35: {  	[tilespmem:s13+$0x1900] =	vst v0  }
0x36: {  	[tilespmem:s13+$0x1910] =	vst v0  }
0x37: {  	[tilespmem:s13+$0x1920] =	vst v0  }
0x38: {  	[tilespmem:s13+$0x1930] =	vst v0  }
0x39: {  	[tilespmem:s13+$0x1940] =	vst v0  }
0x3a: {  	[tilespmem:s13+$0x1950] =	vst v0  }
0x3b: {  	[tilespmem:s13+$0x1960] =	vst v0;
	s13 =	simm.s32 $0x40;
	s14 =	simm.s32 $0x0;
	s0 =	simm.s32 $0x800  }
.LBB2_4:
0x3c: {  	p6 =	sne.s32 s13, $0x1F00;
	[tilespmem:s14+$0x6900] =	vst v0;
	s14 =	smov.u32 s13;
	s13 =	sadd.s32 $0x40, s13  }
.Ltmp1:
0x3d: {  	(pc) =	sbr.rel @p6 .LBB2_4-.Ltmp1, $2  }
0x3e: {  	_ =	sdelay $0x2  }
0x3f: {  	s14 =	sshra.s32 s14, $0x2  }
0x40: {  	[tilespmem:s14+$0x6900] =	vst v0  }
0x41: {  	[tilespmem:$0x1880] =	vst v1  }
0x42: {  	[tilespmem:$0x1890] =	vst v1  }
0x43: {  	[tilespmem:$0x18A0] =	vst v1  }
0x44: {  	[tilespmem:$0x18B0] =	vst v1  }
0x45: {  	s13 =	rddreg [dreg:$0xc];
	[tilespmem:$0x18C0] =	vst v1  }
0x46: {  	[spmem:s13] =	stream.linear.scatter [tilespmem:s26], [sflag:$0x3], $0x1400, $0x38;
	[tilespmem:$0x10FB8] =	vst v63  }
0x47: {  	_ =	swait.ge [sflag:s28], $0x1400  }
0x48: {  	[sflag:s28] =	ssyncset.done $0x0  }
0x49: {  	s22 =	rddreg [dreg:$0xd];
	[sflag:s28] =	ssyncadd.s32 $0xFFFFEC00  }
0x4a: {  	[spmem:s22] =	stream.linear.scatter [tilespmem:s26], [sflag:$0x3], $0x1400, $0x38;
	[tilespmem:$0x10FB8] =	vst v63  }
0x4b: {  	_ =	swait.ge [sflag:s28], $0x1400  }
0x4c: {  	[sflag:s28] =	ssyncset.done $0x0  }
0x4d: {  	s23 =	rddreg [dreg:$0xe];
	[sflag:s28] =	ssyncadd.s32 $0xFFFFEC00  }
0x4e: {  	[spmem:s23] =	stream.linear.scatter [tilespmem:s26], [sflag:$0x3], $0x1400, $0x38;
	[tilespmem:$0x10FB8] =	vst v63  }
0x4f: {  	_ =	swait.ge [sflag:s28], $0x1400  }
0x50: {  	[sflag:s28] =	ssyncset.done $0x0  }
0x51: {  	s24 =	rddreg [dreg:$0xf];
	[sflag:s28] =	ssyncadd.s32 $0xFFFFEC00  }
0x52: {  	[spmem:s24] =	stream.linear.scatter [tilespmem:s26], [sflag:$0x3], $0x1400, $0x38;
	[tilespmem:$0x10FB8] =	vst v63  }
0x53: {  	_ =	swait.ge [sflag:s28], $0x1400  }
0x54: {  	[sflag:s28] =	ssyncset.done $0x0  }
0x55: {  	s25 =	rddreg [dreg:$0x10];
	[sflag:s28] =	ssyncadd.s32 $0xFFFFEC00  }
0x56: {  	[spmem:s25] =	stream.linear.scatter [tilespmem:s26], [sflag:$0x3], $0x1400, $0x38;
	[tilespmem:$0x10FB8] =	vst v63  }
0x57: {  	_ =	swait.ge [sflag:s28], $0x1400  }
0x58: {  	[sflag:s28] =	ssyncset.done $0x0  }
0x59: {  	s13 =	simm.s32 @!p3 $0x1900;
	s14 =	rddreg [dreg:$0x13];
	[sflag:s28] =	ssyncadd.s32 $0xFFFFEC00  }
0x5a: {  	[spmem:s14] =	stream.linear.scatter @!p3 [tilespmem:s13], [sflag:$0x3], $0x1400, $0x38;
	[tilespmem:$0x10FB8] =	vst v63  }
0x5b: {  	s13 =	simm.s32 @!p3 $0x3  }
0x5c: {  	_ =	swait.ge @!p3 [sflag:s13], $0x1400  }
0x5d: {  	[sflag:s13] =	ssyncset.done @!p3 $0x0  }
0x5e: {  	s14 =	rddreg [dreg:$0x14];
	[sflag:s13] =	ssyncadd.s32 @!p3 $0xFFFFEC00;
	s13 =	simm.s32 @!p0 $0x1900  }
0x5f: {  	[spmem:s14] =	stream.linear.scatter @!p0 [tilespmem:s13], [sflag:$0x3], $0x1400, $0x38;
	[tilespmem:$0x10FB8] =	vst v63  }
0x60: {  	s13 =	simm.s32 @!p0 $0x3  }
0x61: {  	_ =	swait.ge @!p0 [sflag:s13], $0x1400  }
0x62: {  	[sflag:s13] =	ssyncset.done @!p0 $0x0  }
0x63: {  	s14 =	rddreg [dreg:$0x16];
	[sflag:s13] =	ssyncadd.s32 @!p0 $0xFFFFEC00;
	s13 =	simm.s32 @!p1 $0x1900  }
0x64: {  	[spmem:s14] =	stream.linear.scatter @!p1 [tilespmem:s13], [sflag:$0x3], $0x1400, $0x38;
	[tilespmem:$0x10FB8] =	vst v63  }
0x65: {  	s13 =	simm.s32 @!p1 $0x3  }
0x66: {  	_ =	swait.ge @!p1 [sflag:s13], $0x1400  }
0x67: {  	[sflag:s13] =	ssyncset.done @!p1 $0x0  }
0x68: {  	s14 =	rddreg [dreg:$0x17];
	[sflag:s13] =	ssyncadd.s32 @!p1 $0xFFFFEC00;
	s13 =	simm.s32 @!p4 $0x6900  }
0x69: {  	[spmem:s14] =	stream.linear.scatter @!p4 [tilespmem:s13], [sflag:$0x3], $0x7D0, $0x38;
	[tilespmem:$0x10FB8] =	vst v63  }
0x6a: {  	s13 =	simm.s32 @!p4 $0x3  }
0x6b: {  	_ =	swait.ge @!p4 [sflag:s13], $0x7D0  }
0x6c: {  	[sflag:s13] =	ssyncset.done @!p4 $0x0  }
0x6d: {  	[sflag:s13] =	ssyncadd.s32 @!p4 $0xFFFFF830  }
0x6e: {  	[bflag:$0x0] =	sbarrier.arrive $0xFFFF  }
0x6f: {  	s5 =	simm.s32 $0x0;
	s14 =	simm.s32 $0x0;
	s13 =	rddreg [dreg:$0x15]  }
.LBB2_6:
0x70: {  	s6 =	smul.u32 $0x7D0, s14  }
0x71: {  	s15 =	rddreg [dreg:$0x18]  }
0x72: {  	s15 =	sadd.s32 s15, s6  }
0x73: {  	s17 =	rddreg [dreg:$0xb];
	s15 =	sshrl.u32 s15, $0x3  }
0x74: {  	s15 =	sadd.s32 s17, s15  }
0x75: {  	[tilespmem:s5], [sflag:$0x3] =	stream.linear.gather [hbm4b:s15+s5], $0x7D0, $0x38;
	[tilespmem:$0x10FB8] =	vst v63  }
0x76: {  	_ =	swait.ge [sflag:s28], $0x7D0  }
0x77: {  	[sflag:s28] =	ssyncset.done $0x0  }
0x78: {  	s15 =	sadd.s32 $0x0, s13;
	[sflag:s28] =	ssyncadd.s32 $0xFFFFF830  }
0x79: {  	[tilespmem:s26], [sflag:$0x1] =	stream.indirect.gather [hbm4b:s1+s29], $0x80, s5, s29, $0xb8;
	[tilespmem:$0x10FB8] =	vst v63  }
0x7a: {  	s25 =	simm.s32 $0x50;
	s18 =	sadd.s32 $0x30, s15;
	s21 =	sadd.s32 $0x40, s15  }
0x7b: {  	v2 =	vmov s18;
	[tilespmem:s30], [sflag:$0x2] =	stream.indirect.gather [hbm4b:s1+s29], $0x80, s25, s29, $0xb8;
	[tilespmem:$0x10FB8] =	vst v63  }
0x7c: {  	s18 =	sadd.s32 $0x20, s15;
	v3 =	vmov s21;
	v2 =	vshra.s32 v2, $0x5;
	_ =	swait.ge [sflag:s31], $0x2800  }
0x7d: {  	v4 =	vmov s18;
	v3 =	vshra.s32 v3, $0x5;
	v2 =	vbroadcast v2, $0x0;
	[sflag:s31] =	ssyncset.done $0x0  }
0x7e: {  	v5 =	vmov s15;
	s22 =	sadd.s32 $0x10, s15;
	v4 =	vshra.s32 v4, $0x5;
	v3 =	vbroadcast v3, $0x0;
	[sflag:s31] =	ssyncadd.s32 $0xFFFFD800  }
0x7f: {  	v6 =	vmov s22;
	v5 =	vshra.s32 v5, $0x5;
	v4 =	vbroadcast v4, $0x0;
	[tilespmem:$0x1830] =	vst v2  }
0x80: {  	v5 =	vbroadcast v5, $0x0;
	v2 =	vshra.s32 v6, $0x5;
	[tilespmem:$0x1840] =	vst v3  }
0x81: {  	[tilespmem:$0x1820] =	vst v4;
	v2 =	vbroadcast v2, $0x0  }
0x82: {  	[tilespmem:$0x1800] =	vst v5  }
0x83: {  	[tilespmem:$0x1810] =	vst v2  }
0x84: {  	[spmem:s3] =	stream.indirect.scatter.add.f32 [tilespmem:s26], [sflag:$0x3], $0x80, s2, s29, $0xb8;
	[tilespmem:$0x10FB8] =	vst v63  }
0x85: {  	s17 =	simm.s32 $0xA0;
	s24 =	sadd.s32 $0x90, s15;
	_ =	swait.ge [sflag:s28], $0x2800  }
0x86: {  	s22 =	sadd.s32 $0x70, s15;
	s25 =	sadd.s32 $0x60, s15;
	[sflag:s28] =	ssyncset.done $0x0  }
0x87: {  	s23 =	sadd.s32 $0x50, s15;
	s15 =	sadd.s32 $0x80, s15;
	v3 =	vmov s24;
	v4 =	vmov s22;
	v5 =	vmov s25;
	[sflag:s28] =	ssyncadd.s32 $0xFFFFD800  }
0x88: {  	v6 =	vmov s15;
	v3 =	vshra.s32 v3, $0x5;
	v2 =	vmov s23;
	[tilespmem:s26], [sflag:$0x1] =	stream.indirect.gather [hbm4b:s1+s29], $0x80, s17, s29, $0xb8;
	[tilespmem:$0x10FB8] =	vst v63  }
0x89: {  	s15 =	sadd.s32 $0xA0, s13;
	v4 =	vshra.s32 v4, $0x5;
	v7 =	vshra.s32 v5, $0x5;
	v2 =	vshra.s32 v2, $0x5;
	_ =	swait.ge [sflag:s8], $0x2800  }
0x8a: {  	v6 =	vshra.s32 v6, $0x5;
	v5 =	vmov s15;
	s24 =	sadd.s32 $0x20, s15;
	s25 =	sadd.s32 $0x50, s15;
	v2 =	vbroadcast v2, $0x0;
	[sflag:s8] =	ssyncset.done $0x0  }
0x8b: {  	v9 =	vmov s24;
	v3 =	vbroadcast v3, $0x0;
	v11 =	vmov s25;
	s23 =	sadd.s32 $0x10, s15;
	[sflag:s8] =	ssyncadd.s32 $0xFFFFD800  }
0x8c: {  	v5 =	vshra.s32 v5, $0x5;
	v7 =	vbroadcast v7, $0x0;
	v8 =	vmov s23;
	[tilespmem:$0x1800] =	vst v2  }
0x8d: {  	v6 =	vbroadcast v6, $0x0;
	s23 =	sadd.s32 $0x60, s15;
	v2 =	vbroadcast v4, $0x0;
	v4 =	vshra.s32 v8, $0x5;
	[tilespmem:$0x1840] =	vst v3  }
0x8e: {  	s18 =	sadd.s32 $0x40, s15;
	s25 =	sadd.s32 $0x80, s15;
	v8 =	vshra.s32 v9, $0x5;
	[tilespmem:$0x1810] =	vst v7;
	v7 =	vmov s23;
	v3 =	vbroadcast v4, $0x0  }
0x8f: {  	s21 =	sadd.s32 $0x30, s15;
	[tilespmem:$0x1830] =	vst v6;
	v4 =	vmov s18;
	v9 =	vbroadcast v8, $0x0;
	v8 =	vmov s25  }
0x90: {  	s22 =	sadd.s32 $0x90, s15;
	s24 =	sadd.s32 $0x70, s15;
	v7 =	vshra.s32 v7, $0x5;
	[tilespmem:$0x1820] =	vst v2;
	v2 =	vmov s21;
	v4 =	vshra.s32 v4, $0x5  }
0x91: {  	v6 =	vshra.s32 v2, $0x5;
	v10 =	vbroadcast v4, $0x0;
	v2 =	vshra.s32 v11, $0x5;
	[spmem:s3] =	stream.indirect.scatter.add.f32 [tilespmem:s30], [sflag:$0x3], $0x80, s2, s29, $0xb8;
	[tilespmem:$0x10FB8] =	vst v63  }
0x92: {  	s15 =	simm.s32 $0x140;
	s17 =	simm.s32 $0x140;
	v4 =	vmov s22;
	v11 =	vbroadcast v6, $0x0;
	v6 =	vmov s24;
	_ =	swait.ge [sflag:s28], $0x2800  }
0x93: {  	s18 =	simm.s32 $0xF0;
	s21 =	simm.s32 $0x140;
	v8 =	vshra.s32 v8, $0x5;
	v4 =	vshra.s32 v4, $0x5;
	v6 =	vshra.s32 v6, $0x5;
	[sflag:s28] =	ssyncset.done $0x0  }
.LBB2_7:
0x94: {  	p6 =	sne.s32 s21, $0x6E0  }
0x95: {  	s15 =	sadd.s32 $0xA0, s15;
	[sflag:s28] =	ssyncadd.s32 $0xFFFFD800;
	s22 =	smov.u32 s21  }
0x96: {  	[tilespmem:s30], [sflag:$0x2] =	stream.indirect.gather [hbm4b:s1+s29], $0x80, s18, s29, $0xb8;
	[tilespmem:$0x10FB8] =	vst v63  }
0x97: {  	s21 =	sadd.s32 $0xA0, s21;
	s18 =	sadd.s32 $0xFFFFFFB0, s15;
	_ =	swait.ge [sflag:s31], $0x2800  }
0x98: {  	[sflag:s31] =	ssyncset.done $0x0  }
0x99: {  	[sflag:s31] =	ssyncadd.s32 $0xFFFFD800  }
0x9a: {  	[tilespmem:$0x1830] =	vst v11  }
0x9b: {  	v5 =	vbroadcast v5, $0x0;
	[tilespmem:$0x1840] =	vst v10  }
0x9c: {  	s22 =	sadd.s32 s22, s13;
	[tilespmem:$0x1820] =	vst v9  }
0x9d: {  	s23 =	sadd.s32 $0x10, s22;
	s24 =	sadd.s32 $0x20, s22;
	s25 =	sadd.s32 $0x50, s22;
	v9 =	vmov s22;
	[tilespmem:$0x1800] =	vst v5  }
0x9e: {  	v12 =	vmov s25;
	s25 =	sadd.s32 $0x90, s22;
	v11 =	vmov s24;
	s24 =	sadd.s32 $0x40, s22;
	v10 =	vmov s23;
	s23 =	sadd.s32 $0x30, s22;
	[tilespmem:$0x1810] =	vst v3  }
0x9f: {  	v5 =	vshra.s32 v9, $0x5;
	v9 =	vshra.s32 v11, $0x5;
	v3 =	vshra.s32 v10, $0x5;
	[spmem:s3] =	stream.indirect.scatter.add.f32 [tilespmem:s26], [sflag:$0x3], $0x80, s2, s29, $0xb8;
	[tilespmem:$0x10FB8] =	vst v63  }
0xa0: {  	v11 =	vmov s24;
	s24 =	sadd.s32 $0x70, s22;
	v10 =	vmov s23;
	s23 =	sadd.s32 $0x60, s22;
	v3 =	vbroadcast v3, $0x0;
	_ =	swait.ge [sflag:s28], $0x2800  }
0xa1: {  	v9 =	vbroadcast v9, $0x0;
	s22 =	sadd.s32 $0x80, s22;
	v13 =	vshra.s32 v10, $0x5;
	v10 =	vshra.s32 v11, $0x5;
	[sflag:s28] =	ssyncset.done $0x0  }
0xa2: {  	v12 =	vshra.s32 v12, $0x5;
	v14 =	vmov s25;
	v10 =	vbroadcast v10, $0x0;
	[sflag:s28] =	ssyncadd.s32 $0xFFFFD800  }
0xa3: {  	v14 =	vshra.s32 v14, $0x5;
	v11 =	vbroadcast v13, $0x0;
	v13 =	vmov s24;
	[tilespmem:s26], [sflag:$0x1] =	stream.indirect.gather [hbm4b:s1+s29], $0x80, s17, s29, $0xb8;
	[tilespmem:$0x10FB8] =	vst v63  }
0xa4: {  	v15 =	vmov s23;
	v16 =	vmov s22;
	v13 =	vshra.s32 v13, $0x5;
	s17 =	smov.u32 s15;
	_ =	swait.ge [sflag:s8], $0x2800  }
0xa5: {  	v17 =	vbroadcast v2, $0x0;
	v2 =	vmovc v12;
	v15 =	vshra.s32 v15, $0x5;
	v16 =	vshra.s32 v16, $0x5;
	[sflag:s8] =	ssyncset.done $0x0  }
0xa6: {  	v12 =	vbroadcast v4, $0x0;
	v4 =	vmov v14;
	[sflag:s8] =	ssyncadd.s32 $0xFFFFD800  }
0xa7: {  	v14 =	vbroadcast v6, $0x0;
	v6 =	vmov v13;
	[tilespmem:$0x1800] =	vst v17  }
0xa8: {  	v13 =	vbroadcast v7, $0x0;
	v7 =	vmovc v15;
	v17 =	vbroadcast v8, $0x0;
	v8 =	vmov v16;
	[tilespmem:$0x1840] =	vst v12  }
0xa9: {  	[tilespmem:$0x1820] =	vst v14  }
.Ltmp2:
0xaa: {  	[tilespmem:$0x1830] =	vst v17;
	(pc) =	sbr.rel @p6 .LBB2_7-.Ltmp2, $4  }
0xab: {  	[tilespmem:$0x1810] =	vst v13  }
0xac: {  	[spmem:s3] =	stream.indirect.scatter.add.f32 [tilespmem:s30], [sflag:$0x3], $0x80, s2, s29, $0xb8;
	[tilespmem:$0x10FB8] =	vst v63  }
0xad: {  	_ =	swait.ge [sflag:s28], $0x2800  }
0xae: {  	[sflag:s28] =	ssyncset.done $0x0  }
0xaf: {  	[sflag:s28] =	ssyncadd.s32 $0xFFFFD800  }
0xb0: {  	[tilespmem:s30], [sflag:$0x2] =	stream.indirect.gather [hbm4b:s1+s29], $0x80, s18, s29, $0xb8;
	[tilespmem:$0x10FB8] =	vst v63  }
0xb1: {  	_ =	swait.ge [sflag:s31], $0x2800  }
0xb2: {  	[sflag:s31] =	ssyncset.done $0x0  }
0xb3: {  	[sflag:s31] =	ssyncadd.s32 $0xFFFFD800  }
0xb4: {  	[tilespmem:$0x1830] =	vst v11  }
0xb5: {  	v5 =	vbroadcast v5, $0x0;
	[tilespmem:$0x1840] =	vst v10  }
0xb6: {  	[tilespmem:$0x1820] =	vst v9  }
0xb7: {  	[tilespmem:$0x1800] =	vst v5  }
0xb8: {  	[tilespmem:$0x1810] =	vst v3  }
0xb9: {  	[spmem:s3] =	stream.indirect.scatter.add.f32 [tilespmem:s26], [sflag:$0x3], $0x80, s2, s29, $0xb8;
	[tilespmem:$0x10FB8] =	vst v63  }
0xba: {  	_ =	swait.ge [sflag:s28], $0x2800  }
0xbb: {  	[sflag:s28] =	ssyncset.done $0x0  }
0xbc: {  	[sflag:s28] =	ssyncadd.s32 $0xFFFFD800  }
0xbd: {  	[tilespmem:s26], [sflag:$0x1] =	stream.indirect.gather [hbm4b:s1+s29], $0x80, s17, s29, $0xb8;
	[tilespmem:$0x10FB8] =	vst v63  }
0xbe: {  	_ =	swait.ge [sflag:s8], $0x2800  }
0xbf: {  	v2 =	vbroadcast v2, $0x0;
	[sflag:s8] =	ssyncset.done $0x0  }
0xc0: {  	v3 =	vbroadcast v4, $0x0;
	[sflag:s8] =	ssyncadd.s32 $0xFFFFD800  }
0xc1: {  	v58 =	vbroadcast v8, $0x0;
	[tilespmem:$0x1800] =	vst v2  }
0xc2: {  	v2 =	vbroadcast v6, $0x0;
	[tilespmem:$0x1840] =	vst v3  }
0xc3: {  	v3 =	vbroadcast v7, $0x0;
	[tilespmem:$0x1830] =	vst v58  }
0xc4: {  	[tilespmem:$0x1820] =	vst v2  }
0xc5: {  	[tilespmem:$0x1810] =	vst v3  }
0xc6: {  	[spmem:s3] =	stream.indirect.scatter.add.f32 [tilespmem:s30], [sflag:$0x3], $0x80, s2, s29, $0xb8;
	[tilespmem:$0x10FB8] =	vst v63  }
0xc7: {  	_ =	swait.ge [sflag:s28], $0x2800  }
0xc8: {  	s15 =	rddreg [dreg:$0x19]  }
0xc9: {  	[sflag:s28] =	ssyncset.done $0x0;
	s15 =	sadd.s32 s6, s15  }
0xca: {  	[sflag:s28] =	ssyncadd.s32 $0xFFFFD800;
	v2 =	vmov s15;
	s23 =	sadd.s32 $0x10, s15  }
0xcb: {  	_ =	swait.ge [sflag:s31], $0x2800;
	s24 =	sadd.s32 $0x20, s15;
	v2 =	vshra.s32 v2, $0x5;
	v3 =	vmov s23  }
0xcc: {  	s25 =	sadd.s32 $0x30, s15;
	[sflag:s31] =	ssyncset.done $0x0;
	v59 =	vmov s24;
	v2 =	vbroadcast v2, $0x0;
	v3 =	vshra.s32 v3, $0x5  }
0xcd: {  	s15 =	sadd.s32 $0x40, s15;
	v60 =	vmov s25;
	[sflag:s31] =	ssyncadd.s32 $0xFFFFD800;
	v4 =	vshra.s32 v59, $0x5;
	v3 =	vbroadcast v3, $0x0  }
0xce: {  	v62 =	vmov s15;
	v61 =	vshra.s32 v60, $0x5;
	[tilespmem:$0x1800] =	vst v2;
	v2 =	vbroadcast v4, $0x0  }
0xcf: {  	v63 =	vshra.s32 v62, $0x5;
	[tilespmem:$0x1810] =	vst v3;
	v3 =	vbroadcast v61, $0x0  }
0xd0: {  	s14 =	sadd.s32 $0x1, s14;
	[tilespmem:$0x1820] =	vst v2;
	v2 =	vbroadcast v63, $0x0  }
0xd1: {  	p6 =	sne.s32 s14, $0x5;
	[tilespmem:$0x1830] =	vst v3  }
.Ltmp3:
0xd2: {  	[tilespmem:$0x1840] =	vst v2;
	(pc) =	sbr.rel @p6 .LBB2_6-.Ltmp3, $4  }
0xd3: {  	[spmem:s3] =	stream.indirect.scatter.add.f32 [tilespmem:s26], [sflag:$0x3], $0x80, s2, s29, $0xb8;
	[tilespmem:$0x10FB8] =	vst v63  }
0xd4: {  	_ =	swait.ge [sflag:s28], $0x2800  }
0xd5: {  	[sflag:s28] =	ssyncset.done $0x0  }
0xd6: {  	s13 =	sadd.s32 $0x7D0, s13;
	[sflag:s28] =	ssyncadd.s32 $0xFFFFD800  }
0xd7: {  	s13 =	rddreg [dreg:$0x7]  }
0xd8: {  	s18 =	simm.s32 $0x0;
	s13 =	sadd.s32 $0x0, s13  }
0xd9: {  	[tilespmem:s0], [sflag:$0x3] =	stream.linear.gather [hbm4b:s13+s18], $0xC80, $0x38;
	[tilespmem:$0x10FB8] =	vst v63  }
0xda: {  	_ =	swait.ge [sflag:s28], $0xC80  }
0xdb: {  	[sflag:s28] =	ssyncset.done $0x0  }
0xdc: {  	[sflag:s28] =	ssyncadd.s32 $0xFFFFF380  }
0xdd: {  	[spmem:s4] =	stream.indirect.scatter.add.f32 [tilespmem:s10], [sflag:$0x1], $0x1, s0, s29, $0xb8;
	[tilespmem:$0x10FB8] =	vst v63  }
0xde: {  	s5 =	rddreg [dreg:$0x8]  }
0xdf: {  	[spmem:s4] =	stream.indirect.scatter.add.f32 [tilespmem:s10], [sflag:$0x1], $0x1, s5, s29, $0xb8;
	[tilespmem:$0x10FB8] =	vst v63  }
0xe0: {  	s14 =	rddreg [dreg:$0x9]  }
0xe1: {  	[spmem:s4] =	stream.indirect.scatter.add.f32 [tilespmem:s10], [sflag:$0x1], $0x1, s14, s29, $0xb8;
	[tilespmem:$0x10FB8] =	vst v63  }
0xe2: {  	s6 =	rddreg [dreg:$0xa]  }
0xe3: {  	[spmem:s4] =	stream.indirect.scatter.add.f32 [tilespmem:s10], [sflag:$0x1], $0x1, s6, s29, $0xb8;
	[tilespmem:$0x10FB8] =	vst v63  }
0xe4: {  	s21 =	simm.s32 $0xA00  }
0xe5: {  	[spmem:s4] =	stream.indirect.scatter.add.f32 [tilespmem:s10], [sflag:$0x1], $0x1, s21, s29, $0xb8;
	[tilespmem:$0x10FB8] =	vst v63  }
0xe6: {  	s22 =	simm.s32 $0xA80  }
0xe7: {  	[spmem:s4] =	stream.indirect.scatter.add.f32 [tilespmem:s10], [sflag:$0x1], $0x1, s22, s29, $0xb8;
	[tilespmem:$0x10FB8] =	vst v63  }
0xe8: {  	s23 =	simm.s32 $0xB00  }
0xe9: {  	[spmem:s4] =	stream.indirect.scatter.add.f32 [tilespmem:s10], [sflag:$0x1], $0x1, s23, s29, $0xb8;
	[tilespmem:$0x10FB8] =	vst v63  }
0xea: {  	s24 =	simm.s32 $0xB80  }
0xeb: {  	[spmem:s4] =	stream.indirect.scatter.add.f32 [tilespmem:s10], [sflag:$0x1], $0x1, s24, s29, $0xb8;
	[tilespmem:$0x10FB8] =	vst v63  }
0xec: {  	s25 =	simm.s32 $0xC00  }
0xed: {  	[spmem:s4] =	stream.indirect.scatter.add.f32 [tilespmem:s10], [sflag:$0x1], $0x1, s25, s29, $0xb8;
	[tilespmem:$0x10FB8] =	vst v63  }
0xee: {  	s14 =	simm.s32 $0xC80  }
0xef: {  	[spmem:s4] =	stream.indirect.scatter.add.f32 [tilespmem:s10], [sflag:$0x1], $0x1, s14, s29, $0xb8;
	[tilespmem:$0x10FB8] =	vst v63  }
0xf0: {  	_ = 	snop  }
0xf1: {  	[spmem:s4] =	stream.indirect.scatter.add.f32 [tilespmem:s10], [sflag:$0x1], $0x1, s16, s29, $0xb8;
	[tilespmem:$0x10FB8] =	vst v63  }
0xf2: {  	_ = 	snop  }
0xf3: {  	[spmem:s4] =	stream.indirect.scatter.add.f32 [tilespmem:s10], [sflag:$0x1], $0x1, s7, s29, $0xb8;
	[tilespmem:$0x10FB8] =	vst v63  }
0xf4: {  	s5 =	simm.s32 $0xE00  }
0xf5: {  	[spmem:s4] =	stream.indirect.scatter.add.f32 [tilespmem:s10], [sflag:$0x1], $0x1, s5, s29, $0xb8;
	[tilespmem:$0x10FB8] =	vst v63  }
0xf6: {  	s6 =	simm.s32 $0xE80  }
0xf7: {  	[spmem:s4] =	stream.indirect.scatter.add.f32 [tilespmem:s10], [sflag:$0x1], $0x1, s6, s29, $0xb8;
	[tilespmem:$0x10FB8] =	vst v63  }
0xf8: {  	_ = 	snop  }
0xf9: {  	[spmem:s4] =	stream.indirect.scatter.add.f32 [tilespmem:s10], [sflag:$0x1], $0x1, s19, s29, $0xb8;
	[tilespmem:$0x10FB8] =	vst v63  }
0xfa: {  	_ = 	snop  }
0xfb: {  	[spmem:s4] =	stream.indirect.scatter.add.f32 [tilespmem:s10], [sflag:$0x1], $0x1, s20, s29, $0xb8;
	[tilespmem:$0x10FB8] =	vst v63  }
0xfc: {  	s5 =	simm.s32 $0x1000  }
0xfd: {  	[spmem:s4] =	stream.indirect.scatter.add.f32 [tilespmem:s10], [sflag:$0x1], $0x1, s5, s29, $0xb8;
	[tilespmem:$0x10FB8] =	vst v63  }
0xfe: {  	_ = 	snop  }
0xff: {  	[spmem:s4] =	stream.indirect.scatter.add.f32 [tilespmem:s10], [sflag:$0x1], $0x1, s11, s29, $0xb8;
	[tilespmem:$0x10FB8] =	vst v63  }
0x100: {  	_ = 	snop  }
0x101: {  	[spmem:s4] =	stream.indirect.scatter.add.f32 [tilespmem:s10], [sflag:$0x1], $0x1, s12, s29, $0xb8;
	[tilespmem:$0x10FB8] =	vst v63  }
0x102: {  	_ = 	snop  }
0x103: {  	[spmem:s4] =	stream.indirect.scatter.add.f32 [tilespmem:s10], [sflag:$0x1], $0x1, s9, s29, $0xb8;
	[tilespmem:$0x10FB8] =	vst v63  }
0x104: {  	s15 =	simm.s32 $0x1200  }
0x105: {  	[spmem:s4] =	stream.indirect.scatter.add.f32 [tilespmem:s10], [sflag:$0x1], $0x1, s15, s29, $0xb8;
	[tilespmem:$0x10FB8] =	vst v63  }
0x106: {  	s17 =	simm.s32 $0x1280  }
0x107: {  	[spmem:s4] =	stream.indirect.scatter.add.f32 [tilespmem:s10], [sflag:$0x1], $0x1, s17, s29, $0xb8;
	[tilespmem:$0x10FB8] =	vst v63  }
0x108: {  	s14 =	simm.s32 $0x1300  }
0x109: {  	[spmem:s4] =	stream.indirect.scatter.add.f32 [tilespmem:s10], [sflag:$0x1], $0x1, s14, s29, $0xb8;
	[tilespmem:$0x10FB8] =	vst v63  }
0x10a: {  	s15 =	simm.s32 $0x1380  }
0x10b: {  	[spmem:s4] =	stream.indirect.scatter.add.f32 [tilespmem:s10], [sflag:$0x1], $0x1, s15, s29, $0xb8;
	[tilespmem:$0x10FB8] =	vst v63  }
0x10c: {  	s17 =	simm.s32 $0x1400  }
0x10d: {  	[spmem:s4] =	stream.indirect.scatter.add.f32 [tilespmem:s10], [sflag:$0x1], $0x1, s17, s29, $0xb8;
	[tilespmem:$0x10FB8] =	vst v63  }
0x10e: {  	_ =	swait.ge [sflag:s31], $0x50  }
0x10f: {  	[sflag:s31] =	ssyncset.done $0x0  }
0x110: {  	[sflag:s31] =	ssyncadd.s32 $0xFFFFFFB0  }
0x111: {  	_ =	swait.ge [sflag:s31], $0x50  }
0x112: {  	[sflag:s31] =	ssyncset.done $0x0  }
0x113: {  	[sflag:s31] =	ssyncadd.s32 $0xFFFFFFB0  }
0x114: {  	_ =	swait.ge [sflag:s31], $0x50  }
0x115: {  	[sflag:s31] =	ssyncset.done $0x0  }
0x116: {  	[sflag:s31] =	ssyncadd.s32 $0xFFFFFFB0  }
0x117: {  	_ =	swait.ge [sflag:s31], $0x50  }
0x118: {  	[sflag:s31] =	ssyncset.done $0x0  }
0x119: {  	[sflag:s31] =	ssyncadd.s32 $0xFFFFFFB0  }
0x11a: {  	_ =	swait.ge [sflag:s31], $0x50  }
0x11b: {  	[sflag:s31] =	ssyncset.done $0x0  }
0x11c: {  	[sflag:s31] =	ssyncadd.s32 $0xFFFFFFB0  }
0x11d: {  	_ =	swait.ge [sflag:s31], $0x50  }
0x11e: {  	[sflag:s31] =	ssyncset.done $0x0  }
0x11f: {  	[sflag:s31] =	ssyncadd.s32 $0xFFFFFFB0  }
0x120: {  	_ =	swait.ge [sflag:s31], $0x50  }
0x121: {  	[sflag:s31] =	ssyncset.done $0x0  }
0x122: {  	[sflag:s31] =	ssyncadd.s32 $0xFFFFFFB0  }
0x123: {  	_ =	swait.ge [sflag:s31], $0x50  }
0x124: {  	[sflag:s31] =	ssyncset.done $0x0  }
0x125: {  	[sflag:s31] =	ssyncadd.s32 $0xFFFFFFB0  }
0x126: {  	_ =	swait.ge [sflag:s31], $0x50  }
0x127: {  	[sflag:s31] =	ssyncset.done $0x0  }
0x128: {  	[sflag:s31] =	ssyncadd.s32 $0xFFFFFFB0  }
0x129: {  	_ =	swait.ge [sflag:s31], $0x50  }
0x12a: {  	[sflag:s31] =	ssyncset.done $0x0  }
0x12b: {  	[sflag:s31] =	ssyncadd.s32 $0xFFFFFFB0  }
0x12c: {  	_ =	swait.ge [sflag:s31], $0x50  }
0x12d: {  	[sflag:s31] =	ssyncset.done $0x0  }
0x12e: {  	[sflag:s31] =	ssyncadd.s32 $0xFFFFFFB0  }
0x12f: {  	_ =	swait.ge [sflag:s31], $0x50  }
0x130: {  	[sflag:s31] =	ssyncset.done $0x0  }
0x131: {  	[sflag:s31] =	ssyncadd.s32 $0xFFFFFFB0  }
0x132: {  	_ =	swait.ge [sflag:s31], $0x50  }
0x133: {  	[sflag:s31] =	ssyncset.done $0x0  }
0x134: {  	[sflag:s31] =	ssyncadd.s32 $0xFFFFFFB0  }
0x135: {  	_ =	swait.ge [sflag:s31], $0x50  }
0x136: {  	[sflag:s31] =	ssyncset.done $0x0  }
0x137: {  	[sflag:s31] =	ssyncadd.s32 $0xFFFFFFB0  }
0x138: {  	_ =	swait.ge [sflag:s31], $0x50  }
0x139: {  	[sflag:s31] =	ssyncset.done $0x0  }
0x13a: {  	[sflag:s31] =	ssyncadd.s32 $0xFFFFFFB0  }
0x13b: {  	_ =	swait.ge [sflag:s31], $0x50  }
0x13c: {  	[sflag:s31] =	ssyncset.done $0x0  }
0x13d: {  	[sflag:s31] =	ssyncadd.s32 $0xFFFFFFB0  }
0x13e: {  	_ =	swait.ge [sflag:s31], $0x50  }
0x13f: {  	[sflag:s31] =	ssyncset.done $0x0  }
0x140: {  	[sflag:s31] =	ssyncadd.s32 $0xFFFFFFB0  }
0x141: {  	_ =	swait.ge [sflag:s31], $0x50  }
0x142: {  	[sflag:s31] =	ssyncset.done $0x0  }
0x143: {  	[sflag:s31] =	ssyncadd.s32 $0xFFFFFFB0  }
0x144: {  	_ =	swait.ge [sflag:s31], $0x50  }
0x145: {  	[sflag:s31] =	ssyncset.done $0x0  }
0x146: {  	[sflag:s31] =	ssyncadd.s32 $0xFFFFFFB0  }
0x147: {  	_ =	swait.ge [sflag:s31], $0x50  }
0x148: {  	[sflag:s31] =	ssyncset.done $0x0  }
0x149: {  	[sflag:s31] =	ssyncadd.s32 $0xFFFFFFB0  }
0x14a: {  	_ =	swait.ge [sflag:s31], $0x50  }
0x14b: {  	[sflag:s31] =	ssyncset.done $0x0  }
0x14c: {  	[sflag:s31] =	ssyncadd.s32 $0xFFFFFFB0  }
0x14d: {  	_ =	swait.ge [sflag:s31], $0x50  }
0x14e: {  	[sflag:s31] =	ssyncset.done $0x0  }
0x14f: {  	[sflag:s31] =	ssyncadd.s32 $0xFFFFFFB0  }
0x150: {  	_ =	swait.ge [sflag:s31], $0x50  }
0x151: {  	[sflag:s31] =	ssyncset.done $0x0  }
0x152: {  	[sflag:s31] =	ssyncadd.s32 $0xFFFFFFB0  }
0x153: {  	_ =	swait.ge [sflag:s31], $0x50  }
0x154: {  	[sflag:s31] =	ssyncset.done $0x0  }
0x155: {  	[sflag:s31] =	ssyncadd.s32 $0xFFFFFFB0  }
0x156: {  	s13 =	simm.s32 $0x200;
	s0 =	simm.s32 $0x800;
	_ =	swait.ge [sflag:s31], $0x50  }
0x157: {  	s14 =	simm.s32 $0x400;
	s15 =	rddreg [dreg:$0x7];
	[sflag:s31] =	ssyncset.done $0x0  }
.LBB2_10:
0x158: {  	[sflag:s31] =	ssyncadd.s32 $0xFFFFFFB0;
	s15 =	sadd.s32 s13, s15  }
0x159: {  	[tilespmem:s0], [sflag:$0x3] =	stream.linear.gather [hbm4b:s15+s18], $0xC80, $0x38;
	[tilespmem:$0x10FB8] =	vst v63  }
0x15a: {  	_ =	swait.ge [sflag:s28], $0xC80  }
0x15b: {  	[sflag:s28] =	ssyncset.done $0x0  }
0x15c: {  	[sflag:s28] =	ssyncadd.s32 $0xFFFFF380  }
0x15d: {  	[spmem:s4] =	stream.indirect.scatter.add.f32 [tilespmem:s10], [sflag:$0x1], $0x1, s0, s29, $0xb8;
	[tilespmem:$0x10FB8] =	vst v63  }
0x15e: {  	s17 =	smov.u32 s14;
	s15 =	rddreg [dreg:$0x8]  }
0x15f: {  	[spmem:s4] =	stream.indirect.scatter.add.f32 [tilespmem:s10], [sflag:$0x1], $0x1, s15, s29, $0xb8;
	[tilespmem:$0x10FB8] =	vst v63  }
0x160: {  	s13 =	smov.u32 s17;
	s17 =	rddreg [dreg:$0x9]  }
0x161: {  	[spmem:s4] =	stream.indirect.scatter.add.f32 [tilespmem:s10], [sflag:$0x1], $0x1, s17, s29, $0xb8;
	[tilespmem:$0x10FB8] =	vst v63  }
0x162: {  	s15 =	rddreg [dreg:$0xa]  }
0x163: {  	[spmem:s4] =	stream.indirect.scatter.add.f32 [tilespmem:s10], [sflag:$0x1], $0x1, s15, s29, $0xb8;
	[tilespmem:$0x10FB8] =	vst v63  }
0x164: {  	_ = 	snop  }
0x165: {  	[spmem:s4] =	stream.indirect.scatter.add.f32 [tilespmem:s10], [sflag:$0x1], $0x1, s21, s29, $0xb8;
	[tilespmem:$0x10FB8] =	vst v63  }
0x166: {  	_ = 	snop  }
0x167: {  	[spmem:s4] =	stream.indirect.scatter.add.f32 [tilespmem:s10], [sflag:$0x1], $0x1, s22, s29, $0xb8;
	[tilespmem:$0x10FB8] =	vst v63  }
0x168: {  	_ = 	snop  }
0x169: {  	[spmem:s4] =	stream.indirect.scatter.add.f32 [tilespmem:s10], [sflag:$0x1], $0x1, s23, s29, $0xb8;
	[tilespmem:$0x10FB8] =	vst v63  }
0x16a: {  	_ = 	snop  }
0x16b: {  	[spmem:s4] =	stream.indirect.scatter.add.f32 [tilespmem:s10], [sflag:$0x1], $0x1, s24, s29, $0xb8;
	[tilespmem:$0x10FB8] =	vst v63  }
0x16c: {  	_ = 	snop  }
0x16d: {  	[spmem:s4] =	stream.indirect.scatter.add.f32 [tilespmem:s10], [sflag:$0x1], $0x1, s25, s29, $0xb8;
	[tilespmem:$0x10FB8] =	vst v63  }
0x16e: {  	s17 =	simm.s32 $0xC80  }
0x16f: {  	[spmem:s4] =	stream.indirect.scatter.add.f32 [tilespmem:s10], [sflag:$0x1], $0x1, s17, s29, $0xb8;
	[tilespmem:$0x10FB8] =	vst v63  }
0x170: {  	_ = 	snop  }
0x171: {  	[spmem:s4] =	stream.indirect.scatter.add.f32 [tilespmem:s10], [sflag:$0x1], $0x1, s16, s29, $0xb8;
	[tilespmem:$0x10FB8] =	vst v63  }
0x172: {  	_ = 	snop  }
0x173: {  	[spmem:s4] =	stream.indirect.scatter.add.f32 [tilespmem:s10], [sflag:$0x1], $0x1, s7, s29, $0xb8;
	[tilespmem:$0x10FB8] =	vst v63  }
0x174: {  	s15 =	simm.s32 $0xE00  }
0x175: {  	[spmem:s4] =	stream.indirect.scatter.add.f32 [tilespmem:s10], [sflag:$0x1], $0x1, s15, s29, $0xb8;
	[tilespmem:$0x10FB8] =	vst v63  }
0x176: {  	_ = 	snop  }
0x177: {  	[spmem:s4] =	stream.indirect.scatter.add.f32 [tilespmem:s10], [sflag:$0x1], $0x1, s6, s29, $0xb8;
	[tilespmem:$0x10FB8] =	vst v63  }
0x178: {  	_ = 	snop  }
0x179: {  	[spmem:s4] =	stream.indirect.scatter.add.f32 [tilespmem:s10], [sflag:$0x1], $0x1, s19, s29, $0xb8;
	[tilespmem:$0x10FB8] =	vst v63  }
0x17a: {  	_ = 	snop  }
0x17b: {  	[spmem:s4] =	stream.indirect.scatter.add.f32 [tilespmem:s10], [sflag:$0x1], $0x1, s20, s29, $0xb8;
	[tilespmem:$0x10FB8] =	vst v63  }
0x17c: {  	_ = 	snop  }
0x17d: {  	[spmem:s4] =	stream.indirect.scatter.add.f32 [tilespmem:s10], [sflag:$0x1], $0x1, s5, s29, $0xb8;
	[tilespmem:$0x10FB8] =	vst v63  }
0x17e: {  	_ = 	snop  }
0x17f: {  	[spmem:s4] =	stream.indirect.scatter.add.f32 [tilespmem:s10], [sflag:$0x1], $0x1, s11, s29, $0xb8;
	[tilespmem:$0x10FB8] =	vst v63  }
0x180: {  	_ = 	snop  }
0x181: {  	[spmem:s4] =	stream.indirect.scatter.add.f32 [tilespmem:s10], [sflag:$0x1], $0x1, s12, s29, $0xb8;
	[tilespmem:$0x10FB8] =	vst v63  }
0x182: {  	_ = 	snop  }
0x183: {  	[spmem:s4] =	stream.indirect.scatter.add.f32 [tilespmem:s10], [sflag:$0x1], $0x1, s9, s29, $0xb8;
	[tilespmem:$0x10FB8] =	vst v63  }
0x184: {  	s15 =	simm.s32 $0x1200  }
0x185: {  	[spmem:s4] =	stream.indirect.scatter.add.f32 [tilespmem:s10], [sflag:$0x1], $0x1, s15, s29, $0xb8;
	[tilespmem:$0x10FB8] =	vst v63  }
0x186: {  	s15 =	simm.s32 $0x1280  }
0x187: {  	[spmem:s4] =	stream.indirect.scatter.add.f32 [tilespmem:s10], [sflag:$0x1], $0x1, s15, s29, $0xb8;
	[tilespmem:$0x10FB8] =	vst v63  }
0x188: {  	s15 =	simm.s32 $0x1300  }
0x189: {  	[spmem:s4] =	stream.indirect.scatter.add.f32 [tilespmem:s10], [sflag:$0x1], $0x1, s15, s29, $0xb8;
	[tilespmem:$0x10FB8] =	vst v63  }
0x18a: {  	s15 =	simm.s32 $0x1380  }
0x18b: {  	[spmem:s4] =	stream.indirect.scatter.add.f32 [tilespmem:s10], [sflag:$0x1], $0x1, s15, s29, $0xb8;
	[tilespmem:$0x10FB8] =	vst v63  }
0x18c: {  	s15 =	simm.s32 $0x1400  }
0x18d: {  	[spmem:s4] =	stream.indirect.scatter.add.f32 [tilespmem:s10], [sflag:$0x1], $0x1, s15, s29, $0xb8;
	[tilespmem:$0x10FB8] =	vst v63  }
0x18e: {  	_ =	swait.ge [sflag:s31], $0x50  }
0x18f: {  	[sflag:s31] =	ssyncset.done $0x0  }
0x190: {  	[sflag:s31] =	ssyncadd.s32 $0xFFFFFFB0  }
0x191: {  	_ =	swait.ge [sflag:s31], $0x50  }
0x192: {  	[sflag:s31] =	ssyncset.done $0x0  }
0x193: {  	[sflag:s31] =	ssyncadd.s32 $0xFFFFFFB0  }
0x194: {  	_ =	swait.ge [sflag:s31], $0x50  }
0x195: {  	[sflag:s31] =	ssyncset.done $0x0  }
0x196: {  	[sflag:s31] =	ssyncadd.s32 $0xFFFFFFB0  }
0x197: {  	_ =	swait.ge [sflag:s31], $0x50  }
0x198: {  	[sflag:s31] =	ssyncset.done $0x0  }
0x199: {  	[sflag:s31] =	ssyncadd.s32 $0xFFFFFFB0  }
0x19a: {  	_ =	swait.ge [sflag:s31], $0x50  }
0x19b: {  	[sflag:s31] =	ssyncset.done $0x0  }
0x19c: {  	[sflag:s31] =	ssyncadd.s32 $0xFFFFFFB0  }
0x19d: {  	_ =	swait.ge [sflag:s31], $0x50  }
0x19e: {  	[sflag:s31] =	ssyncset.done $0x0  }
0x19f: {  	[sflag:s31] =	ssyncadd.s32 $0xFFFFFFB0  }
0x1a0: {  	_ =	swait.ge [sflag:s31], $0x50  }
0x1a1: {  	[sflag:s31] =	ssyncset.done $0x0  }
0x1a2: {  	[sflag:s31] =	ssyncadd.s32 $0xFFFFFFB0  }
0x1a3: {  	_ =	swait.ge [sflag:s31], $0x50  }
0x1a4: {  	[sflag:s31] =	ssyncset.done $0x0  }
0x1a5: {  	[sflag:s31] =	ssyncadd.s32 $0xFFFFFFB0  }
0x1a6: {  	_ =	swait.ge [sflag:s31], $0x50  }
0x1a7: {  	[sflag:s31] =	ssyncset.done $0x0  }
0x1a8: {  	[sflag:s31] =	ssyncadd.s32 $0xFFFFFFB0  }
0x1a9: {  	_ =	swait.ge [sflag:s31], $0x50  }
0x1aa: {  	[sflag:s31] =	ssyncset.done $0x0  }
0x1ab: {  	[sflag:s31] =	ssyncadd.s32 $0xFFFFFFB0  }
0x1ac: {  	_ =	swait.ge [sflag:s31], $0x50  }
0x1ad: {  	[sflag:s31] =	ssyncset.done $0x0  }
0x1ae: {  	[sflag:s31] =	ssyncadd.s32 $0xFFFFFFB0  }
0x1af: {  	_ =	swait.ge [sflag:s31], $0x50  }
0x1b0: {  	[sflag:s31] =	ssyncset.done $0x0  }
0x1b1: {  	[sflag:s31] =	ssyncadd.s32 $0xFFFFFFB0  }
0x1b2: {  	_ =	swait.ge [sflag:s31], $0x50  }
0x1b3: {  	[sflag:s31] =	ssyncset.done $0x0  }
0x1b4: {  	[sflag:s31] =	ssyncadd.s32 $0xFFFFFFB0  }
0x1b5: {  	_ =	swait.ge [sflag:s31], $0x50  }
0x1b6: {  	[sflag:s31] =	ssyncset.done $0x0  }
0x1b7: {  	[sflag:s31] =	ssyncadd.s32 $0xFFFFFFB0  }
0x1b8: {  	_ =	swait.ge [sflag:s31], $0x50  }
0x1b9: {  	[sflag:s31] =	ssyncset.done $0x0  }
0x1ba: {  	[sflag:s31] =	ssyncadd.s32 $0xFFFFFFB0  }
0x1bb: {  	_ =	swait.ge [sflag:s31], $0x50  }
0x1bc: {  	[sflag:s31] =	ssyncset.done $0x0  }
0x1bd: {  	[sflag:s31] =	ssyncadd.s32 $0xFFFFFFB0  }
0x1be: {  	_ =	swait.ge [sflag:s31], $0x50  }
0x1bf: {  	[sflag:s31] =	ssyncset.done $0x0  }
0x1c0: {  	[sflag:s31] =	ssyncadd.s32 $0xFFFFFFB0  }
0x1c1: {  	_ =	swait.ge [sflag:s31], $0x50  }
0x1c2: {  	[sflag:s31] =	ssyncset.done $0x0  }
0x1c3: {  	[sflag:s31] =	ssyncadd.s32 $0xFFFFFFB0  }
0x1c4: {  	_ =	swait.ge [sflag:s31], $0x50  }
0x1c5: {  	[sflag:s31] =	ssyncset.done $0x0  }
0x1c6: {  	[sflag:s31] =	ssyncadd.s32 $0xFFFFFFB0  }
0x1c7: {  	_ =	swait.ge [sflag:s31], $0x50  }
0x1c8: {  	[sflag:s31] =	ssyncset.done $0x0  }
0x1c9: {  	[sflag:s31] =	ssyncadd.s32 $0xFFFFFFB0  }
0x1ca: {  	_ =	swait.ge [sflag:s31], $0x50  }
0x1cb: {  	[sflag:s31] =	ssyncset.done $0x0  }
0x1cc: {  	[sflag:s31] =	ssyncadd.s32 $0xFFFFFFB0  }
0x1cd: {  	_ =	swait.ge [sflag:s31], $0x50  }
0x1ce: {  	[sflag:s31] =	ssyncset.done $0x0  }
0x1cf: {  	[sflag:s31] =	ssyncadd.s32 $0xFFFFFFB0  }
0x1d0: {  	_ =	swait.ge [sflag:s31], $0x50  }
0x1d1: {  	[sflag:s31] =	ssyncset.done $0x0  }
0x1d2: {  	p6 =	sne.s32 s14, $0x800;
	[sflag:s31] =	ssyncadd.s32 $0xFFFFFFB0  }
.Ltmp4:
0x1d3: {  	_ =	swait.ge [sflag:s31], $0x50;
	(pc) =	sbr.rel @p6 .LBB2_10-.Ltmp4, $4  }
0x1d4: {  	[sflag:s31] =	ssyncset.done $0x0  }
0x1d5: {  	[sflag:s31] =	ssyncadd.s32 $0xFFFFFFB0  }
0x1d6: {  	_ =	swait.ge [sflag:s31], $0x50  }
0x1d7: {  	s14 =	sadd.s32 $0x200, s14;
	s15 =	rddreg [dreg:$0x7];
	[sflag:s31] =	ssyncset.done $0x0  }
0x1d8: {  	[sflag:s31] =	ssyncadd.s32 $0xFFFFFFB0;
	s13 =	sadd.s32 s13, s15  }
0x1d9: {  	[tilespmem:s0], [sflag:$0x3] =	stream.linear.gather [hbm4b:s13+s18], $0xC80, $0x38;
	[tilespmem:$0x10FB8] =	vst v63  }
0x1da: {  	_ =	swait.ge [sflag:s28], $0xC80  }
0x1db: {  	[sflag:s28] =	ssyncset.done $0x0  }
0x1dc: {  	[sflag:s28] =	ssyncadd.s32 $0xFFFFF380  }
0x1dd: {  	[spmem:s4] =	stream.indirect.scatter.add.f32 [tilespmem:s10], [sflag:$0x1], $0x1, s0, s29, $0xb8;
	[tilespmem:$0x10FB8] =	vst v63  }
0x1de: {  	s18 =	rddreg [dreg:$0x8]  }
0x1df: {  	[spmem:s4] =	stream.indirect.scatter.add.f32 [tilespmem:s10], [sflag:$0x1], $0x1, s18, s29, $0xb8;
	[tilespmem:$0x10FB8] =	vst v63  }
0x1e0: {  	s14 =	rddreg [dreg:$0x9]  }
0x1e1: {  	[spmem:s4] =	stream.indirect.scatter.add.f32 [tilespmem:s10], [sflag:$0x1], $0x1, s14, s29, $0xb8;
	[tilespmem:$0x10FB8] =	vst v63  }
0x1e2: {  	s0 =	rddreg [dreg:$0xa]  }
0x1e3: {  	[spmem:s4] =	stream.indirect.scatter.add.f32 [tilespmem:s10], [sflag:$0x1], $0x1, s0, s29, $0xb8;
	[tilespmem:$0x10FB8] =	vst v63  }
0x1e4: {  	_ = 	snop  }
0x1e5: {  	[spmem:s4] =	stream.indirect.scatter.add.f32 [tilespmem:s10], [sflag:$0x1], $0x1, s21, s29, $0xb8;
	[tilespmem:$0x10FB8] =	vst v63  }
0x1e6: {  	_ = 	snop  }
0x1e7: {  	[spmem:s4] =	stream.indirect.scatter.add.f32 [tilespmem:s10], [sflag:$0x1], $0x1, s22, s29, $0xb8;
	[tilespmem:$0x10FB8] =	vst v63  }
0x1e8: {  	_ = 	snop  }
0x1e9: {  	[spmem:s4] =	stream.indirect.scatter.add.f32 [tilespmem:s10], [sflag:$0x1], $0x1, s23, s29, $0xb8;
	[tilespmem:$0x10FB8] =	vst v63  }
0x1ea: {  	_ = 	snop  }
0x1eb: {  	[spmem:s4] =	stream.indirect.scatter.add.f32 [tilespmem:s10], [sflag:$0x1], $0x1, s24, s29, $0xb8;
	[tilespmem:$0x10FB8] =	vst v63  }
0x1ec: {  	_ = 	snop  }
0x1ed: {  	[spmem:s4] =	stream.indirect.scatter.add.f32 [tilespmem:s10], [sflag:$0x1], $0x1, s25, s29, $0xb8;
	[tilespmem:$0x10FB8] =	vst v63  }
0x1ee: {  	_ = 	snop  }
0x1ef: {  	[spmem:s4] =	stream.indirect.scatter.add.f32 [tilespmem:s10], [sflag:$0x1], $0x1, s17, s29, $0xb8;
	[tilespmem:$0x10FB8] =	vst v63  }
0x1f0: {  	_ = 	snop  }
0x1f1: {  	[spmem:s4] =	stream.indirect.scatter.add.f32 [tilespmem:s10], [sflag:$0x1], $0x1, s16, s29, $0xb8;
	[tilespmem:$0x10FB8] =	vst v63  }
0x1f2: {  	_ = 	snop  }
0x1f3: {  	[spmem:s4] =	stream.indirect.scatter.add.f32 [tilespmem:s10], [sflag:$0x1], $0x1, s7, s29, $0xb8;
	[tilespmem:$0x10FB8] =	vst v63  }
0x1f4: {  	s15 =	simm.s32 $0xE00  }
0x1f5: {  	[spmem:s4] =	stream.indirect.scatter.add.f32 [tilespmem:s10], [sflag:$0x1], $0x1, s15, s29, $0xb8;
	[tilespmem:$0x10FB8] =	vst v63  }
0x1f6: {  	_ = 	snop  }
0x1f7: {  	[spmem:s4] =	stream.indirect.scatter.add.f32 [tilespmem:s10], [sflag:$0x1], $0x1, s6, s29, $0xb8;
	[tilespmem:$0x10FB8] =	vst v63  }
0x1f8: {  	_ = 	snop  }
0x1f9: {  	[spmem:s4] =	stream.indirect.scatter.add.f32 [tilespmem:s10], [sflag:$0x1], $0x1, s19, s29, $0xb8;
	[tilespmem:$0x10FB8] =	vst v63  }
0x1fa: {  	_ = 	snop  }
0x1fb: {  	[spmem:s4] =	stream.indirect.scatter.add.f32 [tilespmem:s10], [sflag:$0x1], $0x1, s20, s29, $0xb8;
	[tilespmem:$0x10FB8] =	vst v63  }
0x1fc: {  	_ = 	snop  }
0x1fd: {  	[spmem:s4] =	stream.indirect.scatter.add.f32 [tilespmem:s10], [sflag:$0x1], $0x1, s5, s29, $0xb8;
	[tilespmem:$0x10FB8] =	vst v63  }
0x1fe: {  	_ = 	snop  }
0x1ff: {  	[spmem:s4] =	stream.indirect.scatter.add.f32 [tilespmem:s10], [sflag:$0x1], $0x1, s11, s29, $0xb8;
	[tilespmem:$0x10FB8] =	vst v63  }
0x200: {  	_ = 	snop  }
0x201: {  	[spmem:s4] =	stream.indirect.scatter.add.f32 [tilespmem:s10], [sflag:$0x1], $0x1, s12, s29, $0xb8;
	[tilespmem:$0x10FB8] =	vst v63  }
0x202: {  	_ = 	snop  }
0x203: {  	[spmem:s4] =	stream.indirect.scatter.add.f32 [tilespmem:s10], [sflag:$0x1], $0x1, s9, s29, $0xb8;
	[tilespmem:$0x10FB8] =	vst v63  }
0x204: {  	s17 =	simm.s32 $0x1200  }
0x205: {  	[spmem:s4] =	stream.indirect.scatter.add.f32 [tilespmem:s10], [sflag:$0x1], $0x1, s17, s29, $0xb8;
	[tilespmem:$0x10FB8] =	vst v63  }
0x206: {  	s18 =	simm.s32 $0x1280  }
0x207: {  	[spmem:s4] =	stream.indirect.scatter.add.f32 [tilespmem:s10], [sflag:$0x1], $0x1, s18, s29, $0xb8;
	[tilespmem:$0x10FB8] =	vst v63  }
0x208: {  	s21 =	simm.s32 $0x1300  }
0x209: {  	[spmem:s4] =	stream.indirect.scatter.add.f32 [tilespmem:s10], [sflag:$0x1], $0x1, s21, s29, $0xb8;
	[tilespmem:$0x10FB8] =	vst v63  }
0x20a: {  	s22 =	simm.s32 $0x1380  }
0x20b: {  	[spmem:s4] =	stream.indirect.scatter.add.f32 [tilespmem:s10], [sflag:$0x1], $0x1, s22, s29, $0xb8;
	[tilespmem:$0x10FB8] =	vst v63  }
0x20c: {  	s23 =	simm.s32 $0x1400  }
0x20d: {  	[spmem:s4] =	stream.indirect.scatter.add.f32 [tilespmem:s10], [sflag:$0x1], $0x1, s23, s29, $0xb8;
	[tilespmem:$0x10FB8] =	vst v63  }
0x20e: {  	_ =	swait.ge [sflag:s31], $0x50  }
0x20f: {  	[sflag:s31] =	ssyncset.done $0x0  }
0x210: {  	[sflag:s31] =	ssyncadd.s32 $0xFFFFFFB0  }
0x211: {  	_ =	swait.ge [sflag:s31], $0x50  }
0x212: {  	[sflag:s31] =	ssyncset.done $0x0  }
0x213: {  	[sflag:s31] =	ssyncadd.s32 $0xFFFFFFB0  }
0x214: {  	_ =	swait.ge [sflag:s31], $0x50  }
0x215: {  	[sflag:s31] =	ssyncset.done $0x0  }
0x216: {  	[sflag:s31] =	ssyncadd.s32 $0xFFFFFFB0  }
0x217: {  	_ =	swait.ge [sflag:s31], $0x50  }
0x218: {  	[sflag:s31] =	ssyncset.done $0x0  }
0x219: {  	[sflag:s31] =	ssyncadd.s32 $0xFFFFFFB0  }
0x21a: {  	_ =	swait.ge [sflag:s31], $0x50  }
0x21b: {  	[sflag:s31] =	ssyncset.done $0x0  }
0x21c: {  	[sflag:s31] =	ssyncadd.s32 $0xFFFFFFB0  }
0x21d: {  	_ =	swait.ge [sflag:s31], $0x50  }
0x21e: {  	[sflag:s31] =	ssyncset.done $0x0  }
0x21f: {  	[sflag:s31] =	ssyncadd.s32 $0xFFFFFFB0  }
0x220: {  	_ =	swait.ge [sflag:s31], $0x50  }
0x221: {  	[sflag:s31] =	ssyncset.done $0x0  }
0x222: {  	[sflag:s31] =	ssyncadd.s32 $0xFFFFFFB0  }
0x223: {  	_ =	swait.ge [sflag:s31], $0x50  }
0x224: {  	[sflag:s31] =	ssyncset.done $0x0  }
0x225: {  	[sflag:s31] =	ssyncadd.s32 $0xFFFFFFB0  }
0x226: {  	_ =	swait.ge [sflag:s31], $0x50  }
0x227: {  	[sflag:s31] =	ssyncset.done $0x0  }
0x228: {  	[sflag:s31] =	ssyncadd.s32 $0xFFFFFFB0  }
0x229: {  	_ =	swait.ge [sflag:s31], $0x50  }
0x22a: {  	[sflag:s31] =	ssyncset.done $0x0  }
0x22b: {  	[sflag:s31] =	ssyncadd.s32 $0xFFFFFFB0  }
0x22c: {  	_ =	swait.ge [sflag:s31], $0x50  }
0x22d: {  	[sflag:s31] =	ssyncset.done $0x0  }
0x22e: {  	[sflag:s31] =	ssyncadd.s32 $0xFFFFFFB0  }
0x22f: {  	_ =	swait.ge [sflag:s31], $0x50  }
0x230: {  	[sflag:s31] =	ssyncset.done $0x0  }
0x231: {  	[sflag:s31] =	ssyncadd.s32 $0xFFFFFFB0  }
0x232: {  	_ =	swait.ge [sflag:s31], $0x50  }
0x233: {  	[sflag:s31] =	ssyncset.done $0x0  }
0x234: {  	[sflag:s31] =	ssyncadd.s32 $0xFFFFFFB0  }
0x235: {  	_ =	swait.ge [sflag:s31], $0x50  }
0x236: {  	[sflag:s31] =	ssyncset.done $0x0  }
0x237: {  	[sflag:s31] =	ssyncadd.s32 $0xFFFFFFB0  }
0x238: {  	_ =	swait.ge [sflag:s31], $0x50  }
0x239: {  	[sflag:s31] =	ssyncset.done $0x0  }
0x23a: {  	[sflag:s31] =	ssyncadd.s32 $0xFFFFFFB0  }
0x23b: {  	_ =	swait.ge [sflag:s31], $0x50  }
0x23c: {  	[sflag:s31] =	ssyncset.done $0x0  }
0x23d: {  	[sflag:s31] =	ssyncadd.s32 $0xFFFFFFB0  }
0x23e: {  	_ =	swait.ge [sflag:s31], $0x50  }
0x23f: {  	[sflag:s31] =	ssyncset.done $0x0  }
0x240: {  	[sflag:s31] =	ssyncadd.s32 $0xFFFFFFB0  }
0x241: {  	_ =	swait.ge [sflag:s31], $0x50  }
0x242: {  	[sflag:s31] =	ssyncset.done $0x0  }
0x243: {  	[sflag:s31] =	ssyncadd.s32 $0xFFFFFFB0  }
0x244: {  	_ =	swait.ge [sflag:s31], $0x50  }
0x245: {  	[sflag:s31] =	ssyncset.done $0x0  }
0x246: {  	[sflag:s31] =	ssyncadd.s32 $0xFFFFFFB0  }
0x247: {  	_ =	swait.ge [sflag:s31], $0x50  }
0x248: {  	[sflag:s31] =	ssyncset.done $0x0  }
0x249: {  	[sflag:s31] =	ssyncadd.s32 $0xFFFFFFB0  }
0x24a: {  	_ =	swait.ge [sflag:s31], $0x50  }
0x24b: {  	[sflag:s31] =	ssyncset.done $0x0  }
0x24c: {  	[sflag:s31] =	ssyncadd.s32 $0xFFFFFFB0  }
0x24d: {  	_ =	swait.ge [sflag:s31], $0x50  }
0x24e: {  	[sflag:s31] =	ssyncset.done $0x0  }
0x24f: {  	[sflag:s31] =	ssyncadd.s32 $0xFFFFFFB0  }
0x250: {  	_ =	swait.ge [sflag:s31], $0x50  }
0x251: {  	[sflag:s31] =	ssyncset.done $0x0  }
0x252: {  	[sflag:s31] =	ssyncadd.s32 $0xFFFFFFB0  }
0x253: {  	_ =	swait.ge [sflag:s31], $0x50  }
0x254: {  	[sflag:s31] =	ssyncset.done $0x0  }
0x255: {  	[sflag:s31] =	ssyncadd.s32 $0xFFFFFFB0  }
0x256: {  	_ =	swait.ge [sflag:s31], $0x50  }
0x257: {  	[sflag:s31] =	ssyncset.done $0x0  }
0x258: {  	[sflag:s31] =	ssyncadd.s32 $0xFFFFFFB0  }
0x259: {  	s14 =	stileid.u32;
	[bflag:$0x0] =	sbarrier.arrive $0xFFFF  }
0x25a: {  	s13 =	sshll.u32 @!p5 s14, $0x6;
	s15 =	rddreg [dreg:$0x11]  }
0x25b: {  	s13 =	sor.u32 @!p5 $0x1C03, s13;
	s17 =	rddreg [dreg:$0x1d]  }
0x25c: {  	[hbm:s15], [sflag:s13] =	dma.local @!p5 [spmem:s17], $0xC80  }
0x25d: {  	s13 =	simm.s32 @!p5 $0x3  }
0x25e: {  	_ =	swait.ge @!p5 [sflag:s13], $0xC80  }
0x25f: {  	s14 =	sshll.u32 @!p2 s14, $0x6;
	[sflag:s13] =	ssyncset.done @!p5 $0x0;
	s15 =	rddreg [dreg:$0x1e]  }
0x260: {  	[sflag:s13] =	ssyncadd.s32 @!p5 $0xFFFFF380;
	s13 =	sor.u32 @!p2 $0x1C03, s14;
	s14 =	rddreg [dreg:$0x12]  }
0x261: {  	[hbm:s14], [sflag:s13] =	dma.local @!p2 [spmem:s15], $0xC80  }
0x262: {  	s13 =	simm.s32 @!p2 $0x3  }
0x263: {  	_ =	swait.ge @!p2 [sflag:s13], $0xC80  }
0x264: {  	[sflag:s13] =	ssyncset.done @!p2 $0x0  }
0x265: {  	s14 =	rddreg [dreg:$0x1a];
	[sflag:s13] =	ssyncadd.s32 @!p2 $0xFFFFF380;
	s13 =	simm.s32 @!p4 $0x6900  }
0x266: {  	[tilespmem:s13], [sflag:$0x3] =	stream.linear.gather @!p4 [spmem:s14], $0x7D0, $0x38;
	[tilespmem:$0x10FB8] =	vst v63  }
0x267: {  	s14 =	simm.s32 @!p4 $0x3  }
0x268: {  	_ =	swait.ge @!p4 [sflag:s14], $0x7D0  }
0x269: {  	[sflag:s14] =	ssyncset.done @!p4 $0x0  }
0x26a: {  	s15 =	simm.s32 @!p4 $0x0;
	s18 =	rddreg [dreg:$0x1b];
	[sflag:s14] =	ssyncadd.s32 @!p4 $0xFFFFF830  }
0x26b: {  	[hbm4b:s18+s15] =	stream.linear.scatter @!p4 [tilespmem:s13], [sflag:$0x3], $0x7D0, $0x38;
	[tilespmem:$0x10FB8] =	vst v63  }
0x26c: {  	_ =	swait.ge @!p4 [sflag:s14], $0x7D0  }
0x26d: {  	s24 =	rddreg [dreg:$0x1f]  }
0x26e: {  	s25 =	rddreg [dreg:$0x1c];
	s0 =	sadd.s32 $0x1, s24  }
0x26f: {  	p6 =	sne.s32 s0, s25  }
.Ltmp5:
0x270: {  	_ = 	snop;
	(pc) =	sbr.rel @p6 .LBB2_1-.Ltmp5, $3  }
0x271: {  	_ =	sdelay $0x1  }
0x272: {  	[sflag:s14] =	ssyncset.done @!p4 $0x0  }
0x273: {  	s17 =	stileid.u32;
	[sflag:s14] =	ssyncadd.s32 @!p4 $0xFFFFF830  }
0x274: {  	_ =	sfence.sel $0x180000  }
0x275: {  	[bflag:$0x0] =	sbarrier.arrive $0xFFFF  }
0x276: {  	_ =	strace $0x90000047  }
0x277: {  	[bflag:$0x2] =	sbarrier.arrive $0xFFFF  }
0x278: {  	p0 =	sne.s32 s17, $0x0;
	s0 =	rddreg [dreg:$0x6]  }
0x279: {  	s0 =	sadd.s32 @!p0 $0x100000, s0  }
0x27a: {  	[sflag:s0] =	ssyncadd.tile.s32 @!p0 $0x1;
	_ =	shalt  }
.Lfunc_end2:
_tile_overlayer_lowered:
.L_overlay_start_2:
0x27b: {  	(tag) =	ssettag $0x2  }
0x27c: {  	s0 =	rddreg [dreg:$0x0];
	s2 =	stileid.u32  }
0x27d: {  	s1 =	rddreg [dreg:$0x1];
	p0 =	sne.s32 s2, $0x0  }
0x27e: {  	s3 =	rddreg [dreg:$0x2];
	[bflag:$0x3] =	sbarrier.arrive $0xFFFF;
	s2 =	simm.s32 @!p0 $0x1C03  }
0x27f: {  	[timem:s3], [sflag:s2] =	dma.local @!p0 [hbm:s0], s1  }
0x280: {  	s0 =	simm.s32 @!p0 $0x3  }
0x281: {  	_ =	swait.ge @!p0 [sflag:s0], s1  }
0x282: {  	s1 =	ssub.s32 @!p0 $0x0, s1;
	[sflag:s0] =	ssyncset.done @!p0 $0x0  }
0x283: {  	[sflag:s0] =	ssyncadd.s32 @!p0 s1  }
0x284: {  	[bflag:$0x3] =	sbarrier.arrive $0xFFFF  }
0x285: {  	_ =	shalt  }

</sc_bundles>
